<compile_context>
chip_gen: v7x
topology: tpu7x:2x2x1
jax: 0.10.2.dev20260603
libtpu: 0.0.44.dev20260713+nightly
codegen_flags: <defaults>
</compile_context>

<pallas_src>
import functools

import jax
import jax.numpy as jnp
from jax import lax
from jax.experimental import pallas as pl
from jax.experimental.pallas import tpu as pltpu
from jax.experimental.pallas import tpu_sc as plsc

DIM = 768
EPS = 1e-9
L = 16
KV = DIM // L
NC, NS = 2, 16
NW = NC * NS
NSLOT = 4


def _rsqrt(v):
    i = lax.bitcast_convert_type(v, jnp.int32)
    i = jnp.full((L,), 0x5F3759DF, jnp.int32) - lax.shift_right_logical(i, 1)
    y = lax.bitcast_convert_type(i, jnp.float32)
    half = v * 0.5
    for _ in range(3):
        y = y * (1.5 - half * y * y)
    return y


def _make_sc_kernel(T, N, C):
    RW = T // NW
    NCHUNK = RW // C
    mesh = plsc.VectorSubcoreMesh(core_axis_name="c", subcore_axis_name="s")

    @functools.partial(
        pl.kernel,
        out_type=(
            jax.ShapeDtypeStruct((T, DIM), jnp.float32),
            jax.ShapeDtypeStruct((T, DIM), jnp.float32),
        ),
        mesh=mesh,
        compiler_params=pltpu.CompilerParams(needs_layout_passes=False),
        scratch_types=[
            pltpu.VMEM((RW,), jnp.int32),
            pltpu.VMEM((NSLOT, C, DIM), jnp.float32),
            pltpu.VMEM((NSLOT, C, DIM), jnp.float32),
            pltpu.VMEM((DIM,), jnp.float32),
            pltpu.VMEM((DIM,), jnp.float32),
            pltpu.VMEM((C, 2, L), jnp.float32),
            pltpu.SemaphoreType.DMA((NSLOT,)),
            pltpu.SemaphoreType.DMA((NSLOT,)),
            pltpu.SemaphoreType.DMA((NSLOT,)),
        ],
    )
    def body(ids_hbm, wt_hbm, pt_hbm, g_hbm, b_hbm, out_hbm, out2_hbm,
             idx_v, wbuf, pbuf, gbuf, bbuf, red, sp, sw, so):
        wid = lax.axis_index("s") * NC + lax.axis_index("c")
        base = wid * RW
        pos_base = base % N
        pltpu.sync_copy(ids_hbm.at[pl.ds(base, RW)], idx_v)
        pltpu.sync_copy(g_hbm, gbuf)
        pltpu.sync_copy(b_hbm, bbuf)

        def slot_of(j):
            return lax.rem(j, NSLOT)

        def start_in(j):
            pltpu.async_copy(pt_hbm.at[pl.ds(pos_base + j * C, C)],
                             pbuf.at[slot_of(j)], sp.at[slot_of(j)])
            pltpu.async_copy(wt_hbm.at[idx_v.at[pl.ds(j * C, C)]],
                             wbuf.at[slot_of(j)], sw.at[slot_of(j)])

        def wait_in(j):
            pltpu.make_async_copy(pt_hbm.at[pl.ds(pos_base + j * C, C)],
                                  pbuf.at[slot_of(j)], sp.at[slot_of(j)]).wait()
            pltpu.make_async_copy(wt_hbm.at[idx_v.at[pl.ds(j * C, C)]],
                                  wbuf.at[slot_of(j)], sw.at[slot_of(j)]).wait()

        def start_out(j):
            pltpu.async_copy(wbuf.at[slot_of(j)],
                             out_hbm.at[pl.ds(base + j * C, C)],
                             so.at[slot_of(j)])
            pltpu.async_copy(pbuf.at[slot_of(j)],
                             out2_hbm.at[pl.ds(base + j * C, C)],
                             so.at[slot_of(j)])

        def wait_out(j):
            pltpu.make_async_copy(wbuf.at[slot_of(j)],
                                  out_hbm.at[pl.ds(base + j * C, C)],
                                  so.at[slot_of(j)]).wait()
            pltpu.make_async_copy(pbuf.at[slot_of(j)],
                                  out2_hbm.at[pl.ds(base + j * C, C)],
                                  so.at[slot_of(j)]).wait()

        lanes = lax.iota(jnp.int32, L)
        zero = jnp.zeros((L,), jnp.float32)

        def compute(slot):
            @plsc.parallel_loop(0, C, unroll=2)
            def row_body(r):
                sa = [zero, zero]
                qa = [zero, zero]
                for k in range(KV):
                    x = (wbuf[slot, r, pl.ds(k * L, L)]
                         + pbuf[slot, r, pl.ds(k * L, L)])
                    wbuf[slot, r, pl.ds(k * L, L)] = x
                    sa[k % 2] = sa[k % 2] + x
                    qa[k % 2] = qa[k % 2] + x * x
                s = sa[0] + sa[1]
                q = qa[0] + qa[1]
                for m in (1, 2, 4, 8):
                    red[r, 0] = s
                    red[r, 1] = q
                    s = s + plsc.load_gather(red.at[r, 0], [lanes ^ m])
                    q = q + plsc.load_gather(red.at[r, 1], [lanes ^ m])
                mean = s * (1.0 / DIM)
                rstd = _rsqrt(q * (1.0 / DIM) - mean * mean + EPS)
                for k in range(KV):
                    x = wbuf[slot, r, pl.ds(k * L, L)]
                    g = gbuf[pl.ds(k * L, L)]
                    bb = bbuf[pl.ds(k * L, L)]
                    wbuf[slot, r, pl.ds(k * L, L)] = \
                        (x - mean) * rstd * g + bb

        start_in(0)
        start_in(1)

        def chunk(j, carry):
            @pl.when(j >= 2)
            def _():
                wait_out(j - 2)

            @pl.when(j + 2 < NCHUNK)
            def _():
                start_in(j + 2)

            wait_in(j)
            compute(slot_of(j))
            start_out(j)
            return carry

        lax.fori_loop(0, NCHUNK, chunk, 0)
        wait_out(NCHUNK - 2)
        wait_out(NCHUNK - 1)

    return body


@jax.jit
def kernel(input_ids, word_table, pos_table, ln_gamma, ln_beta):
    b, n = input_ids.shape
    T = b * n
    ids = input_ids.reshape(T).astype(jnp.int32)
    sc = _make_sc_kernel(T, n, 16)
    out1, out2 = sc(ids, word_table, pos_table, ln_gamma, ln_beta)
    return out1.reshape(b, n, DIM), out2.reshape(b, n, DIM)

# --- scband reference (transcript-rebuilt; emitter-appended) ---
"""Pipeline reference for scband-input-embedding-26121991095013 (READ-ONLY COPY).

The authoritative reference and input builder live on the scoring server;
editing this copy changes nothing except your own understanding.
"""

import jax, jax.numpy as jnp
import numpy as np

VOCAB = 100000
MAX_SEQ = 2048
DIM = 768
EPS = 1e-09


def setup_inputs(seed: int = 0) -> dict:
    key = jax.random.key(seed)
    k1, k2, k3 = jax.random.split(key, 3)
    input_ids = jax.random.randint(k1, (4, 2048), 0, VOCAB, dtype=jnp.int64 if jax.config.jax_enable_x64 else jnp.int32)
    word_table = jax.random.normal(k2, (VOCAB, DIM), dtype=jnp.float32) * 0.02
    # nn.Embedding padding_idx=0 zeros that row at init
    word_table = word_table.at[0].set(0.0)
    pos_table = jax.random.normal(k3, (MAX_SEQ, DIM), dtype=jnp.float32) * 0.02
    ln_gamma = jnp.ones((DIM,), dtype=jnp.float32)
    ln_beta = jnp.zeros((DIM,), dtype=jnp.float32)
    return {"input_ids": input_ids, "word_table": word_table, "pos_table": pos_table, "ln_gamma": ln_gamma, "ln_beta": ln_beta}


def _layernorm(x, gamma, beta, eps):
    mean = jnp.mean(x, axis=-1, keepdims=True)
    var = jnp.mean(jnp.square(x - mean), axis=-1, keepdims=True)
    xhat = (x - mean) / jnp.sqrt(var + eps)
    return xhat * gamma + beta


def reference(input_ids, word_table, pos_table, ln_gamma, ln_beta):
    b, n = input_ids.shape
    # position_ids is None in the call -> build arange and repeat over batch
    position_ids = jnp.broadcast_to(jnp.arange(n, dtype=input_ids.dtype)[None, :], (b, n))
    # embedding gathers (SparseCore-mappable)
    word_embeddings = jnp.take(word_table, input_ids, axis=0)
    position_embeddings = jnp.take(pos_table, position_ids, axis=0)
    # absolute_position_biased_input=True
    word_embeddings = word_embeddings + position_embeddings
    # embedding_dim == hidden_dim -> no projections
    # attention_mask is None -> MaskedLayerNorm degenerates to plain LayerNorm
    word_embeddings = _layernorm(word_embeddings, ln_gamma, ln_beta, EPS)
    return (word_embeddings, position_embeddings)

if __name__ == "__main__":
    import jax
    _d = setup_inputs()
    print(jax.jit(kernel)(*tuple(_d.values())))

</pallas_src>

<mosaic_0001>
#map = affine_map<(d0, d1) -> (0)>
#map1 = affine_map<(d0, d1) -> (0, 0)>
module attributes {stable_mosaic.version = 14 : i64} {
  func.func @body(%arg0: i32, %arg1: i32, %arg2: memref<8192xi32, #tpu.memory_space<hbm>>, %arg3: memref<100000x768xf32, #tpu.memory_space<hbm>>, %arg4: memref<2048x768xf32, #tpu.memory_space<hbm>>, %arg5: memref<768xf32, #tpu.memory_space<hbm>>, %arg6: memref<768xf32, #tpu.memory_space<hbm>>, %arg7: memref<8192x768xf32, #tpu.memory_space<hbm>>, %arg8: memref<8192x768xf32, #tpu.memory_space<hbm>>, %arg9: memref<256xi32, #tpu.memory_space<vmem>>, %arg10: memref<4x16x768xf32, #tpu.memory_space<vmem>>, %arg11: memref<4x16x768xf32, #tpu.memory_space<vmem>>, %arg12: memref<768xf32, #tpu.memory_space<vmem>>, %arg13: memref<768xf32, #tpu.memory_space<vmem>>, %arg14: memref<16x2x16xf32, #tpu.memory_space<vmem>>, %arg15: memref<4x!tpu.dma_semaphore, #tpu.memory_space<semaphore_mem>>, %arg16: memref<4x!tpu.dma_semaphore, #tpu.memory_space<semaphore_mem>>, %arg17: memref<4x!tpu.dma_semaphore, #tpu.memory_space<semaphore_mem>>) attributes {dimension_semantics = [#tpu.dimension_semantics<core_parallel>, #tpu.dimension_semantics<subcore_parallel>], iteration_bounds = array<i64: 2, 16>, scalar_prefetch = 0 : i64, scratch_operands = 9 : i64, tpu.core_type = #tpu.core_type<sc_vector_subcore>, window_params = [{transform_indices = #map}, {transform_indices = #map1}, {transform_indices = #map1}, {transform_indices = #map}, {transform_indices = #map}, {transform_indices = #map1}, {transform_indices = #map1}]} {
    %mul3A = arith.constant 2 : i32
    %mul3A_0 = arith.muli %arg1, %mul3A : i32
    %add3A = arith.addi %mul3A_0, %arg0 : i32
    %mul3A_1 = arith.constant 256 : i32
    %mul3A_2 = arith.muli %add3A, %mul3A_1 : i32
    %jit3A = arith.constant 2048 : i32
    %eq3A = arith.constant 0 : i32
    %eq3A_3 = arith.cmpi eq, %jit3A, %eq3A : i32
    %jit3A_4 = arith.constant 1 : i32
    %select_n3A = arith.select %eq3A_3, %jit3A_4, %jit3A : i32
    %rem3A = arith.remsi %mul3A_2, %select_n3A : i32
    %ne3A = arith.constant 0 : i32
    %ne3A_5 = arith.cmpi ne, %rem3A, %ne3A : i32
    %lt3A = arith.constant 0 : i32
    %lt3A_6 = arith.cmpi slt, %rem3A, %lt3A : i32
    %lt3A_7 = arith.constant 0 : i32
    %lt3A_8 = arith.cmpi slt, %select_n3A, %lt3A_7 : i32
    %ne3A_9 = arith.xori %lt3A_6, %lt3A_8 : i1
    %and3A = arith.andi %ne3A_9, %ne3A_5 : i1
    %add3A_10 = arith.addi %rem3A, %select_n3A : i32
    %select_n3A_11 = arith.select %and3A, %add3A_10, %rem3A : i32
    "tpu.region"() ({
      %run_scoped3A = tpu.sem_alloc : memref<!tpu.dma_semaphore, #tpu.memory_space<semaphore_mem>>
      %dma_start3A_182 = tpu.memref_slice %arg2[%mul3A_2] : memref<8192xi32, #tpu.memory_space<hbm>> -> memref<256xi32, #tpu.memory_space<hbm>>
      %dma_start3A_183 = tpu.memref_slice %arg2[%mul3A_2] : memref<8192xi32, #tpu.memory_space<hbm>> -> memref<256xi32, #tpu.memory_space<hbm>>
      tpu.enqueue_dma source(%dma_start3A_183 : memref<256xi32, #tpu.memory_space<hbm>>) target(%arg9 : memref<256xi32, #tpu.memory_space<vmem>>) target_semaphore(%run_scoped3A : memref<!tpu.dma_semaphore, #tpu.memory_space<semaphore_mem>>)
      %dma_wait3A_184 = tpu.memref_slice %arg2[%mul3A_2] : memref<8192xi32, #tpu.memory_space<hbm>> -> memref<256xi32, #tpu.memory_space<hbm>>
      %dma_wait3A_185 = tpu.memref_slice %arg2[%mul3A_2] : memref<8192xi32, #tpu.memory_space<hbm>> -> memref<256xi32, #tpu.memory_space<hbm>>
      tpu.wait_dma2 semaphore(%run_scoped3A : memref<!tpu.dma_semaphore, #tpu.memory_space<semaphore_mem>>) src(%dma_wait3A_185 : memref<256xi32, #tpu.memory_space<hbm>>) dst(%arg9 : memref<256xi32, #tpu.memory_space<vmem>>)
      tpu.yield
    }) : () -> ()
    "tpu.region"() ({
      %run_scoped3A = tpu.sem_alloc : memref<!tpu.dma_semaphore, #tpu.memory_space<semaphore_mem>>
      tpu.enqueue_dma source(%arg5 : memref<768xf32, #tpu.memory_space<hbm>>) target(%arg12 : memref<768xf32, #tpu.memory_space<vmem>>) target_semaphore(%run_scoped3A : memref<!tpu.dma_semaphore, #tpu.memory_space<semaphore_mem>>)
      tpu.wait_dma2 semaphore(%run_scoped3A : memref<!tpu.dma_semaphore, #tpu.memory_space<semaphore_mem>>) src(%arg5 : memref<768xf32, #tpu.memory_space<hbm>>) dst(%arg12 : memref<768xf32, #tpu.memory_space<vmem>>)
      tpu.yield
    }) : () -> ()
    "tpu.region"() ({
      %run_scoped3A = tpu.sem_alloc : memref<!tpu.dma_semaphore, #tpu.memory_space<semaphore_mem>>
      tpu.enqueue_dma source(%arg6 : memref<768xf32, #tpu.memory_space<hbm>>) target(%arg13 : memref<768xf32, #tpu.memory_space<vmem>>) target_semaphore(%run_scoped3A : memref<!tpu.dma_semaphore, #tpu.memory_space<semaphore_mem>>)
      tpu.wait_dma2 semaphore(%run_scoped3A : memref<!tpu.dma_semaphore, #tpu.memory_space<semaphore_mem>>) src(%arg6 : memref<768xf32, #tpu.memory_space<hbm>>) dst(%arg13 : memref<768xf32, #tpu.memory_space<vmem>>)
      tpu.yield
    }) : () -> ()
    %iota3A = tpu.iota {dimensions = array<i32: 0>} : vector<16xi32>
    %broadcast_in_dim3A = arith.constant 0.000000e+00 : f32
    %broadcast_in_dim3A_12 = vector.broadcast %broadcast_in_dim3A : f32 to vector<16xf32>
    %add3A_13 = arith.constant 0 : i32
    %add3A_14 = arith.addi %select_n3A_11, %add3A_13 : i32
    %rem3A_15 = arith.constant 0 : i32
    %rem3A_16 = arith.constant 4 : i32
    %rem3A_17 = arith.remsi %rem3A_15, %rem3A_16 : i32
    %rem3A_18 = arith.constant 0 : i32
    %rem3A_19 = arith.constant 4 : i32
    %rem3A_20 = arith.remsi %rem3A_18, %rem3A_19 : i32
    %dma_start3A = arith.constant 0 : i32
    %dma_start3A_21 = arith.constant 0 : i32
    %dma_start3A_22 = tpu.memref_slice %arg11[%rem3A_17, %dma_start3A, %dma_start3A_21] : memref<4x16x768xf32, #tpu.memory_space<vmem>> -> memref<1x16x768xf32, #tpu.memory_space<vmem>>
    %dma_start3A_23 = tpu.memref_squeeze %dma_start3A_22 : memref<1x16x768xf32, #tpu.memory_space<vmem>> -> memref<16x768xf32, #tpu.memory_space<vmem>>
    %dma_start3A_24 = arith.constant 0 : i32
    %dma_start3A_25 = tpu.memref_slice %arg4[%add3A_14, %dma_start3A_24] : memref<2048x768xf32, #tpu.memory_space<hbm>> -> memref<16x768xf32, #tpu.memory_space<hbm>>
    %dma_start3A_26 = tpu.memref_slice %arg15[%rem3A_20] : memref<4x!tpu.dma_semaphore, #tpu.memory_space<semaphore_mem>> -> memref<1x!tpu.dma_semaphore, #tpu.memory_space<semaphore_mem>>
    %dma_start3A_27 = tpu.memref_squeeze %dma_start3A_26 : memref<1x!tpu.dma_semaphore, #tpu.memory_space<semaphore_mem>> -> memref<!tpu.dma_semaphore, #tpu.memory_space<semaphore_mem>>
    %dma_start3A_28 = arith.constant 0 : i32
    %dma_start3A_29 = arith.constant 0 : i32
    %dma_start3A_30 = tpu.memref_slice %arg11[%rem3A_17, %dma_start3A_28, %dma_start3A_29] : memref<4x16x768xf32, #tpu.memory_space<vmem>> -> memref<1x16x768xf32, #tpu.memory_space<vmem>>
    %dma_start3A_31 = tpu.memref_squeeze %dma_start3A_30 : memref<1x16x768xf32, #tpu.memory_space<vmem>> -> memref<16x768xf32, #tpu.memory_space<vmem>>
    %dma_start3A_32 = arith.constant 0 : i32
    %dma_start3A_33 = tpu.memref_slice %arg4[%add3A_14, %dma_start3A_32] : memref<2048x768xf32, #tpu.memory_space<hbm>> -> memref<16x768xf32, #tpu.memory_space<hbm>>
    tpu.enqueue_dma source(%dma_start3A_33 : memref<16x768xf32, #tpu.memory_space<hbm>>) target(%dma_start3A_31 : memref<16x768xf32, #tpu.memory_space<vmem>>) target_semaphore(%dma_start3A_27 : memref<!tpu.dma_semaphore, #tpu.memory_space<semaphore_mem>>)
    %rem3A_34 = arith.constant 0 : i32
    %rem3A_35 = arith.constant 4 : i32
    %rem3A_36 = arith.remsi %rem3A_34, %rem3A_35 : i32
    %rem3A_37 = arith.constant 0 : i32
    %rem3A_38 = arith.constant 4 : i32
    %rem3A_39 = arith.remsi %rem3A_37, %rem3A_38 : i32
    %dma_start3A_40 = arith.constant 0 : i32
    %dma_start3A_41 = arith.constant 0 : i32
    %dma_start3A_42 = tpu.memref_slice %arg10[%rem3A_36, %dma_start3A_40, %dma_start3A_41] : memref<4x16x768xf32, #tpu.memory_space<vmem>> -> memref<1x16x768xf32, #tpu.memory_space<vmem>>
    %dma_start3A_43 = tpu.memref_squeeze %dma_start3A_42 : memref<1x16x768xf32, #tpu.memory_space<vmem>> -> memref<16x768xf32, #tpu.memory_space<vmem>>
    %dma_start3A_44 = arith.constant 0 : i32
    %dma_start3A_45 = tpu.memref_slice %arg9[%dma_start3A_44] : memref<256xi32, #tpu.memory_space<vmem>> -> memref<16xi32, #tpu.memory_space<vmem>>
    %dma_start3A_46 = arith.constant 0 : i32
    %dma_start3A_47 = arith.constant 0 : i32
    %dma_start3A_48 = tpu.memref_slice %arg3[%dma_start3A_46, %dma_start3A_47] : memref<100000x768xf32, #tpu.memory_space<hbm>> -> memref<100000x768xf32, #tpu.memory_space<hbm>>
    %dma_start3A_49 = tpu.memref_slice %arg16[%rem3A_39] : memref<4x!tpu.dma_semaphore, #tpu.memory_space<semaphore_mem>> -> memref<1x!tpu.dma_semaphore, #tpu.memory_space<semaphore_mem>>
    %dma_start3A_50 = tpu.memref_squeeze %dma_start3A_49 : memref<1x!tpu.dma_semaphore, #tpu.memory_space<semaphore_mem>> -> memref<!tpu.dma_semaphore, #tpu.memory_space<semaphore_mem>>
    tpu.enqueue_indirect_dma source(%dma_start3A_48 : memref<100000x768xf32, #tpu.memory_space<hbm>>) target(%dma_start3A_43 : memref<16x768xf32, #tpu.memory_space<vmem>>) offsets(%dma_start3A_45 : memref<16xi32, #tpu.memory_space<vmem>>) semaphore(%dma_start3A_50 : memref<!tpu.dma_semaphore, #tpu.memory_space<semaphore_mem>>)
    %add3A_51 = arith.constant 16 : i32
    %add3A_52 = arith.addi %select_n3A_11, %add3A_51 : i32
    %rem3A_53 = arith.constant 1 : i32
    %rem3A_54 = arith.constant 4 : i32
    %rem3A_55 = arith.remsi %rem3A_53, %rem3A_54 : i32
    %rem3A_56 = arith.constant 1 : i32
    %rem3A_57 = arith.constant 4 : i32
    %rem3A_58 = arith.remsi %rem3A_56, %rem3A_57 : i32
    %dma_start3A_59 = arith.constant 0 : i32
    %dma_start3A_60 = arith.constant 0 : i32
    %dma_start3A_61 = tpu.memref_slice %arg11[%rem3A_55, %dma_start3A_59, %dma_start3A_60] : memref<4x16x768xf32, #tpu.memory_space<vmem>> -> memref<1x16x768xf32, #tpu.memory_space<vmem>>
    %dma_start3A_62 = tpu.memref_squeeze %dma_start3A_61 : memref<1x16x768xf32, #tpu.memory_space<vmem>> -> memref<16x768xf32, #tpu.memory_space<vmem>>
    %dma_start3A_63 = arith.constant 0 : i32
    %dma_start3A_64 = tpu.memref_slice %arg4[%add3A_52, %dma_start3A_63] : memref<2048x768xf32, #tpu.memory_space<hbm>> -> memref<16x768xf32, #tpu.memory_space<hbm>>
    %dma_start3A_65 = tpu.memref_slice %arg15[%rem3A_58] : memref<4x!tpu.dma_semaphore, #tpu.memory_space<semaphore_mem>> -> memref<1x!tpu.dma_semaphore, #tpu.memory_space<semaphore_mem>>
    %dma_start3A_66 = tpu.memref_squeeze %dma_start3A_65 : memref<1x!tpu.dma_semaphore, #tpu.memory_space<semaphore_mem>> -> memref<!tpu.dma_semaphore, #tpu.memory_space<semaphore_mem>>
    %dma_start3A_67 = arith.constant 0 : i32
    %dma_start3A_68 = arith.constant 0 : i32
    %dma_start3A_69 = tpu.memref_slice %arg11[%rem3A_55, %dma_start3A_67, %dma_start3A_68] : memref<4x16x768xf32, #tpu.memory_space<vmem>> -> memref<1x16x768xf32, #tpu.memory_space<vmem>>
    %dma_start3A_70 = tpu.memref_squeeze %dma_start3A_69 : memref<1x16x768xf32, #tpu.memory_space<vmem>> -> memref<16x768xf32, #tpu.memory_space<vmem>>
    %dma_start3A_71 = arith.constant 0 : i32
    %dma_start3A_72 = tpu.memref_slice %arg4[%add3A_52, %dma_start3A_71] : memref<2048x768xf32, #tpu.memory_space<hbm>> -> memref<16x768xf32, #tpu.memory_space<hbm>>
    tpu.enqueue_dma source(%dma_start3A_72 : memref<16x768xf32, #tpu.memory_space<hbm>>) target(%dma_start3A_70 : memref<16x768xf32, #tpu.memory_space<vmem>>) target_semaphore(%dma_start3A_66 : memref<!tpu.dma_semaphore, #tpu.memory_space<semaphore_mem>>)
    %rem3A_73 = arith.constant 1 : i32
    %rem3A_74 = arith.constant 4 : i32
    %rem3A_75 = arith.remsi %rem3A_73, %rem3A_74 : i32
    %rem3A_76 = arith.constant 1 : i32
    %rem3A_77 = arith.constant 4 : i32
    %rem3A_78 = arith.remsi %rem3A_76, %rem3A_77 : i32
    %dma_start3A_79 = arith.constant 0 : i32
    %dma_start3A_80 = arith.constant 0 : i32
    %dma_start3A_81 = tpu.memref_slice %arg10[%rem3A_75, %dma_start3A_79, %dma_start3A_80] : memref<4x16x768xf32, #tpu.memory_space<vmem>> -> memref<1x16x768xf32, #tpu.memory_space<vmem>>
    %dma_start3A_82 = tpu.memref_squeeze %dma_start3A_81 : memref<1x16x768xf32, #tpu.memory_space<vmem>> -> memref<16x768xf32, #tpu.memory_space<vmem>>
    %dma_start3A_83 = arith.constant 16 : i32
    %dma_start3A_84 = tpu.memref_slice %arg9[%dma_start3A_83] : memref<256xi32, #tpu.memory_space<vmem>> -> memref<16xi32, #tpu.memory_space<vmem>>
    %dma_start3A_85 = arith.constant 0 : i32
    %dma_start3A_86 = arith.constant 0 : i32
    %dma_start3A_87 = tpu.memref_slice %arg3[%dma_start3A_85, %dma_start3A_86] : memref<100000x768xf32, #tpu.memory_space<hbm>> -> memref<100000x768xf32, #tpu.memory_space<hbm>>
    %dma_start3A_88 = tpu.memref_slice %arg16[%rem3A_78] : memref<4x!tpu.dma_semaphore, #tpu.memory_space<semaphore_mem>> -> memref<1x!tpu.dma_semaphore, #tpu.memory_space<semaphore_mem>>
    %dma_start3A_89 = tpu.memref_squeeze %dma_start3A_88 : memref<1x!tpu.dma_semaphore, #tpu.memory_space<semaphore_mem>> -> memref<!tpu.dma_semaphore, #tpu.memory_space<semaphore_mem>>
    tpu.enqueue_indirect_dma source(%dma_start3A_87 : memref<100000x768xf32, #tpu.memory_space<hbm>>) target(%dma_start3A_82 : memref<16x768xf32, #tpu.memory_space<vmem>>) offsets(%dma_start3A_84 : memref<16xi32, #tpu.memory_space<vmem>>) semaphore(%dma_start3A_89 : memref<!tpu.dma_semaphore, #tpu.memory_space<semaphore_mem>>)
    %scan3A = arith.constant 0 : i32
    %scan3A_90 = arith.constant 0 : i32
    %scan3A_91 = arith.constant 16 : i32
    %scan3A_92 = arith.addi %scan3A_90, %scan3A_91 : i32
    %scan3A_93 = arith.constant 1 : i32
    scf.for %scan3A_182 = %scan3A_90 to %scan3A_92 step %scan3A_93  : i32 {
      %ge3A = arith.constant 2 : i32
      %ge3A_183 = arith.cmpi sge, %scan3A_182, %ge3A : i32
      %convert_element_type3A = arith.extui %ge3A_183 : i1 to i32
      %cond3A = arith.constant 0 : i32
      %cond3A_184 = arith.cmpi ne, %convert_element_type3A, %cond3A : i32
      scf.if %cond3A_184 {
        %sub3A = arith.constant 2 : i32
        %sub3A_275 = arith.subi %scan3A_182, %sub3A : i32
        %rem3A_276 = arith.constant 4 : i32
        %rem3A_277 = arith.remsi %sub3A_275, %rem3A_276 : i32
        %mul3A_278 = arith.constant 16 : i32
        %mul3A_279 = arith.muli %sub3A_275, %mul3A_278 : i32
        %add3A_280 = arith.addi %mul3A_2, %mul3A_279 : i32
        %rem3A_281 = arith.constant 4 : i32
        %rem3A_282 = arith.remsi %sub3A_275, %rem3A_281 : i32
        %dma_wait3A_283 = arith.constant 0 : i32
        %dma_wait3A_284 = arith.constant 0 : i32
        %dma_wait3A_285 = tpu.memref_slice %arg10[%rem3A_277, %dma_wait3A_283, %dma_wait3A_284] : memref<4x16x768xf32, #tpu.memory_space<vmem>> -> memref<1x16x768xf32, #tpu.memory_space<vmem>>
        %dma_wait3A_286 = tpu.memref_squeeze %dma_wait3A_285 : memref<1x16x768xf32, #tpu.memory_space<vmem>> -> memref<16x768xf32, #tpu.memory_space<vmem>>
        %dma_wait3A_287 = arith.constant 0 : i32
        %dma_wait3A_288 = tpu.memref_slice %arg7[%add3A_280, %dma_wait3A_287] : memref<8192x768xf32, #tpu.memory_space<hbm>> -> memref<16x768xf32, #tpu.memory_space<hbm>>
        %dma_wait3A_289 = tpu.memref_slice %arg17[%rem3A_282] : memref<4x!tpu.dma_semaphore, #tpu.memory_space<semaphore_mem>> -> memref<1x!tpu.dma_semaphore, #tpu.memory_space<semaphore_mem>>
        %dma_wait3A_290 = tpu.memref_squeeze %dma_wait3A_289 : memref<1x!tpu.dma_semaphore, #tpu.memory_space<semaphore_mem>> -> memref<!tpu.dma_semaphore, #tpu.memory_space<semaphore_mem>>
        %dma_wait3A_291 = arith.constant 0 : i32
        %dma_wait3A_292 = tpu.memref_slice %arg7[%add3A_280, %dma_wait3A_291] : memref<8192x768xf32, #tpu.memory_space<hbm>> -> memref<16x768xf32, #tpu.memory_space<hbm>>
        %dma_wait3A_293 = arith.constant 0 : i32
        %dma_wait3A_294 = arith.constant 0 : i32
        %dma_wait3A_295 = tpu.memref_slice %arg10[%rem3A_277, %dma_wait3A_293, %dma_wait3A_294] : memref<4x16x768xf32, #tpu.memory_space<vmem>> -> memref<1x16x768xf32, #tpu.memory_space<vmem>>
        %dma_wait3A_296 = tpu.memref_squeeze %dma_wait3A_295 : memref<1x16x768xf32, #tpu.memory_space<vmem>> -> memref<16x768xf32, #tpu.memory_space<vmem>>
        tpu.wait_dma2 semaphore(%dma_wait3A_290 : memref<!tpu.dma_semaphore, #tpu.memory_space<semaphore_mem>>) src(%dma_wait3A_296 : memref<16x768xf32, #tpu.memory_space<vmem>>) dst(%dma_wait3A_292 : memref<16x768xf32, #tpu.memory_space<hbm>>)
        %rem3A_297 = arith.constant 4 : i32
        %rem3A_298 = arith.remsi %sub3A_275, %rem3A_297 : i32
        %mul3A_299 = arith.constant 16 : i32
        %mul3A_300 = arith.muli %sub3A_275, %mul3A_299 : i32
        %add3A_301 = arith.addi %mul3A_2, %mul3A_300 : i32
        %rem3A_302 = arith.constant 4 : i32
        %rem3A_303 = arith.remsi %sub3A_275, %rem3A_302 : i32
        %dma_wait3A_304 = arith.constant 0 : i32
        %dma_wait3A_305 = arith.constant 0 : i32
        %dma_wait3A_306 = tpu.memref_slice %arg11[%rem3A_298, %dma_wait3A_304, %dma_wait3A_305] : memref<4x16x768xf32, #tpu.memory_space<vmem>> -> memref<1x16x768xf32, #tpu.memory_space<vmem>>
        %dma_wait3A_307 = tpu.memref_squeeze %dma_wait3A_306 : memref<1x16x768xf32, #tpu.memory_space<vmem>> -> memref<16x768xf32, #tpu.memory_space<vmem>>
        %dma_wait3A_308 = arith.constant 0 : i32
        %dma_wait3A_309 = tpu.memref_slice %arg8[%add3A_301, %dma_wait3A_308] : memref<8192x768xf32, #tpu.memory_space<hbm>> -> memref<16x768xf32, #tpu.memory_space<hbm>>
        %dma_wait3A_310 = tpu.memref_slice %arg17[%rem3A_303] : memref<4x!tpu.dma_semaphore, #tpu.memory_space<semaphore_mem>> -> memref<1x!tpu.dma_semaphore, #tpu.memory_space<semaphore_mem>>
        %dma_wait3A_311 = tpu.memref_squeeze %dma_wait3A_310 : memref<1x!tpu.dma_semaphore, #tpu.memory_space<semaphore_mem>> -> memref<!tpu.dma_semaphore, #tpu.memory_space<semaphore_mem>>
        %dma_wait3A_312 = arith.constant 0 : i32
        %dma_wait3A_313 = tpu.memref_slice %arg8[%add3A_301, %dma_wait3A_312] : memref<8192x768xf32, #tpu.memory_space<hbm>> -> memref<16x768xf32, #tpu.memory_space<hbm>>
        %dma_wait3A_314 = arith.constant 0 : i32
        %dma_wait3A_315 = arith.constant 0 : i32
        %dma_wait3A_316 = tpu.memref_slice %arg11[%rem3A_298, %dma_wait3A_314, %dma_wait3A_315] : memref<4x16x768xf32, #tpu.memory_space<vmem>> -> memref<1x16x768xf32, #tpu.memory_space<vmem>>
        %dma_wait3A_317 = tpu.memref_squeeze %dma_wait3A_316 : memref<1x16x768xf32, #tpu.memory_space<vmem>> -> memref<16x768xf32, #tpu.memory_space<vmem>>
        tpu.wait_dma2 semaphore(%dma_wait3A_311 : memref<!tpu.dma_semaphore, #tpu.memory_space<semaphore_mem>>) src(%dma_wait3A_317 : memref<16x768xf32, #tpu.memory_space<vmem>>) dst(%dma_wait3A_313 : memref<16x768xf32, #tpu.memory_space<hbm>>)
      } else {
      }
      %add3A_185 = arith.constant 2 : i32
      %add3A_186 = arith.addi %scan3A_182, %add3A_185 : i32
      %lt3A_187 = arith.constant 16 : i32
      %lt3A_188 = arith.cmpi slt, %add3A_186, %lt3A_187 : i32
      %convert_element_type3A_189 = arith.extui %lt3A_188 : i1 to i32
      %cond3A_190 = arith.constant 0 : i32
      %cond3A_191 = arith.cmpi ne, %convert_element_type3A_189, %cond3A_190 : i32
      scf.if %cond3A_191 {
        %add3A_275 = arith.constant 2 : i32
        %add3A_276 = arith.addi %scan3A_182, %add3A_275 : i32
        %mul3A_277 = arith.constant 16 : i32
        %mul3A_278 = arith.muli %add3A_276, %mul3A_277 : i32
        %add3A_279 = arith.addi %select_n3A_11, %mul3A_278 : i32
        %rem3A_280 = arith.constant 4 : i32
        %rem3A_281 = arith.remsi %add3A_276, %rem3A_280 : i32
        %rem3A_282 = arith.constant 4 : i32
        %rem3A_283 = arith.remsi %add3A_276, %rem3A_282 : i32
        %dma_start3A_284 = arith.constant 0 : i32
        %dma_start3A_285 = arith.constant 0 : i32
        %dma_start3A_286 = tpu.memref_slice %arg11[%rem3A_281, %dma_start3A_284, %dma_start3A_285] : memref<4x16x768xf32, #tpu.memory_space<vmem>> -> memref<1x16x768xf32, #tpu.memory_space<vmem>>
        %dma_start3A_287 = tpu.memref_squeeze %dma_start3A_286 : memref<1x16x768xf32, #tpu.memory_space<vmem>> -> memref<16x768xf32, #tpu.memory_space<vmem>>
        %dma_start3A_288 = arith.constant 0 : i32
        %dma_start3A_289 = tpu.memref_slice %arg4[%add3A_279, %dma_start3A_288] : memref<2048x768xf32, #tpu.memory_space<hbm>> -> memref<16x768xf32, #tpu.memory_space<hbm>>
        %dma_start3A_290 = tpu.memref_slice %arg15[%rem3A_283] : memref<4x!tpu.dma_semaphore, #tpu.memory_space<semaphore_mem>> -> memref<1x!tpu.dma_semaphore, #tpu.memory_space<semaphore_mem>>
        %dma_start3A_291 = tpu.memref_squeeze %dma_start3A_290 : memref<1x!tpu.dma_semaphore, #tpu.memory_space<semaphore_mem>> -> memref<!tpu.dma_semaphore, #tpu.memory_space<semaphore_mem>>
        %dma_start3A_292 = arith.constant 0 : i32
        %dma_start3A_293 = arith.constant 0 : i32
        %dma_start3A_294 = tpu.memref_slice %arg11[%rem3A_281, %dma_start3A_292, %dma_start3A_293] : memref<4x16x768xf32, #tpu.memory_space<vmem>> -> memref<1x16x768xf32, #tpu.memory_space<vmem>>
        %dma_start3A_295 = tpu.memref_squeeze %dma_start3A_294 : memref<1x16x768xf32, #tpu.memory_space<vmem>> -> memref<16x768xf32, #tpu.memory_space<vmem>>
        %dma_start3A_296 = arith.constant 0 : i32
        %dma_start3A_297 = tpu.memref_slice %arg4[%add3A_279, %dma_start3A_296] : memref<2048x768xf32, #tpu.memory_space<hbm>> -> memref<16x768xf32, #tpu.memory_space<hbm>>
        tpu.enqueue_dma source(%dma_start3A_297 : memref<16x768xf32, #tpu.memory_space<hbm>>) target(%dma_start3A_295 : memref<16x768xf32, #tpu.memory_space<vmem>>) target_semaphore(%dma_start3A_291 : memref<!tpu.dma_semaphore, #tpu.memory_space<semaphore_mem>>)
        %mul3A_298 = arith.constant 16 : i32
        %mul3A_299 = arith.muli %add3A_276, %mul3A_298 : i32
        %rem3A_300 = arith.constant 4 : i32
        %rem3A_301 = arith.remsi %add3A_276, %rem3A_300 : i32
        %rem3A_302 = arith.constant 4 : i32
        %rem3A_303 = arith.remsi %add3A_276, %rem3A_302 : i32
        %dma_start3A_304 = arith.constant 0 : i32
        %dma_start3A_305 = arith.constant 0 : i32
        %dma_start3A_306 = tpu.memref_slice %arg10[%rem3A_301, %dma_start3A_304, %dma_start3A_305] : memref<4x16x768xf32, #tpu.memory_space<vmem>> -> memref<1x16x768xf32, #tpu.memory_space<vmem>>
        %dma_start3A_307 = tpu.memref_squeeze %dma_start3A_306 : memref<1x16x768xf32, #tpu.memory_space<vmem>> -> memref<16x768xf32, #tpu.memory_space<vmem>>
        %dma_start3A_308 = tpu.memref_slice %arg9[%mul3A_299] : memref<256xi32, #tpu.memory_space<vmem>> -> memref<16xi32, #tpu.memory_space<vmem>>
        %dma_start3A_309 = arith.constant 0 : i32
        %dma_start3A_310 = arith.constant 0 : i32
        %dma_start3A_311 = tpu.memref_slice %arg3[%dma_start3A_309, %dma_start3A_310] : memref<100000x768xf32, #tpu.memory_space<hbm>> -> memref<100000x768xf32, #tpu.memory_space<hbm>>
        %dma_start3A_312 = tpu.memref_slice %arg16[%rem3A_303] : memref<4x!tpu.dma_semaphore, #tpu.memory_space<semaphore_mem>> -> memref<1x!tpu.dma_semaphore, #tpu.memory_space<semaphore_mem>>
        %dma_start3A_313 = tpu.memref_squeeze %dma_start3A_312 : memref<1x!tpu.dma_semaphore, #tpu.memory_space<semaphore_mem>> -> memref<!tpu.dma_semaphore, #tpu.memory_space<semaphore_mem>>
        tpu.enqueue_indirect_dma source(%dma_start3A_311 : memref<100000x768xf32, #tpu.memory_space<hbm>>) target(%dma_start3A_307 : memref<16x768xf32, #tpu.memory_space<vmem>>) offsets(%dma_start3A_308 : memref<16xi32, #tpu.memory_space<vmem>>) semaphore(%dma_start3A_313 : memref<!tpu.dma_semaphore, #tpu.memory_space<semaphore_mem>>)
      } else {
      }
      %mul3A_192 = arith.constant 16 : i32
      %mul3A_193 = arith.muli %scan3A_182, %mul3A_192 : i32
      %add3A_194 = arith.addi %select_n3A_11, %mul3A_193 : i32
      %rem3A_195 = arith.constant 4 : i32
      %rem3A_196 = arith.remsi %scan3A_182, %rem3A_195 : i32
      %rem3A_197 = arith.constant 4 : i32
      %rem3A_198 = arith.remsi %scan3A_182, %rem3A_197 : i32
      %dma_wait3A_199 = arith.constant 0 : i32
      %dma_wait3A_200 = arith.constant 0 : i32
      %dma_wait3A_201 = tpu.memref_slice %arg11[%rem3A_196, %dma_wait3A_199, %dma_wait3A_200] : memref<4x16x768xf32, #tpu.memory_space<vmem>> -> memref<1x16x768xf32, #tpu.memory_space<vmem>>
      %dma_wait3A_202 = tpu.memref_squeeze %dma_wait3A_201 : memref<1x16x768xf32, #tpu.memory_space<vmem>> -> memref<16x768xf32, #tpu.memory_space<vmem>>
      %dma_wait3A_203 = arith.constant 0 : i32
      %dma_wait3A_204 = tpu.memref_slice %arg4[%add3A_194, %dma_wait3A_203] : memref<2048x768xf32, #tpu.memory_space<hbm>> -> memref<16x768xf32, #tpu.memory_space<hbm>>
      %dma_wait3A_205 = tpu.memref_slice %arg15[%rem3A_198] : memref<4x!tpu.dma_semaphore, #tpu.memory_space<semaphore_mem>> -> memref<1x!tpu.dma_semaphore, #tpu.memory_space<semaphore_mem>>
      %dma_wait3A_206 = tpu.memref_squeeze %dma_wait3A_205 : memref<1x!tpu.dma_semaphore, #tpu.memory_space<semaphore_mem>> -> memref<!tpu.dma_semaphore, #tpu.memory_space<semaphore_mem>>
      %dma_wait3A_207 = arith.constant 0 : i32
      %dma_wait3A_208 = arith.constant 0 : i32
      %dma_wait3A_209 = tpu.memref_slice %arg11[%rem3A_196, %dma_wait3A_207, %dma_wait3A_208] : memref<4x16x768xf32, #tpu.memory_space<vmem>> -> memref<1x16x768xf32, #tpu.memory_space<vmem>>
      %dma_wait3A_210 = tpu.memref_squeeze %dma_wait3A_209 : memref<1x16x768xf32, #tpu.memory_space<vmem>> -> memref<16x768xf32, #tpu.memory_space<vmem>>
      %dma_wait3A_211 = arith.constant 0 : i32
      %dma_wait3A_212 = tpu.memref_slice %arg4[%add3A_194, %dma_wait3A_211] : memref<2048x768xf32, #tpu.memory_space<hbm>> -> memref<16x768xf32, #tpu.memory_space<hbm>>
      tpu.wait_dma2 semaphore(%dma_wait3A_206 : memref<!tpu.dma_semaphore, #tpu.memory_space<semaphore_mem>>) src(%dma_wait3A_212 : memref<16x768xf32, #tpu.memory_space<hbm>>) dst(%dma_wait3A_210 : memref<16x768xf32, #tpu.memory_space<vmem>>)
      %mul3A_213 = arith.constant 16 : i32
      %mul3A_214 = arith.muli %scan3A_182, %mul3A_213 : i32
      %rem3A_215 = arith.constant 4 : i32
      %rem3A_216 = arith.remsi %scan3A_182, %rem3A_215 : i32
      %rem3A_217 = arith.constant 4 : i32
      %rem3A_218 = arith.remsi %scan3A_182, %rem3A_217 : i32
      %dma_wait3A_219 = arith.constant 0 : i32
      %dma_wait3A_220 = arith.constant 0 : i32
      %dma_wait3A_221 = tpu.memref_slice %arg10[%rem3A_216, %dma_wait3A_219, %dma_wait3A_220] : memref<4x16x768xf32, #tpu.memory_space<vmem>> -> memref<1x16x768xf32, #tpu.memory_space<vmem>>
      %dma_wait3A_222 = tpu.memref_squeeze %dma_wait3A_221 : memref<1x16x768xf32, #tpu.memory_space<vmem>> -> memref<16x768xf32, #tpu.memory_space<vmem>>
      %dma_wait3A_223 = tpu.memref_slice %arg9[%mul3A_214] : memref<256xi32, #tpu.memory_space<vmem>> -> memref<16xi32, #tpu.memory_space<vmem>>
      %dma_wait3A_224 = arith.constant 0 : i32
      %dma_wait3A_225 = arith.constant 0 : i32
      %dma_wait3A_226 = tpu.memref_slice %arg3[%dma_wait3A_224, %dma_wait3A_225] : memref<100000x768xf32, #tpu.memory_space<hbm>> -> memref<100000x768xf32, #tpu.memory_space<hbm>>
      %dma_wait3A_227 = tpu.memref_slice %arg16[%rem3A_218] : memref<4x!tpu.dma_semaphore, #tpu.memory_space<semaphore_mem>> -> memref<1x!tpu.dma_semaphore, #tpu.memory_space<semaphore_mem>>
      %dma_wait3A_228 = tpu.memref_squeeze %dma_wait3A_227 : memref<1x!tpu.dma_semaphore, #tpu.memory_space<semaphore_mem>> -> memref<!tpu.dma_semaphore, #tpu.memory_space<semaphore_mem>>
      tpu.wait_indirect_dma semaphore(%dma_wait3A_228 : memref<!tpu.dma_semaphore, #tpu.memory_space<semaphore_mem>>) src(%dma_wait3A_226 : memref<100000x768xf32, #tpu.memory_space<hbm>>) dst(%dma_wait3A_222 : memref<16x768xf32, #tpu.memory_space<vmem>>)
      %rem3A_229 = arith.constant 4 : i32
      %rem3A_230 = arith.remsi %scan3A_182, %rem3A_229 : i32
      %parallel_loop3A = arith.constant 0 : i32
      %parallel_loop3A_231 = arith.constant 16 : i32
      %parallel_loop3A_232 = arith.constant 1 : i32
      scf.for %parallel_loop3A_275 = %parallel_loop3A to %parallel_loop3A_231 step %parallel_loop3A_232  : i32 {
        %parallel_loop3A_276 = arith.index_cast %rem3A_230 : i32 to index
        %parallel_loop3A_277 = arith.index_cast %parallel_loop3A_275 : i32 to index
        %parallel_loop3A_278 = arith.constant 0 : index
        %parallel_loop3A_279 = tpu.vector_load %arg10[%parallel_loop3A_276, %parallel_loop3A_277, %parallel_loop3A_278] {strides = array<i32>} : memref<4x16x768xf32, #tpu.memory_space<vmem>>, vector<16xf32>,
        %parallel_loop3A_280 = arith.index_cast %rem3A_230 : i32 to index
        %parallel_loop3A_281 = arith.index_cast %parallel_loop3A_275 : i32 to index
        %parallel_loop3A_282 = arith.constant 0 : index
        %parallel_loop3A_283 = tpu.vector_load %arg11[%parallel_loop3A_280, %parallel_loop3A_281, %parallel_loop3A_282] {strides = array<i32>} : memref<4x16x768xf32, #tpu.memory_space<vmem>>, vector<16xf32>,
        %parallel_loop3A_284 = arith.addf %parallel_loop3A_279, %parallel_loop3A_283 : vector<16xf32>
        %parallel_loop3A_285 = arith.index_cast %rem3A_230 : i32 to index
        %parallel_loop3A_286 = arith.index_cast %parallel_loop3A_275 : i32 to index
        %parallel_loop3A_287 = arith.constant 0 : index
        %parallel_loop3A_288 = tpu.vector_load %arg10[%parallel_loop3A_285, %parallel_loop3A_286, %parallel_loop3A_287] {strides = array<i32>} : memref<4x16x768xf32, #tpu.memory_space<vmem>>, vector<16xf32>,
        tpu.vector_store %arg10[%parallel_loop3A_285, %parallel_loop3A_286, %parallel_loop3A_287], %parallel_loop3A_284 {strides = array<i32>} : memref<4x16x768xf32, #tpu.memory_space<vmem>>, vector<16xf32>,
        %parallel_loop3A_289 = arith.addf %broadcast_in_dim3A_12, %parallel_loop3A_284 : vector<16xf32>
        %parallel_loop3A_290 = arith.mulf %parallel_loop3A_284, %parallel_loop3A_284 : vector<16xf32>
        %parallel_loop3A_291 = arith.addf %broadcast_in_dim3A_12, %parallel_loop3A_290 : vector<16xf32>
        %parallel_loop3A_292 = arith.index_cast %rem3A_230 : i32 to index
        %parallel_loop3A_293 = arith.index_cast %parallel_loop3A_275 : i32 to index
        %parallel_loop3A_294 = arith.constant 16 : index
        %parallel_loop3A_295 = tpu.vector_load %arg10[%parallel_loop3A_292, %parallel_loop3A_293, %parallel_loop3A_294] {strides = array<i32>} : memref<4x16x768xf32, #tpu.memory_space<vmem>>, vector<16xf32>,
        %parallel_loop3A_296 = arith.index_cast %rem3A_230 : i32 to index
        %parallel_loop3A_297 = arith.index_cast %parallel_loop3A_275 : i32 to index
        %parallel_loop3A_298 = arith.constant 16 : index
        %parallel_loop3A_299 = tpu.vector_load %arg11[%parallel_loop3A_296, %parallel_loop3A_297, %parallel_loop3A_298] {strides = array<i32>} : memref<4x16x768xf32, #tpu.memory_space<vmem>>, vector<16xf32>,
        %parallel_loop3A_300 = arith.addf %parallel_loop3A_295, %parallel_loop3A_299 : vector<16xf32>
        %parallel_loop3A_301 = arith.index_cast %rem3A_230 : i32 to index
        %parallel_loop3A_302 = arith.index_cast %parallel_loop3A_275 : i32 to index
        %parallel_loop3A_303 = arith.constant 16 : index
        %parallel_loop3A_304 = tpu.vector_load %arg10[%parallel_loop3A_301, %parallel_loop3A_302, %parallel_loop3A_303] {strides = array<i32>} : memref<4x16x768xf32, #tpu.memory_space<vmem>>, vector<16xf32>,
        tpu.vector_store %arg10[%parallel_loop3A_301, %parallel_loop3A_302, %parallel_loop3A_303], %parallel_loop3A_300 {strides = array<i32>} : memref<4x16x768xf32, #tpu.memory_space<vmem>>, vector<16xf32>,
        %parallel_loop3A_305 = arith.addf %broadcast_in_dim3A_12, %parallel_loop3A_300 : vector<16xf32>
        %parallel_loop3A_306 = arith.mulf %parallel_loop3A_300, %parallel_loop3A_300 : vector<16xf32>
        %parallel_loop3A_307 = arith.addf %broadcast_in_dim3A_12, %parallel_loop3A_306 : vector<16xf32>
        %parallel_loop3A_308 = arith.index_cast %rem3A_230 : i32 to index
        %parallel_loop3A_309 = arith.index_cast %parallel_loop3A_275 : i32 to index
        %parallel_loop3A_310 = arith.constant 32 : index
        %parallel_loop3A_311 = tpu.vector_load %arg10[%parallel_loop3A_308, %parallel_loop3A_309, %parallel_loop3A_310] {strides = array<i32>} : memref<4x16x768xf32, #tpu.memory_space<vmem>>, vector<16xf32>,
        %parallel_loop3A_312 = arith.index_cast %rem3A_230 : i32 to index
        %parallel_loop3A_313 = arith.index_cast %parallel_loop3A_275 : i32 to index
        %parallel_loop3A_314 = arith.constant 32 : index
        %parallel_loop3A_315 = tpu.vector_load %arg11[%parallel_loop3A_312, %parallel_loop3A_313, %parallel_loop3A_314] {strides = array<i32>} : memref<4x16x768xf32, #tpu.memory_space<vmem>>, vector<16xf32>,
        %parallel_loop3A_316 = arith.addf %parallel_loop3A_311, %parallel_loop3A_315 : vector<16xf32>
        %parallel_loop3A_317 = arith.index_cast %rem3A_230 : i32 to index
        %parallel_loop3A_318 = arith.index_cast %parallel_loop3A_275 : i32 to index
        %parallel_loop3A_319 = arith.constant 32 : index
        %parallel_loop3A_320 = tpu.vector_load %arg10[%parallel_loop3A_317, %parallel_loop3A_318, %parallel_loop3A_319] {strides = array<i32>} : memref<4x16x768xf32, #tpu.memory_space<vmem>>, vector<16xf32>,
        tpu.vector_store %arg10[%parallel_loop3A_317, %parallel_loop3A_318, %parallel_loop3A_319], %parallel_loop3A_316 {strides = array<i32>} : memref<4x16x768xf32, #tpu.memory_space<vmem>>, vector<16xf32>,
        %parallel_loop3A_321 = arith.addf %parallel_loop3A_289, %parallel_loop3A_316 : vector<16xf32>
        %parallel_loop3A_322 = arith.mulf %parallel_loop3A_316, %parallel_loop3A_316 : vector<16xf32>
        %parallel_loop3A_323 = arith.addf %parallel_loop3A_291, %parallel_loop3A_322 : vector<16xf32>
        %parallel_loop3A_324 = arith.index_cast %rem3A_230 : i32 to index
        %parallel_loop3A_325 = arith.index_cast %parallel_loop3A_275 : i32 to index
        %parallel_loop3A_326 = arith.constant 48 : index
        %parallel_loop3A_327 = tpu.vector_load %arg10[%parallel_loop3A_324, %parallel_loop3A_325, %parallel_loop3A_326] {strides = array<i32>} : memref<4x16x768xf32, #tpu.memory_space<vmem>>, vector<16xf32>,
        %parallel_loop3A_328 = arith.index_cast %rem3A_230 : i32 to index
        %parallel_loop3A_329 = arith.index_cast %parallel_loop3A_275 : i32 to index
        %parallel_loop3A_330 = arith.constant 48 : index
        %parallel_loop3A_331 = tpu.vector_load %arg11[%parallel_loop3A_328, %parallel_loop3A_329, %parallel_loop3A_330] {strides = array<i32>} : memref<4x16x768xf32, #tpu.memory_space<vmem>>, vector<16xf32>,
        %parallel_loop3A_332 = arith.addf %parallel_loop3A_327, %parallel_loop3A_331 : vector<16xf32>
        %parallel_loop3A_333 = arith.index_cast %rem3A_230 : i32 to index
        %parallel_loop3A_334 = arith.index_cast %parallel_loop3A_275 : i32 to index
        %parallel_loop3A_335 = arith.constant 48 : index
        %parallel_loop3A_336 = tpu.vector_load %arg10[%parallel_loop3A_333, %parallel_loop3A_334, %parallel_loop3A_335] {strides = array<i32>} : memref<4x16x768xf32, #tpu.memory_space<vmem>>, vector<16xf32>,
        tpu.vector_store %arg10[%parallel_loop3A_333, %parallel_loop3A_334, %parallel_loop3A_335], %parallel_loop3A_332 {strides = array<i32>} : memref<4x16x768xf32, #tpu.memory_space<vmem>>, vector<16xf32>,
        %parallel_loop3A_337 = arith.addf %parallel_loop3A_305, %parallel_loop3A_332 : vector<16xf32>
        %parallel_loop3A_338 = arith.mulf %parallel_loop3A_332, %parallel_loop3A_332 : vector<16xf32>
        %parallel_loop3A_339 = arith.addf %parallel_loop3A_307, %parallel_loop3A_338 : vector<16xf32>
        %parallel_loop3A_340 = arith.index_cast %rem3A_230 : i32 to index
        %parallel_loop3A_341 = arith.index_cast %parallel_loop3A_275 : i32 to index
        %parallel_loop3A_342 = arith.constant 64 : index
        %parallel_loop3A_343 = tpu.vector_load %arg10[%parallel_loop3A_340, %parallel_loop3A_341, %parallel_loop3A_342] {strides = array<i32>} : memref<4x16x768xf32, #tpu.memory_space<vmem>>, vector<16xf32>,
        %parallel_loop3A_344 = arith.index_cast %rem3A_230 : i32 to index
        %parallel_loop3A_345 = arith.index_cast %parallel_loop3A_275 : i32 to index
        %parallel_loop3A_346 = arith.constant 64 : index
        %parallel_loop3A_347 = tpu.vector_load %arg11[%parallel_loop3A_344, %parallel_loop3A_345, %parallel_loop3A_346] {strides = array<i32>} : memref<4x16x768xf32, #tpu.memory_space<vmem>>, vector<16xf32>,
        %parallel_loop3A_348 = arith.addf %parallel_loop3A_343, %parallel_loop3A_347 : vector<16xf32>
        %parallel_loop3A_349 = arith.index_cast %rem3A_230 : i32 to index
        %parallel_loop3A_350 = arith.index_cast %parallel_loop3A_275 : i32 to index
        %parallel_loop3A_351 = arith.constant 64 : index
        %parallel_loop3A_352 = tpu.vector_load %arg10[%parallel_loop3A_349, %parallel_loop3A_350, %parallel_loop3A_351] {strides = array<i32>} : memref<4x16x768xf32, #tpu.memory_space<vmem>>, vector<16xf32>,
        tpu.vector_store %arg10[%parallel_loop3A_349, %parallel_loop3A_350, %parallel_loop3A_351], %parallel_loop3A_348 {strides = array<i32>} : memref<4x16x768xf32, #tpu.memory_space<vmem>>, vector<16xf32>,
        %parallel_loop3A_353 = arith.addf %parallel_loop3A_321, %parallel_loop3A_348 : vector<16xf32>
        %parallel_loop3A_354 = arith.mulf %parallel_loop3A_348, %parallel_loop3A_348 : vector<16xf32>
        %parallel_loop3A_355 = arith.addf %parallel_loop3A_323, %parallel_loop3A_354 : vector<16xf32>
        %parallel_loop3A_356 = arith.index_cast %rem3A_230 : i32 to index
        %parallel_loop3A_357 = arith.index_cast %parallel_loop3A_275 : i32 to index
        %parallel_loop3A_358 = arith.constant 80 : index
        %parallel_loop3A_359 = tpu.vector_load %arg10[%parallel_loop3A_356, %parallel_loop3A_357, %parallel_loop3A_358] {strides = array<i32>} : memref<4x16x768xf32, #tpu.memory_space<vmem>>, vector<16xf32>,
        %parallel_loop3A_360 = arith.index_cast %rem3A_230 : i32 to index
        %parallel_loop3A_361 = arith.index_cast %parallel_loop3A_275 : i32 to index
        %parallel_loop3A_362 = arith.constant 80 : index
        %parallel_loop3A_363 = tpu.vector_load %arg11[%parallel_loop3A_360, %parallel_loop3A_361, %parallel_loop3A_362] {strides = array<i32>} : memref<4x16x768xf32, #tpu.memory_space<vmem>>, vector<16xf32>,
        %parallel_loop3A_364 = arith.addf %parallel_loop3A_359, %parallel_loop3A_363 : vector<16xf32>
        %parallel_loop3A_365 = arith.index_cast %rem3A_230 : i32 to index
        %parallel_loop3A_366 = arith.index_cast %parallel_loop3A_275 : i32 to index
        %parallel_loop3A_367 = arith.constant 80 : index
        %parallel_loop3A_368 = tpu.vector_load %arg10[%parallel_loop3A_365, %parallel_loop3A_366, %parallel_loop3A_367] {strides = array<i32>} : memref<4x16x768xf32, #tpu.memory_space<vmem>>, vector<16xf32>,
        tpu.vector_store %arg10[%parallel_loop3A_365, %parallel_loop3A_366, %parallel_loop3A_367], %parallel_loop3A_364 {strides = array<i32>} : memref<4x16x768xf32, #tpu.memory_space<vmem>>, vector<16xf32>,
        %parallel_loop3A_369 = arith.addf %parallel_loop3A_337, %parallel_loop3A_364 : vector<16xf32>
        %parallel_loop3A_370 = arith.mulf %parallel_loop3A_364, %parallel_loop3A_364 : vector<16xf32>
        %parallel_loop3A_371 = arith.addf %parallel_loop3A_339, %parallel_loop3A_370 : vector<16xf32>
        %parallel_loop3A_372 = arith.index_cast %rem3A_230 : i32 to index
        %parallel_loop3A_373 = arith.index_cast %parallel_loop3A_275 : i32 to index
        %parallel_loop3A_374 = arith.constant 96 : index
        %parallel_loop3A_375 = tpu.vector_load %arg10[%parallel_loop3A_372, %parallel_loop3A_373, %parallel_loop3A_374] {strides = array<i32>} : memref<4x16x768xf32, #tpu.memory_space<vmem>>, vector<16xf32>,
        %parallel_loop3A_376 = arith.index_cast %rem3A_230 : i32 to index
        %parallel_loop3A_377 = arith.index_cast %parallel_loop3A_275 : i32 to index
        %parallel_loop3A_378 = arith.constant 96 : index
        %parallel_loop3A_379 = tpu.vector_load %arg11[%parallel_loop3A_376, %parallel_loop3A_377, %parallel_loop3A_378] {strides = array<i32>} : memref<4x16x768xf32, #tpu.memory_space<vmem>>, vector<16xf32>,
        %parallel_loop3A_380 = arith.addf %parallel_loop3A_375, %parallel_loop3A_379 : vector<16xf32>
        %parallel_loop3A_381 = arith.index_cast %rem3A_230 : i32 to index
        %parallel_loop3A_382 = arith.index_cast %parallel_loop3A_275 : i32 to index
        %parallel_loop3A_383 = arith.constant 96 : index
        %parallel_loop3A_384 = tpu.vector_load %arg10[%parallel_loop3A_381, %parallel_loop3A_382, %parallel_loop3A_383] {strides = array<i32>} : memref<4x16x768xf32, #tpu.memory_space<vmem>>, vector<16xf32>,
        tpu.vector_store %arg10[%parallel_loop3A_381, %parallel_loop3A_382, %parallel_loop3A_383], %parallel_loop3A_380 {strides = array<i32>} : memref<4x16x768xf32, #tpu.memory_space<vmem>>, vector<16xf32>,
        %parallel_loop3A_385 = arith.addf %parallel_loop3A_353, %parallel_loop3A_380 : vector<16xf32>
        %parallel_loop3A_386 = arith.mulf %parallel_loop3A_380, %parallel_loop3A_380 : vector<16xf32>
        %parallel_loop3A_387 = arith.addf %parallel_loop3A_355, %parallel_loop3A_386 : vector<16xf32>
        %parallel_loop3A_388 = arith.index_cast %rem3A_230 : i32 to index
        %parallel_loop3A_389 = arith.index_cast %parallel_loop3A_275 : i32 to index
        %parallel_loop3A_390 = arith.constant 112 : index
        %parallel_loop3A_391 = tpu.vector_load %arg10[%parallel_loop3A_388, %parallel_loop3A_389, %parallel_loop3A_390] {strides = array<i32>} : memref<4x16x768xf32, #tpu.memory_space<vmem>>, vector<16xf32>,
        %parallel_loop3A_392 = arith.index_cast %rem3A_230 : i32 to index
        %parallel_loop3A_393 = arith.index_cast %parallel_loop3A_275 : i32 to index
        %parallel_loop3A_394 = arith.constant 112 : index
        %parallel_loop3A_395 = tpu.vector_load %arg11[%parallel_loop3A_392, %parallel_loop3A_393, %parallel_loop3A_394] {strides = array<i32>} : memref<4x16x768xf32, #tpu.memory_space<vmem>>, vector<16xf32>,
        %parallel_loop3A_396 = arith.addf %parallel_loop3A_391, %parallel_loop3A_395 : vector<16xf32>
        %parallel_loop3A_397 = arith.index_cast %rem3A_230 : i32 to index
        %parallel_loop3A_398 = arith.index_cast %parallel_loop3A_275 : i32 to index
        %parallel_loop3A_399 = arith.constant 112 : index
        %parallel_loop3A_400 = tpu.vector_load %arg10[%parallel_loop3A_397, %parallel_loop3A_398, %parallel_loop3A_399] {strides = array<i32>} : memref<4x16x768xf32, #tpu.memory_space<vmem>>, vector<16xf32>,
        tpu.vector_store %arg10[%parallel_loop3A_397, %parallel_loop3A_398, %parallel_loop3A_399], %parallel_loop3A_396 {strides = array<i32>} : memref<4x16x768xf32, #tpu.memory_space<vmem>>, vector<16xf32>,
        %parallel_loop3A_401 = arith.addf %parallel_loop3A_369, %parallel_loop3A_396 : vector<16xf32>
        %parallel_loop3A_402 = arith.mulf %parallel_loop3A_396, %parallel_loop3A_396 : vector<16xf32>
        %parallel_loop3A_403 = arith.addf %parallel_loop3A_371, %parallel_loop3A_402 : vector<16xf32>
        %parallel_loop3A_404 = arith.index_cast %rem3A_230 : i32 to index
        %parallel_loop3A_405 = arith.index_cast %parallel_loop3A_275 : i32 to index
        %parallel_loop3A_406 = arith.constant 128 : index
        %parallel_loop3A_407 = tpu.vector_load %arg10[%parallel_loop3A_404, %parallel_loop3A_405, %parallel_loop3A_406] {strides = array<i32>} : memref<4x16x768xf32, #tpu.memory_space<vmem>>, vector<16xf32>,
        %parallel_loop3A_408 = arith.index_cast %rem3A_230 : i32 to index
        %parallel_loop3A_409 = arith.index_cast %parallel_loop3A_275 : i32 to index
        %parallel_loop3A_410 = arith.constant 128 : index
        %parallel_loop3A_411 = tpu.vector_load %arg11[%parallel_loop3A_408, %parallel_loop3A_409, %parallel_loop3A_410] {strides = array<i32>} : memref<4x16x768xf32, #tpu.memory_space<vmem>>, vector<16xf32>,
        %parallel_loop3A_412 = arith.addf %parallel_loop3A_407, %parallel_loop3A_411 : vector<16xf32>
        %parallel_loop3A_413 = arith.index_cast %rem3A_230 : i32 to index
        %parallel_loop3A_414 = arith.index_cast %parallel_loop3A_275 : i32 to index
        %parallel_loop3A_415 = arith.constant 128 : index
        %parallel_loop3A_416 = tpu.vector_load %arg10[%parallel_loop3A_413, %parallel_loop3A_414, %parallel_loop3A_415] {strides = array<i32>} : memref<4x16x768xf32, #tpu.memory_space<vmem>>, vector<16xf32>,
        tpu.vector_store %arg10[%parallel_loop3A_413, %parallel_loop3A_414, %parallel_loop3A_415], %parallel_loop3A_412 {strides = array<i32>} : memref<4x16x768xf32, #tpu.memory_space<vmem>>, vector<16xf32>,
        %parallel_loop3A_417 = arith.addf %parallel_loop3A_385, %parallel_loop3A_412 : vector<16xf32>
        %parallel_loop3A_418 = arith.mulf %parallel_loop3A_412, %parallel_loop3A_412 : vector<16xf32>
        %parallel_loop3A_419 = arith.addf %parallel_loop3A_387, %parallel_loop3A_418 : vector<16xf32>
        %parallel_loop3A_420 = arith.index_cast %rem3A_230 : i32 to index
        %parallel_loop3A_421 = arith.index_cast %parallel_loop3A_275 : i32 to index
        %parallel_loop3A_422 = arith.constant 144 : index
        %parallel_loop3A_423 = tpu.vector_load %arg10[%parallel_loop3A_420, %parallel_loop3A_421, %parallel_loop3A_422] {strides = array<i32>} : memref<4x16x768xf32, #tpu.memory_space<vmem>>, vector<16xf32>,
        %parallel_loop3A_424 = arith.index_cast %rem3A_230 : i32 to index
        %parallel_loop3A_425 = arith.index_cast %parallel_loop3A_275 : i32 to index
        %parallel_loop3A_426 = arith.constant 144 : index
        %parallel_loop3A_427 = tpu.vector_load %arg11[%parallel_loop3A_424, %parallel_loop3A_425, %parallel_loop3A_426] {strides = array<i32>} : memref<4x16x768xf32, #tpu.memory_space<vmem>>, vector<16xf32>,
        %parallel_loop3A_428 = arith.addf %parallel_loop3A_423, %parallel_loop3A_427 : vector<16xf32>
        %parallel_loop3A_429 = arith.index_cast %rem3A_230 : i32 to index
        %parallel_loop3A_430 = arith.index_cast %parallel_loop3A_275 : i32 to index
        %parallel_loop3A_431 = arith.constant 144 : index
        %parallel_loop3A_432 = tpu.vector_load %arg10[%parallel_loop3A_429, %parallel_loop3A_430, %parallel_loop3A_431] {strides = array<i32>} : memref<4x16x768xf32, #tpu.memory_space<vmem>>, vector<16xf32>,
        tpu.vector_store %arg10[%parallel_loop3A_429, %parallel_loop3A_430, %parallel_loop3A_431], %parallel_loop3A_428 {strides = array<i32>} : memref<4x16x768xf32, #tpu.memory_space<vmem>>, vector<16xf32>,
        %parallel_loop3A_433 = arith.addf %parallel_loop3A_401, %parallel_loop3A_428 : vector<16xf32>
        %parallel_loop3A_434 = arith.mulf %parallel_loop3A_428, %parallel_loop3A_428 : vector<16xf32>
        %parallel_loop3A_435 = arith.addf %parallel_loop3A_403, %parallel_loop3A_434 : vector<16xf32>
        %parallel_loop3A_436 = arith.index_cast %rem3A_230 : i32 to index
        %parallel_loop3A_437 = arith.index_cast %parallel_loop3A_275 : i32 to index
        %parallel_loop3A_438 = arith.constant 160 : index
        %parallel_loop3A_439 = tpu.vector_load %arg10[%parallel_loop3A_436, %parallel_loop3A_437, %parallel_loop3A_438] {strides = array<i32>} : memref<4x16x768xf32, #tpu.memory_space<vmem>>, vector<16xf32>,
        %parallel_loop3A_440 = arith.index_cast %rem3A_230 : i32 to index
        %parallel_loop3A_441 = arith.index_cast %parallel_loop3A_275 : i32 to index
        %parallel_loop3A_442 = arith.constant 160 : index
        %parallel_loop3A_443 = tpu.vector_load %arg11[%parallel_loop3A_440, %parallel_loop3A_441, %parallel_loop3A_442] {strides = array<i32>} : memref<4x16x768xf32, #tpu.memory_space<vmem>>, vector<16xf32>,
        %parallel_loop3A_444 = arith.addf %parallel_loop3A_439, %parallel_loop3A_443 : vector<16xf32>
        %parallel_loop3A_445 = arith.index_cast %rem3A_230 : i32 to index
        %parallel_loop3A_446 = arith.index_cast %parallel_loop3A_275 : i32 to index
        %parallel_loop3A_447 = arith.constant 160 : index
        %parallel_loop3A_448 = tpu.vector_load %arg10[%parallel_loop3A_445, %parallel_loop3A_446, %parallel_loop3A_447] {strides = array<i32>} : memref<4x16x768xf32, #tpu.memory_space<vmem>>, vector<16xf32>,
        tpu.vector_store %arg10[%parallel_loop3A_445, %parallel_loop3A_446, %parallel_loop3A_447], %parallel_loop3A_444 {strides = array<i32>} : memref<4x16x768xf32, #tpu.memory_space<vmem>>, vector<16xf32>,
        %parallel_loop3A_449 = arith.addf %parallel_loop3A_417, %parallel_loop3A_444 : vector<16xf32>
        %parallel_loop3A_450 = arith.mulf %parallel_loop3A_444, %parallel_loop3A_444 : vector<16xf32>
        %parallel_loop3A_451 = arith.addf %parallel_loop3A_419, %parallel_loop3A_450 : vector<16xf32>
        %parallel_loop3A_452 = arith.index_cast %rem3A_230 : i32 to index
        %parallel_loop3A_453 = arith.index_cast %parallel_loop3A_275 : i32 to index
        %parallel_loop3A_454 = arith.constant 176 : index
        %parallel_loop3A_455 = tpu.vector_load %arg10[%parallel_loop3A_452, %parallel_loop3A_453, %parallel_loop3A_454] {strides = array<i32>} : memref<4x16x768xf32, #tpu.memory_space<vmem>>, vector<16xf32>,
        %parallel_loop3A_456 = arith.index_cast %rem3A_230 : i32 to index
        %parallel_loop3A_457 = arith.index_cast %parallel_loop3A_275 : i32 to index
        %parallel_loop3A_458 = arith.constant 176 : index
        %parallel_loop3A_459 = tpu.vector_load %arg11[%parallel_loop3A_456, %parallel_loop3A_457, %parallel_loop3A_458] {strides = array<i32>} : memref<4x16x768xf32, #tpu.memory_space<vmem>>, vector<16xf32>,
        %parallel_loop3A_460 = arith.addf %parallel_loop3A_455, %parallel_loop3A_459 : vector<16xf32>
        %parallel_loop3A_461 = arith.index_cast %rem3A_230 : i32 to index
        %parallel_loop3A_462 = arith.index_cast %parallel_loop3A_275 : i32 to index
        %parallel_loop3A_463 = arith.constant 176 : index
        %parallel_loop3A_464 = tpu.vector_load %arg10[%parallel_loop3A_461, %parallel_loop3A_462, %parallel_loop3A_463] {strides = array<i32>} : memref<4x16x768xf32, #tpu.memory_space<vmem>>, vector<16xf32>,
        tpu.vector_store %arg10[%parallel_loop3A_461, %parallel_loop3A_462, %parallel_loop3A_463], %parallel_loop3A_460 {strides = array<i32>} : memref<4x16x768xf32, #tpu.memory_space<vmem>>, vector<16xf32>,
        %parallel_loop3A_465 = arith.addf %parallel_loop3A_433, %parallel_loop3A_460 : vector<16xf32>
        %parallel_loop3A_466 = arith.mulf %parallel_loop3A_460, %parallel_loop3A_460 : vector<16xf32>
        %parallel_loop3A_467 = arith.addf %parallel_loop3A_435, %parallel_loop3A_466 : vector<16xf32>
        %parallel_loop3A_468 = arith.index_cast %rem3A_230 : i32 to index
        %parallel_loop3A_469 = arith.index_cast %parallel_loop3A_275 : i32 to index
        %parallel_loop3A_470 = arith.constant 192 : index
        %parallel_loop3A_471 = tpu.vector_load %arg10[%parallel_loop3A_468, %parallel_loop3A_469, %parallel_loop3A_470] {strides = array<i32>} : memref<4x16x768xf32, #tpu.memory_space<vmem>>, vector<16xf32>,
        %parallel_loop3A_472 = arith.index_cast %rem3A_230 : i32 to index
        %parallel_loop3A_473 = arith.index_cast %parallel_loop3A_275 : i32 to index
        %parallel_loop3A_474 = arith.constant 192 : index
        %parallel_loop3A_475 = tpu.vector_load %arg11[%parallel_loop3A_472, %parallel_loop3A_473, %parallel_loop3A_474] {strides = array<i32>} : memref<4x16x768xf32, #tpu.memory_space<vmem>>, vector<16xf32>,
        %parallel_loop3A_476 = arith.addf %parallel_loop3A_471, %parallel_loop3A_475 : vector<16xf32>
        %parallel_loop3A_477 = arith.index_cast %rem3A_230 : i32 to index
        %parallel_loop3A_478 = arith.index_cast %parallel_loop3A_275 : i32 to index
        %parallel_loop3A_479 = arith.constant 192 : index
        %parallel_loop3A_480 = tpu.vector_load %arg10[%parallel_loop3A_477, %parallel_loop3A_478, %parallel_loop3A_479] {strides = array<i32>} : memref<4x16x768xf32, #tpu.memory_space<vmem>>, vector<16xf32>,
        tpu.vector_store %arg10[%parallel_loop3A_477, %parallel_loop3A_478, %parallel_loop3A_479], %parallel_loop3A_476 {strides = array<i32>} : memref<4x16x768xf32, #tpu.memory_space<vmem>>, vector<16xf32>,
        %parallel_loop3A_481 = arith.addf %parallel_loop3A_449, %parallel_loop3A_476 : vector<16xf32>
        %parallel_loop3A_482 = arith.mulf %parallel_loop3A_476, %parallel_loop3A_476 : vector<16xf32>
        %parallel_loop3A_483 = arith.addf %parallel_loop3A_451, %parallel_loop3A_482 : vector<16xf32>
        %parallel_loop3A_484 = arith.index_cast %rem3A_230 : i32 to index
        %parallel_loop3A_485 = arith.index_cast %parallel_loop3A_275 : i32 to index
        %parallel_loop3A_486 = arith.constant 208 : index
        %parallel_loop3A_487 = tpu.vector_load %arg10[%parallel_loop3A_484, %parallel_loop3A_485, %parallel_loop3A_486] {strides = array<i32>} : memref<4x16x768xf32, #tpu.memory_space<vmem>>, vector<16xf32>,
        %parallel_loop3A_488 = arith.index_cast %rem3A_230 : i32 to index
        %parallel_loop3A_489 = arith.index_cast %parallel_loop3A_275 : i32 to index
        %parallel_loop3A_490 = arith.constant 208 : index
        %parallel_loop3A_491 = tpu.vector_load %arg11[%parallel_loop3A_488, %parallel_loop3A_489, %parallel_loop3A_490] {strides = array<i32>} : memref<4x16x768xf32, #tpu.memory_space<vmem>>, vector<16xf32>,
        %parallel_loop3A_492 = arith.addf %parallel_loop3A_487, %parallel_loop3A_491 : vector<16xf32>
        %parallel_loop3A_493 = arith.index_cast %rem3A_230 : i32 to index
        %parallel_loop3A_494 = arith.index_cast %parallel_loop3A_275 : i32 to index
        %parallel_loop3A_495 = arith.constant 208 : index
        %parallel_loop3A_496 = tpu.vector_load %arg10[%parallel_loop3A_493, %parallel_loop3A_494, %parallel_loop3A_495] {strides = array<i32>} : memref<4x16x768xf32, #tpu.memory_space<vmem>>, vector<16xf32>,
        tpu.vector_store %arg10[%parallel_loop3A_493, %parallel_loop3A_494, %parallel_loop3A_495], %parallel_loop3A_492 {strides = array<i32>} : memref<4x16x768xf32, #tpu.memory_space<vmem>>, vector<16xf32>,
        %parallel_loop3A_497 = arith.addf %parallel_loop3A_465, %parallel_loop3A_492 : vector<16xf32>
        %parallel_loop3A_498 = arith.mulf %parallel_loop3A_492, %parallel_loop3A_492 : vector<16xf32>
        %parallel_loop3A_499 = arith.addf %parallel_loop3A_467, %parallel_loop3A_498 : vector<16xf32>
        %parallel_loop3A_500 = arith.index_cast %rem3A_230 : i32 to index
        %parallel_loop3A_501 = arith.index_cast %parallel_loop3A_275 : i32 to index
        %parallel_loop3A_502 = arith.constant 224 : index
        %parallel_loop3A_503 = tpu.vector_load %arg10[%parallel_loop3A_500, %parallel_loop3A_501, %parallel_loop3A_502] {strides = array<i32>} : memref<4x16x768xf32, #tpu.memory_space<vmem>>, vector<16xf32>,
        %parallel_loop3A_504 = arith.index_cast %rem3A_230 : i32 to index
        %parallel_loop3A_505 = arith.index_cast %parallel_loop3A_275 : i32 to index
        %parallel_loop3A_506 = arith.constant 224 : index
        %parallel_loop3A_507 = tpu.vector_load %arg11[%parallel_loop3A_504, %parallel_loop3A_505, %parallel_loop3A_506] {strides = array<i32>} : memref<4x16x768xf32, #tpu.memory_space<vmem>>, vector<16xf32>,
        %parallel_loop3A_508 = arith.addf %parallel_loop3A_503, %parallel_loop3A_507 : vector<16xf32>
        %parallel_loop3A_509 = arith.index_cast %rem3A_230 : i32 to index
        %parallel_loop3A_510 = arith.index_cast %parallel_loop3A_275 : i32 to index
        %parallel_loop3A_511 = arith.constant 224 : index
        %parallel_loop3A_512 = tpu.vector_load %arg10[%parallel_loop3A_509, %parallel_loop3A_510, %parallel_loop3A_511] {strides = array<i32>} : memref<4x16x768xf32, #tpu.memory_space<vmem>>, vector<16xf32>,
        tpu.vector_store %arg10[%parallel_loop3A_509, %parallel_loop3A_510, %parallel_loop3A_511], %parallel_loop3A_508 {strides = array<i32>} : memref<4x16x768xf32, #tpu.memory_space<vmem>>, vector<16xf32>,
        %parallel_loop3A_513 = arith.addf %parallel_loop3A_481, %parallel_loop3A_508 : vector<16xf32>
        %parallel_loop3A_514 = arith.mulf %parallel_loop3A_508, %parallel_loop3A_508 : vector<16xf32>
        %parallel_loop3A_515 = arith.addf %parallel_loop3A_483, %parallel_loop3A_514 : vector<16xf32>
        %parallel_loop3A_516 = arith.index_cast %rem3A_230 : i32 to index
        %parallel_loop3A_517 = arith.index_cast %parallel_loop3A_275 : i32 to index
        %parallel_loop3A_518 = arith.constant 240 : index
        %parallel_loop3A_519 = tpu.vector_load %arg10[%parallel_loop3A_516, %parallel_loop3A_517, %parallel_loop3A_518] {strides = array<i32>} : memref<4x16x768xf32, #tpu.memory_space<vmem>>, vector<16xf32>,
        %parallel_loop3A_520 = arith.index_cast %rem3A_230 : i32 to index
        %parallel_loop3A_521 = arith.index_cast %parallel_loop3A_275 : i32 to index
        %parallel_loop3A_522 = arith.constant 240 : index
        %parallel_loop3A_523 = tpu.vector_load %arg11[%parallel_loop3A_520, %parallel_loop3A_521, %parallel_loop3A_522] {strides = array<i32>} : memref<4x16x768xf32, #tpu.memory_space<vmem>>, vector<16xf32>,
        %parallel_loop3A_524 = arith.addf %parallel_loop3A_519, %parallel_loop3A_523 : vector<16xf32>
        %parallel_loop3A_525 = arith.index_cast %rem3A_230 : i32 to index
        %parallel_loop3A_526 = arith.index_cast %parallel_loop3A_275 : i32 to index
        %parallel_loop3A_527 = arith.constant 240 : index
        %parallel_loop3A_528 = tpu.vector_load %arg10[%parallel_loop3A_525, %parallel_loop3A_526, %parallel_loop3A_527] {strides = array<i32>} : memref<4x16x768xf32, #tpu.memory_space<vmem>>, vector<16xf32>,
        tpu.vector_store %arg10[%parallel_loop3A_525, %parallel_loop3A_526, %parallel_loop3A_527], %parallel_loop3A_524 {strides = array<i32>} : memref<4x16x768xf32, #tpu.memory_space<vmem>>, vector<16xf32>,
        %parallel_loop3A_529 = arith.addf %parallel_loop3A_497, %parallel_loop3A_524 : vector<16xf32>
        %parallel_loop3A_530 = arith.mulf %parallel_loop3A_524, %parallel_loop3A_524 : vector<16xf32>
        %parallel_loop3A_531 = arith.addf %parallel_loop3A_499, %parallel_loop3A_530 : vector<16xf32>
        %parallel_loop3A_532 = arith.index_cast %rem3A_230 : i32 to index
        %parallel_loop3A_533 = arith.index_cast %parallel_loop3A_275 : i32 to index
        %parallel_loop3A_534 = arith.constant 256 : index
        %parallel_loop3A_535 = tpu.vector_load %arg10[%parallel_loop3A_532, %parallel_loop3A_533, %parallel_loop3A_534] {strides = array<i32>} : memref<4x16x768xf32, #tpu.memory_space<vmem>>, vector<16xf32>,
        %parallel_loop3A_536 = arith.index_cast %rem3A_230 : i32 to index
        %parallel_loop3A_537 = arith.index_cast %parallel_loop3A_275 : i32 to index
        %parallel_loop3A_538 = arith.constant 256 : index
        %parallel_loop3A_539 = tpu.vector_load %arg11[%parallel_loop3A_536, %parallel_loop3A_537, %parallel_loop3A_538] {strides = array<i32>} : memref<4x16x768xf32, #tpu.memory_space<vmem>>, vector<16xf32>,
        %parallel_loop3A_540 = arith.addf %parallel_loop3A_535, %parallel_loop3A_539 : vector<16xf32>
        %parallel_loop3A_541 = arith.index_cast %rem3A_230 : i32 to index
        %parallel_loop3A_542 = arith.index_cast %parallel_loop3A_275 : i32 to index
        %parallel_loop3A_543 = arith.constant 256 : index
        %parallel_loop3A_544 = tpu.vector_load %arg10[%parallel_loop3A_541, %parallel_loop3A_542, %parallel_loop3A_543] {strides = array<i32>} : memref<4x16x768xf32, #tpu.memory_space<vmem>>, vector<16xf32>,
        tpu.vector_store %arg10[%parallel_loop3A_541, %parallel_loop3A_542, %parallel_loop3A_543], %parallel_loop3A_540 {strides = array<i32>} : memref<4x16x768xf32, #tpu.memory_space<vmem>>, vector<16xf32>,
        %parallel_loop3A_545 = arith.addf %parallel_loop3A_513, %parallel_loop3A_540 : vector<16xf32>
        %parallel_loop3A_546 = arith.mulf %parallel_loop3A_540, %parallel_loop3A_540 : vector<16xf32>
        %parallel_loop3A_547 = arith.addf %parallel_loop3A_515, %parallel_loop3A_546 : vector<16xf32>
        %parallel_loop3A_548 = arith.index_cast %rem3A_230 : i32 to index
        %parallel_loop3A_549 = arith.index_cast %parallel_loop3A_275 : i32 to index
        %parallel_loop3A_550 = arith.constant 272 : index
        %parallel_loop3A_551 = tpu.vector_load %arg10[%parallel_loop3A_548, %parallel_loop3A_549, %parallel_loop3A_550] {strides = array<i32>} : memref<4x16x768xf32, #tpu.memory_space<vmem>>, vector<16xf32>,
        %parallel_loop3A_552 = arith.index_cast %rem3A_230 : i32 to index
        %parallel_loop3A_553 = arith.index_cast %parallel_loop3A_275 : i32 to index
        %parallel_loop3A_554 = arith.constant 272 : index
        %parallel_loop3A_555 = tpu.vector_load %arg11[%parallel_loop3A_552, %parallel_loop3A_553, %parallel_loop3A_554] {strides = array<i32>} : memref<4x16x768xf32, #tpu.memory_space<vmem>>, vector<16xf32>,
        %parallel_loop3A_556 = arith.addf %parallel_loop3A_551, %parallel_loop3A_555 : vector<16xf32>
        %parallel_loop3A_557 = arith.index_cast %rem3A_230 : i32 to index
        %parallel_loop3A_558 = arith.index_cast %parallel_loop3A_275 : i32 to index
        %parallel_loop3A_559 = arith.constant 272 : index
        %parallel_loop3A_560 = tpu.vector_load %arg10[%parallel_loop3A_557, %parallel_loop3A_558, %parallel_loop3A_559] {strides = array<i32>} : memref<4x16x768xf32, #tpu.memory_space<vmem>>, vector<16xf32>,
        tpu.vector_store %arg10[%parallel_loop3A_557, %parallel_loop3A_558, %parallel_loop3A_559], %parallel_loop3A_556 {strides = array<i32>} : memref<4x16x768xf32, #tpu.memory_space<vmem>>, vector<16xf32>,
        %parallel_loop3A_561 = arith.addf %parallel_loop3A_529, %parallel_loop3A_556 : vector<16xf32>
        %parallel_loop3A_562 = arith.mulf %parallel_loop3A_556, %parallel_loop3A_556 : vector<16xf32>
        %parallel_loop3A_563 = arith.addf %parallel_loop3A_531, %parallel_loop3A_562 : vector<16xf32>
        %parallel_loop3A_564 = arith.index_cast %rem3A_230 : i32 to index
        %parallel_loop3A_565 = arith.index_cast %parallel_loop3A_275 : i32 to index
        %parallel_loop3A_566 = arith.constant 288 : index
        %parallel_loop3A_567 = tpu.vector_load %arg10[%parallel_loop3A_564, %parallel_loop3A_565, %parallel_loop3A_566] {strides = array<i32>} : memref<4x16x768xf32, #tpu.memory_space<vmem>>, vector<16xf32>,
        %parallel_loop3A_568 = arith.index_cast %rem3A_230 : i32 to index
        %parallel_loop3A_569 = arith.index_cast %parallel_loop3A_275 : i32 to index
        %parallel_loop3A_570 = arith.constant 288 : index
        %parallel_loop3A_571 = tpu.vector_load %arg11[%parallel_loop3A_568, %parallel_loop3A_569, %parallel_loop3A_570] {strides = array<i32>} : memref<4x16x768xf32, #tpu.memory_space<vmem>>, vector<16xf32>,
        %parallel_loop3A_572 = arith.addf %parallel_loop3A_567, %parallel_loop3A_571 : vector<16xf32>
        %parallel_loop3A_573 = arith.index_cast %rem3A_230 : i32 to index
        %parallel_loop3A_574 = arith.index_cast %parallel_loop3A_275 : i32 to index
        %parallel_loop3A_575 = arith.constant 288 : index
        %parallel_loop3A_576 = tpu.vector_load %arg10[%parallel_loop3A_573, %parallel_loop3A_574, %parallel_loop3A_575] {strides = array<i32>} : memref<4x16x768xf32, #tpu.memory_space<vmem>>, vector<16xf32>,
        tpu.vector_store %arg10[%parallel_loop3A_573, %parallel_loop3A_574, %parallel_loop3A_575], %parallel_loop3A_572 {strides = array<i32>} : memref<4x16x768xf32, #tpu.memory_space<vmem>>, vector<16xf32>,
        %parallel_loop3A_577 = arith.addf %parallel_loop3A_545, %parallel_loop3A_572 : vector<16xf32>
        %parallel_loop3A_578 = arith.mulf %parallel_loop3A_572, %parallel_loop3A_572 : vector<16xf32>
        %parallel_loop3A_579 = arith.addf %parallel_loop3A_547, %parallel_loop3A_578 : vector<16xf32>
        %parallel_loop3A_580 = arith.index_cast %rem3A_230 : i32 to index
        %parallel_loop3A_581 = arith.index_cast %parallel_loop3A_275 : i32 to index
        %parallel_loop3A_582 = arith.constant 304 : index
        %parallel_loop3A_583 = tpu.vector_load %arg10[%parallel_loop3A_580, %parallel_loop3A_581, %parallel_loop3A_582] {strides = array<i32>} : memref<4x16x768xf32, #tpu.memory_space<vmem>>, vector<16xf32>,
        %parallel_loop3A_584 = arith.index_cast %rem3A_230 : i32 to index
        %parallel_loop3A_585 = arith.index_cast %parallel_loop3A_275 : i32 to index
        %parallel_loop3A_586 = arith.constant 304 : index
        %parallel_loop3A_587 = tpu.vector_load %arg11[%parallel_loop3A_584, %parallel_loop3A_585, %parallel_loop3A_586] {strides = array<i32>} : memref<4x16x768xf32, #tpu.memory_space<vmem>>, vector<16xf32>,
        %parallel_loop3A_588 = arith.addf %parallel_loop3A_583, %parallel_loop3A_587 : vector<16xf32>
        %parallel_loop3A_589 = arith.index_cast %rem3A_230 : i32 to index
        %parallel_loop3A_590 = arith.index_cast %parallel_loop3A_275 : i32 to index
        %parallel_loop3A_591 = arith.constant 304 : index
        %parallel_loop3A_592 = tpu.vector_load %arg10[%parallel_loop3A_589, %parallel_loop3A_590, %parallel_loop3A_591] {strides = array<i32>} : memref<4x16x768xf32, #tpu.memory_space<vmem>>, vector<16xf32>,
        tpu.vector_store %arg10[%parallel_loop3A_589, %parallel_loop3A_590, %parallel_loop3A_591], %parallel_loop3A_588 {strides = array<i32>} : memref<4x16x768xf32, #tpu.memory_space<vmem>>, vector<16xf32>,
        %parallel_loop3A_593 = arith.addf %parallel_loop3A_561, %parallel_loop3A_588 : vector<16xf32>
        %parallel_loop3A_594 = arith.mulf %parallel_loop3A_588, %parallel_loop3A_588 : vector<16xf32>
        %parallel_loop3A_595 = arith.addf %parallel_loop3A_563, %parallel_loop3A_594 : vector<16xf32>
        %parallel_loop3A_596 = arith.index_cast %rem3A_230 : i32 to index
        %parallel_loop3A_597 = arith.index_cast %parallel_loop3A_275 : i32 to index
        %parallel_loop3A_598 = arith.constant 320 : index
        %parallel_loop3A_599 = tpu.vector_load %arg10[%parallel_loop3A_596, %parallel_loop3A_597, %parallel_loop3A_598] {strides = array<i32>} : memref<4x16x768xf32, #tpu.memory_space<vmem>>, vector<16xf32>,
        %parallel_loop3A_600 = arith.index_cast %rem3A_230 : i32 to index
        %parallel_loop3A_601 = arith.index_cast %parallel_loop3A_275 : i32 to index
        %parallel_loop3A_602 = arith.constant 320 : index
        %parallel_loop3A_603 = tpu.vector_load %arg11[%parallel_loop3A_600, %parallel_loop3A_601, %parallel_loop3A_602] {strides = array<i32>} : memref<4x16x768xf32, #tpu.memory_space<vmem>>, vector<16xf32>,
        %parallel_loop3A_604 = arith.addf %parallel_loop3A_599, %parallel_loop3A_603 : vector<16xf32>
        %parallel_loop3A_605 = arith.index_cast %rem3A_230 : i32 to index
        %parallel_loop3A_606 = arith.index_cast %parallel_loop3A_275 : i32 to index
        %parallel_loop3A_607 = arith.constant 320 : index
        %parallel_loop3A_608 = tpu.vector_load %arg10[%parallel_loop3A_605, %parallel_loop3A_606, %parallel_loop3A_607] {strides = array<i32>} : memref<4x16x768xf32, #tpu.memory_space<vmem>>, vector<16xf32>,
        tpu.vector_store %arg10[%parallel_loop3A_605, %parallel_loop3A_606, %parallel_loop3A_607], %parallel_loop3A_604 {strides = array<i32>} : memref<4x16x768xf32, #tpu.memory_space<vmem>>, vector<16xf32>,
        %parallel_loop3A_609 = arith.addf %parallel_loop3A_577, %parallel_loop3A_604 : vector<16xf32>
        %parallel_loop3A_610 = arith.mulf %parallel_loop3A_604, %parallel_loop3A_604 : vector<16xf32>
        %parallel_loop3A_611 = arith.addf %parallel_loop3A_579, %parallel_loop3A_610 : vector<16xf32>
        %parallel_loop3A_612 = arith.index_cast %rem3A_230 : i32 to index
        %parallel_loop3A_613 = arith.index_cast %parallel_loop3A_275 : i32 to index
        %parallel_loop3A_614 = arith.constant 336 : index
        %parallel_loop3A_615 = tpu.vector_load %arg10[%parallel_loop3A_612, %parallel_loop3A_613, %parallel_loop3A_614] {strides = array<i32>} : memref<4x16x768xf32, #tpu.memory_space<vmem>>, vector<16xf32>,
        %parallel_loop3A_616 = arith.index_cast %rem3A_230 : i32 to index
        %parallel_loop3A_617 = arith.index_cast %parallel_loop3A_275 : i32 to index
        %parallel_loop3A_618 = arith.constant 336 : index
        %parallel_loop3A_619 = tpu.vector_load %arg11[%parallel_loop3A_616, %parallel_loop3A_617, %parallel_loop3A_618] {strides = array<i32>} : memref<4x16x768xf32, #tpu.memory_space<vmem>>, vector<16xf32>,
        %parallel_loop3A_620 = arith.addf %parallel_loop3A_615, %parallel_loop3A_619 : vector<16xf32>
        %parallel_loop3A_621 = arith.index_cast %rem3A_230 : i32 to index
        %parallel_loop3A_622 = arith.index_cast %parallel_loop3A_275 : i32 to index
        %parallel_loop3A_623 = arith.constant 336 : index
        %parallel_loop3A_624 = tpu.vector_load %arg10[%parallel_loop3A_621, %parallel_loop3A_622, %parallel_loop3A_623] {strides = array<i32>} : memref<4x16x768xf32, #tpu.memory_space<vmem>>, vector<16xf32>,
        tpu.vector_store %arg10[%parallel_loop3A_621, %parallel_loop3A_622, %parallel_loop3A_623], %parallel_loop3A_620 {strides = array<i32>} : memref<4x16x768xf32, #tpu.memory_space<vmem>>, vector<16xf32>,
        %parallel_loop3A_625 = arith.addf %parallel_loop3A_593, %parallel_loop3A_620 : vector<16xf32>
        %parallel_loop3A_626 = arith.mulf %parallel_loop3A_620, %parallel_loop3A_620 : vector<16xf32>
        %parallel_loop3A_627 = arith.addf %parallel_loop3A_595, %parallel_loop3A_626 : vector<16xf32>
        %parallel_loop3A_628 = arith.index_cast %rem3A_230 : i32 to index
        %parallel_loop3A_629 = arith.index_cast %parallel_loop3A_275 : i32 to index
        %parallel_loop3A_630 = arith.constant 352 : index
        %parallel_loop3A_631 = tpu.vector_load %arg10[%parallel_loop3A_628, %parallel_loop3A_629, %parallel_loop3A_630] {strides = array<i32>} : memref<4x16x768xf32, #tpu.memory_space<vmem>>, vector<16xf32>,
        %parallel_loop3A_632 = arith.index_cast %rem3A_230 : i32 to index
        %parallel_loop3A_633 = arith.index_cast %parallel_loop3A_275 : i32 to index
        %parallel_loop3A_634 = arith.constant 352 : index
        %parallel_loop3A_635 = tpu.vector_load %arg11[%parallel_loop3A_632, %parallel_loop3A_633, %parallel_loop3A_634] {strides = array<i32>} : memref<4x16x768xf32, #tpu.memory_space<vmem>>, vector<16xf32>,
        %parallel_loop3A_636 = arith.addf %parallel_loop3A_631, %parallel_loop3A_635 : vector<16xf32>
        %parallel_loop3A_637 = arith.index_cast %rem3A_230 : i32 to index
        %parallel_loop3A_638 = arith.index_cast %parallel_loop3A_275 : i32 to index
        %parallel_loop3A_639 = arith.constant 352 : index
        %parallel_loop3A_640 = tpu.vector_load %arg10[%parallel_loop3A_637, %parallel_loop3A_638, %parallel_loop3A_639] {strides = array<i32>} : memref<4x16x768xf32, #tpu.memory_space<vmem>>, vector<16xf32>,
        tpu.vector_store %arg10[%parallel_loop3A_637, %parallel_loop3A_638, %parallel_loop3A_639], %parallel_loop3A_636 {strides = array<i32>} : memref<4x16x768xf32, #tpu.memory_space<vmem>>, vector<16xf32>,
        %parallel_loop3A_641 = arith.addf %parallel_loop3A_609, %parallel_loop3A_636 : vector<16xf32>
        %parallel_loop3A_642 = arith.mulf %parallel_loop3A_636, %parallel_loop3A_636 : vector<16xf32>
        %parallel_loop3A_643 = arith.addf %parallel_loop3A_611, %parallel_loop3A_642 : vector<16xf32>
        %parallel_loop3A_644 = arith.index_cast %rem3A_230 : i32 to index
        %parallel_loop3A_645 = arith.index_cast %parallel_loop3A_275 : i32 to index
        %parallel_loop3A_646 = arith.constant 368 : index
        %parallel_loop3A_647 = tpu.vector_load %arg10[%parallel_loop3A_644, %parallel_loop3A_645, %parallel_loop3A_646] {strides = array<i32>} : memref<4x16x768xf32, #tpu.memory_space<vmem>>, vector<16xf32>,
        %parallel_loop3A_648 = arith.index_cast %rem3A_230 : i32 to index
        %parallel_loop3A_649 = arith.index_cast %parallel_loop3A_275 : i32 to index
        %parallel_loop3A_650 = arith.constant 368 : index
        %parallel_loop3A_651 = tpu.vector_load %arg11[%parallel_loop3A_648, %parallel_loop3A_649, %parallel_loop3A_650] {strides = array<i32>} : memref<4x16x768xf32, #tpu.memory_space<vmem>>, vector<16xf32>,
        %parallel_loop3A_652 = arith.addf %parallel_loop3A_647, %parallel_loop3A_651 : vector<16xf32>
        %parallel_loop3A_653 = arith.index_cast %rem3A_230 : i32 to index
        %parallel_loop3A_654 = arith.index_cast %parallel_loop3A_275 : i32 to index
        %parallel_loop3A_655 = arith.constant 368 : index
        %parallel_loop3A_656 = tpu.vector_load %arg10[%parallel_loop3A_653, %parallel_loop3A_654, %parallel_loop3A_655] {strides = array<i32>} : memref<4x16x768xf32, #tpu.memory_space<vmem>>, vector<16xf32>,
        tpu.vector_store %arg10[%parallel_loop3A_653, %parallel_loop3A_654, %parallel_loop3A_655], %parallel_loop3A_652 {strides = array<i32>} : memref<4x16x768xf32, #tpu.memory_space<vmem>>, vector<16xf32>,
        %parallel_loop3A_657 = arith.addf %parallel_loop3A_625, %parallel_loop3A_652 : vector<16xf32>
        %parallel_loop3A_658 = arith.mulf %parallel_loop3A_652, %parallel_loop3A_652 : vector<16xf32>
        %parallel_loop3A_659 = arith.addf %parallel_loop3A_627, %parallel_loop3A_658 : vector<16xf32>
        %parallel_loop3A_660 = arith.index_cast %rem3A_230 : i32 to index
        %parallel_loop3A_661 = arith.index_cast %parallel_loop3A_275 : i32 to index
        %parallel_loop3A_662 = arith.constant 384 : index
        %parallel_loop3A_663 = tpu.vector_load %arg10[%parallel_loop3A_660, %parallel_loop3A_661, %parallel_loop3A_662] {strides = array<i32>} : memref<4x16x768xf32, #tpu.memory_space<vmem>>, vector<16xf32>,
        %parallel_loop3A_664 = arith.index_cast %rem3A_230 : i32 to index
        %parallel_loop3A_665 = arith.index_cast %parallel_loop3A_275 : i32 to index
        %parallel_loop3A_666 = arith.constant 384 : index
        %parallel_loop3A_667 = tpu.vector_load %arg11[%parallel_loop3A_664, %parallel_loop3A_665, %parallel_loop3A_666] {strides = array<i32>} : memref<4x16x768xf32, #tpu.memory_space<vmem>>, vector<16xf32>,
        %parallel_loop3A_668 = arith.addf %parallel_loop3A_663, %parallel_loop3A_667 : vector<16xf32>
        %parallel_loop3A_669 = arith.index_cast %rem3A_230 : i32 to index
        %parallel_loop3A_670 = arith.index_cast %parallel_loop3A_275 : i32 to index
        %parallel_loop3A_671 = arith.constant 384 : index
        %parallel_loop3A_672 = tpu.vector_load %arg10[%parallel_loop3A_669, %parallel_loop3A_670, %parallel_loop3A_671] {strides = array<i32>} : memref<4x16x768xf32, #tpu.memory_space<vmem>>, vector<16xf32>,
        tpu.vector_store %arg10[%parallel_loop3A_669, %parallel_loop3A_670, %parallel_loop3A_671], %parallel_loop3A_668 {strides = array<i32>} : memref<4x16x768xf32, #tpu.memory_space<vmem>>, vector<16xf32>,
        %parallel_loop3A_673 = arith.addf %parallel_loop3A_641, %parallel_loop3A_668 : vector<16xf32>
        %parallel_loop3A_674 = arith.mulf %parallel_loop3A_668, %parallel_loop3A_668 : vector<16xf32>
        %parallel_loop3A_675 = arith.addf %parallel_loop3A_643, %parallel_loop3A_674 : vector<16xf32>
        %parallel_loop3A_676 = arith.index_cast %rem3A_230 : i32 to index
        %parallel_loop3A_677 = arith.index_cast %parallel_loop3A_275 : i32 to index
        %parallel_loop3A_678 = arith.constant 400 : index
        %parallel_loop3A_679 = tpu.vector_load %arg10[%parallel_loop3A_676, %parallel_loop3A_677, %parallel_loop3A_678] {strides = array<i32>} : memref<4x16x768xf32, #tpu.memory_space<vmem>>, vector<16xf32>,
        %parallel_loop3A_680 = arith.index_cast %rem3A_230 : i32 to index
        %parallel_loop3A_681 = arith.index_cast %parallel_loop3A_275 : i32 to index
        %parallel_loop3A_682 = arith.constant 400 : index
        %parallel_loop3A_683 = tpu.vector_load %arg11[%parallel_loop3A_680, %parallel_loop3A_681, %parallel_loop3A_682] {strides = array<i32>} : memref<4x16x768xf32, #tpu.memory_space<vmem>>, vector<16xf32>,
        %parallel_loop3A_684 = arith.addf %parallel_loop3A_679, %parallel_loop3A_683 : vector<16xf32>
        %parallel_loop3A_685 = arith.index_cast %rem3A_230 : i32 to index
        %parallel_loop3A_686 = arith.index_cast %parallel_loop3A_275 : i32 to index
        %parallel_loop3A_687 = arith.constant 400 : index
        %parallel_loop3A_688 = tpu.vector_load %arg10[%parallel_loop3A_685, %parallel_loop3A_686, %parallel_loop3A_687] {strides = array<i32>} : memref<4x16x768xf32, #tpu.memory_space<vmem>>, vector<16xf32>,
        tpu.vector_store %arg10[%parallel_loop3A_685, %parallel_loop3A_686, %parallel_loop3A_687], %parallel_loop3A_684 {strides = array<i32>} : memref<4x16x768xf32, #tpu.memory_space<vmem>>, vector<16xf32>,
        %parallel_loop3A_689 = arith.addf %parallel_loop3A_657, %parallel_loop3A_684 : vector<16xf32>
        %parallel_loop3A_690 = arith.mulf %parallel_loop3A_684, %parallel_loop3A_684 : vector<16xf32>
        %parallel_loop3A_691 = arith.addf %parallel_loop3A_659, %parallel_loop3A_690 : vector<16xf32>
        %parallel_loop3A_692 = arith.index_cast %rem3A_230 : i32 to index
        %parallel_loop3A_693 = arith.index_cast %parallel_loop3A_275 : i32 to index
        %parallel_loop3A_694 = arith.constant 416 : index
        %parallel_loop3A_695 = tpu.vector_load %arg10[%parallel_loop3A_692, %parallel_loop3A_693, %parallel_loop3A_694] {strides = array<i32>} : memref<4x16x768xf32, #tpu.memory_space<vmem>>, vector<16xf32>,
        %parallel_loop3A_696 = arith.index_cast %rem3A_230 : i32 to index
        %parallel_loop3A_697 = arith.index_cast %parallel_loop3A_275 : i32 to index
        %parallel_loop3A_698 = arith.constant 416 : index
        %parallel_loop3A_699 = tpu.vector_load %arg11[%parallel_loop3A_696, %parallel_loop3A_697, %parallel_loop3A_698] {strides = array<i32>} : memref<4x16x768xf32, #tpu.memory_space<vmem>>, vector<16xf32>,
        %parallel_loop3A_700 = arith.addf %parallel_loop3A_695, %parallel_loop3A_699 : vector<16xf32>
        %parallel_loop3A_701 = arith.index_cast %rem3A_230 : i32 to index
        %parallel_loop3A_702 = arith.index_cast %parallel_loop3A_275 : i32 to index
        %parallel_loop3A_703 = arith.constant 416 : index
        %parallel_loop3A_704 = tpu.vector_load %arg10[%parallel_loop3A_701, %parallel_loop3A_702, %parallel_loop3A_703] {strides = array<i32>} : memref<4x16x768xf32, #tpu.memory_space<vmem>>, vector<16xf32>,
        tpu.vector_store %arg10[%parallel_loop3A_701, %parallel_loop3A_702, %parallel_loop3A_703], %parallel_loop3A_700 {strides = array<i32>} : memref<4x16x768xf32, #tpu.memory_space<vmem>>, vector<16xf32>,
        %parallel_loop3A_705 = arith.addf %parallel_loop3A_673, %parallel_loop3A_700 : vector<16xf32>
        %parallel_loop3A_706 = arith.mulf %parallel_loop3A_700, %parallel_loop3A_700 : vector<16xf32>
        %parallel_loop3A_707 = arith.addf %parallel_loop3A_675, %parallel_loop3A_706 : vector<16xf32>
        %parallel_loop3A_708 = arith.index_cast %rem3A_230 : i32 to index
        %parallel_loop3A_709 = arith.index_cast %parallel_loop3A_275 : i32 to index
        %parallel_loop3A_710 = arith.constant 432 : index
        %parallel_loop3A_711 = tpu.vector_load %arg10[%parallel_loop3A_708, %parallel_loop3A_709, %parallel_loop3A_710] {strides = array<i32>} : memref<4x16x768xf32, #tpu.memory_space<vmem>>, vector<16xf32>,
        %parallel_loop3A_712 = arith.index_cast %rem3A_230 : i32 to index
        %parallel_loop3A_713 = arith.index_cast %parallel_loop3A_275 : i32 to index
        %parallel_loop3A_714 = arith.constant 432 : index
        %parallel_loop3A_715 = tpu.vector_load %arg11[%parallel_loop3A_712, %parallel_loop3A_713, %parallel_loop3A_714] {strides = array<i32>} : memref<4x16x768xf32, #tpu.memory_space<vmem>>, vector<16xf32>,
        %parallel_loop3A_716 = arith.addf %parallel_loop3A_711, %parallel_loop3A_715 : vector<16xf32>
        %parallel_loop3A_717 = arith.index_cast %rem3A_230 : i32 to index
        %parallel_loop3A_718 = arith.index_cast %parallel_loop3A_275 : i32 to index
        %parallel_loop3A_719 = arith.constant 432 : index
        %parallel_loop3A_720 = tpu.vector_load %arg10[%parallel_loop3A_717, %parallel_loop3A_718, %parallel_loop3A_719] {strides = array<i32>} : memref<4x16x768xf32, #tpu.memory_space<vmem>>, vector<16xf32>,
        tpu.vector_store %arg10[%parallel_loop3A_717, %parallel_loop3A_718, %parallel_loop3A_719], %parallel_loop3A_716 {strides = array<i32>} : memref<4x16x768xf32, #tpu.memory_space<vmem>>, vector<16xf32>,
        %parallel_loop3A_721 = arith.addf %parallel_loop3A_689, %parallel_loop3A_716 : vector<16xf32>
        %parallel_loop3A_722 = arith.mulf %parallel_loop3A_716, %parallel_loop3A_716 : vector<16xf32>
        %parallel_loop3A_723 = arith.addf %parallel_loop3A_691, %parallel_loop3A_722 : vector<16xf32>
        %parallel_loop3A_724 = arith.index_cast %rem3A_230 : i32 to index
        %parallel_loop3A_725 = arith.index_cast %parallel_loop3A_275 : i32 to index
        %parallel_loop3A_726 = arith.constant 448 : index
        %parallel_loop3A_727 = tpu.vector_load %arg10[%parallel_loop3A_724, %parallel_loop3A_725, %parallel_loop3A_726] {strides = array<i32>} : memref<4x16x768xf32, #tpu.memory_space<vmem>>, vector<16xf32>,
        %parallel_loop3A_728 = arith.index_cast %rem3A_230 : i32 to index
        %parallel_loop3A_729 = arith.index_cast %parallel_loop3A_275 : i32 to index
        %parallel_loop3A_730 = arith.constant 448 : index
        %parallel_loop3A_731 = tpu.vector_load %arg11[%parallel_loop3A_728, %parallel_loop3A_729, %parallel_loop3A_730] {strides = array<i32>} : memref<4x16x768xf32, #tpu.memory_space<vmem>>, vector<16xf32>,
        %parallel_loop3A_732 = arith.addf %parallel_loop3A_727, %parallel_loop3A_731 : vector<16xf32>
        %parallel_loop3A_733 = arith.index_cast %rem3A_230 : i32 to index
        %parallel_loop3A_734 = arith.index_cast %parallel_loop3A_275 : i32 to index
        %parallel_loop3A_735 = arith.constant 448 : index
        %parallel_loop3A_736 = tpu.vector_load %arg10[%parallel_loop3A_733, %parallel_loop3A_734, %parallel_loop3A_735] {strides = array<i32>} : memref<4x16x768xf32, #tpu.memory_space<vmem>>, vector<16xf32>,
        tpu.vector_store %arg10[%parallel_loop3A_733, %parallel_loop3A_734, %parallel_loop3A_735], %parallel_loop3A_732 {strides = array<i32>} : memref<4x16x768xf32, #tpu.memory_space<vmem>>, vector<16xf32>,
        %parallel_loop3A_737 = arith.addf %parallel_loop3A_705, %parallel_loop3A_732 : vector<16xf32>
        %parallel_loop3A_738 = arith.mulf %parallel_loop3A_732, %parallel_loop3A_732 : vector<16xf32>
        %parallel_loop3A_739 = arith.addf %parallel_loop3A_707, %parallel_loop3A_738 : vector<16xf32>
        %parallel_loop3A_740 = arith.index_cast %rem3A_230 : i32 to index
        %parallel_loop3A_741 = arith.index_cast %parallel_loop3A_275 : i32 to index
        %parallel_loop3A_742 = arith.constant 464 : index
        %parallel_loop3A_743 = tpu.vector_load %arg10[%parallel_loop3A_740, %parallel_loop3A_741, %parallel_loop3A_742] {strides = array<i32>} : memref<4x16x768xf32, #tpu.memory_space<vmem>>, vector<16xf32>,
        %parallel_loop3A_744 = arith.index_cast %rem3A_230 : i32 to index
        %parallel_loop3A_745 = arith.index_cast %parallel_loop3A_275 : i32 to index
        %parallel_loop3A_746 = arith.constant 464 : index
        %parallel_loop3A_747 = tpu.vector_load %arg11[%parallel_loop3A_744, %parallel_loop3A_745, %parallel_loop3A_746] {strides = array<i32>} : memref<4x16x768xf32, #tpu.memory_space<vmem>>, vector<16xf32>,
        %parallel_loop3A_748 = arith.addf %parallel_loop3A_743, %parallel_loop3A_747 : vector<16xf32>
        %parallel_loop3A_749 = arith.index_cast %rem3A_230 : i32 to index
        %parallel_loop3A_750 = arith.index_cast %parallel_loop3A_275 : i32 to index
        %parallel_loop3A_751 = arith.constant 464 : index
        %parallel_loop3A_752 = tpu.vector_load %arg10[%parallel_loop3A_749, %parallel_loop3A_750, %parallel_loop3A_751] {strides = array<i32>} : memref<4x16x768xf32, #tpu.memory_space<vmem>>, vector<16xf32>,
        tpu.vector_store %arg10[%parallel_loop3A_749, %parallel_loop3A_750, %parallel_loop3A_751], %parallel_loop3A_748 {strides = array<i32>} : memref<4x16x768xf32, #tpu.memory_space<vmem>>, vector<16xf32>,
        %parallel_loop3A_753 = arith.addf %parallel_loop3A_721, %parallel_loop3A_748 : vector<16xf32>
        %parallel_loop3A_754 = arith.mulf %parallel_loop3A_748, %parallel_loop3A_748 : vector<16xf32>
        %parallel_loop3A_755 = arith.addf %parallel_loop3A_723, %parallel_loop3A_754 : vector<16xf32>
        %parallel_loop3A_756 = arith.index_cast %rem3A_230 : i32 to index
        %parallel_loop3A_757 = arith.index_cast %parallel_loop3A_275 : i32 to index
        %parallel_loop3A_758 = arith.constant 480 : index
        %parallel_loop3A_759 = tpu.vector_load %arg10[%parallel_loop3A_756, %parallel_loop3A_757, %parallel_loop3A_758] {strides = array<i32>} : memref<4x16x768xf32, #tpu.memory_space<vmem>>, vector<16xf32>,
        %parallel_loop3A_760 = arith.index_cast %rem3A_230 : i32 to index
        %parallel_loop3A_761 = arith.index_cast %parallel_loop3A_275 : i32 to index
        %parallel_loop3A_762 = arith.constant 480 : index
        %parallel_loop3A_763 = tpu.vector_load %arg11[%parallel_loop3A_760, %parallel_loop3A_761, %parallel_loop3A_762] {strides = array<i32>} : memref<4x16x768xf32, #tpu.memory_space<vmem>>, vector<16xf32>,
        %parallel_loop3A_764 = arith.addf %parallel_loop3A_759, %parallel_loop3A_763 : vector<16xf32>
        %parallel_loop3A_765 = arith.index_cast %rem3A_230 : i32 to index
        %parallel_loop3A_766 = arith.index_cast %parallel_loop3A_275 : i32 to index
        %parallel_loop3A_767 = arith.constant 480 : index
        %parallel_loop3A_768 = tpu.vector_load %arg10[%parallel_loop3A_765, %parallel_loop3A_766, %parallel_loop3A_767] {strides = array<i32>} : memref<4x16x768xf32, #tpu.memory_space<vmem>>, vector<16xf32>,
        tpu.vector_store %arg10[%parallel_loop3A_765, %parallel_loop3A_766, %parallel_loop3A_767], %parallel_loop3A_764 {strides = array<i32>} : memref<4x16x768xf32, #tpu.memory_space<vmem>>, vector<16xf32>,
        %parallel_loop3A_769 = arith.addf %parallel_loop3A_737, %parallel_loop3A_764 : vector<16xf32>
        %parallel_loop3A_770 = arith.mulf %parallel_loop3A_764, %parallel_loop3A_764 : vector<16xf32>
        %parallel_loop3A_771 = arith.addf %parallel_loop3A_739, %parallel_loop3A_770 : vector<16xf32>
        %parallel_loop3A_772 = arith.index_cast %rem3A_230 : i32 to index
        %parallel_loop3A_773 = arith.index_cast %parallel_loop3A_275 : i32 to index
        %parallel_loop3A_774 = arith.constant 496 : index
        %parallel_loop3A_775 = tpu.vector_load %arg10[%parallel_loop3A_772, %parallel_loop3A_773, %parallel_loop3A_774] {strides = array<i32>} : memref<4x16x768xf32, #tpu.memory_space<vmem>>, vector<16xf32>,
        %parallel_loop3A_776 = arith.index_cast %rem3A_230 : i32 to index
        %parallel_loop3A_777 = arith.index_cast %parallel_loop3A_275 : i32 to index
        %parallel_loop3A_778 = arith.constant 496 : index
        %parallel_loop3A_779 = tpu.vector_load %arg11[%parallel_loop3A_776, %parallel_loop3A_777, %parallel_loop3A_778] {strides = array<i32>} : memref<4x16x768xf32, #tpu.memory_space<vmem>>, vector<16xf32>,
        %parallel_loop3A_780 = arith.addf %parallel_loop3A_775, %parallel_loop3A_779 : vector<16xf32>
        %parallel_loop3A_781 = arith.index_cast %rem3A_230 : i32 to index
        %parallel_loop3A_782 = arith.index_cast %parallel_loop3A_275 : i32 to index
        %parallel_loop3A_783 = arith.constant 496 : index
        %parallel_loop3A_784 = tpu.vector_load %arg10[%parallel_loop3A_781, %parallel_loop3A_782, %parallel_loop3A_783] {strides = array<i32>} : memref<4x16x768xf32, #tpu.memory_space<vmem>>, vector<16xf32>,
        tpu.vector_store %arg10[%parallel_loop3A_781, %parallel_loop3A_782, %parallel_loop3A_783], %parallel_loop3A_780 {strides = array<i32>} : memref<4x16x768xf32, #tpu.memory_space<vmem>>, vector<16xf32>,
        %parallel_loop3A_785 = arith.addf %parallel_loop3A_753, %parallel_loop3A_780 : vector<16xf32>
        %parallel_loop3A_786 = arith.mulf %parallel_loop3A_780, %parallel_loop3A_780 : vector<16xf32>
        %parallel_loop3A_787 = arith.addf %parallel_loop3A_755, %parallel_loop3A_786 : vector<16xf32>
        %parallel_loop3A_788 = arith.index_cast %rem3A_230 : i32 to index
        %parallel_loop3A_789 = arith.index_cast %parallel_loop3A_275 : i32 to index
        %parallel_loop3A_790 = arith.constant 512 : index
        %parallel_loop3A_791 = tpu.vector_load %arg10[%parallel_loop3A_788, %parallel_loop3A_789, %parallel_loop3A_790] {strides = array<i32>} : memref<4x16x768xf32, #tpu.memory_space<vmem>>, vector<16xf32>,
        %parallel_loop3A_792 = arith.index_cast %rem3A_230 : i32 to index
        %parallel_loop3A_793 = arith.index_cast %parallel_loop3A_275 : i32 to index
        %parallel_loop3A_794 = arith.constant 512 : index
        %parallel_loop3A_795 = tpu.vector_load %arg11[%parallel_loop3A_792, %parallel_loop3A_793, %parallel_loop3A_794] {strides = array<i32>} : memref<4x16x768xf32, #tpu.memory_space<vmem>>, vector<16xf32>,
        %parallel_loop3A_796 = arith.addf %parallel_loop3A_791, %parallel_loop3A_795 : vector<16xf32>
        %parallel_loop3A_797 = arith.index_cast %rem3A_230 : i32 to index
        %parallel_loop3A_798 = arith.index_cast %parallel_loop3A_275 : i32 to index
        %parallel_loop3A_799 = arith.constant 512 : index
        %parallel_loop3A_800 = tpu.vector_load %arg10[%parallel_loop3A_797, %parallel_loop3A_798, %parallel_loop3A_799] {strides = array<i32>} : memref<4x16x768xf32, #tpu.memory_space<vmem>>, vector<16xf32>,
        tpu.vector_store %arg10[%parallel_loop3A_797, %parallel_loop3A_798, %parallel_loop3A_799], %parallel_loop3A_796 {strides = array<i32>} : memref<4x16x768xf32, #tpu.memory_space<vmem>>, vector<16xf32>,
        %parallel_loop3A_801 = arith.addf %parallel_loop3A_769, %parallel_loop3A_796 : vector<16xf32>
        %parallel_loop3A_802 = arith.mulf %parallel_loop3A_796, %parallel_loop3A_796 : vector<16xf32>
        %parallel_loop3A_803 = arith.addf %parallel_loop3A_771, %parallel_loop3A_802 : vector<16xf32>
        %parallel_loop3A_804 = arith.index_cast %rem3A_230 : i32 to index
        %parallel_loop3A_805 = arith.index_cast %parallel_loop3A_275 : i32 to index
        %parallel_loop3A_806 = arith.constant 528 : index
        %parallel_loop3A_807 = tpu.vector_load %arg10[%parallel_loop3A_804, %parallel_loop3A_805, %parallel_loop3A_806] {strides = array<i32>} : memref<4x16x768xf32, #tpu.memory_space<vmem>>, vector<16xf32>,
        %parallel_loop3A_808 = arith.index_cast %rem3A_230 : i32 to index
        %parallel_loop3A_809 = arith.index_cast %parallel_loop3A_275 : i32 to index
        %parallel_loop3A_810 = arith.constant 528 : index
        %parallel_loop3A_811 = tpu.vector_load %arg11[%parallel_loop3A_808, %parallel_loop3A_809, %parallel_loop3A_810] {strides = array<i32>} : memref<4x16x768xf32, #tpu.memory_space<vmem>>, vector<16xf32>,
        %parallel_loop3A_812 = arith.addf %parallel_loop3A_807, %parallel_loop3A_811 : vector<16xf32>
        %parallel_loop3A_813 = arith.index_cast %rem3A_230 : i32 to index
        %parallel_loop3A_814 = arith.index_cast %parallel_loop3A_275 : i32 to index
        %parallel_loop3A_815 = arith.constant 528 : index
        %parallel_loop3A_816 = tpu.vector_load %arg10[%parallel_loop3A_813, %parallel_loop3A_814, %parallel_loop3A_815] {strides = array<i32>} : memref<4x16x768xf32, #tpu.memory_space<vmem>>, vector<16xf32>,
        tpu.vector_store %arg10[%parallel_loop3A_813, %parallel_loop3A_814, %parallel_loop3A_815], %parallel_loop3A_812 {strides = array<i32>} : memref<4x16x768xf32, #tpu.memory_space<vmem>>, vector<16xf32>,
        %parallel_loop3A_817 = arith.addf %parallel_loop3A_785, %parallel_loop3A_812 : vector<16xf32>
        %parallel_loop3A_818 = arith.mulf %parallel_loop3A_812, %parallel_loop3A_812 : vector<16xf32>
        %parallel_loop3A_819 = arith.addf %parallel_loop3A_787, %parallel_loop3A_818 : vector<16xf32>
        %parallel_loop3A_820 = arith.index_cast %rem3A_230 : i32 to index
        %parallel_loop3A_821 = arith.index_cast %parallel_loop3A_275 : i32 to index
        %parallel_loop3A_822 = arith.constant 544 : index
        %parallel_loop3A_823 = tpu.vector_load %arg10[%parallel_loop3A_820, %parallel_loop3A_821, %parallel_loop3A_822] {strides = array<i32>} : memref<4x16x768xf32, #tpu.memory_space<vmem>>, vector<16xf32>,
        %parallel_loop3A_824 = arith.index_cast %rem3A_230 : i32 to index
        %parallel_loop3A_825 = arith.index_cast %parallel_loop3A_275 : i32 to index
        %parallel_loop3A_826 = arith.constant 544 : index
        %parallel_loop3A_827 = tpu.vector_load %arg11[%parallel_loop3A_824, %parallel_loop3A_825, %parallel_loop3A_826] {strides = array<i32>} : memref<4x16x768xf32, #tpu.memory_space<vmem>>, vector<16xf32>,
        %parallel_loop3A_828 = arith.addf %parallel_loop3A_823, %parallel_loop3A_827 : vector<16xf32>
        %parallel_loop3A_829 = arith.index_cast %rem3A_230 : i32 to index
        %parallel_loop3A_830 = arith.index_cast %parallel_loop3A_275 : i32 to index
        %parallel_loop3A_831 = arith.constant 544 : index
        %parallel_loop3A_832 = tpu.vector_load %arg10[%parallel_loop3A_829, %parallel_loop3A_830, %parallel_loop3A_831] {strides = array<i32>} : memref<4x16x768xf32, #tpu.memory_space<vmem>>, vector<16xf32>,
        tpu.vector_store %arg10[%parallel_loop3A_829, %parallel_loop3A_830, %parallel_loop3A_831], %parallel_loop3A_828 {strides = array<i32>} : memref<4x16x768xf32, #tpu.memory_space<vmem>>, vector<16xf32>,
        %parallel_loop3A_833 = arith.addf %parallel_loop3A_801, %parallel_loop3A_828 : vector<16xf32>
        %parallel_loop3A_834 = arith.mulf %parallel_loop3A_828, %parallel_loop3A_828 : vector<16xf32>
        %parallel_loop3A_835 = arith.addf %parallel_loop3A_803, %parallel_loop3A_834 : vector<16xf32>
        %parallel_loop3A_836 = arith.index_cast %rem3A_230 : i32 to index
        %parallel_loop3A_837 = arith.index_cast %parallel_loop3A_275 : i32 to index
        %parallel_loop3A_838 = arith.constant 560 : index
        %parallel_loop3A_839 = tpu.vector_load %arg10[%parallel_loop3A_836, %parallel_loop3A_837, %parallel_loop3A_838] {strides = array<i32>} : memref<4x16x768xf32, #tpu.memory_space<vmem>>, vector<16xf32>,
        %parallel_loop3A_840 = arith.index_cast %rem3A_230 : i32 to index
        %parallel_loop3A_841 = arith.index_cast %parallel_loop3A_275 : i32 to index
        %parallel_loop3A_842 = arith.constant 560 : index
        %parallel_loop3A_843 = tpu.vector_load %arg11[%parallel_loop3A_840, %parallel_loop3A_841, %parallel_loop3A_842] {strides = array<i32>} : memref<4x16x768xf32, #tpu.memory_space<vmem>>, vector<16xf32>,
        %parallel_loop3A_844 = arith.addf %parallel_loop3A_839, %parallel_loop3A_843 : vector<16xf32>
        %parallel_loop3A_845 = arith.index_cast %rem3A_230 : i32 to index
        %parallel_loop3A_846 = arith.index_cast %parallel_loop3A_275 : i32 to index
        %parallel_loop3A_847 = arith.constant 560 : index
        %parallel_loop3A_848 = tpu.vector_load %arg10[%parallel_loop3A_845, %parallel_loop3A_846, %parallel_loop3A_847] {strides = array<i32>} : memref<4x16x768xf32, #tpu.memory_space<vmem>>, vector<16xf32>,
        tpu.vector_store %arg10[%parallel_loop3A_845, %parallel_loop3A_846, %parallel_loop3A_847], %parallel_loop3A_844 {strides = array<i32>} : memref<4x16x768xf32, #tpu.memory_space<vmem>>, vector<16xf32>,
        %parallel_loop3A_849 = arith.addf %parallel_loop3A_817, %parallel_loop3A_844 : vector<16xf32>
        %parallel_loop3A_850 = arith.mulf %parallel_loop3A_844, %parallel_loop3A_844 : vector<16xf32>
        %parallel_loop3A_851 = arith.addf %parallel_loop3A_819, %parallel_loop3A_850 : vector<16xf32>
        %parallel_loop3A_852 = arith.index_cast %rem3A_230 : i32 to index
        %parallel_loop3A_853 = arith.index_cast %parallel_loop3A_275 : i32 to index
        %parallel_loop3A_854 = arith.constant 576 : index
        %parallel_loop3A_855 = tpu.vector_load %arg10[%parallel_loop3A_852, %parallel_loop3A_853, %parallel_loop3A_854] {strides = array<i32>} : memref<4x16x768xf32, #tpu.memory_space<vmem>>, vector<16xf32>,
        %parallel_loop3A_856 = arith.index_cast %rem3A_230 : i32 to index
        %parallel_loop3A_857 = arith.index_cast %parallel_loop3A_275 : i32 to index
        %parallel_loop3A_858 = arith.constant 576 : index
        %parallel_loop3A_859 = tpu.vector_load %arg11[%parallel_loop3A_856, %parallel_loop3A_857, %parallel_loop3A_858] {strides = array<i32>} : memref<4x16x768xf32, #tpu.memory_space<vmem>>, vector<16xf32>,
        %parallel_loop3A_860 = arith.addf %parallel_loop3A_855, %parallel_loop3A_859 : vector<16xf32>
        %parallel_loop3A_861 = arith.index_cast %rem3A_230 : i32 to index
        %parallel_loop3A_862 = arith.index_cast %parallel_loop3A_275 : i32 to index
        %parallel_loop3A_863 = arith.constant 576 : index
        %parallel_loop3A_864 = tpu.vector_load %arg10[%parallel_loop3A_861, %parallel_loop3A_862, %parallel_loop3A_863] {strides = array<i32>} : memref<4x16x768xf32, #tpu.memory_space<vmem>>, vector<16xf32>,
        tpu.vector_store %arg10[%parallel_loop3A_861, %parallel_loop3A_862, %parallel_loop3A_863], %parallel_loop3A_860 {strides = array<i32>} : memref<4x16x768xf32, #tpu.memory_space<vmem>>, vector<16xf32>,
        %parallel_loop3A_865 = arith.addf %parallel_loop3A_833, %parallel_loop3A_860 : vector<16xf32>
        %parallel_loop3A_866 = arith.mulf %parallel_loop3A_860, %parallel_loop3A_860 : vector<16xf32>
        %parallel_loop3A_867 = arith.addf %parallel_loop3A_835, %parallel_loop3A_866 : vector<16xf32>
        %parallel_loop3A_868 = arith.index_cast %rem3A_230 : i32 to index
        %parallel_loop3A_869 = arith.index_cast %parallel_loop3A_275 : i32 to index
        %parallel_loop3A_870 = arith.constant 592 : index
        %parallel_loop3A_871 = tpu.vector_load %arg10[%parallel_loop3A_868, %parallel_loop3A_869, %parallel_loop3A_870] {strides = array<i32>} : memref<4x16x768xf32, #tpu.memory_space<vmem>>, vector<16xf32>,
        %parallel_loop3A_872 = arith.index_cast %rem3A_230 : i32 to index
        %parallel_loop3A_873 = arith.index_cast %parallel_loop3A_275 : i32 to index
        %parallel_loop3A_874 = arith.constant 592 : index
        %parallel_loop3A_875 = tpu.vector_load %arg11[%parallel_loop3A_872, %parallel_loop3A_873, %parallel_loop3A_874] {strides = array<i32>} : memref<4x16x768xf32, #tpu.memory_space<vmem>>, vector<16xf32>,
        %parallel_loop3A_876 = arith.addf %parallel_loop3A_871, %parallel_loop3A_875 : vector<16xf32>
        %parallel_loop3A_877 = arith.index_cast %rem3A_230 : i32 to index
        %parallel_loop3A_878 = arith.index_cast %parallel_loop3A_275 : i32 to index
        %parallel_loop3A_879 = arith.constant 592 : index
        %parallel_loop3A_880 = tpu.vector_load %arg10[%parallel_loop3A_877, %parallel_loop3A_878, %parallel_loop3A_879] {strides = array<i32>} : memref<4x16x768xf32, #tpu.memory_space<vmem>>, vector<16xf32>,
        tpu.vector_store %arg10[%parallel_loop3A_877, %parallel_loop3A_878, %parallel_loop3A_879], %parallel_loop3A_876 {strides = array<i32>} : memref<4x16x768xf32, #tpu.memory_space<vmem>>, vector<16xf32>,
        %parallel_loop3A_881 = arith.addf %parallel_loop3A_849, %parallel_loop3A_876 : vector<16xf32>
        %parallel_loop3A_882 = arith.mulf %parallel_loop3A_876, %parallel_loop3A_876 : vector<16xf32>
        %parallel_loop3A_883 = arith.addf %parallel_loop3A_851, %parallel_loop3A_882 : vector<16xf32>
        %parallel_loop3A_884 = arith.index_cast %rem3A_230 : i32 to index
        %parallel_loop3A_885 = arith.index_cast %parallel_loop3A_275 : i32 to index
        %parallel_loop3A_886 = arith.constant 608 : index
        %parallel_loop3A_887 = tpu.vector_load %arg10[%parallel_loop3A_884, %parallel_loop3A_885, %parallel_loop3A_886] {strides = array<i32>} : memref<4x16x768xf32, #tpu.memory_space<vmem>>, vector<16xf32>,
        %parallel_loop3A_888 = arith.index_cast %rem3A_230 : i32 to index
        %parallel_loop3A_889 = arith.index_cast %parallel_loop3A_275 : i32 to index
        %parallel_loop3A_890 = arith.constant 608 : index
        %parallel_loop3A_891 = tpu.vector_load %arg11[%parallel_loop3A_888, %parallel_loop3A_889, %parallel_loop3A_890] {strides = array<i32>} : memref<4x16x768xf32, #tpu.memory_space<vmem>>, vector<16xf32>,
        %parallel_loop3A_892 = arith.addf %parallel_loop3A_887, %parallel_loop3A_891 : vector<16xf32>
        %parallel_loop3A_893 = arith.index_cast %rem3A_230 : i32 to index
        %parallel_loop3A_894 = arith.index_cast %parallel_loop3A_275 : i32 to index
        %parallel_loop3A_895 = arith.constant 608 : index
        %parallel_loop3A_896 = tpu.vector_load %arg10[%parallel_loop3A_893, %parallel_loop3A_894, %parallel_loop3A_895] {strides = array<i32>} : memref<4x16x768xf32, #tpu.memory_space<vmem>>, vector<16xf32>,
        tpu.vector_store %arg10[%parallel_loop3A_893, %parallel_loop3A_894, %parallel_loop3A_895], %parallel_loop3A_892 {strides = array<i32>} : memref<4x16x768xf32, #tpu.memory_space<vmem>>, vector<16xf32>,
        %parallel_loop3A_897 = arith.addf %parallel_loop3A_865, %parallel_loop3A_892 : vector<16xf32>
        %parallel_loop3A_898 = arith.mulf %parallel_loop3A_892, %parallel_loop3A_892 : vector<16xf32>
        %parallel_loop3A_899 = arith.addf %parallel_loop3A_867, %parallel_loop3A_898 : vector<16xf32>
        %parallel_loop3A_900 = arith.index_cast %rem3A_230 : i32 to index
        %parallel_loop3A_901 = arith.index_cast %parallel_loop3A_275 : i32 to index
        %parallel_loop3A_902 = arith.constant 624 : index
        %parallel_loop3A_903 = tpu.vector_load %arg10[%parallel_loop3A_900, %parallel_loop3A_901, %parallel_loop3A_902] {strides = array<i32>} : memref<4x16x768xf32, #tpu.memory_space<vmem>>, vector<16xf32>,
        %parallel_loop3A_904 = arith.index_cast %rem3A_230 : i32 to index
        %parallel_loop3A_905 = arith.index_cast %parallel_loop3A_275 : i32 to index
        %parallel_loop3A_906 = arith.constant 624 : index
        %parallel_loop3A_907 = tpu.vector_load %arg11[%parallel_loop3A_904, %parallel_loop3A_905, %parallel_loop3A_906] {strides = array<i32>} : memref<4x16x768xf32, #tpu.memory_space<vmem>>, vector<16xf32>,
        %parallel_loop3A_908 = arith.addf %parallel_loop3A_903, %parallel_loop3A_907 : vector<16xf32>
        %parallel_loop3A_909 = arith.index_cast %rem3A_230 : i32 to index
        %parallel_loop3A_910 = arith.index_cast %parallel_loop3A_275 : i32 to index
        %parallel_loop3A_911 = arith.constant 624 : index
        %parallel_loop3A_912 = tpu.vector_load %arg10[%parallel_loop3A_909, %parallel_loop3A_910, %parallel_loop3A_911] {strides = array<i32>} : memref<4x16x768xf32, #tpu.memory_space<vmem>>, vector<16xf32>,
        tpu.vector_store %arg10[%parallel_loop3A_909, %parallel_loop3A_910, %parallel_loop3A_911], %parallel_loop3A_908 {strides = array<i32>} : memref<4x16x768xf32, #tpu.memory_space<vmem>>, vector<16xf32>,
        %parallel_loop3A_913 = arith.addf %parallel_loop3A_881, %parallel_loop3A_908 : vector<16xf32>
        %parallel_loop3A_914 = arith.mulf %parallel_loop3A_908, %parallel_loop3A_908 : vector<16xf32>
        %parallel_loop3A_915 = arith.addf %parallel_loop3A_883, %parallel_loop3A_914 : vector<16xf32>
        %parallel_loop3A_916 = arith.index_cast %rem3A_230 : i32 to index
        %parallel_loop3A_917 = arith.index_cast %parallel_loop3A_275 : i32 to index
        %parallel_loop3A_918 = arith.constant 640 : index
        %parallel_loop3A_919 = tpu.vector_load %arg10[%parallel_loop3A_916, %parallel_loop3A_917, %parallel_loop3A_918] {strides = array<i32>} : memref<4x16x768xf32, #tpu.memory_space<vmem>>, vector<16xf32>,
        %parallel_loop3A_920 = arith.index_cast %rem3A_230 : i32 to index
        %parallel_loop3A_921 = arith.index_cast %parallel_loop3A_275 : i32 to index
        %parallel_loop3A_922 = arith.constant 640 : index
        %parallel_loop3A_923 = tpu.vector_load %arg11[%parallel_loop3A_920, %parallel_loop3A_921, %parallel_loop3A_922] {strides = array<i32>} : memref<4x16x768xf32, #tpu.memory_space<vmem>>, vector<16xf32>,
        %parallel_loop3A_924 = arith.addf %parallel_loop3A_919, %parallel_loop3A_923 : vector<16xf32>
        %parallel_loop3A_925 = arith.index_cast %rem3A_230 : i32 to index
        %parallel_loop3A_926 = arith.index_cast %parallel_loop3A_275 : i32 to index
        %parallel_loop3A_927 = arith.constant 640 : index
        %parallel_loop3A_928 = tpu.vector_load %arg10[%parallel_loop3A_925, %parallel_loop3A_926, %parallel_loop3A_927] {strides = array<i32>} : memref<4x16x768xf32, #tpu.memory_space<vmem>>, vector<16xf32>,
        tpu.vector_store %arg10[%parallel_loop3A_925, %parallel_loop3A_926, %parallel_loop3A_927], %parallel_loop3A_924 {strides = array<i32>} : memref<4x16x768xf32, #tpu.memory_space<vmem>>, vector<16xf32>,
        %parallel_loop3A_929 = arith.addf %parallel_loop3A_897, %parallel_loop3A_924 : vector<16xf32>
        %parallel_loop3A_930 = arith.mulf %parallel_loop3A_924, %parallel_loop3A_924 : vector<16xf32>
        %parallel_loop3A_931 = arith.addf %parallel_loop3A_899, %parallel_loop3A_930 : vector<16xf32>
        %parallel_loop3A_932 = arith.index_cast %rem3A_230 : i32 to index
        %parallel_loop3A_933 = arith.index_cast %parallel_loop3A_275 : i32 to index
        %parallel_loop3A_934 = arith.constant 656 : index
        %parallel_loop3A_935 = tpu.vector_load %arg10[%parallel_loop3A_932, %parallel_loop3A_933, %parallel_loop3A_934] {strides = array<i32>} : memref<4x16x768xf32, #tpu.memory_space<vmem>>, vector<16xf32>,
        %parallel_loop3A_936 = arith.index_cast %rem3A_230 : i32 to index
        %parallel_loop3A_937 = arith.index_cast %parallel_loop3A_275 : i32 to index
        %parallel_loop3A_938 = arith.constant 656 : index
        %parallel_loop3A_939 = tpu.vector_load %arg11[%parallel_loop3A_936, %parallel_loop3A_937, %parallel_loop3A_938] {strides = array<i32>} : memref<4x16x768xf32, #tpu.memory_space<vmem>>, vector<16xf32>,
        %parallel_loop3A_940 = arith.addf %parallel_loop3A_935, %parallel_loop3A_939 : vector<16xf32>
        %parallel_loop3A_941 = arith.index_cast %rem3A_230 : i32 to index
        %parallel_loop3A_942 = arith.index_cast %parallel_loop3A_275 : i32 to index
        %parallel_loop3A_943 = arith.constant 656 : index
        %parallel_loop3A_944 = tpu.vector_load %arg10[%parallel_loop3A_941, %parallel_loop3A_942, %parallel_loop3A_943] {strides = array<i32>} : memref<4x16x768xf32, #tpu.memory_space<vmem>>, vector<16xf32>,
        tpu.vector_store %arg10[%parallel_loop3A_941, %parallel_loop3A_942, %parallel_loop3A_943], %parallel_loop3A_940 {strides = array<i32>} : memref<4x16x768xf32, #tpu.memory_space<vmem>>, vector<16xf32>,
        %parallel_loop3A_945 = arith.addf %parallel_loop3A_913, %parallel_loop3A_940 : vector<16xf32>
        %parallel_loop3A_946 = arith.mulf %parallel_loop3A_940, %parallel_loop3A_940 : vector<16xf32>
        %parallel_loop3A_947 = arith.addf %parallel_loop3A_915, %parallel_loop3A_946 : vector<16xf32>
        %parallel_loop3A_948 = arith.index_cast %rem3A_230 : i32 to index
        %parallel_loop3A_949 = arith.index_cast %parallel_loop3A_275 : i32 to index
        %parallel_loop3A_950 = arith.constant 672 : index
        %parallel_loop3A_951 = tpu.vector_load %arg10[%parallel_loop3A_948, %parallel_loop3A_949, %parallel_loop3A_950] {strides = array<i32>} : memref<4x16x768xf32, #tpu.memory_space<vmem>>, vector<16xf32>,
        %parallel_loop3A_952 = arith.index_cast %rem3A_230 : i32 to index
        %parallel_loop3A_953 = arith.index_cast %parallel_loop3A_275 : i32 to index
        %parallel_loop3A_954 = arith.constant 672 : index
        %parallel_loop3A_955 = tpu.vector_load %arg11[%parallel_loop3A_952, %parallel_loop3A_953, %parallel_loop3A_954] {strides = array<i32>} : memref<4x16x768xf32, #tpu.memory_space<vmem>>, vector<16xf32>,
        %parallel_loop3A_956 = arith.addf %parallel_loop3A_951, %parallel_loop3A_955 : vector<16xf32>
        %parallel_loop3A_957 = arith.index_cast %rem3A_230 : i32 to index
        %parallel_loop3A_958 = arith.index_cast %parallel_loop3A_275 : i32 to index
        %parallel_loop3A_959 = arith.constant 672 : index
        %parallel_loop3A_960 = tpu.vector_load %arg10[%parallel_loop3A_957, %parallel_loop3A_958, %parallel_loop3A_959] {strides = array<i32>} : memref<4x16x768xf32, #tpu.memory_space<vmem>>, vector<16xf32>,
        tpu.vector_store %arg10[%parallel_loop3A_957, %parallel_loop3A_958, %parallel_loop3A_959], %parallel_loop3A_956 {strides = array<i32>} : memref<4x16x768xf32, #tpu.memory_space<vmem>>, vector<16xf32>,
        %parallel_loop3A_961 = arith.addf %parallel_loop3A_929, %parallel_loop3A_956 : vector<16xf32>
        %parallel_loop3A_962 = arith.mulf %parallel_loop3A_956, %parallel_loop3A_956 : vector<16xf32>
        %parallel_loop3A_963 = arith.addf %parallel_loop3A_931, %parallel_loop3A_962 : vector<16xf32>
        %parallel_loop3A_964 = arith.index_cast %rem3A_230 : i32 to index
        %parallel_loop3A_965 = arith.index_cast %parallel_loop3A_275 : i32 to index
        %parallel_loop3A_966 = arith.constant 688 : index
        %parallel_loop3A_967 = tpu.vector_load %arg10[%parallel_loop3A_964, %parallel_loop3A_965, %parallel_loop3A_966] {strides = array<i32>} : memref<4x16x768xf32, #tpu.memory_space<vmem>>, vector<16xf32>,
        %parallel_loop3A_968 = arith.index_cast %rem3A_230 : i32 to index
        %parallel_loop3A_969 = arith.index_cast %parallel_loop3A_275 : i32 to index
        %parallel_loop3A_970 = arith.constant 688 : index
        %parallel_loop3A_971 = tpu.vector_load %arg11[%parallel_loop3A_968, %parallel_loop3A_969, %parallel_loop3A_970] {strides = array<i32>} : memref<4x16x768xf32, #tpu.memory_space<vmem>>, vector<16xf32>,
        %parallel_loop3A_972 = arith.addf %parallel_loop3A_967, %parallel_loop3A_971 : vector<16xf32>
        %parallel_loop3A_973 = arith.index_cast %rem3A_230 : i32 to index
        %parallel_loop3A_974 = arith.index_cast %parallel_loop3A_275 : i32 to index
        %parallel_loop3A_975 = arith.constant 688 : index
        %parallel_loop3A_976 = tpu.vector_load %arg10[%parallel_loop3A_973, %parallel_loop3A_974, %parallel_loop3A_975] {strides = array<i32>} : memref<4x16x768xf32, #tpu.memory_space<vmem>>, vector<16xf32>,
        tpu.vector_store %arg10[%parallel_loop3A_973, %parallel_loop3A_974, %parallel_loop3A_975], %parallel_loop3A_972 {strides = array<i32>} : memref<4x16x768xf32, #tpu.memory_space<vmem>>, vector<16xf32>,
        %parallel_loop3A_977 = arith.addf %parallel_loop3A_945, %parallel_loop3A_972 : vector<16xf32>
        %parallel_loop3A_978 = arith.mulf %parallel_loop3A_972, %parallel_loop3A_972 : vector<16xf32>
        %parallel_loop3A_979 = arith.addf %parallel_loop3A_947, %parallel_loop3A_978 : vector<16xf32>
        %parallel_loop3A_980 = arith.index_cast %rem3A_230 : i32 to index
        %parallel_loop3A_981 = arith.index_cast %parallel_loop3A_275 : i32 to index
        %parallel_loop3A_982 = arith.constant 704 : index
        %parallel_loop3A_983 = tpu.vector_load %arg10[%parallel_loop3A_980, %parallel_loop3A_981, %parallel_loop3A_982] {strides = array<i32>} : memref<4x16x768xf32, #tpu.memory_space<vmem>>, vector<16xf32>,
        %parallel_loop3A_984 = arith.index_cast %rem3A_230 : i32 to index
        %parallel_loop3A_985 = arith.index_cast %parallel_loop3A_275 : i32 to index
        %parallel_loop3A_986 = arith.constant 704 : index
        %parallel_loop3A_987 = tpu.vector_load %arg11[%parallel_loop3A_984, %parallel_loop3A_985, %parallel_loop3A_986] {strides = array<i32>} : memref<4x16x768xf32, #tpu.memory_space<vmem>>, vector<16xf32>,
        %parallel_loop3A_988 = arith.addf %parallel_loop3A_983, %parallel_loop3A_987 : vector<16xf32>
        %parallel_loop3A_989 = arith.index_cast %rem3A_230 : i32 to index
        %parallel_loop3A_990 = arith.index_cast %parallel_loop3A_275 : i32 to index
        %parallel_loop3A_991 = arith.constant 704 : index
        %parallel_loop3A_992 = tpu.vector_load %arg10[%parallel_loop3A_989, %parallel_loop3A_990, %parallel_loop3A_991] {strides = array<i32>} : memref<4x16x768xf32, #tpu.memory_space<vmem>>, vector<16xf32>,
        tpu.vector_store %arg10[%parallel_loop3A_989, %parallel_loop3A_990, %parallel_loop3A_991], %parallel_loop3A_988 {strides = array<i32>} : memref<4x16x768xf32, #tpu.memory_space<vmem>>, vector<16xf32>,
        %parallel_loop3A_993 = arith.addf %parallel_loop3A_961, %parallel_loop3A_988 : vector<16xf32>
        %parallel_loop3A_994 = arith.mulf %parallel_loop3A_988, %parallel_loop3A_988 : vector<16xf32>
        %parallel_loop3A_995 = arith.addf %parallel_loop3A_963, %parallel_loop3A_994 : vector<16xf32>
        %parallel_loop3A_996 = arith.index_cast %rem3A_230 : i32 to index
        %parallel_loop3A_997 = arith.index_cast %parallel_loop3A_275 : i32 to index
        %parallel_loop3A_998 = arith.constant 720 : index
        %parallel_loop3A_999 = tpu.vector_load %arg10[%parallel_loop3A_996, %parallel_loop3A_997, %parallel_loop3A_998] {strides = array<i32>} : memref<4x16x768xf32, #tpu.memory_space<vmem>>, vector<16xf32>,
        %parallel_loop3A_1000 = arith.index_cast %rem3A_230 : i32 to index
        %parallel_loop3A_1001 = arith.index_cast %parallel_loop3A_275 : i32 to index
        %parallel_loop3A_1002 = arith.constant 720 : index
        %parallel_loop3A_1003 = tpu.vector_load %arg11[%parallel_loop3A_1000, %parallel_loop3A_1001, %parallel_loop3A_1002] {strides = array<i32>} : memref<4x16x768xf32, #tpu.memory_space<vmem>>, vector<16xf32>,
        %parallel_loop3A_1004 = arith.addf %parallel_loop3A_999, %parallel_loop3A_1003 : vector<16xf32>
        %parallel_loop3A_1005 = arith.index_cast %rem3A_230 : i32 to index
        %parallel_loop3A_1006 = arith.index_cast %parallel_loop3A_275 : i32 to index
        %parallel_loop3A_1007 = arith.constant 720 : index
        %parallel_loop3A_1008 = tpu.vector_load %arg10[%parallel_loop3A_1005, %parallel_loop3A_1006, %parallel_loop3A_1007] {strides = array<i32>} : memref<4x16x768xf32, #tpu.memory_space<vmem>>, vector<16xf32>,
        tpu.vector_store %arg10[%parallel_loop3A_1005, %parallel_loop3A_1006, %parallel_loop3A_1007], %parallel_loop3A_1004 {strides = array<i32>} : memref<4x16x768xf32, #tpu.memory_space<vmem>>, vector<16xf32>,
        %parallel_loop3A_1009 = arith.addf %parallel_loop3A_977, %parallel_loop3A_1004 : vector<16xf32>
        %parallel_loop3A_1010 = arith.mulf %parallel_loop3A_1004, %parallel_loop3A_1004 : vector<16xf32>
        %parallel_loop3A_1011 = arith.addf %parallel_loop3A_979, %parallel_loop3A_1010 : vector<16xf32>
        %parallel_loop3A_1012 = arith.index_cast %rem3A_230 : i32 to index
        %parallel_loop3A_1013 = arith.index_cast %parallel_loop3A_275 : i32 to index
        %parallel_loop3A_1014 = arith.constant 736 : index
        %parallel_loop3A_1015 = tpu.vector_load %arg10[%parallel_loop3A_1012, %parallel_loop3A_1013, %parallel_loop3A_1014] {strides = array<i32>} : memref<4x16x768xf32, #tpu.memory_space<vmem>>, vector<16xf32>,
        %parallel_loop3A_1016 = arith.index_cast %rem3A_230 : i32 to index
        %parallel_loop3A_1017 = arith.index_cast %parallel_loop3A_275 : i32 to index
        %parallel_loop3A_1018 = arith.constant 736 : index
        %parallel_loop3A_1019 = tpu.vector_load %arg11[%parallel_loop3A_1016, %parallel_loop3A_1017, %parallel_loop3A_1018] {strides = array<i32>} : memref<4x16x768xf32, #tpu.memory_space<vmem>>, vector<16xf32>,
        %parallel_loop3A_1020 = arith.addf %parallel_loop3A_1015, %parallel_loop3A_1019 : vector<16xf32>
        %parallel_loop3A_1021 = arith.index_cast %rem3A_230 : i32 to index
        %parallel_loop3A_1022 = arith.index_cast %parallel_loop3A_275 : i32 to index
        %parallel_loop3A_1023 = arith.constant 736 : index
        %parallel_loop3A_1024 = tpu.vector_load %arg10[%parallel_loop3A_1021, %parallel_loop3A_1022, %parallel_loop3A_1023] {strides = array<i32>} : memref<4x16x768xf32, #tpu.memory_space<vmem>>, vector<16xf32>,
        tpu.vector_store %arg10[%parallel_loop3A_1021, %parallel_loop3A_1022, %parallel_loop3A_1023], %parallel_loop3A_1020 {strides = array<i32>} : memref<4x16x768xf32, #tpu.memory_space<vmem>>, vector<16xf32>,
        %parallel_loop3A_1025 = arith.addf %parallel_loop3A_993, %parallel_loop3A_1020 : vector<16xf32>
        %parallel_loop3A_1026 = arith.mulf %parallel_loop3A_1020, %parallel_loop3A_1020 : vector<16xf32>
        %parallel_loop3A_1027 = arith.addf %parallel_loop3A_995, %parallel_loop3A_1026 : vector<16xf32>
        %parallel_loop3A_1028 = arith.index_cast %rem3A_230 : i32 to index
        %parallel_loop3A_1029 = arith.index_cast %parallel_loop3A_275 : i32 to index
        %parallel_loop3A_1030 = arith.constant 752 : index
        %parallel_loop3A_1031 = tpu.vector_load %arg10[%parallel_loop3A_1028, %parallel_loop3A_1029, %parallel_loop3A_1030] {strides = array<i32>} : memref<4x16x768xf32, #tpu.memory_space<vmem>>, vector<16xf32>,
        %parallel_loop3A_1032 = arith.index_cast %rem3A_230 : i32 to index
        %parallel_loop3A_1033 = arith.index_cast %parallel_loop3A_275 : i32 to index
        %parallel_loop3A_1034 = arith.constant 752 : index
        %parallel_loop3A_1035 = tpu.vector_load %arg11[%parallel_loop3A_1032, %parallel_loop3A_1033, %parallel_loop3A_1034] {strides = array<i32>} : memref<4x16x768xf32, #tpu.memory_space<vmem>>, vector<16xf32>,
        %parallel_loop3A_1036 = arith.addf %parallel_loop3A_1031, %parallel_loop3A_1035 : vector<16xf32>
        %parallel_loop3A_1037 = arith.index_cast %rem3A_230 : i32 to index
        %parallel_loop3A_1038 = arith.index_cast %parallel_loop3A_275 : i32 to index
        %parallel_loop3A_1039 = arith.constant 752 : index
        %parallel_loop3A_1040 = tpu.vector_load %arg10[%parallel_loop3A_1037, %parallel_loop3A_1038, %parallel_loop3A_1039] {strides = array<i32>} : memref<4x16x768xf32, #tpu.memory_space<vmem>>, vector<16xf32>,
        tpu.vector_store %arg10[%parallel_loop3A_1037, %parallel_loop3A_1038, %parallel_loop3A_1039], %parallel_loop3A_1036 {strides = array<i32>} : memref<4x16x768xf32, #tpu.memory_space<vmem>>, vector<16xf32>,
        %parallel_loop3A_1041 = arith.addf %parallel_loop3A_1009, %parallel_loop3A_1036 : vector<16xf32>
        %parallel_loop3A_1042 = arith.mulf %parallel_loop3A_1036, %parallel_loop3A_1036 : vector<16xf32>
        %parallel_loop3A_1043 = arith.addf %parallel_loop3A_1011, %parallel_loop3A_1042 : vector<16xf32>
        %parallel_loop3A_1044 = arith.addf %parallel_loop3A_1025, %parallel_loop3A_1041 : vector<16xf32>
        %parallel_loop3A_1045 = arith.addf %parallel_loop3A_1027, %parallel_loop3A_1043 : vector<16xf32>
        %parallel_loop3A_1046 = arith.constant 0 : i32
        %parallel_loop3A_1047 = arith.index_cast %parallel_loop3A_275 : i32 to index
        %parallel_loop3A_1048 = arith.index_cast %parallel_loop3A_1046 : i32 to index
        %parallel_loop3A_1049 = arith.constant 0 : index
        %parallel_loop3A_1050 = tpu.vector_load %arg14[%parallel_loop3A_1047, %parallel_loop3A_1048, %parallel_loop3A_1049] {strides = array<i32>} : memref<16x2x16xf32, #tpu.memory_space<vmem>>, vector<16xf32>,
        tpu.vector_store %arg14[%parallel_loop3A_1047, %parallel_loop3A_1048, %parallel_loop3A_1049], %parallel_loop3A_1044 {strides = array<i32>} : memref<16x2x16xf32, #tpu.memory_space<vmem>>, vector<16xf32>,
        %parallel_loop3A_1051 = arith.constant 1 : i32
        %parallel_loop3A_1052 = arith.index_cast %parallel_loop3A_275 : i32 to index
        %parallel_loop3A_1053 = arith.index_cast %parallel_loop3A_1051 : i32 to index
        %parallel_loop3A_1054 = arith.constant 0 : index
        %parallel_loop3A_1055 = tpu.vector_load %arg14[%parallel_loop3A_1052, %parallel_loop3A_1053, %parallel_loop3A_1054] {strides = array<i32>} : memref<16x2x16xf32, #tpu.memory_space<vmem>>, vector<16xf32>,
        tpu.vector_store %arg14[%parallel_loop3A_1052, %parallel_loop3A_1053, %parallel_loop3A_1054], %parallel_loop3A_1045 {strides = array<i32>} : memref<16x2x16xf32, #tpu.memory_space<vmem>>, vector<16xf32>,
        %parallel_loop3A_1056 = arith.constant 1 : i32
        %parallel_loop3A_1057 = vector.broadcast %parallel_loop3A_1056 : i32 to vector<16xi32>
        %parallel_loop3A_1058 = arith.xori %iota3A, %parallel_loop3A_1057 : vector<16xi32>
        %parallel_loop3A_1059 = arith.constant 0 : i32
        %parallel_loop3A_1060 = arith.constant 0 : i32
        %parallel_loop3A_1061 = tpu.memref_slice %arg14[%parallel_loop3A_275, %parallel_loop3A_1059, %parallel_loop3A_1060] : memref<16x2x16xf32, #tpu.memory_space<vmem>> -> memref<1x1x16xf32, #tpu.memory_space<vmem>>
        %parallel_loop3A_1062 = tpu.memref_squeeze %parallel_loop3A_1061 : memref<1x1x16xf32, #tpu.memory_space<vmem>> -> memref<16xf32, #tpu.memory_space<vmem>>
        %parallel_loop3A_1063 = tpu.vector_load_idx %parallel_loop3A_1062[%parallel_loop3A_1058] : memref<16xf32, #tpu.memory_space<vmem>>[vector<16xi32>], vector<16xf32>,
        %parallel_loop3A_1064 = arith.addf %parallel_loop3A_1044, %parallel_loop3A_1063 : vector<16xf32>
        %parallel_loop3A_1065 = arith.constant 1 : i32
        %parallel_loop3A_1066 = vector.broadcast %parallel_loop3A_1065 : i32 to vector<16xi32>
        %parallel_loop3A_1067 = arith.xori %iota3A, %parallel_loop3A_1066 : vector<16xi32>
        %parallel_loop3A_1068 = arith.constant 1 : i32
        %parallel_loop3A_1069 = arith.constant 0 : i32
        %parallel_loop3A_1070 = tpu.memref_slice %arg14[%parallel_loop3A_275, %parallel_loop3A_1068, %parallel_loop3A_1069] : memref<16x2x16xf32, #tpu.memory_space<vmem>> -> memref<1x1x16xf32, #tpu.memory_space<vmem>>
        %parallel_loop3A_1071 = tpu.memref_squeeze %parallel_loop3A_1070 : memref<1x1x16xf32, #tpu.memory_space<vmem>> -> memref<16xf32, #tpu.memory_space<vmem>>
        %parallel_loop3A_1072 = tpu.vector_load_idx %parallel_loop3A_1071[%parallel_loop3A_1067] : memref<16xf32, #tpu.memory_space<vmem>>[vector<16xi32>], vector<16xf32>,
        %parallel_loop3A_1073 = arith.addf %parallel_loop3A_1045, %parallel_loop3A_1072 : vector<16xf32>
        %parallel_loop3A_1074 = arith.constant 0 : i32
        %parallel_loop3A_1075 = arith.index_cast %parallel_loop3A_275 : i32 to index
        %parallel_loop3A_1076 = arith.index_cast %parallel_loop3A_1074 : i32 to index
        %parallel_loop3A_1077 = arith.constant 0 : index
        %parallel_loop3A_1078 = tpu.vector_load %arg14[%parallel_loop3A_1075, %parallel_loop3A_1076, %parallel_loop3A_1077] {strides = array<i32>} : memref<16x2x16xf32, #tpu.memory_space<vmem>>, vector<16xf32>,
        tpu.vector_store %arg14[%parallel_loop3A_1075, %parallel_loop3A_1076, %parallel_loop3A_1077], %parallel_loop3A_1064 {strides = array<i32>} : memref<16x2x16xf32, #tpu.memory_space<vmem>>, vector<16xf32>,
        %parallel_loop3A_1079 = arith.constant 1 : i32
        %parallel_loop3A_1080 = arith.index_cast %parallel_loop3A_275 : i32 to index
        %parallel_loop3A_1081 = arith.index_cast %parallel_loop3A_1079 : i32 to index
        %parallel_loop3A_1082 = arith.constant 0 : index
        %parallel_loop3A_1083 = tpu.vector_load %arg14[%parallel_loop3A_1080, %parallel_loop3A_1081, %parallel_loop3A_1082] {strides = array<i32>} : memref<16x2x16xf32, #tpu.memory_space<vmem>>, vector<16xf32>,
        tpu.vector_store %arg14[%parallel_loop3A_1080, %parallel_loop3A_1081, %parallel_loop3A_1082], %parallel_loop3A_1073 {strides = array<i32>} : memref<16x2x16xf32, #tpu.memory_space<vmem>>, vector<16xf32>,
        %parallel_loop3A_1084 = arith.constant 2 : i32
        %parallel_loop3A_1085 = vector.broadcast %parallel_loop3A_1084 : i32 to vector<16xi32>
        %parallel_loop3A_1086 = arith.xori %iota3A, %parallel_loop3A_1085 : vector<16xi32>
        %parallel_loop3A_1087 = arith.constant 0 : i32
        %parallel_loop3A_1088 = arith.constant 0 : i32
        %parallel_loop3A_1089 = tpu.memref_slice %arg14[%parallel_loop3A_275, %parallel_loop3A_1087, %parallel_loop3A_1088] : memref<16x2x16xf32, #tpu.memory_space<vmem>> -> memref<1x1x16xf32, #tpu.memory_space<vmem>>
        %parallel_loop3A_1090 = tpu.memref_squeeze %parallel_loop3A_1089 : memref<1x1x16xf32, #tpu.memory_space<vmem>> -> memref<16xf32, #tpu.memory_space<vmem>>
        %parallel_loop3A_1091 = tpu.vector_load_idx %parallel_loop3A_1090[%parallel_loop3A_1086] : memref<16xf32, #tpu.memory_space<vmem>>[vector<16xi32>], vector<16xf32>,
        %parallel_loop3A_1092 = arith.addf %parallel_loop3A_1064, %parallel_loop3A_1091 : vector<16xf32>
        %parallel_loop3A_1093 = arith.constant 2 : i32
        %parallel_loop3A_1094 = vector.broadcast %parallel_loop3A_1093 : i32 to vector<16xi32>
        %parallel_loop3A_1095 = arith.xori %iota3A, %parallel_loop3A_1094 : vector<16xi32>
        %parallel_loop3A_1096 = arith.constant 1 : i32
        %parallel_loop3A_1097 = arith.constant 0 : i32
        %parallel_loop3A_1098 = tpu.memref_slice %arg14[%parallel_loop3A_275, %parallel_loop3A_1096, %parallel_loop3A_1097] : memref<16x2x16xf32, #tpu.memory_space<vmem>> -> memref<1x1x16xf32, #tpu.memory_space<vmem>>
        %parallel_loop3A_1099 = tpu.memref_squeeze %parallel_loop3A_1098 : memref<1x1x16xf32, #tpu.memory_space<vmem>> -> memref<16xf32, #tpu.memory_space<vmem>>
        %parallel_loop3A_1100 = tpu.vector_load_idx %parallel_loop3A_1099[%parallel_loop3A_1095] : memref<16xf32, #tpu.memory_space<vmem>>[vector<16xi32>], vector<16xf32>,
        %parallel_loop3A_1101 = arith.addf %parallel_loop3A_1073, %parallel_loop3A_1100 : vector<16xf32>
        %parallel_loop3A_1102 = arith.constant 0 : i32
        %parallel_loop3A_1103 = arith.index_cast %parallel_loop3A_275 : i32 to index
        %parallel_loop3A_1104 = arith.index_cast %parallel_loop3A_1102 : i32 to index
        %parallel_loop3A_1105 = arith.constant 0 : index
        %parallel_loop3A_1106 = tpu.vector_load %arg14[%parallel_loop3A_1103, %parallel_loop3A_1104, %parallel_loop3A_1105] {strides = array<i32>} : memref<16x2x16xf32, #tpu.memory_space<vmem>>, vector<16xf32>,
        tpu.vector_store %arg14[%parallel_loop3A_1103, %parallel_loop3A_1104, %parallel_loop3A_1105], %parallel_loop3A_1092 {strides = array<i32>} : memref<16x2x16xf32, #tpu.memory_space<vmem>>, vector<16xf32>,
        %parallel_loop3A_1107 = arith.constant 1 : i32
        %parallel_loop3A_1108 = arith.index_cast %parallel_loop3A_275 : i32 to index
        %parallel_loop3A_1109 = arith.index_cast %parallel_loop3A_1107 : i32 to index
        %parallel_loop3A_1110 = arith.constant 0 : index
        %parallel_loop3A_1111 = tpu.vector_load %arg14[%parallel_loop3A_1108, %parallel_loop3A_1109, %parallel_loop3A_1110] {strides = array<i32>} : memref<16x2x16xf32, #tpu.memory_space<vmem>>, vector<16xf32>,
        tpu.vector_store %arg14[%parallel_loop3A_1108, %parallel_loop3A_1109, %parallel_loop3A_1110], %parallel_loop3A_1101 {strides = array<i32>} : memref<16x2x16xf32, #tpu.memory_space<vmem>>, vector<16xf32>,
        %parallel_loop3A_1112 = arith.constant 4 : i32
        %parallel_loop3A_1113 = vector.broadcast %parallel_loop3A_1112 : i32 to vector<16xi32>
        %parallel_loop3A_1114 = arith.xori %iota3A, %parallel_loop3A_1113 : vector<16xi32>
        %parallel_loop3A_1115 = arith.constant 0 : i32
        %parallel_loop3A_1116 = arith.constant 0 : i32
        %parallel_loop3A_1117 = tpu.memref_slice %arg14[%parallel_loop3A_275, %parallel_loop3A_1115, %parallel_loop3A_1116] : memref<16x2x16xf32, #tpu.memory_space<vmem>> -> memref<1x1x16xf32, #tpu.memory_space<vmem>>
        %parallel_loop3A_1118 = tpu.memref_squeeze %parallel_loop3A_1117 : memref<1x1x16xf32, #tpu.memory_space<vmem>> -> memref<16xf32, #tpu.memory_space<vmem>>
        %parallel_loop3A_1119 = tpu.vector_load_idx %parallel_loop3A_1118[%parallel_loop3A_1114] : memref<16xf32, #tpu.memory_space<vmem>>[vector<16xi32>], vector<16xf32>,
        %parallel_loop3A_1120 = arith.addf %parallel_loop3A_1092, %parallel_loop3A_1119 : vector<16xf32>
        %parallel_loop3A_1121 = arith.constant 4 : i32
        %parallel_loop3A_1122 = vector.broadcast %parallel_loop3A_1121 : i32 to vector<16xi32>
        %parallel_loop3A_1123 = arith.xori %iota3A, %parallel_loop3A_1122 : vector<16xi32>
        %parallel_loop3A_1124 = arith.constant 1 : i32
        %parallel_loop3A_1125 = arith.constant 0 : i32
        %parallel_loop3A_1126 = tpu.memref_slice %arg14[%parallel_loop3A_275, %parallel_loop3A_1124, %parallel_loop3A_1125] : memref<16x2x16xf32, #tpu.memory_space<vmem>> -> memref<1x1x16xf32, #tpu.memory_space<vmem>>
        %parallel_loop3A_1127 = tpu.memref_squeeze %parallel_loop3A_1126 : memref<1x1x16xf32, #tpu.memory_space<vmem>> -> memref<16xf32, #tpu.memory_space<vmem>>
        %parallel_loop3A_1128 = tpu.vector_load_idx %parallel_loop3A_1127[%parallel_loop3A_1123] : memref<16xf32, #tpu.memory_space<vmem>>[vector<16xi32>], vector<16xf32>,
        %parallel_loop3A_1129 = arith.addf %parallel_loop3A_1101, %parallel_loop3A_1128 : vector<16xf32>
        %parallel_loop3A_1130 = arith.constant 0 : i32
        %parallel_loop3A_1131 = arith.index_cast %parallel_loop3A_275 : i32 to index
        %parallel_loop3A_1132 = arith.index_cast %parallel_loop3A_1130 : i32 to index
        %parallel_loop3A_1133 = arith.constant 0 : index
        %parallel_loop3A_1134 = tpu.vector_load %arg14[%parallel_loop3A_1131, %parallel_loop3A_1132, %parallel_loop3A_1133] {strides = array<i32>} : memref<16x2x16xf32, #tpu.memory_space<vmem>>, vector<16xf32>,
        tpu.vector_store %arg14[%parallel_loop3A_1131, %parallel_loop3A_1132, %parallel_loop3A_1133], %parallel_loop3A_1120 {strides = array<i32>} : memref<16x2x16xf32, #tpu.memory_space<vmem>>, vector<16xf32>,
        %parallel_loop3A_1135 = arith.constant 1 : i32
        %parallel_loop3A_1136 = arith.index_cast %parallel_loop3A_275 : i32 to index
        %parallel_loop3A_1137 = arith.index_cast %parallel_loop3A_1135 : i32 to index
        %parallel_loop3A_1138 = arith.constant 0 : index
        %parallel_loop3A_1139 = tpu.vector_load %arg14[%parallel_loop3A_1136, %parallel_loop3A_1137, %parallel_loop3A_1138] {strides = array<i32>} : memref<16x2x16xf32, #tpu.memory_space<vmem>>, vector<16xf32>,
        tpu.vector_store %arg14[%parallel_loop3A_1136, %parallel_loop3A_1137, %parallel_loop3A_1138], %parallel_loop3A_1129 {strides = array<i32>} : memref<16x2x16xf32, #tpu.memory_space<vmem>>, vector<16xf32>,
        %parallel_loop3A_1140 = arith.constant 8 : i32
        %parallel_loop3A_1141 = vector.broadcast %parallel_loop3A_1140 : i32 to vector<16xi32>
        %parallel_loop3A_1142 = arith.xori %iota3A, %parallel_loop3A_1141 : vector<16xi32>
        %parallel_loop3A_1143 = arith.constant 0 : i32
        %parallel_loop3A_1144 = arith.constant 0 : i32
        %parallel_loop3A_1145 = tpu.memref_slice %arg14[%parallel_loop3A_275, %parallel_loop3A_1143, %parallel_loop3A_1144] : memref<16x2x16xf32, #tpu.memory_space<vmem>> -> memref<1x1x16xf32, #tpu.memory_space<vmem>>
        %parallel_loop3A_1146 = tpu.memref_squeeze %parallel_loop3A_1145 : memref<1x1x16xf32, #tpu.memory_space<vmem>> -> memref<16xf32, #tpu.memory_space<vmem>>
        %parallel_loop3A_1147 = tpu.vector_load_idx %parallel_loop3A_1146[%parallel_loop3A_1142] : memref<16xf32, #tpu.memory_space<vmem>>[vector<16xi32>], vector<16xf32>,
        %parallel_loop3A_1148 = arith.addf %parallel_loop3A_1120, %parallel_loop3A_1147 : vector<16xf32>
        %parallel_loop3A_1149 = arith.constant 8 : i32
        %parallel_loop3A_1150 = vector.broadcast %parallel_loop3A_1149 : i32 to vector<16xi32>
        %parallel_loop3A_1151 = arith.xori %iota3A, %parallel_loop3A_1150 : vector<16xi32>
        %parallel_loop3A_1152 = arith.constant 1 : i32
        %parallel_loop3A_1153 = arith.constant 0 : i32
        %parallel_loop3A_1154 = tpu.memref_slice %arg14[%parallel_loop3A_275, %parallel_loop3A_1152, %parallel_loop3A_1153] : memref<16x2x16xf32, #tpu.memory_space<vmem>> -> memref<1x1x16xf32, #tpu.memory_space<vmem>>
        %parallel_loop3A_1155 = tpu.memref_squeeze %parallel_loop3A_1154 : memref<1x1x16xf32, #tpu.memory_space<vmem>> -> memref<16xf32, #tpu.memory_space<vmem>>
        %parallel_loop3A_1156 = tpu.vector_load_idx %parallel_loop3A_1155[%parallel_loop3A_1151] : memref<16xf32, #tpu.memory_space<vmem>>[vector<16xi32>], vector<16xf32>,
        %parallel_loop3A_1157 = arith.addf %parallel_loop3A_1129, %parallel_loop3A_1156 : vector<16xf32>
        %parallel_loop3A_1158 = arith.constant 0.00130208337 : f32
        %parallel_loop3A_1159 = vector.broadcast %parallel_loop3A_1158 : f32 to vector<16xf32>
        %parallel_loop3A_1160 = arith.mulf %parallel_loop3A_1148, %parallel_loop3A_1159 : vector<16xf32>
        %parallel_loop3A_1161 = arith.constant 0.00130208337 : f32
        %parallel_loop3A_1162 = vector.broadcast %parallel_loop3A_1161 : f32 to vector<16xf32>
        %parallel_loop3A_1163 = arith.mulf %parallel_loop3A_1157, %parallel_loop3A_1162 : vector<16xf32>
        %parallel_loop3A_1164 = arith.mulf %parallel_loop3A_1160, %parallel_loop3A_1160 : vector<16xf32>
        %parallel_loop3A_1165 = arith.subf %parallel_loop3A_1163, %parallel_loop3A_1164 : vector<16xf32>
        %parallel_loop3A_1166 = arith.constant 9.99999971E-10 : f32
        %parallel_loop3A_1167 = vector.broadcast %parallel_loop3A_1166 : f32 to vector<16xf32>
        %parallel_loop3A_1168 = arith.addf %parallel_loop3A_1165, %parallel_loop3A_1167 : vector<16xf32>
        %parallel_loop3A_1169 = tpu.bitcast %parallel_loop3A_1168 : vector<16xf32> -> vector<16xi32>
        %parallel_loop3A_1170 = arith.constant 1597463007 : i32
        %parallel_loop3A_1171 = vector.broadcast %parallel_loop3A_1170 : i32 to vector<16xi32>
        %parallel_loop3A_1172 = arith.constant 1 : i32
        %parallel_loop3A_1173 = vector.broadcast %parallel_loop3A_1172 : i32 to vector<16xi32>
        %parallel_loop3A_1174 = arith.shrui %parallel_loop3A_1169, %parallel_loop3A_1173 : vector<16xi32>
        %parallel_loop3A_1175 = arith.subi %parallel_loop3A_1171, %parallel_loop3A_1174 : vector<16xi32>
        %parallel_loop3A_1176 = tpu.bitcast %parallel_loop3A_1175 : vector<16xi32> -> vector<16xf32>
        %parallel_loop3A_1177 = arith.constant 5.000000e-01 : f32
        %parallel_loop3A_1178 = vector.broadcast %parallel_loop3A_1177 : f32 to vector<16xf32>
        %parallel_loop3A_1179 = arith.mulf %parallel_loop3A_1168, %parallel_loop3A_1178 : vector<16xf32>
        %parallel_loop3A_1180 = arith.mulf %parallel_loop3A_1179, %parallel_loop3A_1176 : vector<16xf32>
        %parallel_loop3A_1181 = arith.mulf %parallel_loop3A_1180, %parallel_loop3A_1176 : vector<16xf32>
        %parallel_loop3A_1182 = arith.constant 1.500000e+00 : f32
        %parallel_loop3A_1183 = vector.broadcast %parallel_loop3A_1182 : f32 to vector<16xf32>
        %parallel_loop3A_1184 = arith.subf %parallel_loop3A_1183, %parallel_loop3A_1181 : vector<16xf32>
        %parallel_loop3A_1185 = arith.mulf %parallel_loop3A_1176, %parallel_loop3A_1184 : vector<16xf32>
        %parallel_loop3A_1186 = arith.mulf %parallel_loop3A_1179, %parallel_loop3A_1185 : vector<16xf32>
        %parallel_loop3A_1187 = arith.mulf %parallel_loop3A_1186, %parallel_loop3A_1185 : vector<16xf32>
        %parallel_loop3A_1188 = arith.constant 1.500000e+00 : f32
        %parallel_loop3A_1189 = vector.broadcast %parallel_loop3A_1188 : f32 to vector<16xf32>
        %parallel_loop3A_1190 = arith.subf %parallel_loop3A_1189, %parallel_loop3A_1187 : vector<16xf32>
        %parallel_loop3A_1191 = arith.mulf %parallel_loop3A_1185, %parallel_loop3A_1190 : vector<16xf32>
        %parallel_loop3A_1192 = arith.mulf %parallel_loop3A_1179, %parallel_loop3A_1191 : vector<16xf32>
        %parallel_loop3A_1193 = arith.mulf %parallel_loop3A_1192, %parallel_loop3A_1191 : vector<16xf32>
        %parallel_loop3A_1194 = arith.constant 1.500000e+00 : f32
        %parallel_loop3A_1195 = vector.broadcast %parallel_loop3A_1194 : f32 to vector<16xf32>
        %parallel_loop3A_1196 = arith.subf %parallel_loop3A_1195, %parallel_loop3A_1193 : vector<16xf32>
        %parallel_loop3A_1197 = arith.mulf %parallel_loop3A_1191, %parallel_loop3A_1196 : vector<16xf32>
        %parallel_loop3A_1198 = arith.index_cast %rem3A_230 : i32 to index
        %parallel_loop3A_1199 = arith.index_cast %parallel_loop3A_275 : i32 to index
        %parallel_loop3A_1200 = arith.constant 0 : index
        %parallel_loop3A_1201 = tpu.vector_load %arg10[%parallel_loop3A_1198, %parallel_loop3A_1199, %parallel_loop3A_1200] {strides = array<i32>} : memref<4x16x768xf32, #tpu.memory_space<vmem>>, vector<16xf32>,
        %parallel_loop3A_1202 = arith.constant 0 : index
        %parallel_loop3A_1203 = tpu.vector_load %arg12[%parallel_loop3A_1202] {strides = array<i32>} : memref<768xf32, #tpu.memory_space<vmem>>, vector<16xf32>,
        %parallel_loop3A_1204 = arith.constant 0 : index
        %parallel_loop3A_1205 = tpu.vector_load %arg13[%parallel_loop3A_1204] {strides = array<i32>} : memref<768xf32, #tpu.memory_space<vmem>>, vector<16xf32>,
        %parallel_loop3A_1206 = arith.subf %parallel_loop3A_1201, %parallel_loop3A_1160 : vector<16xf32>
        %parallel_loop3A_1207 = arith.mulf %parallel_loop3A_1206, %parallel_loop3A_1197 : vector<16xf32>
        %parallel_loop3A_1208 = arith.mulf %parallel_loop3A_1207, %parallel_loop3A_1203 : vector<16xf32>
        %parallel_loop3A_1209 = arith.addf %parallel_loop3A_1208, %parallel_loop3A_1205 : vector<16xf32>
        %parallel_loop3A_1210 = arith.index_cast %rem3A_230 : i32 to index
        %parallel_loop3A_1211 = arith.index_cast %parallel_loop3A_275 : i32 to index
        %parallel_loop3A_1212 = arith.constant 0 : index
        %parallel_loop3A_1213 = tpu.vector_load %arg10[%parallel_loop3A_1210, %parallel_loop3A_1211, %parallel_loop3A_1212] {strides = array<i32>} : memref<4x16x768xf32, #tpu.memory_space<vmem>>, vector<16xf32>,
        tpu.vector_store %arg10[%parallel_loop3A_1210, %parallel_loop3A_1211, %parallel_loop3A_1212], %parallel_loop3A_1209 {strides = array<i32>} : memref<4x16x768xf32, #tpu.memory_space<vmem>>, vector<16xf32>,
        %parallel_loop3A_1214 = arith.index_cast %rem3A_230 : i32 to index
        %parallel_loop3A_1215 = arith.index_cast %parallel_loop3A_275 : i32 to index
        %parallel_loop3A_1216 = arith.constant 16 : index
        %parallel_loop3A_1217 = tpu.vector_load %arg10[%parallel_loop3A_1214, %parallel_loop3A_1215, %parallel_loop3A_1216] {strides = array<i32>} : memref<4x16x768xf32, #tpu.memory_space<vmem>>, vector<16xf32>,
        %parallel_loop3A_1218 = arith.constant 16 : index
        %parallel_loop3A_1219 = tpu.vector_load %arg12[%parallel_loop3A_1218] {strides = array<i32>} : memref<768xf32, #tpu.memory_space<vmem>>, vector<16xf32>,
        %parallel_loop3A_1220 = arith.constant 16 : index
        %parallel_loop3A_1221 = tpu.vector_load %arg13[%parallel_loop3A_1220] {strides = array<i32>} : memref<768xf32, #tpu.memory_space<vmem>>, vector<16xf32>,
        %parallel_loop3A_1222 = arith.subf %parallel_loop3A_1217, %parallel_loop3A_1160 : vector<16xf32>
        %parallel_loop3A_1223 = arith.mulf %parallel_loop3A_1222, %parallel_loop3A_1197 : vector<16xf32>
        %parallel_loop3A_1224 = arith.mulf %parallel_loop3A_1223, %parallel_loop3A_1219 : vector<16xf32>
        %parallel_loop3A_1225 = arith.addf %parallel_loop3A_1224, %parallel_loop3A_1221 : vector<16xf32>
        %parallel_loop3A_1226 = arith.index_cast %rem3A_230 : i32 to index
        %parallel_loop3A_1227 = arith.index_cast %parallel_loop3A_275 : i32 to index
        %parallel_loop3A_1228 = arith.constant 16 : index
        %parallel_loop3A_1229 = tpu.vector_load %arg10[%parallel_loop3A_1226, %parallel_loop3A_1227, %parallel_loop3A_1228] {strides = array<i32>} : memref<4x16x768xf32, #tpu.memory_space<vmem>>, vector<16xf32>,
        tpu.vector_store %arg10[%parallel_loop3A_1226, %parallel_loop3A_1227, %parallel_loop3A_1228], %parallel_loop3A_1225 {strides = array<i32>} : memref<4x16x768xf32, #tpu.memory_space<vmem>>, vector<16xf32>,
        %parallel_loop3A_1230 = arith.index_cast %rem3A_230 : i32 to index
        %parallel_loop3A_1231 = arith.index_cast %parallel_loop3A_275 : i32 to index
        %parallel_loop3A_1232 = arith.constant 32 : index
        %parallel_loop3A_1233 = tpu.vector_load %arg10[%parallel_loop3A_1230, %parallel_loop3A_1231, %parallel_loop3A_1232] {strides = array<i32>} : memref<4x16x768xf32, #tpu.memory_space<vmem>>, vector<16xf32>,
        %parallel_loop3A_1234 = arith.constant 32 : index
        %parallel_loop3A_1235 = tpu.vector_load %arg12[%parallel_loop3A_1234] {strides = array<i32>} : memref<768xf32, #tpu.memory_space<vmem>>, vector<16xf32>,
        %parallel_loop3A_1236 = arith.constant 32 : index
        %parallel_loop3A_1237 = tpu.vector_load %arg13[%parallel_loop3A_1236] {strides = array<i32>} : memref<768xf32, #tpu.memory_space<vmem>>, vector<16xf32>,
        %parallel_loop3A_1238 = arith.subf %parallel_loop3A_1233, %parallel_loop3A_1160 : vector<16xf32>
        %parallel_loop3A_1239 = arith.mulf %parallel_loop3A_1238, %parallel_loop3A_1197 : vector<16xf32>
        %parallel_loop3A_1240 = arith.mulf %parallel_loop3A_1239, %parallel_loop3A_1235 : vector<16xf32>
        %parallel_loop3A_1241 = arith.addf %parallel_loop3A_1240, %parallel_loop3A_1237 : vector<16xf32>
        %parallel_loop3A_1242 = arith.index_cast %rem3A_230 : i32 to index
        %parallel_loop3A_1243 = arith.index_cast %parallel_loop3A_275 : i32 to index
        %parallel_loop3A_1244 = arith.constant 32 : index
        %parallel_loop3A_1245 = tpu.vector_load %arg10[%parallel_loop3A_1242, %parallel_loop3A_1243, %parallel_loop3A_1244] {strides = array<i32>} : memref<4x16x768xf32, #tpu.memory_space<vmem>>, vector<16xf32>,
        tpu.vector_store %arg10[%parallel_loop3A_1242, %parallel_loop3A_1243, %parallel_loop3A_1244], %parallel_loop3A_1241 {strides = array<i32>} : memref<4x16x768xf32, #tpu.memory_space<vmem>>, vector<16xf32>,
        %parallel_loop3A_1246 = arith.index_cast %rem3A_230 : i32 to index
        %parallel_loop3A_1247 = arith.index_cast %parallel_loop3A_275 : i32 to index
        %parallel_loop3A_1248 = arith.constant 48 : index
        %parallel_loop3A_1249 = tpu.vector_load %arg10[%parallel_loop3A_1246, %parallel_loop3A_1247, %parallel_loop3A_1248] {strides = array<i32>} : memref<4x16x768xf32, #tpu.memory_space<vmem>>, vector<16xf32>,
        %parallel_loop3A_1250 = arith.constant 48 : index
        %parallel_loop3A_1251 = tpu.vector_load %arg12[%parallel_loop3A_1250] {strides = array<i32>} : memref<768xf32, #tpu.memory_space<vmem>>, vector<16xf32>,
        %parallel_loop3A_1252 = arith.constant 48 : index
        %parallel_loop3A_1253 = tpu.vector_load %arg13[%parallel_loop3A_1252] {strides = array<i32>} : memref<768xf32, #tpu.memory_space<vmem>>, vector<16xf32>,
        %parallel_loop3A_1254 = arith.subf %parallel_loop3A_1249, %parallel_loop3A_1160 : vector<16xf32>
        %parallel_loop3A_1255 = arith.mulf %parallel_loop3A_1254, %parallel_loop3A_1197 : vector<16xf32>
        %parallel_loop3A_1256 = arith.mulf %parallel_loop3A_1255, %parallel_loop3A_1251 : vector<16xf32>
        %parallel_loop3A_1257 = arith.addf %parallel_loop3A_1256, %parallel_loop3A_1253 : vector<16xf32>
        %parallel_loop3A_1258 = arith.index_cast %rem3A_230 : i32 to index
        %parallel_loop3A_1259 = arith.index_cast %parallel_loop3A_275 : i32 to index
        %parallel_loop3A_1260 = arith.constant 48 : index
        %parallel_loop3A_1261 = tpu.vector_load %arg10[%parallel_loop3A_1258, %parallel_loop3A_1259, %parallel_loop3A_1260] {strides = array<i32>} : memref<4x16x768xf32, #tpu.memory_space<vmem>>, vector<16xf32>,
        tpu.vector_store %arg10[%parallel_loop3A_1258, %parallel_loop3A_1259, %parallel_loop3A_1260], %parallel_loop3A_1257 {strides = array<i32>} : memref<4x16x768xf32, #tpu.memory_space<vmem>>, vector<16xf32>,
        %parallel_loop3A_1262 = arith.index_cast %rem3A_230 : i32 to index
        %parallel_loop3A_1263 = arith.index_cast %parallel_loop3A_275 : i32 to index
        %parallel_loop3A_1264 = arith.constant 64 : index
        %parallel_loop3A_1265 = tpu.vector_load %arg10[%parallel_loop3A_1262, %parallel_loop3A_1263, %parallel_loop3A_1264] {strides = array<i32>} : memref<4x16x768xf32, #tpu.memory_space<vmem>>, vector<16xf32>,
        %parallel_loop3A_1266 = arith.constant 64 : index
        %parallel_loop3A_1267 = tpu.vector_load %arg12[%parallel_loop3A_1266] {strides = array<i32>} : memref<768xf32, #tpu.memory_space<vmem>>, vector<16xf32>,
        %parallel_loop3A_1268 = arith.constant 64 : index
        %parallel_loop3A_1269 = tpu.vector_load %arg13[%parallel_loop3A_1268] {strides = array<i32>} : memref<768xf32, #tpu.memory_space<vmem>>, vector<16xf32>,
        %parallel_loop3A_1270 = arith.subf %parallel_loop3A_1265, %parallel_loop3A_1160 : vector<16xf32>
        %parallel_loop3A_1271 = arith.mulf %parallel_loop3A_1270, %parallel_loop3A_1197 : vector<16xf32>
        %parallel_loop3A_1272 = arith.mulf %parallel_loop3A_1271, %parallel_loop3A_1267 : vector<16xf32>
        %parallel_loop3A_1273 = arith.addf %parallel_loop3A_1272, %parallel_loop3A_1269 : vector<16xf32>
        %parallel_loop3A_1274 = arith.index_cast %rem3A_230 : i32 to index
        %parallel_loop3A_1275 = arith.index_cast %parallel_loop3A_275 : i32 to index
        %parallel_loop3A_1276 = arith.constant 64 : index
        %parallel_loop3A_1277 = tpu.vector_load %arg10[%parallel_loop3A_1274, %parallel_loop3A_1275, %parallel_loop3A_1276] {strides = array<i32>} : memref<4x16x768xf32, #tpu.memory_space<vmem>>, vector<16xf32>,
        tpu.vector_store %arg10[%parallel_loop3A_1274, %parallel_loop3A_1275, %parallel_loop3A_1276], %parallel_loop3A_1273 {strides = array<i32>} : memref<4x16x768xf32, #tpu.memory_space<vmem>>, vector<16xf32>,
        %parallel_loop3A_1278 = arith.index_cast %rem3A_230 : i32 to index
        %parallel_loop3A_1279 = arith.index_cast %parallel_loop3A_275 : i32 to index
        %parallel_loop3A_1280 = arith.constant 80 : index
        %parallel_loop3A_1281 = tpu.vector_load %arg10[%parallel_loop3A_1278, %parallel_loop3A_1279, %parallel_loop3A_1280] {strides = array<i32>} : memref<4x16x768xf32, #tpu.memory_space<vmem>>, vector<16xf32>,
        %parallel_loop3A_1282 = arith.constant 80 : index
        %parallel_loop3A_1283 = tpu.vector_load %arg12[%parallel_loop3A_1282] {strides = array<i32>} : memref<768xf32, #tpu.memory_space<vmem>>, vector<16xf32>,
        %parallel_loop3A_1284 = arith.constant 80 : index
        %parallel_loop3A_1285 = tpu.vector_load %arg13[%parallel_loop3A_1284] {strides = array<i32>} : memref<768xf32, #tpu.memory_space<vmem>>, vector<16xf32>,
        %parallel_loop3A_1286 = arith.subf %parallel_loop3A_1281, %parallel_loop3A_1160 : vector<16xf32>
        %parallel_loop3A_1287 = arith.mulf %parallel_loop3A_1286, %parallel_loop3A_1197 : vector<16xf32>
        %parallel_loop3A_1288 = arith.mulf %parallel_loop3A_1287, %parallel_loop3A_1283 : vector<16xf32>
        %parallel_loop3A_1289 = arith.addf %parallel_loop3A_1288, %parallel_loop3A_1285 : vector<16xf32>
        %parallel_loop3A_1290 = arith.index_cast %rem3A_230 : i32 to index
        %parallel_loop3A_1291 = arith.index_cast %parallel_loop3A_275 : i32 to index
        %parallel_loop3A_1292 = arith.constant 80 : index
        %parallel_loop3A_1293 = tpu.vector_load %arg10[%parallel_loop3A_1290, %parallel_loop3A_1291, %parallel_loop3A_1292] {strides = array<i32>} : memref<4x16x768xf32, #tpu.memory_space<vmem>>, vector<16xf32>,
        tpu.vector_store %arg10[%parallel_loop3A_1290, %parallel_loop3A_1291, %parallel_loop3A_1292], %parallel_loop3A_1289 {strides = array<i32>} : memref<4x16x768xf32, #tpu.memory_space<vmem>>, vector<16xf32>,
        %parallel_loop3A_1294 = arith.index_cast %rem3A_230 : i32 to index
        %parallel_loop3A_1295 = arith.index_cast %parallel_loop3A_275 : i32 to index
        %parallel_loop3A_1296 = arith.constant 96 : index
        %parallel_loop3A_1297 = tpu.vector_load %arg10[%parallel_loop3A_1294, %parallel_loop3A_1295, %parallel_loop3A_1296] {strides = array<i32>} : memref<4x16x768xf32, #tpu.memory_space<vmem>>, vector<16xf32>,
        %parallel_loop3A_1298 = arith.constant 96 : index
        %parallel_loop3A_1299 = tpu.vector_load %arg12[%parallel_loop3A_1298] {strides = array<i32>} : memref<768xf32, #tpu.memory_space<vmem>>, vector<16xf32>,
        %parallel_loop3A_1300 = arith.constant 96 : index
        %parallel_loop3A_1301 = tpu.vector_load %arg13[%parallel_loop3A_1300] {strides = array<i32>} : memref<768xf32, #tpu.memory_space<vmem>>, vector<16xf32>,
        %parallel_loop3A_1302 = arith.subf %parallel_loop3A_1297, %parallel_loop3A_1160 : vector<16xf32>
        %parallel_loop3A_1303 = arith.mulf %parallel_loop3A_1302, %parallel_loop3A_1197 : vector<16xf32>
        %parallel_loop3A_1304 = arith.mulf %parallel_loop3A_1303, %parallel_loop3A_1299 : vector<16xf32>
        %parallel_loop3A_1305 = arith.addf %parallel_loop3A_1304, %parallel_loop3A_1301 : vector<16xf32>
        %parallel_loop3A_1306 = arith.index_cast %rem3A_230 : i32 to index
        %parallel_loop3A_1307 = arith.index_cast %parallel_loop3A_275 : i32 to index
        %parallel_loop3A_1308 = arith.constant 96 : index
        %parallel_loop3A_1309 = tpu.vector_load %arg10[%parallel_loop3A_1306, %parallel_loop3A_1307, %parallel_loop3A_1308] {strides = array<i32>} : memref<4x16x768xf32, #tpu.memory_space<vmem>>, vector<16xf32>,
        tpu.vector_store %arg10[%parallel_loop3A_1306, %parallel_loop3A_1307, %parallel_loop3A_1308], %parallel_loop3A_1305 {strides = array<i32>} : memref<4x16x768xf32, #tpu.memory_space<vmem>>, vector<16xf32>,
        %parallel_loop3A_1310 = arith.index_cast %rem3A_230 : i32 to index
        %parallel_loop3A_1311 = arith.index_cast %parallel_loop3A_275 : i32 to index
        %parallel_loop3A_1312 = arith.constant 112 : index
        %parallel_loop3A_1313 = tpu.vector_load %arg10[%parallel_loop3A_1310, %parallel_loop3A_1311, %parallel_loop3A_1312] {strides = array<i32>} : memref<4x16x768xf32, #tpu.memory_space<vmem>>, vector<16xf32>,
        %parallel_loop3A_1314 = arith.constant 112 : index
        %parallel_loop3A_1315 = tpu.vector_load %arg12[%parallel_loop3A_1314] {strides = array<i32>} : memref<768xf32, #tpu.memory_space<vmem>>, vector<16xf32>,
        %parallel_loop3A_1316 = arith.constant 112 : index
        %parallel_loop3A_1317 = tpu.vector_load %arg13[%parallel_loop3A_1316] {strides = array<i32>} : memref<768xf32, #tpu.memory_space<vmem>>, vector<16xf32>,
        %parallel_loop3A_1318 = arith.subf %parallel_loop3A_1313, %parallel_loop3A_1160 : vector<16xf32>
        %parallel_loop3A_1319 = arith.mulf %parallel_loop3A_1318, %parallel_loop3A_1197 : vector<16xf32>
        %parallel_loop3A_1320 = arith.mulf %parallel_loop3A_1319, %parallel_loop3A_1315 : vector<16xf32>
        %parallel_loop3A_1321 = arith.addf %parallel_loop3A_1320, %parallel_loop3A_1317 : vector<16xf32>
        %parallel_loop3A_1322 = arith.index_cast %rem3A_230 : i32 to index
        %parallel_loop3A_1323 = arith.index_cast %parallel_loop3A_275 : i32 to index
        %parallel_loop3A_1324 = arith.constant 112 : index
        %parallel_loop3A_1325 = tpu.vector_load %arg10[%parallel_loop3A_1322, %parallel_loop3A_1323, %parallel_loop3A_1324] {strides = array<i32>} : memref<4x16x768xf32, #tpu.memory_space<vmem>>, vector<16xf32>,
        tpu.vector_store %arg10[%parallel_loop3A_1322, %parallel_loop3A_1323, %parallel_loop3A_1324], %parallel_loop3A_1321 {strides = array<i32>} : memref<4x16x768xf32, #tpu.memory_space<vmem>>, vector<16xf32>,
        %parallel_loop3A_1326 = arith.index_cast %rem3A_230 : i32 to index
        %parallel_loop3A_1327 = arith.index_cast %parallel_loop3A_275 : i32 to index
        %parallel_loop3A_1328 = arith.constant 128 : index
        %parallel_loop3A_1329 = tpu.vector_load %arg10[%parallel_loop3A_1326, %parallel_loop3A_1327, %parallel_loop3A_1328] {strides = array<i32>} : memref<4x16x768xf32, #tpu.memory_space<vmem>>, vector<16xf32>,
        %parallel_loop3A_1330 = arith.constant 128 : index
        %parallel_loop3A_1331 = tpu.vector_load %arg12[%parallel_loop3A_1330] {strides = array<i32>} : memref<768xf32, #tpu.memory_space<vmem>>, vector<16xf32>,
        %parallel_loop3A_1332 = arith.constant 128 : index
        %parallel_loop3A_1333 = tpu.vector_load %arg13[%parallel_loop3A_1332] {strides = array<i32>} : memref<768xf32, #tpu.memory_space<vmem>>, vector<16xf32>,
        %parallel_loop3A_1334 = arith.subf %parallel_loop3A_1329, %parallel_loop3A_1160 : vector<16xf32>
        %parallel_loop3A_1335 = arith.mulf %parallel_loop3A_1334, %parallel_loop3A_1197 : vector<16xf32>
        %parallel_loop3A_1336 = arith.mulf %parallel_loop3A_1335, %parallel_loop3A_1331 : vector<16xf32>
        %parallel_loop3A_1337 = arith.addf %parallel_loop3A_1336, %parallel_loop3A_1333 : vector<16xf32>
        %parallel_loop3A_1338 = arith.index_cast %rem3A_230 : i32 to index
        %parallel_loop3A_1339 = arith.index_cast %parallel_loop3A_275 : i32 to index
        %parallel_loop3A_1340 = arith.constant 128 : index
        %parallel_loop3A_1341 = tpu.vector_load %arg10[%parallel_loop3A_1338, %parallel_loop3A_1339, %parallel_loop3A_1340] {strides = array<i32>} : memref<4x16x768xf32, #tpu.memory_space<vmem>>, vector<16xf32>,
        tpu.vector_store %arg10[%parallel_loop3A_1338, %parallel_loop3A_1339, %parallel_loop3A_1340], %parallel_loop3A_1337 {strides = array<i32>} : memref<4x16x768xf32, #tpu.memory_space<vmem>>, vector<16xf32>,
        %parallel_loop3A_1342 = arith.index_cast %rem3A_230 : i32 to index
        %parallel_loop3A_1343 = arith.index_cast %parallel_loop3A_275 : i32 to index
        %parallel_loop3A_1344 = arith.constant 144 : index
        %parallel_loop3A_1345 = tpu.vector_load %arg10[%parallel_loop3A_1342, %parallel_loop3A_1343, %parallel_loop3A_1344] {strides = array<i32>} : memref<4x16x768xf32, #tpu.memory_space<vmem>>, vector<16xf32>,
        %parallel_loop3A_1346 = arith.constant 144 : index
        %parallel_loop3A_1347 = tpu.vector_load %arg12[%parallel_loop3A_1346] {strides = array<i32>} : memref<768xf32, #tpu.memory_space<vmem>>, vector<16xf32>,
        %parallel_loop3A_1348 = arith.constant 144 : index
        %parallel_loop3A_1349 = tpu.vector_load %arg13[%parallel_loop3A_1348] {strides = array<i32>} : memref<768xf32, #tpu.memory_space<vmem>>, vector<16xf32>,
        %parallel_loop3A_1350 = arith.subf %parallel_loop3A_1345, %parallel_loop3A_1160 : vector<16xf32>
        %parallel_loop3A_1351 = arith.mulf %parallel_loop3A_1350, %parallel_loop3A_1197 : vector<16xf32>
        %parallel_loop3A_1352 = arith.mulf %parallel_loop3A_1351, %parallel_loop3A_1347 : vector<16xf32>
        %parallel_loop3A_1353 = arith.addf %parallel_loop3A_1352, %parallel_loop3A_1349 : vector<16xf32>
        %parallel_loop3A_1354 = arith.index_cast %rem3A_230 : i32 to index
        %parallel_loop3A_1355 = arith.index_cast %parallel_loop3A_275 : i32 to index
        %parallel_loop3A_1356 = arith.constant 144 : index
        %parallel_loop3A_1357 = tpu.vector_load %arg10[%parallel_loop3A_1354, %parallel_loop3A_1355, %parallel_loop3A_1356] {strides = array<i32>} : memref<4x16x768xf32, #tpu.memory_space<vmem>>, vector<16xf32>,
        tpu.vector_store %arg10[%parallel_loop3A_1354, %parallel_loop3A_1355, %parallel_loop3A_1356], %parallel_loop3A_1353 {strides = array<i32>} : memref<4x16x768xf32, #tpu.memory_space<vmem>>, vector<16xf32>,
        %parallel_loop3A_1358 = arith.index_cast %rem3A_230 : i32 to index
        %parallel_loop3A_1359 = arith.index_cast %parallel_loop3A_275 : i32 to index
        %parallel_loop3A_1360 = arith.constant 160 : index
        %parallel_loop3A_1361 = tpu.vector_load %arg10[%parallel_loop3A_1358, %parallel_loop3A_1359, %parallel_loop3A_1360] {strides = array<i32>} : memref<4x16x768xf32, #tpu.memory_space<vmem>>, vector<16xf32>,
        %parallel_loop3A_1362 = arith.constant 160 : index
        %parallel_loop3A_1363 = tpu.vector_load %arg12[%parallel_loop3A_1362] {strides = array<i32>} : memref<768xf32, #tpu.memory_space<vmem>>, vector<16xf32>,
        %parallel_loop3A_1364 = arith.constant 160 : index
        %parallel_loop3A_1365 = tpu.vector_load %arg13[%parallel_loop3A_1364] {strides = array<i32>} : memref<768xf32, #tpu.memory_space<vmem>>, vector<16xf32>,
        %parallel_loop3A_1366 = arith.subf %parallel_loop3A_1361, %parallel_loop3A_1160 : vector<16xf32>
        %parallel_loop3A_1367 = arith.mulf %parallel_loop3A_1366, %parallel_loop3A_1197 : vector<16xf32>
        %parallel_loop3A_1368 = arith.mulf %parallel_loop3A_1367, %parallel_loop3A_1363 : vector<16xf32>
        %parallel_loop3A_1369 = arith.addf %parallel_loop3A_1368, %parallel_loop3A_1365 : vector<16xf32>
        %parallel_loop3A_1370 = arith.index_cast %rem3A_230 : i32 to index
        %parallel_loop3A_1371 = arith.index_cast %parallel_loop3A_275 : i32 to index
        %parallel_loop3A_1372 = arith.constant 160 : index
        %parallel_loop3A_1373 = tpu.vector_load %arg10[%parallel_loop3A_1370, %parallel_loop3A_1371, %parallel_loop3A_1372] {strides = array<i32>} : memref<4x16x768xf32, #tpu.memory_space<vmem>>, vector<16xf32>,
        tpu.vector_store %arg10[%parallel_loop3A_1370, %parallel_loop3A_1371, %parallel_loop3A_1372], %parallel_loop3A_1369 {strides = array<i32>} : memref<4x16x768xf32, #tpu.memory_space<vmem>>, vector<16xf32>,
        %parallel_loop3A_1374 = arith.index_cast %rem3A_230 : i32 to index
        %parallel_loop3A_1375 = arith.index_cast %parallel_loop3A_275 : i32 to index
        %parallel_loop3A_1376 = arith.constant 176 : index
        %parallel_loop3A_1377 = tpu.vector_load %arg10[%parallel_loop3A_1374, %parallel_loop3A_1375, %parallel_loop3A_1376] {strides = array<i32>} : memref<4x16x768xf32, #tpu.memory_space<vmem>>, vector<16xf32>,
        %parallel_loop3A_1378 = arith.constant 176 : index
        %parallel_loop3A_1379 = tpu.vector_load %arg12[%parallel_loop3A_1378] {strides = array<i32>} : memref<768xf32, #tpu.memory_space<vmem>>, vector<16xf32>,
        %parallel_loop3A_1380 = arith.constant 176 : index
        %parallel_loop3A_1381 = tpu.vector_load %arg13[%parallel_loop3A_1380] {strides = array<i32>} : memref<768xf32, #tpu.memory_space<vmem>>, vector<16xf32>,
        %parallel_loop3A_1382 = arith.subf %parallel_loop3A_1377, %parallel_loop3A_1160 : vector<16xf32>
        %parallel_loop3A_1383 = arith.mulf %parallel_loop3A_1382, %parallel_loop3A_1197 : vector<16xf32>
        %parallel_loop3A_1384 = arith.mulf %parallel_loop3A_1383, %parallel_loop3A_1379 : vector<16xf32>
        %parallel_loop3A_1385 = arith.addf %parallel_loop3A_1384, %parallel_loop3A_1381 : vector<16xf32>
        %parallel_loop3A_1386 = arith.index_cast %rem3A_230 : i32 to index
        %parallel_loop3A_1387 = arith.index_cast %parallel_loop3A_275 : i32 to index
        %parallel_loop3A_1388 = arith.constant 176 : index
        %parallel_loop3A_1389 = tpu.vector_load %arg10[%parallel_loop3A_1386, %parallel_loop3A_1387, %parallel_loop3A_1388] {strides = array<i32>} : memref<4x16x768xf32, #tpu.memory_space<vmem>>, vector<16xf32>,
        tpu.vector_store %arg10[%parallel_loop3A_1386, %parallel_loop3A_1387, %parallel_loop3A_1388], %parallel_loop3A_1385 {strides = array<i32>} : memref<4x16x768xf32, #tpu.memory_space<vmem>>, vector<16xf32>,
        %parallel_loop3A_1390 = arith.index_cast %rem3A_230 : i32 to index
        %parallel_loop3A_1391 = arith.index_cast %parallel_loop3A_275 : i32 to index
        %parallel_loop3A_1392 = arith.constant 192 : index
        %parallel_loop3A_1393 = tpu.vector_load %arg10[%parallel_loop3A_1390, %parallel_loop3A_1391, %parallel_loop3A_1392] {strides = array<i32>} : memref<4x16x768xf32, #tpu.memory_space<vmem>>, vector<16xf32>,
        %parallel_loop3A_1394 = arith.constant 192 : index
        %parallel_loop3A_1395 = tpu.vector_load %arg12[%parallel_loop3A_1394] {strides = array<i32>} : memref<768xf32, #tpu.memory_space<vmem>>, vector<16xf32>,
        %parallel_loop3A_1396 = arith.constant 192 : index
        %parallel_loop3A_1397 = tpu.vector_load %arg13[%parallel_loop3A_1396] {strides = array<i32>} : memref<768xf32, #tpu.memory_space<vmem>>, vector<16xf32>,
        %parallel_loop3A_1398 = arith.subf %parallel_loop3A_1393, %parallel_loop3A_1160 : vector<16xf32>
        %parallel_loop3A_1399 = arith.mulf %parallel_loop3A_1398, %parallel_loop3A_1197 : vector<16xf32>
        %parallel_loop3A_1400 = arith.mulf %parallel_loop3A_1399, %parallel_loop3A_1395 : vector<16xf32>
        %parallel_loop3A_1401 = arith.addf %parallel_loop3A_1400, %parallel_loop3A_1397 : vector<16xf32>
        %parallel_loop3A_1402 = arith.index_cast %rem3A_230 : i32 to index
        %parallel_loop3A_1403 = arith.index_cast %parallel_loop3A_275 : i32 to index
        %parallel_loop3A_1404 = arith.constant 192 : index
        %parallel_loop3A_1405 = tpu.vector_load %arg10[%parallel_loop3A_1402, %parallel_loop3A_1403, %parallel_loop3A_1404] {strides = array<i32>} : memref<4x16x768xf32, #tpu.memory_space<vmem>>, vector<16xf32>,
        tpu.vector_store %arg10[%parallel_loop3A_1402, %parallel_loop3A_1403, %parallel_loop3A_1404], %parallel_loop3A_1401 {strides = array<i32>} : memref<4x16x768xf32, #tpu.memory_space<vmem>>, vector<16xf32>,
        %parallel_loop3A_1406 = arith.index_cast %rem3A_230 : i32 to index
        %parallel_loop3A_1407 = arith.index_cast %parallel_loop3A_275 : i32 to index
        %parallel_loop3A_1408 = arith.constant 208 : index
        %parallel_loop3A_1409 = tpu.vector_load %arg10[%parallel_loop3A_1406, %parallel_loop3A_1407, %parallel_loop3A_1408] {strides = array<i32>} : memref<4x16x768xf32, #tpu.memory_space<vmem>>, vector<16xf32>,
        %parallel_loop3A_1410 = arith.constant 208 : index
        %parallel_loop3A_1411 = tpu.vector_load %arg12[%parallel_loop3A_1410] {strides = array<i32>} : memref<768xf32, #tpu.memory_space<vmem>>, vector<16xf32>,
        %parallel_loop3A_1412 = arith.constant 208 : index
        %parallel_loop3A_1413 = tpu.vector_load %arg13[%parallel_loop3A_1412] {strides = array<i32>} : memref<768xf32, #tpu.memory_space<vmem>>, vector<16xf32>,
        %parallel_loop3A_1414 = arith.subf %parallel_loop3A_1409, %parallel_loop3A_1160 : vector<16xf32>
        %parallel_loop3A_1415 = arith.mulf %parallel_loop3A_1414, %parallel_loop3A_1197 : vector<16xf32>
        %parallel_loop3A_1416 = arith.mulf %parallel_loop3A_1415, %parallel_loop3A_1411 : vector<16xf32>
        %parallel_loop3A_1417 = arith.addf %parallel_loop3A_1416, %parallel_loop3A_1413 : vector<16xf32>
        %parallel_loop3A_1418 = arith.index_cast %rem3A_230 : i32 to index
        %parallel_loop3A_1419 = arith.index_cast %parallel_loop3A_275 : i32 to index
        %parallel_loop3A_1420 = arith.constant 208 : index
        %parallel_loop3A_1421 = tpu.vector_load %arg10[%parallel_loop3A_1418, %parallel_loop3A_1419, %parallel_loop3A_1420] {strides = array<i32>} : memref<4x16x768xf32, #tpu.memory_space<vmem>>, vector<16xf32>,
        tpu.vector_store %arg10[%parallel_loop3A_1418, %parallel_loop3A_1419, %parallel_loop3A_1420], %parallel_loop3A_1417 {strides = array<i32>} : memref<4x16x768xf32, #tpu.memory_space<vmem>>, vector<16xf32>,
        %parallel_loop3A_1422 = arith.index_cast %rem3A_230 : i32 to index
        %parallel_loop3A_1423 = arith.index_cast %parallel_loop3A_275 : i32 to index
        %parallel_loop3A_1424 = arith.constant 224 : index
        %parallel_loop3A_1425 = tpu.vector_load %arg10[%parallel_loop3A_1422, %parallel_loop3A_1423, %parallel_loop3A_1424] {strides = array<i32>} : memref<4x16x768xf32, #tpu.memory_space<vmem>>, vector<16xf32>,
        %parallel_loop3A_1426 = arith.constant 224 : index
        %parallel_loop3A_1427 = tpu.vector_load %arg12[%parallel_loop3A_1426] {strides = array<i32>} : memref<768xf32, #tpu.memory_space<vmem>>, vector<16xf32>,
        %parallel_loop3A_1428 = arith.constant 224 : index
        %parallel_loop3A_1429 = tpu.vector_load %arg13[%parallel_loop3A_1428] {strides = array<i32>} : memref<768xf32, #tpu.memory_space<vmem>>, vector<16xf32>,
        %parallel_loop3A_1430 = arith.subf %parallel_loop3A_1425, %parallel_loop3A_1160 : vector<16xf32>
        %parallel_loop3A_1431 = arith.mulf %parallel_loop3A_1430, %parallel_loop3A_1197 : vector<16xf32>
        %parallel_loop3A_1432 = arith.mulf %parallel_loop3A_1431, %parallel_loop3A_1427 : vector<16xf32>
        %parallel_loop3A_1433 = arith.addf %parallel_loop3A_1432, %parallel_loop3A_1429 : vector<16xf32>
        %parallel_loop3A_1434 = arith.index_cast %rem3A_230 : i32 to index
        %parallel_loop3A_1435 = arith.index_cast %parallel_loop3A_275 : i32 to index
        %parallel_loop3A_1436 = arith.constant 224 : index
        %parallel_loop3A_1437 = tpu.vector_load %arg10[%parallel_loop3A_1434, %parallel_loop3A_1435, %parallel_loop3A_1436] {strides = array<i32>} : memref<4x16x768xf32, #tpu.memory_space<vmem>>, vector<16xf32>,
        tpu.vector_store %arg10[%parallel_loop3A_1434, %parallel_loop3A_1435, %parallel_loop3A_1436], %parallel_loop3A_1433 {strides = array<i32>} : memref<4x16x768xf32, #tpu.memory_space<vmem>>, vector<16xf32>,
        %parallel_loop3A_1438 = arith.index_cast %rem3A_230 : i32 to index
        %parallel_loop3A_1439 = arith.index_cast %parallel_loop3A_275 : i32 to index
        %parallel_loop3A_1440 = arith.constant 240 : index
        %parallel_loop3A_1441 = tpu.vector_load %arg10[%parallel_loop3A_1438, %parallel_loop3A_1439, %parallel_loop3A_1440] {strides = array<i32>} : memref<4x16x768xf32, #tpu.memory_space<vmem>>, vector<16xf32>,
        %parallel_loop3A_1442 = arith.constant 240 : index
        %parallel_loop3A_1443 = tpu.vector_load %arg12[%parallel_loop3A_1442] {strides = array<i32>} : memref<768xf32, #tpu.memory_space<vmem>>, vector<16xf32>,
        %parallel_loop3A_1444 = arith.constant 240 : index
        %parallel_loop3A_1445 = tpu.vector_load %arg13[%parallel_loop3A_1444] {strides = array<i32>} : memref<768xf32, #tpu.memory_space<vmem>>, vector<16xf32>,
        %parallel_loop3A_1446 = arith.subf %parallel_loop3A_1441, %parallel_loop3A_1160 : vector<16xf32>
        %parallel_loop3A_1447 = arith.mulf %parallel_loop3A_1446, %parallel_loop3A_1197 : vector<16xf32>
        %parallel_loop3A_1448 = arith.mulf %parallel_loop3A_1447, %parallel_loop3A_1443 : vector<16xf32>
        %parallel_loop3A_1449 = arith.addf %parallel_loop3A_1448, %parallel_loop3A_1445 : vector<16xf32>
        %parallel_loop3A_1450 = arith.index_cast %rem3A_230 : i32 to index
        %parallel_loop3A_1451 = arith.index_cast %parallel_loop3A_275 : i32 to index
        %parallel_loop3A_1452 = arith.constant 240 : index
        %parallel_loop3A_1453 = tpu.vector_load %arg10[%parallel_loop3A_1450, %parallel_loop3A_1451, %parallel_loop3A_1452] {strides = array<i32>} : memref<4x16x768xf32, #tpu.memory_space<vmem>>, vector<16xf32>,
        tpu.vector_store %arg10[%parallel_loop3A_1450, %parallel_loop3A_1451, %parallel_loop3A_1452], %parallel_loop3A_1449 {strides = array<i32>} : memref<4x16x768xf32, #tpu.memory_space<vmem>>, vector<16xf32>,
        %parallel_loop3A_1454 = arith.index_cast %rem3A_230 : i32 to index
        %parallel_loop3A_1455 = arith.index_cast %parallel_loop3A_275 : i32 to index
        %parallel_loop3A_1456 = arith.constant 256 : index
        %parallel_loop3A_1457 = tpu.vector_load %arg10[%parallel_loop3A_1454, %parallel_loop3A_1455, %parallel_loop3A_1456] {strides = array<i32>} : memref<4x16x768xf32, #tpu.memory_space<vmem>>, vector<16xf32>,
        %parallel_loop3A_1458 = arith.constant 256 : index
        %parallel_loop3A_1459 = tpu.vector_load %arg12[%parallel_loop3A_1458] {strides = array<i32>} : memref<768xf32, #tpu.memory_space<vmem>>, vector<16xf32>,
        %parallel_loop3A_1460 = arith.constant 256 : index
        %parallel_loop3A_1461 = tpu.vector_load %arg13[%parallel_loop3A_1460] {strides = array<i32>} : memref<768xf32, #tpu.memory_space<vmem>>, vector<16xf32>,
        %parallel_loop3A_1462 = arith.subf %parallel_loop3A_1457, %parallel_loop3A_1160 : vector<16xf32>
        %parallel_loop3A_1463 = arith.mulf %parallel_loop3A_1462, %parallel_loop3A_1197 : vector<16xf32>
        %parallel_loop3A_1464 = arith.mulf %parallel_loop3A_1463, %parallel_loop3A_1459 : vector<16xf32>
        %parallel_loop3A_1465 = arith.addf %parallel_loop3A_1464, %parallel_loop3A_1461 : vector<16xf32>
        %parallel_loop3A_1466 = arith.index_cast %rem3A_230 : i32 to index
        %parallel_loop3A_1467 = arith.index_cast %parallel_loop3A_275 : i32 to index
        %parallel_loop3A_1468 = arith.constant 256 : index
        %parallel_loop3A_1469 = tpu.vector_load %arg10[%parallel_loop3A_1466, %parallel_loop3A_1467, %parallel_loop3A_1468] {strides = array<i32>} : memref<4x16x768xf32, #tpu.memory_space<vmem>>, vector<16xf32>,
        tpu.vector_store %arg10[%parallel_loop3A_1466, %parallel_loop3A_1467, %parallel_loop3A_1468], %parallel_loop3A_1465 {strides = array<i32>} : memref<4x16x768xf32, #tpu.memory_space<vmem>>, vector<16xf32>,
        %parallel_loop3A_1470 = arith.index_cast %rem3A_230 : i32 to index
        %parallel_loop3A_1471 = arith.index_cast %parallel_loop3A_275 : i32 to index
        %parallel_loop3A_1472 = arith.constant 272 : index
        %parallel_loop3A_1473 = tpu.vector_load %arg10[%parallel_loop3A_1470, %parallel_loop3A_1471, %parallel_loop3A_1472] {strides = array<i32>} : memref<4x16x768xf32, #tpu.memory_space<vmem>>, vector<16xf32>,
        %parallel_loop3A_1474 = arith.constant 272 : index
        %parallel_loop3A_1475 = tpu.vector_load %arg12[%parallel_loop3A_1474] {strides = array<i32>} : memref<768xf32, #tpu.memory_space<vmem>>, vector<16xf32>,
        %parallel_loop3A_1476 = arith.constant 272 : index
        %parallel_loop3A_1477 = tpu.vector_load %arg13[%parallel_loop3A_1476] {strides = array<i32>} : memref<768xf32, #tpu.memory_space<vmem>>, vector<16xf32>,
        %parallel_loop3A_1478 = arith.subf %parallel_loop3A_1473, %parallel_loop3A_1160 : vector<16xf32>
        %parallel_loop3A_1479 = arith.mulf %parallel_loop3A_1478, %parallel_loop3A_1197 : vector<16xf32>
        %parallel_loop3A_1480 = arith.mulf %parallel_loop3A_1479, %parallel_loop3A_1475 : vector<16xf32>
        %parallel_loop3A_1481 = arith.addf %parallel_loop3A_1480, %parallel_loop3A_1477 : vector<16xf32>
        %parallel_loop3A_1482 = arith.index_cast %rem3A_230 : i32 to index
        %parallel_loop3A_1483 = arith.index_cast %parallel_loop3A_275 : i32 to index
        %parallel_loop3A_1484 = arith.constant 272 : index
        %parallel_loop3A_1485 = tpu.vector_load %arg10[%parallel_loop3A_1482, %parallel_loop3A_1483, %parallel_loop3A_1484] {strides = array<i32>} : memref<4x16x768xf32, #tpu.memory_space<vmem>>, vector<16xf32>,
        tpu.vector_store %arg10[%parallel_loop3A_1482, %parallel_loop3A_1483, %parallel_loop3A_1484], %parallel_loop3A_1481 {strides = array<i32>} : memref<4x16x768xf32, #tpu.memory_space<vmem>>, vector<16xf32>,
        %parallel_loop3A_1486 = arith.index_cast %rem3A_230 : i32 to index
        %parallel_loop3A_1487 = arith.index_cast %parallel_loop3A_275 : i32 to index
        %parallel_loop3A_1488 = arith.constant 288 : index
        %parallel_loop3A_1489 = tpu.vector_load %arg10[%parallel_loop3A_1486, %parallel_loop3A_1487, %parallel_loop3A_1488] {strides = array<i32>} : memref<4x16x768xf32, #tpu.memory_space<vmem>>, vector<16xf32>,
        %parallel_loop3A_1490 = arith.constant 288 : index
        %parallel_loop3A_1491 = tpu.vector_load %arg12[%parallel_loop3A_1490] {strides = array<i32>} : memref<768xf32, #tpu.memory_space<vmem>>, vector<16xf32>,
        %parallel_loop3A_1492 = arith.constant 288 : index
        %parallel_loop3A_1493 = tpu.vector_load %arg13[%parallel_loop3A_1492] {strides = array<i32>} : memref<768xf32, #tpu.memory_space<vmem>>, vector<16xf32>,
        %parallel_loop3A_1494 = arith.subf %parallel_loop3A_1489, %parallel_loop3A_1160 : vector<16xf32>
        %parallel_loop3A_1495 = arith.mulf %parallel_loop3A_1494, %parallel_loop3A_1197 : vector<16xf32>
        %parallel_loop3A_1496 = arith.mulf %parallel_loop3A_1495, %parallel_loop3A_1491 : vector<16xf32>
        %parallel_loop3A_1497 = arith.addf %parallel_loop3A_1496, %parallel_loop3A_1493 : vector<16xf32>
        %parallel_loop3A_1498 = arith.index_cast %rem3A_230 : i32 to index
        %parallel_loop3A_1499 = arith.index_cast %parallel_loop3A_275 : i32 to index
        %parallel_loop3A_1500 = arith.constant 288 : index
        %parallel_loop3A_1501 = tpu.vector_load %arg10[%parallel_loop3A_1498, %parallel_loop3A_1499, %parallel_loop3A_1500] {strides = array<i32>} : memref<4x16x768xf32, #tpu.memory_space<vmem>>, vector<16xf32>,
        tpu.vector_store %arg10[%parallel_loop3A_1498, %parallel_loop3A_1499, %parallel_loop3A_1500], %parallel_loop3A_1497 {strides = array<i32>} : memref<4x16x768xf32, #tpu.memory_space<vmem>>, vector<16xf32>,
        %parallel_loop3A_1502 = arith.index_cast %rem3A_230 : i32 to index
        %parallel_loop3A_1503 = arith.index_cast %parallel_loop3A_275 : i32 to index
        %parallel_loop3A_1504 = arith.constant 304 : index
        %parallel_loop3A_1505 = tpu.vector_load %arg10[%parallel_loop3A_1502, %parallel_loop3A_1503, %parallel_loop3A_1504] {strides = array<i32>} : memref<4x16x768xf32, #tpu.memory_space<vmem>>, vector<16xf32>,
        %parallel_loop3A_1506 = arith.constant 304 : index
        %parallel_loop3A_1507 = tpu.vector_load %arg12[%parallel_loop3A_1506] {strides = array<i32>} : memref<768xf32, #tpu.memory_space<vmem>>, vector<16xf32>,
        %parallel_loop3A_1508 = arith.constant 304 : index
        %parallel_loop3A_1509 = tpu.vector_load %arg13[%parallel_loop3A_1508] {strides = array<i32>} : memref<768xf32, #tpu.memory_space<vmem>>, vector<16xf32>,
        %parallel_loop3A_1510 = arith.subf %parallel_loop3A_1505, %parallel_loop3A_1160 : vector<16xf32>
        %parallel_loop3A_1511 = arith.mulf %parallel_loop3A_1510, %parallel_loop3A_1197 : vector<16xf32>
        %parallel_loop3A_1512 = arith.mulf %parallel_loop3A_1511, %parallel_loop3A_1507 : vector<16xf32>
        %parallel_loop3A_1513 = arith.addf %parallel_loop3A_1512, %parallel_loop3A_1509 : vector<16xf32>
        %parallel_loop3A_1514 = arith.index_cast %rem3A_230 : i32 to index
        %parallel_loop3A_1515 = arith.index_cast %parallel_loop3A_275 : i32 to index
        %parallel_loop3A_1516 = arith.constant 304 : index
        %parallel_loop3A_1517 = tpu.vector_load %arg10[%parallel_loop3A_1514, %parallel_loop3A_1515, %parallel_loop3A_1516] {strides = array<i32>} : memref<4x16x768xf32, #tpu.memory_space<vmem>>, vector<16xf32>,
        tpu.vector_store %arg10[%parallel_loop3A_1514, %parallel_loop3A_1515, %parallel_loop3A_1516], %parallel_loop3A_1513 {strides = array<i32>} : memref<4x16x768xf32, #tpu.memory_space<vmem>>, vector<16xf32>,
        %parallel_loop3A_1518 = arith.index_cast %rem3A_230 : i32 to index
        %parallel_loop3A_1519 = arith.index_cast %parallel_loop3A_275 : i32 to index
        %parallel_loop3A_1520 = arith.constant 320 : index
        %parallel_loop3A_1521 = tpu.vector_load %arg10[%parallel_loop3A_1518, %parallel_loop3A_1519, %parallel_loop3A_1520] {strides = array<i32>} : memref<4x16x768xf32, #tpu.memory_space<vmem>>, vector<16xf32>,
        %parallel_loop3A_1522 = arith.constant 320 : index
        %parallel_loop3A_1523 = tpu.vector_load %arg12[%parallel_loop3A_1522] {strides = array<i32>} : memref<768xf32, #tpu.memory_space<vmem>>, vector<16xf32>,
        %parallel_loop3A_1524 = arith.constant 320 : index
        %parallel_loop3A_1525 = tpu.vector_load %arg13[%parallel_loop3A_1524] {strides = array<i32>} : memref<768xf32, #tpu.memory_space<vmem>>, vector<16xf32>,
        %parallel_loop3A_1526 = arith.subf %parallel_loop3A_1521, %parallel_loop3A_1160 : vector<16xf32>
        %parallel_loop3A_1527 = arith.mulf %parallel_loop3A_1526, %parallel_loop3A_1197 : vector<16xf32>
        %parallel_loop3A_1528 = arith.mulf %parallel_loop3A_1527, %parallel_loop3A_1523 : vector<16xf32>
        %parallel_loop3A_1529 = arith.addf %parallel_loop3A_1528, %parallel_loop3A_1525 : vector<16xf32>
        %parallel_loop3A_1530 = arith.index_cast %rem3A_230 : i32 to index
        %parallel_loop3A_1531 = arith.index_cast %parallel_loop3A_275 : i32 to index
        %parallel_loop3A_1532 = arith.constant 320 : index
        %parallel_loop3A_1533 = tpu.vector_load %arg10[%parallel_loop3A_1530, %parallel_loop3A_1531, %parallel_loop3A_1532] {strides = array<i32>} : memref<4x16x768xf32, #tpu.memory_space<vmem>>, vector<16xf32>,
        tpu.vector_store %arg10[%parallel_loop3A_1530, %parallel_loop3A_1531, %parallel_loop3A_1532], %parallel_loop3A_1529 {strides = array<i32>} : memref<4x16x768xf32, #tpu.memory_space<vmem>>, vector<16xf32>,
        %parallel_loop3A_1534 = arith.index_cast %rem3A_230 : i32 to index
        %parallel_loop3A_1535 = arith.index_cast %parallel_loop3A_275 : i32 to index
        %parallel_loop3A_1536 = arith.constant 336 : index
        %parallel_loop3A_1537 = tpu.vector_load %arg10[%parallel_loop3A_1534, %parallel_loop3A_1535, %parallel_loop3A_1536] {strides = array<i32>} : memref<4x16x768xf32, #tpu.memory_space<vmem>>, vector<16xf32>,
        %parallel_loop3A_1538 = arith.constant 336 : index
        %parallel_loop3A_1539 = tpu.vector_load %arg12[%parallel_loop3A_1538] {strides = array<i32>} : memref<768xf32, #tpu.memory_space<vmem>>, vector<16xf32>,
        %parallel_loop3A_1540 = arith.constant 336 : index
        %parallel_loop3A_1541 = tpu.vector_load %arg13[%parallel_loop3A_1540] {strides = array<i32>} : memref<768xf32, #tpu.memory_space<vmem>>, vector<16xf32>,
        %parallel_loop3A_1542 = arith.subf %parallel_loop3A_1537, %parallel_loop3A_1160 : vector<16xf32>
        %parallel_loop3A_1543 = arith.mulf %parallel_loop3A_1542, %parallel_loop3A_1197 : vector<16xf32>
        %parallel_loop3A_1544 = arith.mulf %parallel_loop3A_1543, %parallel_loop3A_1539 : vector<16xf32>
        %parallel_loop3A_1545 = arith.addf %parallel_loop3A_1544, %parallel_loop3A_1541 : vector<16xf32>
        %parallel_loop3A_1546 = arith.index_cast %rem3A_230 : i32 to index
        %parallel_loop3A_1547 = arith.index_cast %parallel_loop3A_275 : i32 to index
        %parallel_loop3A_1548 = arith.constant 336 : index
        %parallel_loop3A_1549 = tpu.vector_load %arg10[%parallel_loop3A_1546, %parallel_loop3A_1547, %parallel_loop3A_1548] {strides = array<i32>} : memref<4x16x768xf32, #tpu.memory_space<vmem>>, vector<16xf32>,
        tpu.vector_store %arg10[%parallel_loop3A_1546, %parallel_loop3A_1547, %parallel_loop3A_1548], %parallel_loop3A_1545 {strides = array<i32>} : memref<4x16x768xf32, #tpu.memory_space<vmem>>, vector<16xf32>,
        %parallel_loop3A_1550 = arith.index_cast %rem3A_230 : i32 to index
        %parallel_loop3A_1551 = arith.index_cast %parallel_loop3A_275 : i32 to index
        %parallel_loop3A_1552 = arith.constant 352 : index
        %parallel_loop3A_1553 = tpu.vector_load %arg10[%parallel_loop3A_1550, %parallel_loop3A_1551, %parallel_loop3A_1552] {strides = array<i32>} : memref<4x16x768xf32, #tpu.memory_space<vmem>>, vector<16xf32>,
        %parallel_loop3A_1554 = arith.constant 352 : index
        %parallel_loop3A_1555 = tpu.vector_load %arg12[%parallel_loop3A_1554] {strides = array<i32>} : memref<768xf32, #tpu.memory_space<vmem>>, vector<16xf32>,
        %parallel_loop3A_1556 = arith.constant 352 : index
        %parallel_loop3A_1557 = tpu.vector_load %arg13[%parallel_loop3A_1556] {strides = array<i32>} : memref<768xf32, #tpu.memory_space<vmem>>, vector<16xf32>,
        %parallel_loop3A_1558 = arith.subf %parallel_loop3A_1553, %parallel_loop3A_1160 : vector<16xf32>
        %parallel_loop3A_1559 = arith.mulf %parallel_loop3A_1558, %parallel_loop3A_1197 : vector<16xf32>
        %parallel_loop3A_1560 = arith.mulf %parallel_loop3A_1559, %parallel_loop3A_1555 : vector<16xf32>
        %parallel_loop3A_1561 = arith.addf %parallel_loop3A_1560, %parallel_loop3A_1557 : vector<16xf32>
        %parallel_loop3A_1562 = arith.index_cast %rem3A_230 : i32 to index
        %parallel_loop3A_1563 = arith.index_cast %parallel_loop3A_275 : i32 to index
        %parallel_loop3A_1564 = arith.constant 352 : index
        %parallel_loop3A_1565 = tpu.vector_load %arg10[%parallel_loop3A_1562, %parallel_loop3A_1563, %parallel_loop3A_1564] {strides = array<i32>} : memref<4x16x768xf32, #tpu.memory_space<vmem>>, vector<16xf32>,
        tpu.vector_store %arg10[%parallel_loop3A_1562, %parallel_loop3A_1563, %parallel_loop3A_1564], %parallel_loop3A_1561 {strides = array<i32>} : memref<4x16x768xf32, #tpu.memory_space<vmem>>, vector<16xf32>,
        %parallel_loop3A_1566 = arith.index_cast %rem3A_230 : i32 to index
        %parallel_loop3A_1567 = arith.index_cast %parallel_loop3A_275 : i32 to index
        %parallel_loop3A_1568 = arith.constant 368 : index
        %parallel_loop3A_1569 = tpu.vector_load %arg10[%parallel_loop3A_1566, %parallel_loop3A_1567, %parallel_loop3A_1568] {strides = array<i32>} : memref<4x16x768xf32, #tpu.memory_space<vmem>>, vector<16xf32>,
        %parallel_loop3A_1570 = arith.constant 368 : index
        %parallel_loop3A_1571 = tpu.vector_load %arg12[%parallel_loop3A_1570] {strides = array<i32>} : memref<768xf32, #tpu.memory_space<vmem>>, vector<16xf32>,
        %parallel_loop3A_1572 = arith.constant 368 : index
        %parallel_loop3A_1573 = tpu.vector_load %arg13[%parallel_loop3A_1572] {strides = array<i32>} : memref<768xf32, #tpu.memory_space<vmem>>, vector<16xf32>,
        %parallel_loop3A_1574 = arith.subf %parallel_loop3A_1569, %parallel_loop3A_1160 : vector<16xf32>
        %parallel_loop3A_1575 = arith.mulf %parallel_loop3A_1574, %parallel_loop3A_1197 : vector<16xf32>
        %parallel_loop3A_1576 = arith.mulf %parallel_loop3A_1575, %parallel_loop3A_1571 : vector<16xf32>
        %parallel_loop3A_1577 = arith.addf %parallel_loop3A_1576, %parallel_loop3A_1573 : vector<16xf32>
        %parallel_loop3A_1578 = arith.index_cast %rem3A_230 : i32 to index
        %parallel_loop3A_1579 = arith.index_cast %parallel_loop3A_275 : i32 to index
        %parallel_loop3A_1580 = arith.constant 368 : index
        %parallel_loop3A_1581 = tpu.vector_load %arg10[%parallel_loop3A_1578, %parallel_loop3A_1579, %parallel_loop3A_1580] {strides = array<i32>} : memref<4x16x768xf32, #tpu.memory_space<vmem>>, vector<16xf32>,
        tpu.vector_store %arg10[%parallel_loop3A_1578, %parallel_loop3A_1579, %parallel_loop3A_1580], %parallel_loop3A_1577 {strides = array<i32>} : memref<4x16x768xf32, #tpu.memory_space<vmem>>, vector<16xf32>,
        %parallel_loop3A_1582 = arith.index_cast %rem3A_230 : i32 to index
        %parallel_loop3A_1583 = arith.index_cast %parallel_loop3A_275 : i32 to index
        %parallel_loop3A_1584 = arith.constant 384 : index
        %parallel_loop3A_1585 = tpu.vector_load %arg10[%parallel_loop3A_1582, %parallel_loop3A_1583, %parallel_loop3A_1584] {strides = array<i32>} : memref<4x16x768xf32, #tpu.memory_space<vmem>>, vector<16xf32>,
        %parallel_loop3A_1586 = arith.constant 384 : index
        %parallel_loop3A_1587 = tpu.vector_load %arg12[%parallel_loop3A_1586] {strides = array<i32>} : memref<768xf32, #tpu.memory_space<vmem>>, vector<16xf32>,
        %parallel_loop3A_1588 = arith.constant 384 : index
        %parallel_loop3A_1589 = tpu.vector_load %arg13[%parallel_loop3A_1588] {strides = array<i32>} : memref<768xf32, #tpu.memory_space<vmem>>, vector<16xf32>,
        %parallel_loop3A_1590 = arith.subf %parallel_loop3A_1585, %parallel_loop3A_1160 : vector<16xf32>
        %parallel_loop3A_1591 = arith.mulf %parallel_loop3A_1590, %parallel_loop3A_1197 : vector<16xf32>
        %parallel_loop3A_1592 = arith.mulf %parallel_loop3A_1591, %parallel_loop3A_1587 : vector<16xf32>
        %parallel_loop3A_1593 = arith.addf %parallel_loop3A_1592, %parallel_loop3A_1589 : vector<16xf32>
        %parallel_loop3A_1594 = arith.index_cast %rem3A_230 : i32 to index
        %parallel_loop3A_1595 = arith.index_cast %parallel_loop3A_275 : i32 to index
        %parallel_loop3A_1596 = arith.constant 384 : index
        %parallel_loop3A_1597 = tpu.vector_load %arg10[%parallel_loop3A_1594, %parallel_loop3A_1595, %parallel_loop3A_1596] {strides = array<i32>} : memref<4x16x768xf32, #tpu.memory_space<vmem>>, vector<16xf32>,
        tpu.vector_store %arg10[%parallel_loop3A_1594, %parallel_loop3A_1595, %parallel_loop3A_1596], %parallel_loop3A_1593 {strides = array<i32>} : memref<4x16x768xf32, #tpu.memory_space<vmem>>, vector<16xf32>,
        %parallel_loop3A_1598 = arith.index_cast %rem3A_230 : i32 to index
        %parallel_loop3A_1599 = arith.index_cast %parallel_loop3A_275 : i32 to index
        %parallel_loop3A_1600 = arith.constant 400 : index
        %parallel_loop3A_1601 = tpu.vector_load %arg10[%parallel_loop3A_1598, %parallel_loop3A_1599, %parallel_loop3A_1600] {strides = array<i32>} : memref<4x16x768xf32, #tpu.memory_space<vmem>>, vector<16xf32>,
        %parallel_loop3A_1602 = arith.constant 400 : index
        %parallel_loop3A_1603 = tpu.vector_load %arg12[%parallel_loop3A_1602] {strides = array<i32>} : memref<768xf32, #tpu.memory_space<vmem>>, vector<16xf32>,
        %parallel_loop3A_1604 = arith.constant 400 : index
        %parallel_loop3A_1605 = tpu.vector_load %arg13[%parallel_loop3A_1604] {strides = array<i32>} : memref<768xf32, #tpu.memory_space<vmem>>, vector<16xf32>,
        %parallel_loop3A_1606 = arith.subf %parallel_loop3A_1601, %parallel_loop3A_1160 : vector<16xf32>
        %parallel_loop3A_1607 = arith.mulf %parallel_loop3A_1606, %parallel_loop3A_1197 : vector<16xf32>
        %parallel_loop3A_1608 = arith.mulf %parallel_loop3A_1607, %parallel_loop3A_1603 : vector<16xf32>
        %parallel_loop3A_1609 = arith.addf %parallel_loop3A_1608, %parallel_loop3A_1605 : vector<16xf32>
        %parallel_loop3A_1610 = arith.index_cast %rem3A_230 : i32 to index
        %parallel_loop3A_1611 = arith.index_cast %parallel_loop3A_275 : i32 to index
        %parallel_loop3A_1612 = arith.constant 400 : index
        %parallel_loop3A_1613 = tpu.vector_load %arg10[%parallel_loop3A_1610, %parallel_loop3A_1611, %parallel_loop3A_1612] {strides = array<i32>} : memref<4x16x768xf32, #tpu.memory_space<vmem>>, vector<16xf32>,
        tpu.vector_store %arg10[%parallel_loop3A_1610, %parallel_loop3A_1611, %parallel_loop3A_1612], %parallel_loop3A_1609 {strides = array<i32>} : memref<4x16x768xf32, #tpu.memory_space<vmem>>, vector<16xf32>,
        %parallel_loop3A_1614 = arith.index_cast %rem3A_230 : i32 to index
        %parallel_loop3A_1615 = arith.index_cast %parallel_loop3A_275 : i32 to index
        %parallel_loop3A_1616 = arith.constant 416 : index
        %parallel_loop3A_1617 = tpu.vector_load %arg10[%parallel_loop3A_1614, %parallel_loop3A_1615, %parallel_loop3A_1616] {strides = array<i32>} : memref<4x16x768xf32, #tpu.memory_space<vmem>>, vector<16xf32>,
        %parallel_loop3A_1618 = arith.constant 416 : index
        %parallel_loop3A_1619 = tpu.vector_load %arg12[%parallel_loop3A_1618] {strides = array<i32>} : memref<768xf32, #tpu.memory_space<vmem>>, vector<16xf32>,
        %parallel_loop3A_1620 = arith.constant 416 : index
        %parallel_loop3A_1621 = tpu.vector_load %arg13[%parallel_loop3A_1620] {strides = array<i32>} : memref<768xf32, #tpu.memory_space<vmem>>, vector<16xf32>,
        %parallel_loop3A_1622 = arith.subf %parallel_loop3A_1617, %parallel_loop3A_1160 : vector<16xf32>
        %parallel_loop3A_1623 = arith.mulf %parallel_loop3A_1622, %parallel_loop3A_1197 : vector<16xf32>
        %parallel_loop3A_1624 = arith.mulf %parallel_loop3A_1623, %parallel_loop3A_1619 : vector<16xf32>
        %parallel_loop3A_1625 = arith.addf %parallel_loop3A_1624, %parallel_loop3A_1621 : vector<16xf32>
        %parallel_loop3A_1626 = arith.index_cast %rem3A_230 : i32 to index
        %parallel_loop3A_1627 = arith.index_cast %parallel_loop3A_275 : i32 to index
        %parallel_loop3A_1628 = arith.constant 416 : index
        %parallel_loop3A_1629 = tpu.vector_load %arg10[%parallel_loop3A_1626, %parallel_loop3A_1627, %parallel_loop3A_1628] {strides = array<i32>} : memref<4x16x768xf32, #tpu.memory_space<vmem>>, vector<16xf32>,
        tpu.vector_store %arg10[%parallel_loop3A_1626, %parallel_loop3A_1627, %parallel_loop3A_1628], %parallel_loop3A_1625 {strides = array<i32>} : memref<4x16x768xf32, #tpu.memory_space<vmem>>, vector<16xf32>,
        %parallel_loop3A_1630 = arith.index_cast %rem3A_230 : i32 to index
        %parallel_loop3A_1631 = arith.index_cast %parallel_loop3A_275 : i32 to index
        %parallel_loop3A_1632 = arith.constant 432 : index
        %parallel_loop3A_1633 = tpu.vector_load %arg10[%parallel_loop3A_1630, %parallel_loop3A_1631, %parallel_loop3A_1632] {strides = array<i32>} : memref<4x16x768xf32, #tpu.memory_space<vmem>>, vector<16xf32>,
        %parallel_loop3A_1634 = arith.constant 432 : index
        %parallel_loop3A_1635 = tpu.vector_load %arg12[%parallel_loop3A_1634] {strides = array<i32>} : memref<768xf32, #tpu.memory_space<vmem>>, vector<16xf32>,
        %parallel_loop3A_1636 = arith.constant 432 : index
        %parallel_loop3A_1637 = tpu.vector_load %arg13[%parallel_loop3A_1636] {strides = array<i32>} : memref<768xf32, #tpu.memory_space<vmem>>, vector<16xf32>,
        %parallel_loop3A_1638 = arith.subf %parallel_loop3A_1633, %parallel_loop3A_1160 : vector<16xf32>
        %parallel_loop3A_1639 = arith.mulf %parallel_loop3A_1638, %parallel_loop3A_1197 : vector<16xf32>
        %parallel_loop3A_1640 = arith.mulf %parallel_loop3A_1639, %parallel_loop3A_1635 : vector<16xf32>
        %parallel_loop3A_1641 = arith.addf %parallel_loop3A_1640, %parallel_loop3A_1637 : vector<16xf32>
        %parallel_loop3A_1642 = arith.index_cast %rem3A_230 : i32 to index
        %parallel_loop3A_1643 = arith.index_cast %parallel_loop3A_275 : i32 to index
        %parallel_loop3A_1644 = arith.constant 432 : index
        %parallel_loop3A_1645 = tpu.vector_load %arg10[%parallel_loop3A_1642, %parallel_loop3A_1643, %parallel_loop3A_1644] {strides = array<i32>} : memref<4x16x768xf32, #tpu.memory_space<vmem>>, vector<16xf32>,
        tpu.vector_store %arg10[%parallel_loop3A_1642, %parallel_loop3A_1643, %parallel_loop3A_1644], %parallel_loop3A_1641 {strides = array<i32>} : memref<4x16x768xf32, #tpu.memory_space<vmem>>, vector<16xf32>,
        %parallel_loop3A_1646 = arith.index_cast %rem3A_230 : i32 to index
        %parallel_loop3A_1647 = arith.index_cast %parallel_loop3A_275 : i32 to index
        %parallel_loop3A_1648 = arith.constant 448 : index
        %parallel_loop3A_1649 = tpu.vector_load %arg10[%parallel_loop3A_1646, %parallel_loop3A_1647, %parallel_loop3A_1648] {strides = array<i32>} : memref<4x16x768xf32, #tpu.memory_space<vmem>>, vector<16xf32>,
        %parallel_loop3A_1650 = arith.constant 448 : index
        %parallel_loop3A_1651 = tpu.vector_load %arg12[%parallel_loop3A_1650] {strides = array<i32>} : memref<768xf32, #tpu.memory_space<vmem>>, vector<16xf32>,
        %parallel_loop3A_1652 = arith.constant 448 : index
        %parallel_loop3A_1653 = tpu.vector_load %arg13[%parallel_loop3A_1652] {strides = array<i32>} : memref<768xf32, #tpu.memory_space<vmem>>, vector<16xf32>,
        %parallel_loop3A_1654 = arith.subf %parallel_loop3A_1649, %parallel_loop3A_1160 : vector<16xf32>
        %parallel_loop3A_1655 = arith.mulf %parallel_loop3A_1654, %parallel_loop3A_1197 : vector<16xf32>
        %parallel_loop3A_1656 = arith.mulf %parallel_loop3A_1655, %parallel_loop3A_1651 : vector<16xf32>
        %parallel_loop3A_1657 = arith.addf %parallel_loop3A_1656, %parallel_loop3A_1653 : vector<16xf32>
        %parallel_loop3A_1658 = arith.index_cast %rem3A_230 : i32 to index
        %parallel_loop3A_1659 = arith.index_cast %parallel_loop3A_275 : i32 to index
        %parallel_loop3A_1660 = arith.constant 448 : index
        %parallel_loop3A_1661 = tpu.vector_load %arg10[%parallel_loop3A_1658, %parallel_loop3A_1659, %parallel_loop3A_1660] {strides = array<i32>} : memref<4x16x768xf32, #tpu.memory_space<vmem>>, vector<16xf32>,
        tpu.vector_store %arg10[%parallel_loop3A_1658, %parallel_loop3A_1659, %parallel_loop3A_1660], %parallel_loop3A_1657 {strides = array<i32>} : memref<4x16x768xf32, #tpu.memory_space<vmem>>, vector<16xf32>,
        %parallel_loop3A_1662 = arith.index_cast %rem3A_230 : i32 to index
        %parallel_loop3A_1663 = arith.index_cast %parallel_loop3A_275 : i32 to index
        %parallel_loop3A_1664 = arith.constant 464 : index
        %parallel_loop3A_1665 = tpu.vector_load %arg10[%parallel_loop3A_1662, %parallel_loop3A_1663, %parallel_loop3A_1664] {strides = array<i32>} : memref<4x16x768xf32, #tpu.memory_space<vmem>>, vector<16xf32>,
        %parallel_loop3A_1666 = arith.constant 464 : index
        %parallel_loop3A_1667 = tpu.vector_load %arg12[%parallel_loop3A_1666] {strides = array<i32>} : memref<768xf32, #tpu.memory_space<vmem>>, vector<16xf32>,
        %parallel_loop3A_1668 = arith.constant 464 : index
        %parallel_loop3A_1669 = tpu.vector_load %arg13[%parallel_loop3A_1668] {strides = array<i32>} : memref<768xf32, #tpu.memory_space<vmem>>, vector<16xf32>,
        %parallel_loop3A_1670 = arith.subf %parallel_loop3A_1665, %parallel_loop3A_1160 : vector<16xf32>
        %parallel_loop3A_1671 = arith.mulf %parallel_loop3A_1670, %parallel_loop3A_1197 : vector<16xf32>
        %parallel_loop3A_1672 = arith.mulf %parallel_loop3A_1671, %parallel_loop3A_1667 : vector<16xf32>
        %parallel_loop3A_1673 = arith.addf %parallel_loop3A_1672, %parallel_loop3A_1669 : vector<16xf32>
        %parallel_loop3A_1674 = arith.index_cast %rem3A_230 : i32 to index
        %parallel_loop3A_1675 = arith.index_cast %parallel_loop3A_275 : i32 to index
        %parallel_loop3A_1676 = arith.constant 464 : index
        %parallel_loop3A_1677 = tpu.vector_load %arg10[%parallel_loop3A_1674, %parallel_loop3A_1675, %parallel_loop3A_1676] {strides = array<i32>} : memref<4x16x768xf32, #tpu.memory_space<vmem>>, vector<16xf32>,
        tpu.vector_store %arg10[%parallel_loop3A_1674, %parallel_loop3A_1675, %parallel_loop3A_1676], %parallel_loop3A_1673 {strides = array<i32>} : memref<4x16x768xf32, #tpu.memory_space<vmem>>, vector<16xf32>,
        %parallel_loop3A_1678 = arith.index_cast %rem3A_230 : i32 to index
        %parallel_loop3A_1679 = arith.index_cast %parallel_loop3A_275 : i32 to index
        %parallel_loop3A_1680 = arith.constant 480 : index
        %parallel_loop3A_1681 = tpu.vector_load %arg10[%parallel_loop3A_1678, %parallel_loop3A_1679, %parallel_loop3A_1680] {strides = array<i32>} : memref<4x16x768xf32, #tpu.memory_space<vmem>>, vector<16xf32>,
        %parallel_loop3A_1682 = arith.constant 480 : index
        %parallel_loop3A_1683 = tpu.vector_load %arg12[%parallel_loop3A_1682] {strides = array<i32>} : memref<768xf32, #tpu.memory_space<vmem>>, vector<16xf32>,
        %parallel_loop3A_1684 = arith.constant 480 : index
        %parallel_loop3A_1685 = tpu.vector_load %arg13[%parallel_loop3A_1684] {strides = array<i32>} : memref<768xf32, #tpu.memory_space<vmem>>, vector<16xf32>,
        %parallel_loop3A_1686 = arith.subf %parallel_loop3A_1681, %parallel_loop3A_1160 : vector<16xf32>
        %parallel_loop3A_1687 = arith.mulf %parallel_loop3A_1686, %parallel_loop3A_1197 : vector<16xf32>
        %parallel_loop3A_1688 = arith.mulf %parallel_loop3A_1687, %parallel_loop3A_1683 : vector<16xf32>
        %parallel_loop3A_1689 = arith.addf %parallel_loop3A_1688, %parallel_loop3A_1685 : vector<16xf32>
        %parallel_loop3A_1690 = arith.index_cast %rem3A_230 : i32 to index
        %parallel_loop3A_1691 = arith.index_cast %parallel_loop3A_275 : i32 to index
        %parallel_loop3A_1692 = arith.constant 480 : index
        %parallel_loop3A_1693 = tpu.vector_load %arg10[%parallel_loop3A_1690, %parallel_loop3A_1691, %parallel_loop3A_1692] {strides = array<i32>} : memref<4x16x768xf32, #tpu.memory_space<vmem>>, vector<16xf32>,
        tpu.vector_store %arg10[%parallel_loop3A_1690, %parallel_loop3A_1691, %parallel_loop3A_1692], %parallel_loop3A_1689 {strides = array<i32>} : memref<4x16x768xf32, #tpu.memory_space<vmem>>, vector<16xf32>,
        %parallel_loop3A_1694 = arith.index_cast %rem3A_230 : i32 to index
        %parallel_loop3A_1695 = arith.index_cast %parallel_loop3A_275 : i32 to index
        %parallel_loop3A_1696 = arith.constant 496 : index
        %parallel_loop3A_1697 = tpu.vector_load %arg10[%parallel_loop3A_1694, %parallel_loop3A_1695, %parallel_loop3A_1696] {strides = array<i32>} : memref<4x16x768xf32, #tpu.memory_space<vmem>>, vector<16xf32>,
        %parallel_loop3A_1698 = arith.constant 496 : index
        %parallel_loop3A_1699 = tpu.vector_load %arg12[%parallel_loop3A_1698] {strides = array<i32>} : memref<768xf32, #tpu.memory_space<vmem>>, vector<16xf32>,
        %parallel_loop3A_1700 = arith.constant 496 : index
        %parallel_loop3A_1701 = tpu.vector_load %arg13[%parallel_loop3A_1700] {strides = array<i32>} : memref<768xf32, #tpu.memory_space<vmem>>, vector<16xf32>,
        %parallel_loop3A_1702 = arith.subf %parallel_loop3A_1697, %parallel_loop3A_1160 : vector<16xf32>
        %parallel_loop3A_1703 = arith.mulf %parallel_loop3A_1702, %parallel_loop3A_1197 : vector<16xf32>
        %parallel_loop3A_1704 = arith.mulf %parallel_loop3A_1703, %parallel_loop3A_1699 : vector<16xf32>
        %parallel_loop3A_1705 = arith.addf %parallel_loop3A_1704, %parallel_loop3A_1701 : vector<16xf32>
        %parallel_loop3A_1706 = arith.index_cast %rem3A_230 : i32 to index
        %parallel_loop3A_1707 = arith.index_cast %parallel_loop3A_275 : i32 to index
        %parallel_loop3A_1708 = arith.constant 496 : index
        %parallel_loop3A_1709 = tpu.vector_load %arg10[%parallel_loop3A_1706, %parallel_loop3A_1707, %parallel_loop3A_1708] {strides = array<i32>} : memref<4x16x768xf32, #tpu.memory_space<vmem>>, vector<16xf32>,
        tpu.vector_store %arg10[%parallel_loop3A_1706, %parallel_loop3A_1707, %parallel_loop3A_1708], %parallel_loop3A_1705 {strides = array<i32>} : memref<4x16x768xf32, #tpu.memory_space<vmem>>, vector<16xf32>,
        %parallel_loop3A_1710 = arith.index_cast %rem3A_230 : i32 to index
        %parallel_loop3A_1711 = arith.index_cast %parallel_loop3A_275 : i32 to index
        %parallel_loop3A_1712 = arith.constant 512 : index
        %parallel_loop3A_1713 = tpu.vector_load %arg10[%parallel_loop3A_1710, %parallel_loop3A_1711, %parallel_loop3A_1712] {strides = array<i32>} : memref<4x16x768xf32, #tpu.memory_space<vmem>>, vector<16xf32>,
        %parallel_loop3A_1714 = arith.constant 512 : index
        %parallel_loop3A_1715 = tpu.vector_load %arg12[%parallel_loop3A_1714] {strides = array<i32>} : memref<768xf32, #tpu.memory_space<vmem>>, vector<16xf32>,
        %parallel_loop3A_1716 = arith.constant 512 : index
        %parallel_loop3A_1717 = tpu.vector_load %arg13[%parallel_loop3A_1716] {strides = array<i32>} : memref<768xf32, #tpu.memory_space<vmem>>, vector<16xf32>,
        %parallel_loop3A_1718 = arith.subf %parallel_loop3A_1713, %parallel_loop3A_1160 : vector<16xf32>
        %parallel_loop3A_1719 = arith.mulf %parallel_loop3A_1718, %parallel_loop3A_1197 : vector<16xf32>
        %parallel_loop3A_1720 = arith.mulf %parallel_loop3A_1719, %parallel_loop3A_1715 : vector<16xf32>
        %parallel_loop3A_1721 = arith.addf %parallel_loop3A_1720, %parallel_loop3A_1717 : vector<16xf32>
        %parallel_loop3A_1722 = arith.index_cast %rem3A_230 : i32 to index
        %parallel_loop3A_1723 = arith.index_cast %parallel_loop3A_275 : i32 to index
        %parallel_loop3A_1724 = arith.constant 512 : index
        %parallel_loop3A_1725 = tpu.vector_load %arg10[%parallel_loop3A_1722, %parallel_loop3A_1723, %parallel_loop3A_1724] {strides = array<i32>} : memref<4x16x768xf32, #tpu.memory_space<vmem>>, vector<16xf32>,
        tpu.vector_store %arg10[%parallel_loop3A_1722, %parallel_loop3A_1723, %parallel_loop3A_1724], %parallel_loop3A_1721 {strides = array<i32>} : memref<4x16x768xf32, #tpu.memory_space<vmem>>, vector<16xf32>,
        %parallel_loop3A_1726 = arith.index_cast %rem3A_230 : i32 to index
        %parallel_loop3A_1727 = arith.index_cast %parallel_loop3A_275 : i32 to index
        %parallel_loop3A_1728 = arith.constant 528 : index
        %parallel_loop3A_1729 = tpu.vector_load %arg10[%parallel_loop3A_1726, %parallel_loop3A_1727, %parallel_loop3A_1728] {strides = array<i32>} : memref<4x16x768xf32, #tpu.memory_space<vmem>>, vector<16xf32>,
        %parallel_loop3A_1730 = arith.constant 528 : index
        %parallel_loop3A_1731 = tpu.vector_load %arg12[%parallel_loop3A_1730] {strides = array<i32>} : memref<768xf32, #tpu.memory_space<vmem>>, vector<16xf32>,
        %parallel_loop3A_1732 = arith.constant 528 : index
        %parallel_loop3A_1733 = tpu.vector_load %arg13[%parallel_loop3A_1732] {strides = array<i32>} : memref<768xf32, #tpu.memory_space<vmem>>, vector<16xf32>,
        %parallel_loop3A_1734 = arith.subf %parallel_loop3A_1729, %parallel_loop3A_1160 : vector<16xf32>
        %parallel_loop3A_1735 = arith.mulf %parallel_loop3A_1734, %parallel_loop3A_1197 : vector<16xf32>
        %parallel_loop3A_1736 = arith.mulf %parallel_loop3A_1735, %parallel_loop3A_1731 : vector<16xf32>
        %parallel_loop3A_1737 = arith.addf %parallel_loop3A_1736, %parallel_loop3A_1733 : vector<16xf32>
        %parallel_loop3A_1738 = arith.index_cast %rem3A_230 : i32 to index
        %parallel_loop3A_1739 = arith.index_cast %parallel_loop3A_275 : i32 to index
        %parallel_loop3A_1740 = arith.constant 528 : index
        %parallel_loop3A_1741 = tpu.vector_load %arg10[%parallel_loop3A_1738, %parallel_loop3A_1739, %parallel_loop3A_1740] {strides = array<i32>} : memref<4x16x768xf32, #tpu.memory_space<vmem>>, vector<16xf32>,
        tpu.vector_store %arg10[%parallel_loop3A_1738, %parallel_loop3A_1739, %parallel_loop3A_1740], %parallel_loop3A_1737 {strides = array<i32>} : memref<4x16x768xf32, #tpu.memory_space<vmem>>, vector<16xf32>,
        %parallel_loop3A_1742 = arith.index_cast %rem3A_230 : i32 to index
        %parallel_loop3A_1743 = arith.index_cast %parallel_loop3A_275 : i32 to index
        %parallel_loop3A_1744 = arith.constant 544 : index
        %parallel_loop3A_1745 = tpu.vector_load %arg10[%parallel_loop3A_1742, %parallel_loop3A_1743, %parallel_loop3A_1744] {strides = array<i32>} : memref<4x16x768xf32, #tpu.memory_space<vmem>>, vector<16xf32>,
        %parallel_loop3A_1746 = arith.constant 544 : index
        %parallel_loop3A_1747 = tpu.vector_load %arg12[%parallel_loop3A_1746] {strides = array<i32>} : memref<768xf32, #tpu.memory_space<vmem>>, vector<16xf32>,
        %parallel_loop3A_1748 = arith.constant 544 : index
        %parallel_loop3A_1749 = tpu.vector_load %arg13[%parallel_loop3A_1748] {strides = array<i32>} : memref<768xf32, #tpu.memory_space<vmem>>, vector<16xf32>,
        %parallel_loop3A_1750 = arith.subf %parallel_loop3A_1745, %parallel_loop3A_1160 : vector<16xf32>
        %parallel_loop3A_1751 = arith.mulf %parallel_loop3A_1750, %parallel_loop3A_1197 : vector<16xf32>
        %parallel_loop3A_1752 = arith.mulf %parallel_loop3A_1751, %parallel_loop3A_1747 : vector<16xf32>
        %parallel_loop3A_1753 = arith.addf %parallel_loop3A_1752, %parallel_loop3A_1749 : vector<16xf32>
        %parallel_loop3A_1754 = arith.index_cast %rem3A_230 : i32 to index
        %parallel_loop3A_1755 = arith.index_cast %parallel_loop3A_275 : i32 to index
        %parallel_loop3A_1756 = arith.constant 544 : index
        %parallel_loop3A_1757 = tpu.vector_load %arg10[%parallel_loop3A_1754, %parallel_loop3A_1755, %parallel_loop3A_1756] {strides = array<i32>} : memref<4x16x768xf32, #tpu.memory_space<vmem>>, vector<16xf32>,
        tpu.vector_store %arg10[%parallel_loop3A_1754, %parallel_loop3A_1755, %parallel_loop3A_1756], %parallel_loop3A_1753 {strides = array<i32>} : memref<4x16x768xf32, #tpu.memory_space<vmem>>, vector<16xf32>,
        %parallel_loop3A_1758 = arith.index_cast %rem3A_230 : i32 to index
        %parallel_loop3A_1759 = arith.index_cast %parallel_loop3A_275 : i32 to index
        %parallel_loop3A_1760 = arith.constant 560 : index
        %parallel_loop3A_1761 = tpu.vector_load %arg10[%parallel_loop3A_1758, %parallel_loop3A_1759, %parallel_loop3A_1760] {strides = array<i32>} : memref<4x16x768xf32, #tpu.memory_space<vmem>>, vector<16xf32>,
        %parallel_loop3A_1762 = arith.constant 560 : index
        %parallel_loop3A_1763 = tpu.vector_load %arg12[%parallel_loop3A_1762] {strides = array<i32>} : memref<768xf32, #tpu.memory_space<vmem>>, vector<16xf32>,
        %parallel_loop3A_1764 = arith.constant 560 : index
        %parallel_loop3A_1765 = tpu.vector_load %arg13[%parallel_loop3A_1764] {strides = array<i32>} : memref<768xf32, #tpu.memory_space<vmem>>, vector<16xf32>,
        %parallel_loop3A_1766 = arith.subf %parallel_loop3A_1761, %parallel_loop3A_1160 : vector<16xf32>
        %parallel_loop3A_1767 = arith.mulf %parallel_loop3A_1766, %parallel_loop3A_1197 : vector<16xf32>
        %parallel_loop3A_1768 = arith.mulf %parallel_loop3A_1767, %parallel_loop3A_1763 : vector<16xf32>
        %parallel_loop3A_1769 = arith.addf %parallel_loop3A_1768, %parallel_loop3A_1765 : vector<16xf32>
        %parallel_loop3A_1770 = arith.index_cast %rem3A_230 : i32 to index
        %parallel_loop3A_1771 = arith.index_cast %parallel_loop3A_275 : i32 to index
        %parallel_loop3A_1772 = arith.constant 560 : index
        %parallel_loop3A_1773 = tpu.vector_load %arg10[%parallel_loop3A_1770, %parallel_loop3A_1771, %parallel_loop3A_1772] {strides = array<i32>} : memref<4x16x768xf32, #tpu.memory_space<vmem>>, vector<16xf32>,
        tpu.vector_store %arg10[%parallel_loop3A_1770, %parallel_loop3A_1771, %parallel_loop3A_1772], %parallel_loop3A_1769 {strides = array<i32>} : memref<4x16x768xf32, #tpu.memory_space<vmem>>, vector<16xf32>,
        %parallel_loop3A_1774 = arith.index_cast %rem3A_230 : i32 to index
        %parallel_loop3A_1775 = arith.index_cast %parallel_loop3A_275 : i32 to index
        %parallel_loop3A_1776 = arith.constant 576 : index
        %parallel_loop3A_1777 = tpu.vector_load %arg10[%parallel_loop3A_1774, %parallel_loop3A_1775, %parallel_loop3A_1776] {strides = array<i32>} : memref<4x16x768xf32, #tpu.memory_space<vmem>>, vector<16xf32>,
        %parallel_loop3A_1778 = arith.constant 576 : index
        %parallel_loop3A_1779 = tpu.vector_load %arg12[%parallel_loop3A_1778] {strides = array<i32>} : memref<768xf32, #tpu.memory_space<vmem>>, vector<16xf32>,
        %parallel_loop3A_1780 = arith.constant 576 : index
        %parallel_loop3A_1781 = tpu.vector_load %arg13[%parallel_loop3A_1780] {strides = array<i32>} : memref<768xf32, #tpu.memory_space<vmem>>, vector<16xf32>,
        %parallel_loop3A_1782 = arith.subf %parallel_loop3A_1777, %parallel_loop3A_1160 : vector<16xf32>
        %parallel_loop3A_1783 = arith.mulf %parallel_loop3A_1782, %parallel_loop3A_1197 : vector<16xf32>
        %parallel_loop3A_1784 = arith.mulf %parallel_loop3A_1783, %parallel_loop3A_1779 : vector<16xf32>
        %parallel_loop3A_1785 = arith.addf %parallel_loop3A_1784, %parallel_loop3A_1781 : vector<16xf32>
        %parallel_loop3A_1786 = arith.index_cast %rem3A_230 : i32 to index
        %parallel_loop3A_1787 = arith.index_cast %parallel_loop3A_275 : i32 to index
        %parallel_loop3A_1788 = arith.constant 576 : index
        %parallel_loop3A_1789 = tpu.vector_load %arg10[%parallel_loop3A_1786, %parallel_loop3A_1787, %parallel_loop3A_1788] {strides = array<i32>} : memref<4x16x768xf32, #tpu.memory_space<vmem>>, vector<16xf32>,
        tpu.vector_store %arg10[%parallel_loop3A_1786, %parallel_loop3A_1787, %parallel_loop3A_1788], %parallel_loop3A_1785 {strides = array<i32>} : memref<4x16x768xf32, #tpu.memory_space<vmem>>, vector<16xf32>,
        %parallel_loop3A_1790 = arith.index_cast %rem3A_230 : i32 to index
        %parallel_loop3A_1791 = arith.index_cast %parallel_loop3A_275 : i32 to index
        %parallel_loop3A_1792 = arith.constant 592 : index
        %parallel_loop3A_1793 = tpu.vector_load %arg10[%parallel_loop3A_1790, %parallel_loop3A_1791, %parallel_loop3A_1792] {strides = array<i32>} : memref<4x16x768xf32, #tpu.memory_space<vmem>>, vector<16xf32>,
        %parallel_loop3A_1794 = arith.constant 592 : index
        %parallel_loop3A_1795 = tpu.vector_load %arg12[%parallel_loop3A_1794] {strides = array<i32>} : memref<768xf32, #tpu.memory_space<vmem>>, vector<16xf32>,
        %parallel_loop3A_1796 = arith.constant 592 : index
        %parallel_loop3A_1797 = tpu.vector_load %arg13[%parallel_loop3A_1796] {strides = array<i32>} : memref<768xf32, #tpu.memory_space<vmem>>, vector<16xf32>,
        %parallel_loop3A_1798 = arith.subf %parallel_loop3A_1793, %parallel_loop3A_1160 : vector<16xf32>
        %parallel_loop3A_1799 = arith.mulf %parallel_loop3A_1798, %parallel_loop3A_1197 : vector<16xf32>
        %parallel_loop3A_1800 = arith.mulf %parallel_loop3A_1799, %parallel_loop3A_1795 : vector<16xf32>
        %parallel_loop3A_1801 = arith.addf %parallel_loop3A_1800, %parallel_loop3A_1797 : vector<16xf32>
        %parallel_loop3A_1802 = arith.index_cast %rem3A_230 : i32 to index
        %parallel_loop3A_1803 = arith.index_cast %parallel_loop3A_275 : i32 to index
        %parallel_loop3A_1804 = arith.constant 592 : index
        %parallel_loop3A_1805 = tpu.vector_load %arg10[%parallel_loop3A_1802, %parallel_loop3A_1803, %parallel_loop3A_1804] {strides = array<i32>} : memref<4x16x768xf32, #tpu.memory_space<vmem>>, vector<16xf32>,
        tpu.vector_store %arg10[%parallel_loop3A_1802, %parallel_loop3A_1803, %parallel_loop3A_1804], %parallel_loop3A_1801 {strides = array<i32>} : memref<4x16x768xf32, #tpu.memory_space<vmem>>, vector<16xf32>,
        %parallel_loop3A_1806 = arith.index_cast %rem3A_230 : i32 to index
        %parallel_loop3A_1807 = arith.index_cast %parallel_loop3A_275 : i32 to index
        %parallel_loop3A_1808 = arith.constant 608 : index
        %parallel_loop3A_1809 = tpu.vector_load %arg10[%parallel_loop3A_1806, %parallel_loop3A_1807, %parallel_loop3A_1808] {strides = array<i32>} : memref<4x16x768xf32, #tpu.memory_space<vmem>>, vector<16xf32>,
        %parallel_loop3A_1810 = arith.constant 608 : index
        %parallel_loop3A_1811 = tpu.vector_load %arg12[%parallel_loop3A_1810] {strides = array<i32>} : memref<768xf32, #tpu.memory_space<vmem>>, vector<16xf32>,
        %parallel_loop3A_1812 = arith.constant 608 : index
        %parallel_loop3A_1813 = tpu.vector_load %arg13[%parallel_loop3A_1812] {strides = array<i32>} : memref<768xf32, #tpu.memory_space<vmem>>, vector<16xf32>,
        %parallel_loop3A_1814 = arith.subf %parallel_loop3A_1809, %parallel_loop3A_1160 : vector<16xf32>
        %parallel_loop3A_1815 = arith.mulf %parallel_loop3A_1814, %parallel_loop3A_1197 : vector<16xf32>
        %parallel_loop3A_1816 = arith.mulf %parallel_loop3A_1815, %parallel_loop3A_1811 : vector<16xf32>
        %parallel_loop3A_1817 = arith.addf %parallel_loop3A_1816, %parallel_loop3A_1813 : vector<16xf32>
        %parallel_loop3A_1818 = arith.index_cast %rem3A_230 : i32 to index
        %parallel_loop3A_1819 = arith.index_cast %parallel_loop3A_275 : i32 to index
        %parallel_loop3A_1820 = arith.constant 608 : index
        %parallel_loop3A_1821 = tpu.vector_load %arg10[%parallel_loop3A_1818, %parallel_loop3A_1819, %parallel_loop3A_1820] {strides = array<i32>} : memref<4x16x768xf32, #tpu.memory_space<vmem>>, vector<16xf32>,
        tpu.vector_store %arg10[%parallel_loop3A_1818, %parallel_loop3A_1819, %parallel_loop3A_1820], %parallel_loop3A_1817 {strides = array<i32>} : memref<4x16x768xf32, #tpu.memory_space<vmem>>, vector<16xf32>,
        %parallel_loop3A_1822 = arith.index_cast %rem3A_230 : i32 to index
        %parallel_loop3A_1823 = arith.index_cast %parallel_loop3A_275 : i32 to index
        %parallel_loop3A_1824 = arith.constant 624 : index
        %parallel_loop3A_1825 = tpu.vector_load %arg10[%parallel_loop3A_1822, %parallel_loop3A_1823, %parallel_loop3A_1824] {strides = array<i32>} : memref<4x16x768xf32, #tpu.memory_space<vmem>>, vector<16xf32>,
        %parallel_loop3A_1826 = arith.constant 624 : index
        %parallel_loop3A_1827 = tpu.vector_load %arg12[%parallel_loop3A_1826] {strides = array<i32>} : memref<768xf32, #tpu.memory_space<vmem>>, vector<16xf32>,
        %parallel_loop3A_1828 = arith.constant 624 : index
        %parallel_loop3A_1829 = tpu.vector_load %arg13[%parallel_loop3A_1828] {strides = array<i32>} : memref<768xf32, #tpu.memory_space<vmem>>, vector<16xf32>,
        %parallel_loop3A_1830 = arith.subf %parallel_loop3A_1825, %parallel_loop3A_1160 : vector<16xf32>
        %parallel_loop3A_1831 = arith.mulf %parallel_loop3A_1830, %parallel_loop3A_1197 : vector<16xf32>
        %parallel_loop3A_1832 = arith.mulf %parallel_loop3A_1831, %parallel_loop3A_1827 : vector<16xf32>
        %parallel_loop3A_1833 = arith.addf %parallel_loop3A_1832, %parallel_loop3A_1829 : vector<16xf32>
        %parallel_loop3A_1834 = arith.index_cast %rem3A_230 : i32 to index
        %parallel_loop3A_1835 = arith.index_cast %parallel_loop3A_275 : i32 to index
        %parallel_loop3A_1836 = arith.constant 624 : index
        %parallel_loop3A_1837 = tpu.vector_load %arg10[%parallel_loop3A_1834, %parallel_loop3A_1835, %parallel_loop3A_1836] {strides = array<i32>} : memref<4x16x768xf32, #tpu.memory_space<vmem>>, vector<16xf32>,
        tpu.vector_store %arg10[%parallel_loop3A_1834, %parallel_loop3A_1835, %parallel_loop3A_1836], %parallel_loop3A_1833 {strides = array<i32>} : memref<4x16x768xf32, #tpu.memory_space<vmem>>, vector<16xf32>,
        %parallel_loop3A_1838 = arith.index_cast %rem3A_230 : i32 to index
        %parallel_loop3A_1839 = arith.index_cast %parallel_loop3A_275 : i32 to index
        %parallel_loop3A_1840 = arith.constant 640 : index
        %parallel_loop3A_1841 = tpu.vector_load %arg10[%parallel_loop3A_1838, %parallel_loop3A_1839, %parallel_loop3A_1840] {strides = array<i32>} : memref<4x16x768xf32, #tpu.memory_space<vmem>>, vector<16xf32>,
        %parallel_loop3A_1842 = arith.constant 640 : index
        %parallel_loop3A_1843 = tpu.vector_load %arg12[%parallel_loop3A_1842] {strides = array<i32>} : memref<768xf32, #tpu.memory_space<vmem>>, vector<16xf32>,
        %parallel_loop3A_1844 = arith.constant 640 : index
        %parallel_loop3A_1845 = tpu.vector_load %arg13[%parallel_loop3A_1844] {strides = array<i32>} : memref<768xf32, #tpu.memory_space<vmem>>, vector<16xf32>,
        %parallel_loop3A_1846 = arith.subf %parallel_loop3A_1841, %parallel_loop3A_1160 : vector<16xf32>
        %parallel_loop3A_1847 = arith.mulf %parallel_loop3A_1846, %parallel_loop3A_1197 : vector<16xf32>
        %parallel_loop3A_1848 = arith.mulf %parallel_loop3A_1847, %parallel_loop3A_1843 : vector<16xf32>
        %parallel_loop3A_1849 = arith.addf %parallel_loop3A_1848, %parallel_loop3A_1845 : vector<16xf32>
        %parallel_loop3A_1850 = arith.index_cast %rem3A_230 : i32 to index
        %parallel_loop3A_1851 = arith.index_cast %parallel_loop3A_275 : i32 to index
        %parallel_loop3A_1852 = arith.constant 640 : index
        %parallel_loop3A_1853 = tpu.vector_load %arg10[%parallel_loop3A_1850, %parallel_loop3A_1851, %parallel_loop3A_1852] {strides = array<i32>} : memref<4x16x768xf32, #tpu.memory_space<vmem>>, vector<16xf32>,
        tpu.vector_store %arg10[%parallel_loop3A_1850, %parallel_loop3A_1851, %parallel_loop3A_1852], %parallel_loop3A_1849 {strides = array<i32>} : memref<4x16x768xf32, #tpu.memory_space<vmem>>, vector<16xf32>,
        %parallel_loop3A_1854 = arith.index_cast %rem3A_230 : i32 to index
        %parallel_loop3A_1855 = arith.index_cast %parallel_loop3A_275 : i32 to index
        %parallel_loop3A_1856 = arith.constant 656 : index
        %parallel_loop3A_1857 = tpu.vector_load %arg10[%parallel_loop3A_1854, %parallel_loop3A_1855, %parallel_loop3A_1856] {strides = array<i32>} : memref<4x16x768xf32, #tpu.memory_space<vmem>>, vector<16xf32>,
        %parallel_loop3A_1858 = arith.constant 656 : index
        %parallel_loop3A_1859 = tpu.vector_load %arg12[%parallel_loop3A_1858] {strides = array<i32>} : memref<768xf32, #tpu.memory_space<vmem>>, vector<16xf32>,
        %parallel_loop3A_1860 = arith.constant 656 : index
        %parallel_loop3A_1861 = tpu.vector_load %arg13[%parallel_loop3A_1860] {strides = array<i32>} : memref<768xf32, #tpu.memory_space<vmem>>, vector<16xf32>,
        %parallel_loop3A_1862 = arith.subf %parallel_loop3A_1857, %parallel_loop3A_1160 : vector<16xf32>
        %parallel_loop3A_1863 = arith.mulf %parallel_loop3A_1862, %parallel_loop3A_1197 : vector<16xf32>
        %parallel_loop3A_1864 = arith.mulf %parallel_loop3A_1863, %parallel_loop3A_1859 : vector<16xf32>
        %parallel_loop3A_1865 = arith.addf %parallel_loop3A_1864, %parallel_loop3A_1861 : vector<16xf32>
        %parallel_loop3A_1866 = arith.index_cast %rem3A_230 : i32 to index
        %parallel_loop3A_1867 = arith.index_cast %parallel_loop3A_275 : i32 to index
        %parallel_loop3A_1868 = arith.constant 656 : index
        %parallel_loop3A_1869 = tpu.vector_load %arg10[%parallel_loop3A_1866, %parallel_loop3A_1867, %parallel_loop3A_1868] {strides = array<i32>} : memref<4x16x768xf32, #tpu.memory_space<vmem>>, vector<16xf32>,
        tpu.vector_store %arg10[%parallel_loop3A_1866, %parallel_loop3A_1867, %parallel_loop3A_1868], %parallel_loop3A_1865 {strides = array<i32>} : memref<4x16x768xf32, #tpu.memory_space<vmem>>, vector<16xf32>,
        %parallel_loop3A_1870 = arith.index_cast %rem3A_230 : i32 to index
        %parallel_loop3A_1871 = arith.index_cast %parallel_loop3A_275 : i32 to index
        %parallel_loop3A_1872 = arith.constant 672 : index
        %parallel_loop3A_1873 = tpu.vector_load %arg10[%parallel_loop3A_1870, %parallel_loop3A_1871, %parallel_loop3A_1872] {strides = array<i32>} : memref<4x16x768xf32, #tpu.memory_space<vmem>>, vector<16xf32>,
        %parallel_loop3A_1874 = arith.constant 672 : index
        %parallel_loop3A_1875 = tpu.vector_load %arg12[%parallel_loop3A_1874] {strides = array<i32>} : memref<768xf32, #tpu.memory_space<vmem>>, vector<16xf32>,
        %parallel_loop3A_1876 = arith.constant 672 : index
        %parallel_loop3A_1877 = tpu.vector_load %arg13[%parallel_loop3A_1876] {strides = array<i32>} : memref<768xf32, #tpu.memory_space<vmem>>, vector<16xf32>,
        %parallel_loop3A_1878 = arith.subf %parallel_loop3A_1873, %parallel_loop3A_1160 : vector<16xf32>
        %parallel_loop3A_1879 = arith.mulf %parallel_loop3A_1878, %parallel_loop3A_1197 : vector<16xf32>
        %parallel_loop3A_1880 = arith.mulf %parallel_loop3A_1879, %parallel_loop3A_1875 : vector<16xf32>
        %parallel_loop3A_1881 = arith.addf %parallel_loop3A_1880, %parallel_loop3A_1877 : vector<16xf32>
        %parallel_loop3A_1882 = arith.index_cast %rem3A_230 : i32 to index
        %parallel_loop3A_1883 = arith.index_cast %parallel_loop3A_275 : i32 to index
        %parallel_loop3A_1884 = arith.constant 672 : index
        %parallel_loop3A_1885 = tpu.vector_load %arg10[%parallel_loop3A_1882, %parallel_loop3A_1883, %parallel_loop3A_1884] {strides = array<i32>} : memref<4x16x768xf32, #tpu.memory_space<vmem>>, vector<16xf32>,
        tpu.vector_store %arg10[%parallel_loop3A_1882, %parallel_loop3A_1883, %parallel_loop3A_1884], %parallel_loop3A_1881 {strides = array<i32>} : memref<4x16x768xf32, #tpu.memory_space<vmem>>, vector<16xf32>,
        %parallel_loop3A_1886 = arith.index_cast %rem3A_230 : i32 to index
        %parallel_loop3A_1887 = arith.index_cast %parallel_loop3A_275 : i32 to index
        %parallel_loop3A_1888 = arith.constant 688 : index
        %parallel_loop3A_1889 = tpu.vector_load %arg10[%parallel_loop3A_1886, %parallel_loop3A_1887, %parallel_loop3A_1888] {strides = array<i32>} : memref<4x16x768xf32, #tpu.memory_space<vmem>>, vector<16xf32>,
        %parallel_loop3A_1890 = arith.constant 688 : index
        %parallel_loop3A_1891 = tpu.vector_load %arg12[%parallel_loop3A_1890] {strides = array<i32>} : memref<768xf32, #tpu.memory_space<vmem>>, vector<16xf32>,
        %parallel_loop3A_1892 = arith.constant 688 : index
        %parallel_loop3A_1893 = tpu.vector_load %arg13[%parallel_loop3A_1892] {strides = array<i32>} : memref<768xf32, #tpu.memory_space<vmem>>, vector<16xf32>,
        %parallel_loop3A_1894 = arith.subf %parallel_loop3A_1889, %parallel_loop3A_1160 : vector<16xf32>
        %parallel_loop3A_1895 = arith.mulf %parallel_loop3A_1894, %parallel_loop3A_1197 : vector<16xf32>
        %parallel_loop3A_1896 = arith.mulf %parallel_loop3A_1895, %parallel_loop3A_1891 : vector<16xf32>
        %parallel_loop3A_1897 = arith.addf %parallel_loop3A_1896, %parallel_loop3A_1893 : vector<16xf32>
        %parallel_loop3A_1898 = arith.index_cast %rem3A_230 : i32 to index
        %parallel_loop3A_1899 = arith.index_cast %parallel_loop3A_275 : i32 to index
        %parallel_loop3A_1900 = arith.constant 688 : index
        %parallel_loop3A_1901 = tpu.vector_load %arg10[%parallel_loop3A_1898, %parallel_loop3A_1899, %parallel_loop3A_1900] {strides = array<i32>} : memref<4x16x768xf32, #tpu.memory_space<vmem>>, vector<16xf32>,
        tpu.vector_store %arg10[%parallel_loop3A_1898, %parallel_loop3A_1899, %parallel_loop3A_1900], %parallel_loop3A_1897 {strides = array<i32>} : memref<4x16x768xf32, #tpu.memory_space<vmem>>, vector<16xf32>,
        %parallel_loop3A_1902 = arith.index_cast %rem3A_230 : i32 to index
        %parallel_loop3A_1903 = arith.index_cast %parallel_loop3A_275 : i32 to index
        %parallel_loop3A_1904 = arith.constant 704 : index
        %parallel_loop3A_1905 = tpu.vector_load %arg10[%parallel_loop3A_1902, %parallel_loop3A_1903, %parallel_loop3A_1904] {strides = array<i32>} : memref<4x16x768xf32, #tpu.memory_space<vmem>>, vector<16xf32>,
        %parallel_loop3A_1906 = arith.constant 704 : index
        %parallel_loop3A_1907 = tpu.vector_load %arg12[%parallel_loop3A_1906] {strides = array<i32>} : memref<768xf32, #tpu.memory_space<vmem>>, vector<16xf32>,
        %parallel_loop3A_1908 = arith.constant 704 : index
        %parallel_loop3A_1909 = tpu.vector_load %arg13[%parallel_loop3A_1908] {strides = array<i32>} : memref<768xf32, #tpu.memory_space<vmem>>, vector<16xf32>,
        %parallel_loop3A_1910 = arith.subf %parallel_loop3A_1905, %parallel_loop3A_1160 : vector<16xf32>
        %parallel_loop3A_1911 = arith.mulf %parallel_loop3A_1910, %parallel_loop3A_1197 : vector<16xf32>
        %parallel_loop3A_1912 = arith.mulf %parallel_loop3A_1911, %parallel_loop3A_1907 : vector<16xf32>
        %parallel_loop3A_1913 = arith.addf %parallel_loop3A_1912, %parallel_loop3A_1909 : vector<16xf32>
        %parallel_loop3A_1914 = arith.index_cast %rem3A_230 : i32 to index
        %parallel_loop3A_1915 = arith.index_cast %parallel_loop3A_275 : i32 to index
        %parallel_loop3A_1916 = arith.constant 704 : index
        %parallel_loop3A_1917 = tpu.vector_load %arg10[%parallel_loop3A_1914, %parallel_loop3A_1915, %parallel_loop3A_1916] {strides = array<i32>} : memref<4x16x768xf32, #tpu.memory_space<vmem>>, vector<16xf32>,
        tpu.vector_store %arg10[%parallel_loop3A_1914, %parallel_loop3A_1915, %parallel_loop3A_1916], %parallel_loop3A_1913 {strides = array<i32>} : memref<4x16x768xf32, #tpu.memory_space<vmem>>, vector<16xf32>,
        %parallel_loop3A_1918 = arith.index_cast %rem3A_230 : i32 to index
        %parallel_loop3A_1919 = arith.index_cast %parallel_loop3A_275 : i32 to index
        %parallel_loop3A_1920 = arith.constant 720 : index
        %parallel_loop3A_1921 = tpu.vector_load %arg10[%parallel_loop3A_1918, %parallel_loop3A_1919, %parallel_loop3A_1920] {strides = array<i32>} : memref<4x16x768xf32, #tpu.memory_space<vmem>>, vector<16xf32>,
        %parallel_loop3A_1922 = arith.constant 720 : index
        %parallel_loop3A_1923 = tpu.vector_load %arg12[%parallel_loop3A_1922] {strides = array<i32>} : memref<768xf32, #tpu.memory_space<vmem>>, vector<16xf32>,
        %parallel_loop3A_1924 = arith.constant 720 : index
        %parallel_loop3A_1925 = tpu.vector_load %arg13[%parallel_loop3A_1924] {strides = array<i32>} : memref<768xf32, #tpu.memory_space<vmem>>, vector<16xf32>,
        %parallel_loop3A_1926 = arith.subf %parallel_loop3A_1921, %parallel_loop3A_1160 : vector<16xf32>
        %parallel_loop3A_1927 = arith.mulf %parallel_loop3A_1926, %parallel_loop3A_1197 : vector<16xf32>
        %parallel_loop3A_1928 = arith.mulf %parallel_loop3A_1927, %parallel_loop3A_1923 : vector<16xf32>
        %parallel_loop3A_1929 = arith.addf %parallel_loop3A_1928, %parallel_loop3A_1925 : vector<16xf32>
        %parallel_loop3A_1930 = arith.index_cast %rem3A_230 : i32 to index
        %parallel_loop3A_1931 = arith.index_cast %parallel_loop3A_275 : i32 to index
        %parallel_loop3A_1932 = arith.constant 720 : index
        %parallel_loop3A_1933 = tpu.vector_load %arg10[%parallel_loop3A_1930, %parallel_loop3A_1931, %parallel_loop3A_1932] {strides = array<i32>} : memref<4x16x768xf32, #tpu.memory_space<vmem>>, vector<16xf32>,
        tpu.vector_store %arg10[%parallel_loop3A_1930, %parallel_loop3A_1931, %parallel_loop3A_1932], %parallel_loop3A_1929 {strides = array<i32>} : memref<4x16x768xf32, #tpu.memory_space<vmem>>, vector<16xf32>,
        %parallel_loop3A_1934 = arith.index_cast %rem3A_230 : i32 to index
        %parallel_loop3A_1935 = arith.index_cast %parallel_loop3A_275 : i32 to index
        %parallel_loop3A_1936 = arith.constant 736 : index
        %parallel_loop3A_1937 = tpu.vector_load %arg10[%parallel_loop3A_1934, %parallel_loop3A_1935, %parallel_loop3A_1936] {strides = array<i32>} : memref<4x16x768xf32, #tpu.memory_space<vmem>>, vector<16xf32>,
        %parallel_loop3A_1938 = arith.constant 736 : index
        %parallel_loop3A_1939 = tpu.vector_load %arg12[%parallel_loop3A_1938] {strides = array<i32>} : memref<768xf32, #tpu.memory_space<vmem>>, vector<16xf32>,
        %parallel_loop3A_1940 = arith.constant 736 : index
        %parallel_loop3A_1941 = tpu.vector_load %arg13[%parallel_loop3A_1940] {strides = array<i32>} : memref<768xf32, #tpu.memory_space<vmem>>, vector<16xf32>,
        %parallel_loop3A_1942 = arith.subf %parallel_loop3A_1937, %parallel_loop3A_1160 : vector<16xf32>
        %parallel_loop3A_1943 = arith.mulf %parallel_loop3A_1942, %parallel_loop3A_1197 : vector<16xf32>
        %parallel_loop3A_1944 = arith.mulf %parallel_loop3A_1943, %parallel_loop3A_1939 : vector<16xf32>
        %parallel_loop3A_1945 = arith.addf %parallel_loop3A_1944, %parallel_loop3A_1941 : vector<16xf32>
        %parallel_loop3A_1946 = arith.index_cast %rem3A_230 : i32 to index
        %parallel_loop3A_1947 = arith.index_cast %parallel_loop3A_275 : i32 to index
        %parallel_loop3A_1948 = arith.constant 736 : index
        %parallel_loop3A_1949 = tpu.vector_load %arg10[%parallel_loop3A_1946, %parallel_loop3A_1947, %parallel_loop3A_1948] {strides = array<i32>} : memref<4x16x768xf32, #tpu.memory_space<vmem>>, vector<16xf32>,
        tpu.vector_store %arg10[%parallel_loop3A_1946, %parallel_loop3A_1947, %parallel_loop3A_1948], %parallel_loop3A_1945 {strides = array<i32>} : memref<4x16x768xf32, #tpu.memory_space<vmem>>, vector<16xf32>,
        %parallel_loop3A_1950 = arith.index_cast %rem3A_230 : i32 to index
        %parallel_loop3A_1951 = arith.index_cast %parallel_loop3A_275 : i32 to index
        %parallel_loop3A_1952 = arith.constant 752 : index
        %parallel_loop3A_1953 = tpu.vector_load %arg10[%parallel_loop3A_1950, %parallel_loop3A_1951, %parallel_loop3A_1952] {strides = array<i32>} : memref<4x16x768xf32, #tpu.memory_space<vmem>>, vector<16xf32>,
        %parallel_loop3A_1954 = arith.constant 752 : index
        %parallel_loop3A_1955 = tpu.vector_load %arg12[%parallel_loop3A_1954] {strides = array<i32>} : memref<768xf32, #tpu.memory_space<vmem>>, vector<16xf32>,
        %parallel_loop3A_1956 = arith.constant 752 : index
        %parallel_loop3A_1957 = tpu.vector_load %arg13[%parallel_loop3A_1956] {strides = array<i32>} : memref<768xf32, #tpu.memory_space<vmem>>, vector<16xf32>,
        %parallel_loop3A_1958 = arith.subf %parallel_loop3A_1953, %parallel_loop3A_1160 : vector<16xf32>
        %parallel_loop3A_1959 = arith.mulf %parallel_loop3A_1958, %parallel_loop3A_1197 : vector<16xf32>
        %parallel_loop3A_1960 = arith.mulf %parallel_loop3A_1959, %parallel_loop3A_1955 : vector<16xf32>
        %parallel_loop3A_1961 = arith.addf %parallel_loop3A_1960, %parallel_loop3A_1957 : vector<16xf32>
        %parallel_loop3A_1962 = arith.index_cast %rem3A_230 : i32 to index
        %parallel_loop3A_1963 = arith.index_cast %parallel_loop3A_275 : i32 to index
        %parallel_loop3A_1964 = arith.constant 752 : index
        %parallel_loop3A_1965 = tpu.vector_load %arg10[%parallel_loop3A_1962, %parallel_loop3A_1963, %parallel_loop3A_1964] {strides = array<i32>} : memref<4x16x768xf32, #tpu.memory_space<vmem>>, vector<16xf32>,
        tpu.vector_store %arg10[%parallel_loop3A_1962, %parallel_loop3A_1963, %parallel_loop3A_1964], %parallel_loop3A_1961 {strides = array<i32>} : memref<4x16x768xf32, #tpu.memory_space<vmem>>, vector<16xf32>,
      } {sc.loop_unroll_factor = 2 : i64, sc.parallel_access}
      %rem3A_233 = arith.constant 4 : i32
      %rem3A_234 = arith.remsi %scan3A_182, %rem3A_233 : i32
      %mul3A_235 = arith.constant 16 : i32
      %mul3A_236 = arith.muli %scan3A_182, %mul3A_235 : i32
      %add3A_237 = arith.addi %mul3A_2, %mul3A_236 : i32
      %rem3A_238 = arith.constant 4 : i32
      %rem3A_239 = arith.remsi %scan3A_182, %rem3A_238 : i32
      %dma_start3A_240 = arith.constant 0 : i32
      %dma_start3A_241 = arith.constant 0 : i32
      %dma_start3A_242 = tpu.memref_slice %arg10[%rem3A_234, %dma_start3A_240, %dma_start3A_241] : memref<4x16x768xf32, #tpu.memory_space<vmem>> -> memref<1x16x768xf32, #tpu.memory_space<vmem>>
      %dma_start3A_243 = tpu.memref_squeeze %dma_start3A_242 : memref<1x16x768xf32, #tpu.memory_space<vmem>> -> memref<16x768xf32, #tpu.memory_space<vmem>>
      %dma_start3A_244 = arith.constant 0 : i32
      %dma_start3A_245 = tpu.memref_slice %arg7[%add3A_237, %dma_start3A_244] : memref<8192x768xf32, #tpu.memory_space<hbm>> -> memref<16x768xf32, #tpu.memory_space<hbm>>
      %dma_start3A_246 = tpu.memref_slice %arg17[%rem3A_239] : memref<4x!tpu.dma_semaphore, #tpu.memory_space<semaphore_mem>> -> memref<1x!tpu.dma_semaphore, #tpu.memory_space<semaphore_mem>>
      %dma_start3A_247 = tpu.memref_squeeze %dma_start3A_246 : memref<1x!tpu.dma_semaphore, #tpu.memory_space<semaphore_mem>> -> memref<!tpu.dma_semaphore, #tpu.memory_space<semaphore_mem>>
      %dma_start3A_248 = arith.constant 0 : i32
      %dma_start3A_249 = tpu.memref_slice %arg7[%add3A_237, %dma_start3A_248] : memref<8192x768xf32, #tpu.memory_space<hbm>> -> memref<16x768xf32, #tpu.memory_space<hbm>>
      %dma_start3A_250 = arith.constant 0 : i32
      %dma_start3A_251 = arith.constant 0 : i32
      %dma_start3A_252 = tpu.memref_slice %arg10[%rem3A_234, %dma_start3A_250, %dma_start3A_251] : memref<4x16x768xf32, #tpu.memory_space<vmem>> -> memref<1x16x768xf32, #tpu.memory_space<vmem>>
      %dma_start3A_253 = tpu.memref_squeeze %dma_start3A_252 : memref<1x16x768xf32, #tpu.memory_space<vmem>> -> memref<16x768xf32, #tpu.memory_space<vmem>>
      tpu.enqueue_dma source(%dma_start3A_253 : memref<16x768xf32, #tpu.memory_space<vmem>>) target(%dma_start3A_249 : memref<16x768xf32, #tpu.memory_space<hbm>>) target_semaphore(%dma_start3A_247 : memref<!tpu.dma_semaphore, #tpu.memory_space<semaphore_mem>>)
      %rem3A_254 = arith.constant 4 : i32
      %rem3A_255 = arith.remsi %scan3A_182, %rem3A_254 : i32
      %mul3A_256 = arith.constant 16 : i32
      %mul3A_257 = arith.muli %scan3A_182, %mul3A_256 : i32
      %add3A_258 = arith.addi %mul3A_2, %mul3A_257 : i32
      %rem3A_259 = arith.constant 4 : i32
      %rem3A_260 = arith.remsi %scan3A_182, %rem3A_259 : i32
      %dma_start3A_261 = arith.constant 0 : i32
      %dma_start3A_262 = arith.constant 0 : i32
      %dma_start3A_263 = tpu.memref_slice %arg11[%rem3A_255, %dma_start3A_261, %dma_start3A_262] : memref<4x16x768xf32, #tpu.memory_space<vmem>> -> memref<1x16x768xf32, #tpu.memory_space<vmem>>
      %dma_start3A_264 = tpu.memref_squeeze %dma_start3A_263 : memref<1x16x768xf32, #tpu.memory_space<vmem>> -> memref<16x768xf32, #tpu.memory_space<vmem>>
      %dma_start3A_265 = arith.constant 0 : i32
      %dma_start3A_266 = tpu.memref_slice %arg8[%add3A_258, %dma_start3A_265] : memref<8192x768xf32, #tpu.memory_space<hbm>> -> memref<16x768xf32, #tpu.memory_space<hbm>>
      %dma_start3A_267 = tpu.memref_slice %arg17[%rem3A_260] : memref<4x!tpu.dma_semaphore, #tpu.memory_space<semaphore_mem>> -> memref<1x!tpu.dma_semaphore, #tpu.memory_space<semaphore_mem>>
      %dma_start3A_268 = tpu.memref_squeeze %dma_start3A_267 : memref<1x!tpu.dma_semaphore, #tpu.memory_space<semaphore_mem>> -> memref<!tpu.dma_semaphore, #tpu.memory_space<semaphore_mem>>
      %dma_start3A_269 = arith.constant 0 : i32
      %dma_start3A_270 = tpu.memref_slice %arg8[%add3A_258, %dma_start3A_269] : memref<8192x768xf32, #tpu.memory_space<hbm>> -> memref<16x768xf32, #tpu.memory_space<hbm>>
      %dma_start3A_271 = arith.constant 0 : i32
      %dma_start3A_272 = arith.constant 0 : i32
      %dma_start3A_273 = tpu.memref_slice %arg11[%rem3A_255, %dma_start3A_271, %dma_start3A_272] : memref<4x16x768xf32, #tpu.memory_space<vmem>> -> memref<1x16x768xf32, #tpu.memory_space<vmem>>
      %dma_start3A_274 = tpu.memref_squeeze %dma_start3A_273 : memref<1x16x768xf32, #tpu.memory_space<vmem>> -> memref<16x768xf32, #tpu.memory_space<vmem>>
      tpu.enqueue_dma source(%dma_start3A_274 : memref<16x768xf32, #tpu.memory_space<vmem>>) target(%dma_start3A_270 : memref<16x768xf32, #tpu.memory_space<hbm>>) target_semaphore(%dma_start3A_268 : memref<!tpu.dma_semaphore, #tpu.memory_space<semaphore_mem>>)
    }
    %scan3A_94 = arith.constant 16 : i32
    %rem3A_95 = arith.constant 14 : i32
    %rem3A_96 = arith.constant 4 : i32
    %rem3A_97 = arith.remsi %rem3A_95, %rem3A_96 : i32
    %add3A_98 = arith.constant 224 : i32
    %add3A_99 = arith.addi %mul3A_2, %add3A_98 : i32
    %rem3A_100 = arith.constant 14 : i32
    %rem3A_101 = arith.constant 4 : i32
    %rem3A_102 = arith.remsi %rem3A_100, %rem3A_101 : i32
    %dma_wait3A = arith.constant 0 : i32
    %dma_wait3A_103 = arith.constant 0 : i32
    %dma_wait3A_104 = tpu.memref_slice %arg10[%rem3A_97, %dma_wait3A, %dma_wait3A_103] : memref<4x16x768xf32, #tpu.memory_space<vmem>> -> memref<1x16x768xf32, #tpu.memory_space<vmem>>
    %dma_wait3A_105 = tpu.memref_squeeze %dma_wait3A_104 : memref<1x16x768xf32, #tpu.memory_space<vmem>> -> memref<16x768xf32, #tpu.memory_space<vmem>>
    %dma_wait3A_106 = arith.constant 0 : i32
    %dma_wait3A_107 = tpu.memref_slice %arg7[%add3A_99, %dma_wait3A_106] : memref<8192x768xf32, #tpu.memory_space<hbm>> -> memref<16x768xf32, #tpu.memory_space<hbm>>
    %dma_wait3A_108 = tpu.memref_slice %arg17[%rem3A_102] : memref<4x!tpu.dma_semaphore, #tpu.memory_space<semaphore_mem>> -> memref<1x!tpu.dma_semaphore, #tpu.memory_space<semaphore_mem>>
    %dma_wait3A_109 = tpu.memref_squeeze %dma_wait3A_108 : memref<1x!tpu.dma_semaphore, #tpu.memory_space<semaphore_mem>> -> memref<!tpu.dma_semaphore, #tpu.memory_space<semaphore_mem>>
    %dma_wait3A_110 = arith.constant 0 : i32
    %dma_wait3A_111 = tpu.memref_slice %arg7[%add3A_99, %dma_wait3A_110] : memref<8192x768xf32, #tpu.memory_space<hbm>> -> memref<16x768xf32, #tpu.memory_space<hbm>>
    %dma_wait3A_112 = arith.constant 0 : i32
    %dma_wait3A_113 = arith.constant 0 : i32
    %dma_wait3A_114 = tpu.memref_slice %arg10[%rem3A_97, %dma_wait3A_112, %dma_wait3A_113] : memref<4x16x768xf32, #tpu.memory_space<vmem>> -> memref<1x16x768xf32, #tpu.memory_space<vmem>>
    %dma_wait3A_115 = tpu.memref_squeeze %dma_wait3A_114 : memref<1x16x768xf32, #tpu.memory_space<vmem>> -> memref<16x768xf32, #tpu.memory_space<vmem>>
    tpu.wait_dma2 semaphore(%dma_wait3A_109 : memref<!tpu.dma_semaphore, #tpu.memory_space<semaphore_mem>>) src(%dma_wait3A_115 : memref<16x768xf32, #tpu.memory_space<vmem>>) dst(%dma_wait3A_111 : memref<16x768xf32, #tpu.memory_space<hbm>>)
    %rem3A_116 = arith.constant 14 : i32
    %rem3A_117 = arith.constant 4 : i32
    %rem3A_118 = arith.remsi %rem3A_116, %rem3A_117 : i32
    %add3A_119 = arith.constant 224 : i32
    %add3A_120 = arith.addi %mul3A_2, %add3A_119 : i32
    %rem3A_121 = arith.constant 14 : i32
    %rem3A_122 = arith.constant 4 : i32
    %rem3A_123 = arith.remsi %rem3A_121, %rem3A_122 : i32
    %dma_wait3A_124 = arith.constant 0 : i32
    %dma_wait3A_125 = arith.constant 0 : i32
    %dma_wait3A_126 = tpu.memref_slice %arg11[%rem3A_118, %dma_wait3A_124, %dma_wait3A_125] : memref<4x16x768xf32, #tpu.memory_space<vmem>> -> memref<1x16x768xf32, #tpu.memory_space<vmem>>
    %dma_wait3A_127 = tpu.memref_squeeze %dma_wait3A_126 : memref<1x16x768xf32, #tpu.memory_space<vmem>> -> memref<16x768xf32, #tpu.memory_space<vmem>>
    %dma_wait3A_128 = arith.constant 0 : i32
    %dma_wait3A_129 = tpu.memref_slice %arg8[%add3A_120, %dma_wait3A_128] : memref<8192x768xf32, #tpu.memory_space<hbm>> -> memref<16x768xf32, #tpu.memory_space<hbm>>
    %dma_wait3A_130 = tpu.memref_slice %arg17[%rem3A_123] : memref<4x!tpu.dma_semaphore, #tpu.memory_space<semaphore_mem>> -> memref<1x!tpu.dma_semaphore, #tpu.memory_space<semaphore_mem>>
    %dma_wait3A_131 = tpu.memref_squeeze %dma_wait3A_130 : memref<1x!tpu.dma_semaphore, #tpu.memory_space<semaphore_mem>> -> memref<!tpu.dma_semaphore, #tpu.memory_space<semaphore_mem>>
    %dma_wait3A_132 = arith.constant 0 : i32
    %dma_wait3A_133 = tpu.memref_slice %arg8[%add3A_120, %dma_wait3A_132] : memref<8192x768xf32, #tpu.memory_space<hbm>> -> memref<16x768xf32, #tpu.memory_space<hbm>>
    %dma_wait3A_134 = arith.constant 0 : i32
    %dma_wait3A_135 = arith.constant 0 : i32
    %dma_wait3A_136 = tpu.memref_slice %arg11[%rem3A_118, %dma_wait3A_134, %dma_wait3A_135] : memref<4x16x768xf32, #tpu.memory_space<vmem>> -> memref<1x16x768xf32, #tpu.memory_space<vmem>>
    %dma_wait3A_137 = tpu.memref_squeeze %dma_wait3A_136 : memref<1x16x768xf32, #tpu.memory_space<vmem>> -> memref<16x768xf32, #tpu.memory_space<vmem>>
    tpu.wait_dma2 semaphore(%dma_wait3A_131 : memref<!tpu.dma_semaphore, #tpu.memory_space<semaphore_mem>>) src(%dma_wait3A_137 : memref<16x768xf32, #tpu.memory_space<vmem>>) dst(%dma_wait3A_133 : memref<16x768xf32, #tpu.memory_space<hbm>>)
    %rem3A_138 = arith.constant 15 : i32
    %rem3A_139 = arith.constant 4 : i32
    %rem3A_140 = arith.remsi %rem3A_138, %rem3A_139 : i32
    %add3A_141 = arith.constant 240 : i32
    %add3A_142 = arith.addi %mul3A_2, %add3A_141 : i32
    %rem3A_143 = arith.constant 15 : i32
    %rem3A_144 = arith.constant 4 : i32
    %rem3A_145 = arith.remsi %rem3A_143, %rem3A_144 : i32
    %dma_wait3A_146 = arith.constant 0 : i32
    %dma_wait3A_147 = arith.constant 0 : i32
    %dma_wait3A_148 = tpu.memref_slice %arg10[%rem3A_140, %dma_wait3A_146, %dma_wait3A_147] : memref<4x16x768xf32, #tpu.memory_space<vmem>> -> memref<1x16x768xf32, #tpu.memory_space<vmem>>
    %dma_wait3A_149 = tpu.memref_squeeze %dma_wait3A_148 : memref<1x16x768xf32, #tpu.memory_space<vmem>> -> memref<16x768xf32, #tpu.memory_space<vmem>>
    %dma_wait3A_150 = arith.constant 0 : i32
    %dma_wait3A_151 = tpu.memref_slice %arg7[%add3A_142, %dma_wait3A_150] : memref<8192x768xf32, #tpu.memory_space<hbm>> -> memref<16x768xf32, #tpu.memory_space<hbm>>
    %dma_wait3A_152 = tpu.memref_slice %arg17[%rem3A_145] : memref<4x!tpu.dma_semaphore, #tpu.memory_space<semaphore_mem>> -> memref<1x!tpu.dma_semaphore, #tpu.memory_space<semaphore_mem>>
    %dma_wait3A_153 = tpu.memref_squeeze %dma_wait3A_152 : memref<1x!tpu.dma_semaphore, #tpu.memory_space<semaphore_mem>> -> memref<!tpu.dma_semaphore, #tpu.memory_space<semaphore_mem>>
    %dma_wait3A_154 = arith.constant 0 : i32
    %dma_wait3A_155 = tpu.memref_slice %arg7[%add3A_142, %dma_wait3A_154] : memref<8192x768xf32, #tpu.memory_space<hbm>> -> memref<16x768xf32, #tpu.memory_space<hbm>>
    %dma_wait3A_156 = arith.constant 0 : i32
    %dma_wait3A_157 = arith.constant 0 : i32
    %dma_wait3A_158 = tpu.memref_slice %arg10[%rem3A_140, %dma_wait3A_156, %dma_wait3A_157] : memref<4x16x768xf32, #tpu.memory_space<vmem>> -> memref<1x16x768xf32, #tpu.memory_space<vmem>>
    %dma_wait3A_159 = tpu.memref_squeeze %dma_wait3A_158 : memref<1x16x768xf32, #tpu.memory_space<vmem>> -> memref<16x768xf32, #tpu.memory_space<vmem>>
    tpu.wait_dma2 semaphore(%dma_wait3A_153 : memref<!tpu.dma_semaphore, #tpu.memory_space<semaphore_mem>>) src(%dma_wait3A_159 : memref<16x768xf32, #tpu.memory_space<vmem>>) dst(%dma_wait3A_155 : memref<16x768xf32, #tpu.memory_space<hbm>>)
    %rem3A_160 = arith.constant 15 : i32
    %rem3A_161 = arith.constant 4 : i32
    %rem3A_162 = arith.remsi %rem3A_160, %rem3A_161 : i32
    %add3A_163 = arith.constant 240 : i32
    %add3A_164 = arith.addi %mul3A_2, %add3A_163 : i32
    %rem3A_165 = arith.constant 15 : i32
    %rem3A_166 = arith.constant 4 : i32
    %rem3A_167 = arith.remsi %rem3A_165, %rem3A_166 : i32
    %dma_wait3A_168 = arith.constant 0 : i32
    %dma_wait3A_169 = arith.constant 0 : i32
    %dma_wait3A_170 = tpu.memref_slice %arg11[%rem3A_162, %dma_wait3A_168, %dma_wait3A_169] : memref<4x16x768xf32, #tpu.memory_space<vmem>> -> memref<1x16x768xf32, #tpu.memory_space<vmem>>
    %dma_wait3A_171 = tpu.memref_squeeze %dma_wait3A_170 : memref<1x16x768xf32, #tpu.memory_space<vmem>> -> memref<16x768xf32, #tpu.memory_space<vmem>>
    %dma_wait3A_172 = arith.constant 0 : i32
    %dma_wait3A_173 = tpu.memref_slice %arg8[%add3A_164, %dma_wait3A_172] : memref<8192x768xf32, #tpu.memory_space<hbm>> -> memref<16x768xf32, #tpu.memory_space<hbm>>
    %dma_wait3A_174 = tpu.memref_slice %arg17[%rem3A_167] : memref<4x!tpu.dma_semaphore, #tpu.memory_space<semaphore_mem>> -> memref<1x!tpu.dma_semaphore, #tpu.memory_space<semaphore_mem>>
    %dma_wait3A_175 = tpu.memref_squeeze %dma_wait3A_174 : memref<1x!tpu.dma_semaphore, #tpu.memory_space<semaphore_mem>> -> memref<!tpu.dma_semaphore, #tpu.memory_space<semaphore_mem>>
    %dma_wait3A_176 = arith.constant 0 : i32
    %dma_wait3A_177 = tpu.memref_slice %arg8[%add3A_164, %dma_wait3A_176] : memref<8192x768xf32, #tpu.memory_space<hbm>> -> memref<16x768xf32, #tpu.memory_space<hbm>>
    %dma_wait3A_178 = arith.constant 0 : i32
    %dma_wait3A_179 = arith.constant 0 : i32
    %dma_wait3A_180 = tpu.memref_slice %arg11[%rem3A_162, %dma_wait3A_178, %dma_wait3A_179] : memref<4x16x768xf32, #tpu.memory_space<vmem>> -> memref<1x16x768xf32, #tpu.memory_space<vmem>>
    %dma_wait3A_181 = tpu.memref_squeeze %dma_wait3A_180 : memref<1x16x768xf32, #tpu.memory_space<vmem>> -> memref<16x768xf32, #tpu.memory_space<vmem>>
    tpu.wait_dma2 semaphore(%dma_wait3A_175 : memref<!tpu.dma_semaphore, #tpu.memory_space<semaphore_mem>>) src(%dma_wait3A_181 : memref<16x768xf32, #tpu.memory_space<vmem>>) dst(%dma_wait3A_177 : memref<16x768xf32, #tpu.memory_space<hbm>>)
    return
  }
}

</mosaic_0001>

<sc_bundles>
// kernel: kernel.3.cloned.1.call-start
scs
__scs_entry_jumppad:
0x0: {  	(pc) =	sbr.rel $0x88, $3  }
0x1: {  	(tag) =	ssettag $0x0;
	lr =	simm.s32 $0x1  }
0x2: {  	[smem:$0x3F9C] =	sst lr;
	_ =	strace $0xD0000000  }
0x3: {  	_ = 	snop  }
0x4: {  	_ = 	snop  }
0x5: {  	_ = 	snop  }
0x6: {  	_ = 	snop  }
0x7: {  	_ = 	snop  }
__scs_overlays_trampoline_lowered:
0x8: {  	[smem:$0x3FAB] =	sst s0  }
0x9: {  	[smem:$0x3FAC] =	sst s1  }
0xa: {  	[smem:$0x3FAD] =	sst s2  }
0xb: {  	[smem:$0x3FAE] =	sst s3  }
0xc: {  	[smem:$0x3FAF] =	sst s4  }
0xd: {  	[smem:$0x3FB0] =	sst s5  }
0xe: {  	[smem:$0x3FB1] =	sst s6  }
0xf: {  	[smem:$0x3FB2] =	sst s7  }
0x10: {  	[smem:$0x3FB3] =	sst s8  }
0x11: {  	[smem:$0x3FB4] =	sst s9;
	s0 =	simm.s32 @!p0 $0x0  }
0x12: {  	s1 =	sld [smem:$0x3F9A];
	s0 =	simm.s32 @p0 $0x1  }
0x13: {  	[smem:$0x3FB5] =	sst s0;
	s0 =	simm.s32 @!p1 $0x0  }
0x14: {  	s2 =	sld [smem:$0x3F99];
	s0 =	simm.s32 @p1 $0x1  }
0x15: {  	[smem:$0x3FB6] =	sst s0;
	s0 =	simm.s32 @!p2 $0x0  }
0x16: {  	s3 =	sld [smem:$0x3FDB];
	s0 =	simm.s32 @p2 $0x1  }
0x17: {  	s4 =	simm.s32 $0x1BF5;
	[smem:$0x3FB8] =	sst s0  }
0x18: {  	s0 =	sld [smem:$0x3F9B];
	_ =	swait.ge [sflag:s4], $0x0  }
0x19: {  	s7 =	sld [smem:$0x3F9C]  }
0x1a: {  	s8 =	sadd.s32 $0xFFFFE003, lr  }
0x1b: {  	s9 =	sadd.s32 $0xFFFFFEF7, lr;
	s5 =	simm.s32 $0xFFFFFFFF;
	p2 =	slt.u32 s8, $0xFFFFF086  }
0x1c: {  	p1 =	slt.u32 s9, $0xF7A;
	s5 =	simm.s32 @!p2 $0x0  }
0x1d: {  	s5 =	simm.s32 @p1 $0x1;
	p0 =	seq.s32 s7, s2  }
0x1e: {  	s7 =	smul.u32 @!p0 $0xF7A, s2;
	p2 =	seq.s32 @!p0 s5, $0x0  }
0x1f: {  	s9 =	smul.u32 $0xF7A, s1;
	s8 =	simm.s32 @!p0 $0x1BF5;
	p2 =	por !p2, p0  }
0x20: {  	[sflag:s8] =	ssyncset.s32 @!p0 $0xFFFFF086;
	s6 =	sadd.s32 @!p0 s3, s7;
	s7 =	simm.s32 @!p0 $0x108  }
0x21: {  	s3 =	sadd.s32 s3, s9;
	s6 =	sadd.s32 @!p0 $0x88, s6;
	s7 =	simm.s32 @p2 $0x1082  }
0x22: {  	[simem:s7], [sflag:s8] =	dma.local @!p0 [hbm:s6], $0xF7A  }
0x23: {  	s9 =	sor.u32 $0xD0000000, s2;
	s6 =	simm.s32 $0x108;
	_ =	swait.ge @!p0 [sflag:s8], $0x0  }
0x24: {  	s3 =	sadd.s32 $0x88, s3;
	s6 =	simm.s32 @!p1 $0x1082;
	[sflag:s4] =	ssyncset.s32 $0xFFFFF086  }
0x25: {  	[simem:s6], [sflag:s4] =	dma.local [hbm:s3], $0xF7A  }
0x26: {  	[smem:$0x3F9C] =	sst s1;
	(tag) =	ssettag s2;
	_ =	strace s9  }
0x27: {  	s1 =	sld [smem:$0x3FAC]  }
0x28: {  	s2 =	sld [smem:$0x3FAD]  }
0x29: {  	s4 =	sld [smem:$0x3FAF]  }
0x2a: {  	p0 =	seq.s32 s5, $0x0;
	s5 =	sld [smem:$0x3FB0]  }
0x2b: {  	s6 =	sld [smem:$0x3FB1]  }
0x2c: {  	s7 =	sld [smem:$0x3FB2]  }
0x2d: {  	s3 =	simm.s32 $0x108;
	s8 =	sld [smem:$0x3FB3]  }
0x2e: {  	s3 =	simm.s32 @!p0 $0x1082;
	s9 =	sld [smem:$0x3FB4]  }
0x2f: {  	lr =	sadd.s32 s0, s3;
	s0 =	sld [smem:$0x3FAB]  }
0x30: {  	s3 =	sld [smem:$0x3FAE]  }
0x31: {  	[smem:$0x3FB7] =	sst s10  }
0x32: {  	s10 =	sld [smem:$0x3FB5];
	_ =	sdelay $0x3  }
0x33: {  	p0 =	seq.s32 s10, $0x1;
	s10 =	sld [smem:$0x3FB7];
	_ =	sdelay $0x3  }
0x34: {  	[smem:$0x3FB7] =	sst s10  }
0x35: {  	s10 =	sld [smem:$0x3FB6];
	_ =	sdelay $0x3  }
0x36: {  	p1 =	seq.s32 s10, $0x1;
	s10 =	sld [smem:$0x3FB7];
	_ =	sdelay $0x3  }
0x37: {  	[smem:$0x3FB7] =	sst s10  }
0x38: {  	s10 =	sld [smem:$0x3FB8]  }
0x39: {  	_ = 	snop;
	(pc) =	sbr.ind lr, $3  }
0x3a: {  	_ = 	snop  }
0x3b: {  	_ = 	snop  }
0x3c: {  	p2 =	seq.s32 s10, $0x1;
	s10 =	sld [smem:$0x3FB7]  }
0x3d: {  	_ =	shalt  }
0x3e: {  	_ =	shalt  }
0x3f: {  	_ =	shalt  }
0x40: {  	_ =	shalt  }
0x41: {  	_ =	shalt  }
0x42: {  	_ =	shalt  }
0x43: {  	_ =	shalt  }
0x44: {  	_ =	shalt  }
0x45: {  	_ =	shalt  }
0x46: {  	_ =	shalt  }
0x47: {  	_ =	shalt  }
0x48: {  	_ =	shalt  }
0x49: {  	_ =	shalt  }
0x4a: {  	_ =	shalt  }
0x4b: {  	_ =	shalt  }
0x4c: {  	_ =	shalt  }
0x4d: {  	_ =	shalt  }
0x4e: {  	_ =	shalt  }
0x4f: {  	_ =	shalt  }
0x50: {  	_ =	shalt  }
0x51: {  	_ =	shalt  }
0x52: {  	_ =	shalt  }
0x53: {  	_ =	shalt  }
0x54: {  	_ =	shalt  }
0x55: {  	_ =	shalt  }
0x56: {  	_ =	shalt  }
0x57: {  	_ =	shalt  }
0x58: {  	_ =	shalt  }
0x59: {  	_ =	shalt  }
0x5a: {  	_ =	shalt  }
0x5b: {  	_ =	shalt  }
0x5c: {  	_ =	shalt  }
0x5d: {  	_ =	shalt  }
0x5e: {  	_ =	shalt  }
0x5f: {  	_ =	shalt  }
0x60: {  	_ =	shalt  }
0x61: {  	_ =	shalt  }
0x62: {  	_ =	shalt  }
0x63: {  	_ =	shalt  }
0x64: {  	_ =	shalt  }
0x65: {  	_ =	shalt  }
0x66: {  	_ =	shalt  }
0x67: {  	_ =	shalt  }
0x68: {  	_ =	shalt  }
0x69: {  	_ =	shalt  }
0x6a: {  	_ =	shalt  }
0x6b: {  	_ =	shalt  }
0x6c: {  	_ =	shalt  }
0x6d: {  	_ =	shalt  }
0x6e: {  	_ =	shalt  }
0x6f: {  	_ =	shalt  }
0x70: {  	_ =	shalt  }
0x71: {  	_ =	shalt  }
0x72: {  	_ =	shalt  }
0x73: {  	_ =	shalt  }
0x74: {  	_ =	shalt  }
0x75: {  	_ =	shalt  }
0x76: {  	_ =	shalt  }
0x77: {  	_ =	shalt  }
0x78: {  	_ =	shalt  }
0x79: {  	_ =	shalt  }
0x7a: {  	_ =	shalt  }
0x7b: {  	_ =	shalt  }
0x7c: {  	_ =	shalt  }
0x7d: {  	_ =	shalt  }
0x7e: {  	_ =	shalt  }
0x7f: {  	_ =	shalt  }
0x80: {  	_ =	shalt  }
0x81: {  	_ =	shalt  }
0x82: {  	_ =	shalt  }
0x83: {  	_ =	shalt  }
0x84: {  	_ =	shalt  }
0x85: {  	_ =	shalt  }
0x86: {  	_ =	shalt  }
0x87: {  	_ =	shalt  }
.Lfunc_end0:
.L_simem_size_0:
called_computation_lowered:
.L_overlay_start_0:
0x88: {  	s2 =	sld [smem:$0x3FD9]  }
0x89: {  	s3 =	sld [smem:$0x3FFE];
	_ =	sdelay $0x1  }
0x8a: {  	s1 =	srdreg.scid  }
0x8b: {  	s0 =	sand.u32 $0x1, s1  }
0x8c: {  	s14 =	sshll.u32 s0, $0xA;
	s2 =	sadd.s32 s3, s2  }
0x8d: {  	s2 =	sadd.s32 s2, s14  }
0x8e: {  	[smem:$0x3FC3] =	sst s2  }
0x8f: {  	_ = 	snop  }
0x90: {  	s2 =	sld [smem:$0x3FC8]  }
0x91: {  	s15 =	sld [smem:$0x3FD0]  }
0x92: {  	s4 =	sld [smem:$0x3FC7]  }
0x93: {  	s5 =	sld [smem:$0x3FC6]  }
0x94: {  	s7 =	simm.s32 $0xA;
	s8 =	simm.s32 $0x10;
	s6 =	sld [smem:$0x3FC5]  }
0x95: {  	[smem:s8], [sflag:s7] =	dma.local [hbm:s15], $0x1  }
0x96: {  	_ =	swait.eq [sflag:s7], $0x1  }
0x97: {  	[sflag:s7] =	ssyncset.done $0x0  }
0x98: {  	s16 =	sld [smem:$0x10];
	[sflag:s7] =	ssyncadd.s32 $0xFFFFFFFF  }
0x99: {  	s17 =	sld [smem:$0x11];
	(tm) =	ssettm $0x1  }
0x9a: {  	s18 =	sld [smem:$0x3FFB];
	_ =	sdelay $0x3  }
0x9b: {  	_ =	strace s18  }
0x9c: {  	s8 =	sld [smem:$0x3FFC];
	_ =	sdelay $0x3  }
0x9d: {  	_ =	strace s8  }
0x9e: {  	s8 =	sld [smem:$0x3FFD];
	_ =	sdelay $0x3  }
0x9f: {  	_ =	strace s8  }
0xa0: {  	_ =	strace $0x8FFFFFFF  }
0xa1: {  	s19 =	sld [smem:$0x3FDB];
	_ =	sdelay $0x1  }
0xa2: {  	s9 =	simm.s32 $_scs_section_size  }
0xa3: {  	s10 =	simm.s32 $_size__tile_overlayer_lowered;
	s11 =	simm.s32 $_tile_overlayer_lowered  }
0xa4: {  	s22 =	simm.s32 $0x1BFF;
	s21 =	sshll.u32 s11, $0x1;
	s8 =	sadd.s32 s9, s19  }
0xa5: {  	s12 =	simm.s32 $0x0;
	s20 =	sshll.u32 s10, $0x1;
	s10 =	sadd.s32 s21, s8  }
0xa6: {  	[timem:s12], [sflag:s22] =	dma.local [hbm:s10], s20  }
0xa7: {  	_ =	swait.ge [sflag:s22], s20  }
0xa8: {  	s9 =	ssub.s32 $0x0, s20;
	[sflag:s22] =	ssyncset.done $0x0  }
0xa9: {  	[sflag:s22] =	ssyncadd.s32 s9;
	_ =	sdelay $0x1  }
0xaa: {  	s23 =	simm.s32 $0x1B8B  }
0xab: {  	_ =	swait.ge [sflag:s23], $0x1  }
0xac: {  	[sflag:s23] =	ssyncset.done $0x0  }
0xad: {  	s25 =	simm.s32 $0x1B8E;
	s24 =	sld [smem:$0x3FFE];
	[sflag:s23] =	ssyncadd.s32 $0xFFFFFFFF  }
0xae: {  	s26 =	simm.s32 $execute0_lowered;
	[smem:$0x3FD2] =	sst s25  }
0xaf: {  	s10 =	sshll.u32 s26, $0x1;
	_ =	strace $0x80000046;
	[dreg:$0x1] =	wrdreg $0xFFFFFFFF  }
0xb0: {  	s28 =	simm.s32 $_size_execute0_lowered;
	s8 =	sadd.s32 s8, s10;
	[dreg:$0x0] =	wrdreg $0x0  }
0xb1: {  	s10 =	sshll.u32 s28, $0x1;
	[dreg:$0x2] =	wrdreg s8  }
0xb2: {  	[dreg:$0x3] =	wrdreg s10  }
0xb3: {  	[dreg:$0x4] =	wrdreg $0xC0  }
0xb4: {  	_ =	task [dreg:s12], $0x5FFFF  }
0xb5: {  	[dreg:$0x1] =	wrdreg $0xFFFFFFFF  }
0xb6: {  	[dreg:$0x0] =	wrdreg $0x60  }
0xb7: {  	[dreg:$0x2] =	wrdreg s24  }
0xb8: {  	[dreg:$0x3] =	wrdreg s2  }
0xb9: {  	[dreg:$0x4] =	wrdreg s4  }
0xba: {  	[dreg:$0x5] =	wrdreg s5  }
0xbb: {  	[dreg:$0x6] =	wrdreg s6  }
0xbc: {  	[dreg:$0x7] =	wrdreg s16  }
0xbd: {  	[dreg:$0x8] =	wrdreg s17  }
0xbe: {  	[dreg:$0x9] =	wrdreg $0x9  }
0xbf: {  	_ =	task.clear_ibuf [dreg:s12], $0xAFFFF;
	_ =	strace $0x90000046  }
0xc0: {  	s29 =	simm.s32 $0x9;
	_ =	strace $0x80000048  }
0xc1: {  	_ =	swait.ge [sflag:s29], $0x1  }
0xc2: {  	[sflag:s29] =	ssyncadd.s32 $0xFFFFFFFF  }
0xc3: {  	_ =	strace $0x90000048  }
0xc4: {  	_ =	sfence  }
0xc5: {  	s30 =	sld [smem:$0x0];
	_ =	sdelay $0x2  }
0xc6: {  	s31 =	sshll.u32 s1, $0xD;
	s1 =	sshrl.u32 s1, $0x2  }
0xc7: {  	s3 =	sand.u32 $0x4000, s31;
	s1 =	sadd.s32 s1, s30  }
0xc8: {  	s0 =	sor.u32 s3, s0;
	s1 =	sshll.u32 s1, $0x11  }
0xc9: {  	s0 =	sor.u32 s1, s0  }
0xca: {  	s0 =	sadd.s32 $0x8F2B, s0  }
0xcb: {  	[sflag:s0] =	ssyncadd.remote.s32 $0x1  }
0xcc: {  	_ =	sfence.sel $0xFFFF  }
0xcd: {  	[dreg:$0x0] =	wrdreg $0xFFFFFFFF;
	(pc) =	sbr.abs _section_cstart, $3  }
0xce: {  	[dreg:$0x1] =	wrdreg $0xFFFFFFFF  }
0xcf: {  	_ =	task.clear_ibuf [dreg:s12], $0x2FFFF;
	_ =	strace $0x9FFFFFFF  }
0xd0: {  	(tm) =	ssettm $0x7FFFFFFF  }
0xd1: {  	_ =	shalt  }
tec
execute0_lowered:
.L_overlay_start_1:
0x0: {  	(tag) =	ssettag $0x1  }
0x1: {  	s1 =	rddreg [dreg:$0x0]  }
0x2: {  	s0 =	rddreg [dreg:$0x1];
	v0 =	vimm.s32 $0xEFCDAB89;
	v1 =	vimm.s32 $0x67452301  }
0x3: {  	s2 =	rddreg [dreg:$0x2];
	s3 =	srdreg.scid;
	v2 =	vlaneseq.u32;
	v0 =	vunpack.c.l.s4.s8 v0;
	v1 =	vunpack.c.l.s4.s8 v1  }
0x4: {  	s4 =	stileid.u32;
	s5 =	rddreg [dreg:$0x5];
	v3 =	vimm.s32 $0xDCFE98BA;
	v4 =	vimm.s32 $0x54761032;
	v5 =	vimm.s32 $0xBA98FEDC  }
0x5: {  	s7 =	rddreg [dreg:$0x6];
	s9 =	simm.s32 $0x0;
	s3 =	sand.u32 $0x1, s3;
	v3 =	vunpack.c.l.s4.s8 v3;
	v0 =	vunpack.c.0.s8.s32 v0;
	v1 =	vunpack.c.0.s8.s32 v1  }
0x6: {  	v6 =	vimm.s32 $0x32107654;
	s17 =	simm.s32 $0xD;
	s4 =	sshll.u32 s4, $0x9;
	v4 =	vunpack.c.l.s4.s8 v4;
	v5 =	vunpack.c.l.s4.s8 v5;
	s6 =	sshll.u32 s3, $0x8  }
0x7: {  	s18 =	simm.s32 $0xC;
	s3 =	ssub.s32 $0x2, s3;
	s8 =	sor.u32 s6, s4;
	v7 =	vcombine.low v1, v0;
	v0 =	vunpack.c.0.s8.s32 v3;
	v1 =	vunpack.c.l.s4.s8 v6  }
0x8: {  	[smem:$0x7FF] =	sst s9;
	s29 =	sshrl.u32 s3, $0x1;
	s10 =	sand.u32 $0x700, s8;
	v3 =	vunpack.c.0.s8.s32 v4;
	v4 =	vunpack.c.0.s8.s32 v5;
	v5 =	vimm.s32 $0xFEDCBA98  }
0x9: {  	s6 =	sshrl.u32 s8, $0x3;
	s3 =	ssub.s32 s3, s29;
	s28 =	sshrl.u32 s10, $0x3;
	v6 =	vimm.s32 $0x76543210;
	v5 =	vunpack.c.l.s4.s8 v5;
	v1 =	vunpack.c.0.s8.s32 v1  }
0xa: {  	vm0 =	vmmov $0xffff;
	s1 =	sadd.s32 s6, s1;
	s31 =	smax.u32 s3, $0x1;
	s4 =	smul.u32 $0x300, s28;
	v8 =	vcombine.low v3, v0;
	v3 =	vunpack.c.l.s4.s8 v6  }
0xb: {  	_ =	strace $0x80000047;
	s1 =	sadd.s32 $0x800, s1;
	[dreg:$0xb] =	wrdreg s31;
	v0 =	vand.u32 $0x7, v2;
	v6 =	vcombine.low v1, v4;
	v4 =	vunpack.c.0.s8.s32 v5  }
0xc: {  	s19 =	simm.s32 $0x0;
	[dreg:$0x8] =	wrdreg s1;
	s30 =	sadd.s32 s2, s4;
	v1 =	vshrl.u32 v2, $0x3;
	v9 =	vunpack.c.0.s8.s32 v3;
	v2 =	vor.u32 $0x8, v2  }
0xd: {  	s13 =	sadd.s32 $0x100, s0;
	[dreg:$0x9] =	wrdreg s30;
	s1 =	sadd.s32 $0x600, s30;
	v3 =	vand.u32 $0xF, v7;
	v1 =	vmul.u32 $0x8, v1;
	v7 =	vand.u32 $0xF, v4  }
0xe: {  	s14 =	sadd.s32 $0x200, s0;
	s4 =	simm.s32 $0xB;
	[dreg:$0xa] =	wrdreg s1;
	v4 =	vand.u32 $0xF, v8;
	v5 =	vand.u32 $0xF, v6;
	v6 =	vcombine.low v7, v9  }
.LBB2_1:
0xf: {  	s1 =	rddreg [dreg:$0x8]  }
0x10: {  	[tilespmem:s9], [sflag:$0xD] =	stream.linear.gather [hbm4b:s1+s9], $0x100, $0x38;
	[tilespmem:$0x19700] =	vst v63  }
0x11: {  	_ =	swait.ge [sflag:s17], $0x100  }
0x12: {  	[sflag:s17] =	ssyncset.done $0x0  }
0x13: {  	[sflag:s17] =	ssyncadd.s32 $0xFFFFFF00  }
0x14: {  	s3 =	simm.s32 $0x18100;
	s29 =	rddreg [dreg:$0x3]  }
0x15: {  	[tilespmem:s3], [sflag:$0xD] =	stream.linear.gather [hbm4b:s29+s9], $0x300, $0x38;
	[tilespmem:$0x19700] =	vst v63  }
0x16: {  	_ =	swait.ge [sflag:s17], $0x300  }
0x17: {  	[sflag:s17] =	ssyncset.done $0x0  }
0x18: {  	[sflag:s17] =	ssyncadd.s32 $0xFFFFFD00  }
0x19: {  	s31 =	simm.s32 $0x18400;
	s30 =	rddreg [dreg:$0x4]  }
0x1a: {  	[tilespmem:s31], [sflag:$0xD] =	stream.linear.gather [hbm4b:s30+s9], $0x300, $0x38;
	[tilespmem:$0x19700] =	vst v63  }
0x1b: {  	_ =	swait.ge [sflag:s17], $0x300  }
0x1c: {  	[sflag:s17] =	ssyncset.done $0x0  }
0x1d: {  	s11 =	simm.s32 $0xC100;
	s6 =	rddreg [dreg:$0x9];
	[sflag:s17] =	ssyncadd.s32 $0xFFFFFD00  }
0x1e: {  	[tilespmem:s11], [sflag:$0x1] =	stream.linear.gather [hbm4b:s6+s9], $0x3000, $0x38;
	[tilespmem:$0x19700] =	vst v63  }
0x1f: {  	v7 =	vld [tilespmem:$0x0];
	_ =	sdelay $0x4  }
0x20: {  	v8 =	vshrl.u32 v7, $0x3  }
0x21: {  	v8 =	vmul.u32 $0x30, v8  }
0x22: {  	v7 =	vand.u32 $0x7, v7  }
0x23: {  	v7 =	vor.u32 v7, v8  }
0x24: {  	v8 =	vperm.xlane v7, v0;
	_ =	sdelay $0x1  }
0x25: {  	v8 =	vadd.s32 v1, v8;
	_ =	sdelay $0x3  }
0x26: {  	s12 =	simm.s32 $0x100;
	v7 =	vperm.xlane v7, v2  }
0x27: {  	[tilespmem:s12], [sflag:$0x5] =	stream.indirect_vreg.gather [hbm4b:s0+s9], $0x80, v8, vm0, $0xb8;
	[tilespmem:$0x19700] =	vst v63  }
0x28: {  	s15 =	simm.s32 $0x900;
	v7 =	vadd.s32 v1, v7  }
0x29: {  	[tilespmem:s15], [sflag:$0x5] =	stream.indirect_vreg.gather [hbm4b:s13+s9], $0x80, v8, vm0, $0xb8;
	[tilespmem:$0x19700] =	vst v63  }
0x2a: {  	s16 =	simm.s32 $0x1100  }
0x2b: {  	[tilespmem:s16], [sflag:$0x5] =	stream.indirect_vreg.gather [hbm4b:s14+s9], $0x80, v8, vm0, $0xb8;
	[tilespmem:$0x19700] =	vst v63  }
0x2c: {  	s20 =	simm.s32 $0x1900  }
0x2d: {  	[tilespmem:s20], [sflag:$0x5] =	stream.indirect_vreg.gather [hbm4b:s0+s9], $0x80, v7, vm0, $0xb8;
	[tilespmem:$0x19700] =	vst v63  }
0x2e: {  	s21 =	simm.s32 $0x2100  }
0x2f: {  	[tilespmem:s21], [sflag:$0x5] =	stream.indirect_vreg.gather [hbm4b:s13+s9], $0x80, v7, vm0, $0xb8;
	[tilespmem:$0x19700] =	vst v63  }
0x30: {  	s22 =	simm.s32 $0x2900  }
0x31: {  	[tilespmem:s22], [sflag:$0x5] =	stream.indirect_vreg.gather [hbm4b:s14+s9], $0x80, v7, vm0, $0xb8;
	[tilespmem:$0x19700] =	vst v63  }
0x32: {  	s24 =	simm.s32 $0xF100;
	s23 =	rddreg [dreg:$0xa]  }
0x33: {  	[tilespmem:s24], [sflag:$0x2] =	stream.linear.gather [hbm4b:s23+s9], $0x3000, $0x38;
	[tilespmem:$0x19700] =	vst v63  }
0x34: {  	v7 =	vld [tilespmem:$0x10];
	_ =	sdelay $0x4  }
0x35: {  	v8 =	vshrl.u32 v7, $0x3  }
0x36: {  	v8 =	vmul.u32 $0x30, v8  }
0x37: {  	v7 =	vand.u32 $0x7, v7  }
0x38: {  	v7 =	vor.u32 v7, v8  }
0x39: {  	v8 =	vperm.xlane v7, v0;
	_ =	sdelay $0x1  }
0x3a: {  	v8 =	vadd.s32 v1, v8;
	_ =	sdelay $0x3  }
0x3b: {  	s25 =	simm.s32 $0x3100;
	v7 =	vperm.xlane v7, v2  }
0x3c: {  	[tilespmem:s25], [sflag:$0x6] =	stream.indirect_vreg.gather [hbm4b:s0+s9], $0x80, v8, vm0, $0xb8;
	[tilespmem:$0x19700] =	vst v63  }
0x3d: {  	s26 =	simm.s32 $0x3900;
	v7 =	vadd.s32 v1, v7  }
0x3e: {  	[tilespmem:s26], [sflag:$0x6] =	stream.indirect_vreg.gather [hbm4b:s13+s9], $0x80, v8, vm0, $0xb8;
	[tilespmem:$0x19700] =	vst v63  }
0x3f: {  	s28 =	simm.s32 $0x4100  }
0x40: {  	[tilespmem:s28], [sflag:$0x6] =	stream.indirect_vreg.gather [hbm4b:s14+s9], $0x80, v8, vm0, $0xb8;
	[tilespmem:$0x19700] =	vst v63  }
0x41: {  	s29 =	simm.s32 $0x4900  }
0x42: {  	[tilespmem:s29], [sflag:$0x6] =	stream.indirect_vreg.gather [hbm4b:s0+s9], $0x80, v7, vm0, $0xb8;
	[tilespmem:$0x19700] =	vst v63  }
0x43: {  	s30 =	simm.s32 $0x5100  }
0x44: {  	[tilespmem:s30], [sflag:$0x6] =	stream.indirect_vreg.gather [hbm4b:s13+s9], $0x80, v7, vm0, $0xb8;
	[tilespmem:$0x19700] =	vst v63  }
0x45: {  	s31 =	simm.s32 $0x5900;
	s20 =	simm.s32 $0x0  }
0x46: {  	[tilespmem:s31], [sflag:$0x6] =	stream.indirect_vreg.gather [hbm4b:s14+s9], $0x80, v7, vm0, $0xb8;
	[tilespmem:$0x19700] =	vst v63  }
.LBB2_2:
0x47: {  	p0 =	slt.u32 s20, $0x2  }
0x48: {  	s21 =	sand.u32 @!p0 $0x3, s20  }
0x49: {  	s1 =	sxor.u32 @!p0 $0x2, s21  }
0x4a: {  	p1 =	sgt.u32 @!p0 s20, $0xD;
	s1 =	sadd.s32 @!p0 $0x9, s1  }
0x4b: {  	p1 =	por p0, !p1;
	_ =	swait.ge @!p0 [sflag:s1], $0x3000  }
.Ltmp0:
0x4c: {  	[sflag:s1] =	ssyncset.done @!p0 $0x0;
	(pc) =	sbr.rel @!p1 .LBB2_4-.Ltmp0, $4  }
0x4d: {  	[sflag:s1] =	ssyncadd.s32 @!p0 $0xFFFFD000  }
0x4e: {  	_ =	swait.ge @!p0 [sflag:s1], $0x3000  }
0x4f: {  	[sflag:s1] =	ssyncset.done @!p0 $0x0  }
0x50: {  	[sflag:s1] =	ssyncadd.s32 @!p0 $0xFFFFD000  }
0x51: {  	s1 =	sadd.s32 $0x2, s20  }
0x52: {  	s3 =	sshll.u32 s1, $0x4  }
0x53: {  	s1 =	sand.u32 $0x3, s1;
	s6 =	sadd.s32 s10, s3  }
0x54: {  	s11 =	smul.u32 $0x3000, s1;
	s6 =	sshrl.u32 s6, $0x3  }
0x55: {  	s6 =	smul.u32 $0x300, s6;
	_ =	sdelay $0x1  }
0x56: {  	s15 =	sadd.s32 $0x1, s1;
	s12 =	sadd.s32 $0xC100, s11;
	s6 =	sadd.s32 s2, s6  }
0x57: {  	[tilespmem:s12], [sflag:s15] =	stream.linear.gather [hbm4b:s6+s9], $0x3000, $0x38;
	[tilespmem:$0x19700] =	vst v63  }
0x58: {  	v7 =	vld [tilespmem:s3+$0x0];
	_ =	sdelay $0x4  }
0x59: {  	v8 =	vshrl.u32 v7, $0x3  }
0x5a: {  	v8 =	vmul.u32 $0x30, v8  }
0x5b: {  	v7 =	vand.u32 $0x7, v7  }
0x5c: {  	v7 =	vor.u32 v7, v8  }
0x5d: {  	v8 =	vperm.xlane v7, v0;
	_ =	sdelay $0x1  }
0x5e: {  	v8 =	vadd.s32 v1, v8;
	_ =	sdelay $0x3  }
0x5f: {  	s1 =	sadd.s32 $0x5, s1;
	s25 =	sor.u32 $0x100, s11;
	v7 =	vperm.xlane v7, v2  }
0x60: {  	[tilespmem:s25], [sflag:s1] =	stream.indirect_vreg.gather [hbm4b:s0+s9], $0x80, v8, vm0, $0xb8;
	[tilespmem:$0x19700] =	vst v63  }
0x61: {  	s26 =	sor.u32 $0x900, s11;
	v7 =	vadd.s32 v1, v7  }
0x62: {  	[tilespmem:s26], [sflag:s1] =	stream.indirect_vreg.gather [hbm4b:s13+s9], $0x80, v8, vm0, $0xb8;
	[tilespmem:$0x19700] =	vst v63  }
0x63: {  	s28 =	sadd.s32 $0x1100, s11  }
0x64: {  	[tilespmem:s28], [sflag:s1] =	stream.indirect_vreg.gather [hbm4b:s14+s9], $0x80, v8, vm0, $0xb8;
	[tilespmem:$0x19700] =	vst v63  }
0x65: {  	s29 =	sadd.s32 $0x1900, s11  }
0x66: {  	[tilespmem:s29], [sflag:s1] =	stream.indirect_vreg.gather [hbm4b:s0+s9], $0x80, v7, vm0, $0xb8;
	[tilespmem:$0x19700] =	vst v63  }
0x67: {  	s30 =	sadd.s32 $0x2100, s11  }
0x68: {  	[tilespmem:s30], [sflag:s1] =	stream.indirect_vreg.gather [hbm4b:s13+s9], $0x80, v7, vm0, $0xb8;
	[tilespmem:$0x19700] =	vst v63  }
0x69: {  	s21 =	smov.u32 @p0 s20;
	s31 =	sadd.s32 $0x2900, s11  }
0x6a: {  	[tilespmem:s31], [sflag:s1] =	stream.indirect_vreg.gather [hbm4b:s14+s9], $0x80, v7, vm0, $0xb8;
	[tilespmem:$0x19700] =	vst v63  }
.LBB2_4:
0x6b: {  	s1 =	sadd.s32 $0x1, s21  }
0x6c: {  	_ =	swait.ge [sflag:s1], $0x3000  }
0x6d: {  	[sflag:s1] =	ssyncset.done $0x0  }
0x6e: {  	s31 =	sadd.s32 $0x5, s21;
	[sflag:s1] =	ssyncadd.s32 $0xFFFFD000  }
0x6f: {  	_ =	swait.ge [sflag:s31], $0x3000  }
0x70: {  	s22 =	smul.u32 $0x3000, s21;
	s23 =	simm.s32 $0xFFFFFFFE;
	[sflag:s31] =	ssyncset.done $0x0  }
0x71: {  	s24 =	simm.s32 $0x18800;
	s25 =	simm.s32 $0x80;
	[sflag:s31] =	ssyncadd.s32 $0xFFFFD000  }
.LBB2_5:
0x72: {  	s23 =	sadd.s32 $0x2, s23  }
0x73: {  	s1 =	sshrl.u32 s23, $0x3  }
0x74: {  	s1 =	smul.u32 $0x1800, s1  }
0x75: {  	s6 =	sadd.s32 $0xFFFFFF80, s25  }
0x76: {  	s15 =	sand.u32 $0x300, s6;
	s3 =	sadd.s32 s22, s1  }
0x77: {  	s31 =	sor.u32 s15, s3  }
0x78: {  	v7 =	vld [tilespmem:s31+$0x100]  }
0x79: {  	v8 =	vld [tilespmem:s31+$0xC100]  }
0x7a: {  	v9 =	vld [tilespmem:s31+$0x110]  }
0x7b: {  	v10 =	vld [tilespmem:s31+$0xC110]  }
0x7c: {  	v11 =	vld [tilespmem:s31+$0x120]  }
0x7d: {  	v12 =	vld [tilespmem:s31+$0xC120]  }
0x7e: {  	v13 =	vld [tilespmem:s31+$0x130]  }
0x7f: {  	v14 =	vld [tilespmem:s31+$0xC130]  }
0x80: {  	v15 =	vld [tilespmem:s31+$0x140]  }
0x81: {  	v16 =	vld [tilespmem:s31+$0xC140]  }
0x82: {  	v17 =	vld [tilespmem:s31+$0x150]  }
0x83: {  	v18 =	vld [tilespmem:s31+$0xC150]  }
0x84: {  	v19 =	vld [tilespmem:s31+$0x160]  }
0x85: {  	v20 =	vld [tilespmem:s31+$0xC160]  }
0x86: {  	v21 =	vld [tilespmem:s31+$0x170]  }
0x87: {  	v22 =	vld [tilespmem:s31+$0xC170]  }
0x88: {  	v23 =	vld [tilespmem:s31+$0x500]  }
0x89: {  	v24 =	vld [tilespmem:s31+$0xC500]  }
0x8a: {  	v25 =	vld [tilespmem:s31+$0x510]  }
0x8b: {  	v26 =	vld [tilespmem:s31+$0xC510]  }
0x8c: {  	v40 =	vld [tilespmem:s31+$0x530]  }
0x8d: {  	v41 =	vld [tilespmem:s31+$0xC530];
	v7 =	vadd.f32 v8, v7  }
0x8e: {  	v42 =	vld [tilespmem:s31+$0x540];
	v9 =	vadd.f32 v10, v9  }
0x8f: {  	v43 =	vld [tilespmem:s31+$0xC540];
	v11 =	vadd.f32 v12, v11;
	[tilespmem:s31+$0x100] =	vst v7  }
0x90: {  	v44 =	vld [tilespmem:s31+$0x550];
	v13 =	vadd.f32 v14, v13;
	[tilespmem:s31+$0x110] =	vst v9  }
0x91: {  	v45 =	vld [tilespmem:s31+$0xC550];
	v15 =	vadd.f32 v16, v15;
	[tilespmem:s31+$0x120] =	vst v11  }
0x92: {  	v46 =	vld [tilespmem:s31+$0x560];
	v17 =	vadd.f32 v18, v17;
	[tilespmem:s31+$0x130] =	vst v13  }
0x93: {  	v47 =	vld [tilespmem:s31+$0xC560];
	v19 =	vadd.f32 v20, v19;
	[tilespmem:s31+$0x140] =	vst v15  }
0x94: {  	v48 =	vld [tilespmem:s31+$0x570];
	v21 =	vadd.f32 v22, v21;
	[tilespmem:s31+$0x150] =	vst v17  }
0x95: {  	v49 =	vld [tilespmem:s31+$0xC570];
	v23 =	vadd.f32 v24, v23;
	[tilespmem:s31+$0x160] =	vst v19  }
0x96: {  	v27 =	vld [tilespmem:s31+$0x520];
	v10 =	vadd.f32 v41, v40;
	[tilespmem:s31+$0x170] =	vst v21  }
0x97: {  	v8 =	vld [tilespmem:s31+$0xC520];
	v12 =	vadd.f32 v43, v42;
	[tilespmem:s31+$0x500] =	vst v23  }
0x98: {  	v14 =	vadd.f32 v45, v44;
	[tilespmem:s31+$0x530] =	vst v10  }
0x99: {  	v16 =	vadd.f32 v47, v46;
	[tilespmem:s31+$0x540] =	vst v12  }
0x9a: {  	v18 =	vadd.f32 v49, v48;
	[tilespmem:s31+$0x550] =	vst v14  }
0x9b: {  	s11 =	sadd.s32 $0x800, s3;
	v25 =	vadd.f32 v26, v25;
	[tilespmem:s31+$0x560] =	vst v16  }
0x9c: {  	s30 =	sor.u32 s15, s11;
	[tilespmem:s31+$0x570] =	vst v18;
	v8 =	vadd.f32 v8, v27  }
0x9d: {  	[tilespmem:s31+$0x510] =	vst v25;
	v35 =	vld [tilespmem:s30+$0x160]  }
0x9e: {  	v56 =	vld [tilespmem:s30+$0x170];
	[tilespmem:s31+$0x520] =	vst v8  }
0x9f: {  	v50 =	vld [tilespmem:s30+$0x100]  }
0xa0: {  	v51 =	vld [tilespmem:s30+$0xC100]  }
0xa1: {  	v52 =	vld [tilespmem:s30+$0x110]  }
0xa2: {  	v53 =	vld [tilespmem:s30+$0xC110]  }
0xa3: {  	v54 =	vld [tilespmem:s30+$0x120]  }
0xa4: {  	v28 =	vld [tilespmem:s30+$0xC120]  }
0xa5: {  	v29 =	vld [tilespmem:s30+$0x130]  }
0xa6: {  	v30 =	vld [tilespmem:s30+$0xC130]  }
0xa7: {  	v31 =	vld [tilespmem:s30+$0x140]  }
0xa8: {  	v32 =	vld [tilespmem:s30+$0xC140]  }
0xa9: {  	v33 =	vld [tilespmem:s30+$0x150]  }
0xaa: {  	v34 =	vld [tilespmem:s30+$0xC150];
	v20 =	vadd.f32 v51, v50  }
0xab: {  	v55 =	vld [tilespmem:s30+$0xC160];
	v24 =	vadd.f32 v53, v52  }
0xac: {  	v57 =	vld [tilespmem:s30+$0xC170];
	v27 =	vadd.f32 v28, v54;
	[tilespmem:s30+$0x100] =	vst v20  }
0xad: {  	v29 =	vadd.f32 v30, v29;
	[tilespmem:s30+$0x110] =	vst v24  }
0xae: {  	v30 =	vadd.f32 v32, v31;
	[tilespmem:s30+$0x120] =	vst v27  }
0xaf: {  	v31 =	vadd.f32 v34, v33;
	[tilespmem:s30+$0x130] =	vst v29  }
0xb0: {  	v22 =	vadd.f32 v55, v35;
	[tilespmem:s30+$0x140] =	vst v30  }
0xb1: {  	s16 =	sadd.s32 $0xC00, s3;
	v26 =	vadd.f32 v57, v56;
	[tilespmem:s30+$0x150] =	vst v31  }
0xb2: {  	s29 =	sor.u32 s15, s16;
	[tilespmem:s30+$0x160] =	vst v22  }
0xb3: {  	[tilespmem:s30+$0x170] =	vst v26;
	v58 =	vld [tilespmem:s29+$0x100]  }
0xb4: {  	v59 =	vld [tilespmem:s29+$0xC100]  }
0xb5: {  	v60 =	vld [tilespmem:s29+$0x110]  }
0xb6: {  	v61 =	vld [tilespmem:s29+$0xC110]  }
0xb7: {  	v62 =	vld [tilespmem:s29+$0x120]  }
0xb8: {  	v36 =	vld [tilespmem:s29+$0xC120]  }
0xb9: {  	v37 =	vld [tilespmem:s29+$0x130]  }
0xba: {  	v38 =	vld [tilespmem:s29+$0xC130]  }
0xbb: {  	v40 =	vld [tilespmem:s29+$0x140]  }
0xbc: {  	v39 =	vadd.f32 $0.0e+00, v7;
	v43 =	vld [tilespmem:s29+$0xC140]  }
0xbd: {  	v41 =	vadd.f32 $0.0e+00, v9;
	v44 =	vld [tilespmem:s29+$0x150]  }
0xbe: {  	v42 =	vmul.f32 v11, v11;
	v11 =	vadd.f32 v11, v39;
	v48 =	vld [tilespmem:s29+$0xC150]  }
0xbf: {  	v63 =	vmul.f32 v13, v13;
	v13 =	vadd.f32 v13, v41;
	v49 =	vld [tilespmem:s29+$0x160]  }
0xc0: {  	v11 =	vadd.f32 v15, v11;
	v51 =	vld [tilespmem:s29+$0xC160];
	v28 =	vadd.f32 v59, v58  }
0xc1: {  	v13 =	vadd.f32 v17, v13;
	v50 =	vmul.f32 v17, v17;
	v52 =	vld [tilespmem:s29+$0x170];
	v17 =	vadd.f32 v61, v60  }
0xc2: {  	v54 =	vld [tilespmem:s29+$0xC170];
	v35 =	vadd.f32 v36, v62;
	[tilespmem:s29+$0x100] =	vst v28  }
0xc3: {  	v11 =	vadd.f32 v19, v11;
	v53 =	vmul.f32 v19, v19;
	v19 =	vadd.f32 v38, v37;
	[tilespmem:s29+$0x110] =	vst v17  }
0xc4: {  	v37 =	vadd.f32 v43, v40;
	[tilespmem:s29+$0x120] =	vst v35  }
0xc5: {  	v13 =	vadd.f32 v21, v13;
	v55 =	vmul.f32 v21, v21;
	v21 =	vadd.f32 v48, v44;
	[tilespmem:s29+$0x130] =	vst v19  }
0xc6: {  	v7 =	vmul.f32 v7, v7;
	v47 =	vmul.f32 v15, v15;
	v15 =	vadd.f32 v51, v49;
	[tilespmem:s29+$0x140] =	vst v37  }
0xc7: {  	s1 =	sadd.s32 $0x1000, s3;
	v9 =	vmul.f32 v9, v9;
	v32 =	vadd.f32 v54, v52;
	[tilespmem:s29+$0x150] =	vst v21  }
0xc8: {  	s28 =	sor.u32 s15, s1;
	v7 =	vadd.f32 v42, v7;
	[tilespmem:s29+$0x160] =	vst v15  }
0xc9: {  	v9 =	vadd.f32 v63, v9;
	[tilespmem:s29+$0x170] =	vst v32;
	v60 =	vld [tilespmem:s28+$0x100]  }
0xca: {  	v7 =	vadd.f32 v47, v7;
	v62 =	vld [tilespmem:s28+$0xC100]  }
0xcb: {  	v9 =	vadd.f32 v50, v9;
	v33 =	vld [tilespmem:s28+$0x110]  }
0xcc: {  	v56 =	vmul.f32 v23, v23;
	v7 =	vadd.f32 v53, v7;
	v36 =	vld [tilespmem:s28+$0xC110]  }
0xcd: {  	v11 =	vadd.f32 v23, v11;
	v57 =	vmul.f32 v25, v25;
	v9 =	vadd.f32 v55, v9;
	v39 =	vld [tilespmem:s28+$0x120]  }
0xce: {  	v13 =	vadd.f32 v25, v13;
	v7 =	vadd.f32 v56, v7;
	v41 =	vld [tilespmem:s28+$0xC120]  }
0xcf: {  	v9 =	vadd.f32 v57, v9;
	v58 =	vmul.f32 v8, v8;
	v59 =	vmul.f32 v10, v10;
	v43 =	vld [tilespmem:s28+$0x130]  }
0xd0: {  	v63 =	vmul.f32 v14, v14;
	v8 =	vadd.f32 v8, v11;
	v10 =	vadd.f32 v10, v13;
	v45 =	vld [tilespmem:s28+$0xC130]  }
0xd1: {  	v61 =	vmul.f32 v12, v12;
	v7 =	vadd.f32 v58, v7;
	v9 =	vadd.f32 v59, v9;
	v47 =	vld [tilespmem:s28+$0x140]  }
0xd2: {  	v34 =	vmul.f32 v16, v16;
	v8 =	vadd.f32 v12, v8;
	v10 =	vadd.f32 v14, v10;
	v49 =	vld [tilespmem:s28+$0xC140]  }
0xd3: {  	v38 =	vmul.f32 v18, v18;
	v51 =	vld [tilespmem:s28+$0x150];
	v7 =	vadd.f32 v61, v7;
	v9 =	vadd.f32 v63, v9  }
0xd4: {  	v53 =	vld [tilespmem:s28+$0xC150];
	v8 =	vadd.f32 v16, v8;
	v10 =	vadd.f32 v18, v10  }
0xd5: {  	v54 =	vld [tilespmem:s28+$0x160];
	v7 =	vadd.f32 v34, v7;
	v9 =	vadd.f32 v38, v9  }
0xd6: {  	v40 =	vmul.f32 v20, v20;
	v57 =	vld [tilespmem:s28+$0xC160];
	v8 =	vadd.f32 v20, v8;
	v56 =	vadd.f32 v62, v60  }
0xd7: {  	v42 =	vmul.f32 v24, v24;
	v58 =	vld [tilespmem:s28+$0x170];
	v10 =	vadd.f32 v24, v10;
	v12 =	vadd.f32 v36, v33  }
0xd8: {  	v7 =	vadd.f32 v40, v7;
	v16 =	vadd.f32 v41, v39;
	v60 =	vld [tilespmem:s28+$0xC170];
	[tilespmem:s28+$0x100] =	vst v56  }
0xd9: {  	v9 =	vadd.f32 v42, v9;
	v20 =	vadd.f32 v45, v43;
	[tilespmem:s28+$0x110] =	vst v12  }
0xda: {  	v44 =	vmul.f32 v27, v27;
	v8 =	vadd.f32 v27, v8;
	v62 =	vadd.f32 v49, v47;
	[tilespmem:s28+$0x120] =	vst v16  }
0xdb: {  	s6 =	sadd.s32 $0x1400, s3;
	v46 =	vmul.f32 v29, v29;
	v10 =	vadd.f32 v29, v10;
	v63 =	vadd.f32 v53, v51;
	[tilespmem:s28+$0x130] =	vst v20  }
0xdc: {  	s26 =	sor.u32 s15, s6;
	v50 =	vmul.f32 v31, v31;
	v11 =	vadd.f32 v57, v54;
	v7 =	vadd.f32 v44, v7;
	[tilespmem:s28+$0x140] =	vst v62  }
0xdd: {  	v48 =	vmul.f32 v30, v30;
	v9 =	vadd.f32 v46, v9;
	[tilespmem:s28+$0x150] =	vst v63;
	v29 =	vld [tilespmem:s26+$0x100];
	v14 =	vadd.f32 v60, v58  }
0xde: {  	v55 =	vmul.f32 v26, v26;
	v8 =	vadd.f32 v30, v8;
	v10 =	vadd.f32 v31, v10;
	[tilespmem:s28+$0x160] =	vst v11;
	v34 =	vld [tilespmem:s26+$0x110]  }
0xdf: {  	v52 =	vmul.f32 v22, v22;
	v38 =	vld [tilespmem:s26+$0x120];
	v7 =	vadd.f32 v48, v7;
	v9 =	vadd.f32 v50, v9;
	[tilespmem:s28+$0x170] =	vst v14  }
0xe0: {  	v59 =	vmul.f32 v28, v28;
	v8 =	vadd.f32 v22, v8;
	v10 =	vadd.f32 v26, v10;
	v31 =	vld [tilespmem:s26+$0xC100]  }
0xe1: {  	v61 =	vmul.f32 v17, v17;
	v7 =	vadd.f32 v52, v7;
	v9 =	vadd.f32 v55, v9;
	v36 =	vld [tilespmem:s26+$0xC110]  }
0xe2: {  	v25 =	vmul.f32 v35, v35;
	v8 =	vadd.f32 v28, v8;
	v10 =	vadd.f32 v17, v10;
	v40 =	vld [tilespmem:s26+$0xC120]  }
0xe3: {  	v26 =	vmul.f32 v19, v19;
	v7 =	vadd.f32 v59, v7;
	v9 =	vadd.f32 v61, v9;
	v46 =	vld [tilespmem:s26+$0x140]  }
0xe4: {  	v27 =	vmul.f32 v37, v37;
	v8 =	vadd.f32 v35, v8;
	v10 =	vadd.f32 v19, v10;
	v48 =	vld [tilespmem:s26+$0xC140]  }
0xe5: {  	v28 =	vmul.f32 v21, v21;
	v58 =	vld [tilespmem:s26+$0x170];
	v7 =	vadd.f32 v25, v7;
	v9 =	vadd.f32 v26, v9  }
0xe6: {  	v60 =	vld [tilespmem:s26+$0xC170];
	v8 =	vadd.f32 v37, v8;
	v10 =	vadd.f32 v21, v10  }
0xe7: {  	v50 =	vld [tilespmem:s26+$0x150];
	v7 =	vadd.f32 v27, v7;
	v9 =	vadd.f32 v28, v9  }
0xe8: {  	v52 =	vld [tilespmem:s26+$0xC150];
	v8 =	vadd.f32 v15, v8;
	v10 =	vadd.f32 v32, v10  }
0xe9: {  	v30 =	vmul.f32 v15, v15;
	v49 =	vadd.f32 v31, v29;
	v18 =	vadd.f32 v36, v34  }
0xea: {  	v33 =	vmul.f32 v32, v32;
	v42 =	vld [tilespmem:s26+$0x130];
	v55 =	vadd.f32 v40, v38;
	v17 =	vadd.f32 v48, v46  }
0xeb: {  	v35 =	vmul.f32 v56, v56;
	v44 =	vld [tilespmem:s26+$0xC130];
	v22 =	vadd.f32 v60, v58;
	v7 =	vadd.f32 v30, v7  }
0xec: {  	v54 =	vld [tilespmem:s26+$0x160];
	v37 =	vmul.f32 v12, v12;
	v9 =	vadd.f32 v33, v9;
	v8 =	vadd.f32 v56, v8  }
0xed: {  	v10 =	vadd.f32 v12, v10;
	v56 =	vld [tilespmem:s26+$0xC160];
	v12 =	vadd.f32 v52, v50  }
0xee: {  	v39 =	vmul.f32 v16, v16;
	v7 =	vadd.f32 v35, v7;
	v9 =	vadd.f32 v37, v9  }
0xef: {  	v41 =	vmul.f32 v20, v20;
	v8 =	vadd.f32 v16, v8;
	v10 =	vadd.f32 v20, v10  }
0xf0: {  	v43 =	vmul.f32 v62, v62;
	v16 =	vadd.f32 v44, v42;
	v7 =	vadd.f32 v39, v7  }
0xf1: {  	v45 =	vmul.f32 v63, v63;
	v9 =	vadd.f32 v41, v9;
	v8 =	vadd.f32 v62, v8  }
0xf2: {  	v47 =	vmul.f32 v11, v11;
	v10 =	vadd.f32 v63, v10;
	v13 =	vadd.f32 v56, v54  }
0xf3: {  	v51 =	vmul.f32 v14, v14;
	v7 =	vadd.f32 v43, v7;
	v9 =	vadd.f32 v45, v9  }
0xf4: {  	v53 =	vmul.f32 v49, v49;
	v8 =	vadd.f32 v11, v8;
	v10 =	vadd.f32 v14, v10  }
0xf5: {  	v57 =	vmul.f32 v18, v18;
	v7 =	vadd.f32 v47, v7;
	v9 =	vadd.f32 v51, v9  }
0xf6: {  	v59 =	vmul.f32 v55, v55;
	v8 =	vadd.f32 v49, v8;
	v10 =	vadd.f32 v18, v10  }
0xf7: {  	v61 =	vmul.f32 v16, v16;
	v7 =	vadd.f32 v53, v7;
	v9 =	vadd.f32 v57, v9  }
0xf8: {  	[tilespmem:s26+$0x100] =	vst v49;
	v62 =	vmul.f32 v17, v17;
	v8 =	vadd.f32 v55, v8;
	v10 =	vadd.f32 v16, v10  }
0xf9: {  	[tilespmem:s26+$0x110] =	vst v18;
	v63 =	vmul.f32 v12, v12;
	v7 =	vadd.f32 v59, v7;
	v9 =	vadd.f32 v61, v9  }
0xfa: {  	[tilespmem:s26+$0x120] =	vst v55;
	v24 =	vmul.f32 v22, v22;
	v8 =	vadd.f32 v17, v8;
	v10 =	vadd.f32 v12, v10  }
0xfb: {  	[tilespmem:s26+$0x140] =	vst v17;
	v23 =	vmul.f32 v13, v13;
	v7 =	vadd.f32 v62, v7;
	v9 =	vadd.f32 v63, v9  }
0xfc: {  	[tilespmem:s26+$0x170] =	vst v22;
	v8 =	vadd.f32 v13, v8;
	v10 =	vadd.f32 v22, v10  }
0xfd: {  	[tilespmem:s26+$0x150] =	vst v12;
	v7 =	vadd.f32 v23, v7;
	v9 =	vadd.f32 v24, v9  }
0xfe: {  	[tilespmem:s26+$0x130] =	vst v16;
	v8 =	vadd.f32 v10, v8  }
0xff: {  	[tilespmem:s26+$0x160] =	vst v13;
	v7 =	vadd.f32 v9, v7  }
0x100: {  	[tilespmem:s24+$0xFFFFFF00] =	vst v8  }
0x101: {  	[tilespmem:s24+$0xFFFFFF80] =	vst v7  }
0x102: {  	v25 =	vld.idx.msk [tilespmem:v3+s24+$0xFFFFFF00], $0xffff  }
0x103: {  	v26 =	vld.idx.msk [tilespmem:v3+s24+$0xFFFFFF80], $0xffff;
	_ =	sdelay $0x3  }
0x104: {  	v8 =	vadd.f32 v25, v8  }
0x105: {  	v7 =	vadd.f32 v26, v7  }
0x106: {  	[tilespmem:s24+$0xFFFFFF00] =	vst v8  }
0x107: {  	[tilespmem:s24+$0xFFFFFF80] =	vst v7  }
0x108: {  	v27 =	vld.idx.msk [tilespmem:v4+s24+$0xFFFFFF00], $0xffff  }
0x109: {  	v28 =	vld.idx.msk [tilespmem:v4+s24+$0xFFFFFF80], $0xffff;
	_ =	sdelay $0x3  }
0x10a: {  	v8 =	vadd.f32 v27, v8  }
0x10b: {  	v7 =	vadd.f32 v28, v7  }
0x10c: {  	[tilespmem:s24+$0xFFFFFF00] =	vst v8  }
0x10d: {  	[tilespmem:s24+$0xFFFFFF80] =	vst v7  }
0x10e: {  	v29 =	vld.idx.msk [tilespmem:v5+s24+$0xFFFFFF00], $0xffff  }
0x10f: {  	v30 =	vld.idx.msk [tilespmem:v5+s24+$0xFFFFFF80], $0xffff;
	_ =	sdelay $0x3  }
0x110: {  	v8 =	vadd.f32 v29, v8  }
0x111: {  	v7 =	vadd.f32 v30, v7  }
0x112: {  	[tilespmem:s24+$0xFFFFFF00] =	vst v8  }
0x113: {  	[tilespmem:s24+$0xFFFFFF80] =	vst v7  }
0x114: {  	v31 =	vld.idx.msk [tilespmem:v6+s24+$0xFFFFFF00], $0xffff;
	_ =	sdelay $0x1  }
0x115: {  	v32 =	vld.idx.msk [tilespmem:v6+s24+$0xFFFFFF80], $0xffff;
	_ =	sdelay $0x2  }
0x116: {  	v8 =	vadd.f32 v31, v8;
	_ =	sdelay $0x1  }
0x117: {  	v33 =	vadd.f32 v32, v7;
	v7 =	vmul.f32 $1.302083370e-03, v8;
	_ =	sdelay $0x1  }
0x118: {  	v8 =	vmul.f32 $1.302083370e-03, v33;
	v34 =	vmul.f32 v7, v7;
	_ =	sdelay $0x1  }
0x119: {  	v8 =	vsub.f32 v8, v34;
	_ =	sdelay $0x1  }
0x11a: {  	v8 =	vadd.f32 $9.999999710e-10, v8;
	_ =	sdelay $0x1  }
0x11b: {  	v35 =	vshrl.u32 v8, $0x1;
	v8 =	vmul.f32 $5.000000000e-01, v8  }
0x11c: {  	v9 =	vsub.s32 $0x5F3759DF, v35  }
0x11d: {  	v36 =	vmul.f32 v9, v8;
	_ =	sdelay $0x1  }
0x11e: {  	v10 =	vmul.f32 v9, v36;
	_ =	sdelay $0x1  }
0x11f: {  	v10 =	vsub.f32 $1.500000000e+00, v10;
	_ =	sdelay $0x1  }
0x120: {  	v9 =	vmul.f32 v9, v10;
	_ =	sdelay $0x1  }
0x121: {  	v10 =	vmul.f32 v9, v8;
	_ =	sdelay $0x1  }
0x122: {  	v10 =	vmul.f32 v10, v9;
	_ =	sdelay $0x1  }
0x123: {  	v10 =	vsub.f32 $1.500000000e+00, v10;
	_ =	sdelay $0x1  }
0x124: {  	v9 =	vmul.f32 v10, v9;
	_ =	sdelay $0x1  }
0x125: {  	v8 =	vmul.f32 v9, v8  }
0x126: {  	v37 =	vld [tilespmem:s31+$0x100]  }
0x127: {  	v8 =	vmul.f32 v8, v9;
	_ =	sdelay $0x1  }
0x128: {  	v8 =	vsub.f32 $1.500000000e+00, v8  }
0x129: {  	v38 =	vld [tilespmem:$0x18100]  }
0x12a: {  	v39 =	vsub.f32 v37, v7;
	v8 =	vmul.f32 v8, v9  }
0x12b: {  	v40 =	vld [tilespmem:$0x18400]  }
0x12c: {  	v9 =	vmul.f32 v8, v39;
	_ =	sdelay $0x1  }
0x12d: {  	v9 =	vmul.f32 v9, v38  }
0x12e: {  	v41 =	vld [tilespmem:s31+$0x110]  }
0x12f: {  	v9 =	vadd.f32 v9, v40;
	_ =	sdelay $0x1  }
0x130: {  	[tilespmem:s31+$0x100] =	vst v9  }
0x131: {  	v9 =	vld [tilespmem:$0x18110]  }
0x132: {  	v42 =	vsub.f32 v41, v7  }
0x133: {  	v43 =	vld [tilespmem:$0x18410]  }
0x134: {  	v10 =	vmul.f32 v8, v42;
	_ =	sdelay $0x1  }
0x135: {  	v9 =	vmul.f32 v10, v9  }
0x136: {  	v44 =	vld [tilespmem:s31+$0x120]  }
0x137: {  	v9 =	vadd.f32 v9, v43;
	_ =	sdelay $0x1  }
0x138: {  	[tilespmem:s31+$0x110] =	vst v9  }
0x139: {  	v9 =	vld [tilespmem:$0x18120]  }
0x13a: {  	v10 =	vsub.f32 v44, v7  }
0x13b: {  	v45 =	vld [tilespmem:$0x18420]  }
0x13c: {  	v10 =	vmul.f32 v8, v10;
	_ =	sdelay $0x1  }
0x13d: {  	v9 =	vmul.f32 v10, v9  }
0x13e: {  	v46 =	vld [tilespmem:s31+$0x130]  }
0x13f: {  	v9 =	vadd.f32 v9, v45;
	_ =	sdelay $0x1  }
0x140: {  	[tilespmem:s31+$0x120] =	vst v9  }
0x141: {  	v9 =	vld [tilespmem:$0x18130]  }
0x142: {  	v10 =	vsub.f32 v46, v7  }
0x143: {  	v47 =	vld [tilespmem:$0x18430]  }
0x144: {  	v10 =	vmul.f32 v8, v10;
	_ =	sdelay $0x1  }
0x145: {  	v9 =	vmul.f32 v10, v9  }
0x146: {  	v48 =	vld [tilespmem:s31+$0x140]  }
0x147: {  	v9 =	vadd.f32 v9, v47;
	_ =	sdelay $0x1  }
0x148: {  	[tilespmem:s31+$0x130] =	vst v9  }
0x149: {  	v9 =	vld [tilespmem:$0x18140]  }
0x14a: {  	v10 =	vsub.f32 v48, v7  }
0x14b: {  	v49 =	vld [tilespmem:$0x18440]  }
0x14c: {  	v10 =	vmul.f32 v8, v10;
	_ =	sdelay $0x1  }
0x14d: {  	v9 =	vmul.f32 v10, v9  }
0x14e: {  	v50 =	vld [tilespmem:s31+$0x150]  }
0x14f: {  	v9 =	vadd.f32 v9, v49;
	_ =	sdelay $0x1  }
0x150: {  	[tilespmem:s31+$0x140] =	vst v9  }
0x151: {  	v9 =	vld [tilespmem:$0x18150]  }
0x152: {  	v10 =	vsub.f32 v50, v7  }
0x153: {  	v51 =	vld [tilespmem:$0x18450]  }
0x154: {  	v10 =	vmul.f32 v10, v8;
	_ =	sdelay $0x1  }
0x155: {  	v9 =	vmul.f32 v10, v9  }
0x156: {  	v52 =	vld [tilespmem:s31+$0x160]  }
0x157: {  	v9 =	vadd.f32 v9, v51;
	_ =	sdelay $0x1  }
0x158: {  	[tilespmem:s31+$0x150] =	vst v9  }
0x159: {  	v9 =	vld [tilespmem:$0x18160]  }
0x15a: {  	v10 =	vsub.f32 v52, v7  }
0x15b: {  	v53 =	vld [tilespmem:$0x18460]  }
0x15c: {  	v10 =	vmul.f32 v10, v8;
	_ =	sdelay $0x1  }
0x15d: {  	v9 =	vmul.f32 v10, v9  }
0x15e: {  	v54 =	vld [tilespmem:s31+$0x170]  }
0x15f: {  	v9 =	vadd.f32 v9, v53;
	_ =	sdelay $0x1  }
0x160: {  	[tilespmem:s31+$0x160] =	vst v9  }
0x161: {  	v9 =	vld [tilespmem:$0x18170]  }
0x162: {  	v10 =	vsub.f32 v54, v7  }
0x163: {  	v55 =	vld [tilespmem:$0x18470]  }
0x164: {  	v10 =	vmul.f32 v10, v8;
	_ =	sdelay $0x1  }
0x165: {  	v9 =	vmul.f32 v10, v9  }
0x166: {  	v56 =	vld [tilespmem:s31+$0x500]  }
0x167: {  	v9 =	vadd.f32 v9, v55;
	_ =	sdelay $0x1  }
0x168: {  	[tilespmem:s31+$0x170] =	vst v9  }
0x169: {  	v9 =	vld [tilespmem:$0x18180]  }
0x16a: {  	v10 =	vsub.f32 v56, v7  }
0x16b: {  	v57 =	vld [tilespmem:$0x18480]  }
0x16c: {  	v10 =	vmul.f32 v10, v8;
	_ =	sdelay $0x1  }
0x16d: {  	v9 =	vmul.f32 v10, v9  }
0x16e: {  	v58 =	vld [tilespmem:s31+$0x510]  }
0x16f: {  	v9 =	vadd.f32 v9, v57;
	_ =	sdelay $0x1  }
0x170: {  	[tilespmem:s31+$0x500] =	vst v9  }
0x171: {  	v9 =	vld [tilespmem:$0x18190]  }
0x172: {  	v10 =	vsub.f32 v58, v7  }
0x173: {  	v59 =	vld [tilespmem:$0x18490]  }
0x174: {  	v10 =	vmul.f32 v10, v8;
	_ =	sdelay $0x1  }
0x175: {  	v9 =	vmul.f32 v10, v9  }
0x176: {  	v60 =	vld [tilespmem:s31+$0x520]  }
0x177: {  	v9 =	vadd.f32 v9, v59;
	_ =	sdelay $0x1  }
0x178: {  	[tilespmem:s31+$0x510] =	vst v9  }
0x179: {  	v9 =	vld [tilespmem:$0x181A0]  }
0x17a: {  	v10 =	vsub.f32 v60, v7  }
0x17b: {  	v61 =	vld [tilespmem:$0x184A0]  }
0x17c: {  	v10 =	vmul.f32 v10, v8;
	_ =	sdelay $0x1  }
0x17d: {  	v9 =	vmul.f32 v10, v9;
	_ =	sdelay $0x1  }
0x17e: {  	v9 =	vadd.f32 v9, v61;
	_ =	sdelay $0x1  }
0x17f: {  	s12 =	sand.u32 $0x380, s25;
	[tilespmem:s31+$0x520] =	vst v9  }
0x180: {  	s3 =	sor.u32 s12, s3;
	v11 =	vld [tilespmem:s31+$0x530]  }
0x181: {  	v62 =	vld [tilespmem:s3+$0x100]  }
0x182: {  	v63 =	vld [tilespmem:s3+$0xC100]  }
0x183: {  	v33 =	vld [tilespmem:s3+$0x110]  }
0x184: {  	v34 =	vld [tilespmem:s3+$0xC110]  }
0x185: {  	v35 =	vld [tilespmem:s3+$0x120]  }
0x186: {  	v36 =	vld [tilespmem:s3+$0xC120]  }
0x187: {  	v37 =	vld [tilespmem:s3+$0x130]  }
0x188: {  	v38 =	vld [tilespmem:s3+$0xC130]  }
0x189: {  	v39 =	vld [tilespmem:s3+$0x140]  }
0x18a: {  	v40 =	vld [tilespmem:s3+$0xC140]  }
0x18b: {  	v41 =	vld [tilespmem:s3+$0x150]  }
0x18c: {  	v42 =	vld [tilespmem:s3+$0xC150]  }
0x18d: {  	v43 =	vld [tilespmem:s3+$0x160]  }
0x18e: {  	v44 =	vld [tilespmem:s3+$0xC160]  }
0x18f: {  	v45 =	vld [tilespmem:s3+$0x170]  }
0x190: {  	v46 =	vld [tilespmem:s3+$0xC170]  }
0x191: {  	v47 =	vld [tilespmem:s3+$0x500]  }
0x192: {  	v48 =	vld [tilespmem:s3+$0xC500]  }
0x193: {  	v49 =	vld [tilespmem:s3+$0x510]  }
0x194: {  	v50 =	vld [tilespmem:s3+$0xC510]  }
0x195: {  	v51 =	vld [tilespmem:s3+$0x520]  }
0x196: {  	v52 =	vld [tilespmem:s3+$0xC520];
	v9 =	vadd.f32 v63, v62  }
0x197: {  	v53 =	vld [tilespmem:s3+$0x530];
	v12 =	vadd.f32 v34, v33  }
0x198: {  	v54 =	vld [tilespmem:s3+$0xC530];
	v14 =	vadd.f32 v36, v35;
	[tilespmem:s3+$0x100] =	vst v9  }
0x199: {  	v55 =	vld [tilespmem:s3+$0x540];
	v16 =	vadd.f32 v38, v37;
	[tilespmem:s3+$0x110] =	vst v12  }
0x19a: {  	v56 =	vld [tilespmem:s3+$0x550];
	v18 =	vadd.f32 v40, v39;
	[tilespmem:s3+$0x120] =	vst v14  }
0x19b: {  	v57 =	vld [tilespmem:s3+$0xC550];
	v20 =	vadd.f32 v42, v41;
	[tilespmem:s3+$0x130] =	vst v16  }
0x19c: {  	v58 =	vld [tilespmem:s3+$0x560];
	v22 =	vadd.f32 v44, v43;
	[tilespmem:s3+$0x140] =	vst v18  }
0x19d: {  	v59 =	vld [tilespmem:s3+$0xC560];
	v24 =	vadd.f32 v46, v45;
	[tilespmem:s3+$0x150] =	vst v20  }
0x19e: {  	v60 =	vld [tilespmem:s3+$0x570];
	v26 =	vadd.f32 v48, v47;
	[tilespmem:s3+$0x160] =	vst v22  }
0x19f: {  	v61 =	vld [tilespmem:s3+$0xC570];
	v28 =	vadd.f32 v50, v49;
	[tilespmem:s3+$0x170] =	vst v24  }
0x1a0: {  	v10 =	vadd.f32 v52, v51;
	v62 =	vld [tilespmem:s3+$0xC540];
	[tilespmem:s3+$0x500] =	vst v26  }
0x1a1: {  	v13 =	vadd.f32 v54, v53;
	[tilespmem:s3+$0x510] =	vst v28  }
0x1a2: {  	v15 =	vadd.f32 v57, v56;
	[tilespmem:s3+$0x520] =	vst v10  }
0x1a3: {  	v19 =	vadd.f32 v59, v58;
	[tilespmem:s3+$0x530] =	vst v13  }
0x1a4: {  	v21 =	vadd.f32 v61, v60;
	[tilespmem:s3+$0x550] =	vst v15  }
0x1a5: {  	[tilespmem:s3+$0x560] =	vst v19;
	v17 =	vadd.f32 v62, v55  }
0x1a6: {  	s11 =	sor.u32 s12, s11;
	[tilespmem:s3+$0x570] =	vst v21  }
0x1a7: {  	v63 =	vld [tilespmem:s11+$0x100];
	[tilespmem:s3+$0x540] =	vst v17  }
0x1a8: {  	v40 =	vld [tilespmem:s11+$0xC100]  }
0x1a9: {  	v41 =	vld [tilespmem:s11+$0x110]  }
0x1aa: {  	v42 =	vld [tilespmem:s11+$0xC110]  }
0x1ab: {  	v43 =	vld [tilespmem:s11+$0x120]  }
0x1ac: {  	v44 =	vld [tilespmem:s11+$0xC120]  }
0x1ad: {  	v45 =	vld [tilespmem:s11+$0x130]  }
0x1ae: {  	v46 =	vld [tilespmem:s11+$0xC130]  }
0x1af: {  	v47 =	vld [tilespmem:s11+$0x140]  }
0x1b0: {  	v48 =	vld [tilespmem:s11+$0x150]  }
0x1b1: {  	v49 =	vld [tilespmem:s11+$0xC150]  }
0x1b2: {  	v50 =	vld [tilespmem:s11+$0x160]  }
0x1b3: {  	v51 =	vld [tilespmem:s11+$0xC160]  }
0x1b4: {  	v52 =	vld [tilespmem:s11+$0x170];
	v23 =	vadd.f32 v40, v63  }
0x1b5: {  	v53 =	vld [tilespmem:s11+$0xC170];
	v27 =	vadd.f32 v42, v41  }
0x1b6: {  	v54 =	vld [tilespmem:s11+$0xC140];
	v30 =	vadd.f32 v44, v43;
	[tilespmem:s11+$0x100] =	vst v23  }
0x1b7: {  	v32 =	vadd.f32 v46, v45;
	[tilespmem:s11+$0x110] =	vst v27  }
0x1b8: {  	v33 =	vadd.f32 v49, v48;
	[tilespmem:s11+$0x120] =	vst v30  }
0x1b9: {  	v35 =	vadd.f32 v51, v50;
	[tilespmem:s11+$0x130] =	vst v32  }
0x1ba: {  	v25 =	vadd.f32 v53, v52;
	[tilespmem:s11+$0x150] =	vst v33  }
0x1bb: {  	v29 =	vadd.f32 v54, v47;
	[tilespmem:s11+$0x160] =	vst v35  }
0x1bc: {  	s16 =	sor.u32 s12, s16;
	[tilespmem:s11+$0x170] =	vst v25  }
0x1bd: {  	[tilespmem:s11+$0x140] =	vst v29;
	v55 =	vld [tilespmem:s16+$0x100]  }
0x1be: {  	v56 =	vld [tilespmem:s16+$0xC100]  }
0x1bf: {  	v36 =	vld [tilespmem:s16+$0x110]  }
0x1c0: {  	v57 =	vld [tilespmem:s16+$0xC110]  }
0x1c1: {  	v38 =	vld [tilespmem:s16+$0x120]  }
0x1c2: {  	v58 =	vld [tilespmem:s16+$0xC120]  }
0x1c3: {  	v60 =	vadd.f32 $0.0e+00, v9;
	v59 =	vld [tilespmem:s16+$0x130]  }
0x1c4: {  	v62 =	vld [tilespmem:s16+$0xC130]  }
0x1c5: {  	v61 =	vmul.f32 v14, v14;
	v14 =	vadd.f32 v14, v60;
	v46 =	vld [tilespmem:s16+$0x140]  }
0x1c6: {  	v63 =	vadd.f32 $0.0e+00, v12;
	v49 =	vld [tilespmem:s16+$0x150]  }
0x1c7: {  	v14 =	vadd.f32 v18, v14;
	v51 =	vld [tilespmem:s16+$0xC150]  }
0x1c8: {  	v45 =	vmul.f32 v16, v16;
	v16 =	vadd.f32 v16, v63;
	v52 =	vld [tilespmem:s16+$0x160]  }
0x1c9: {  	v14 =	vadd.f32 v22, v14;
	v54 =	vld [tilespmem:s16+$0xC160]  }
0x1ca: {  	v53 =	vmul.f32 v22, v22;
	v16 =	vadd.f32 v20, v16;
	v22 =	vadd.f32 v56, v55;
	v55 =	vld [tilespmem:s16+$0x170]  }
0x1cb: {  	v34 =	vadd.f32 v57, v36;
	v57 =	vld [tilespmem:s16+$0xC170]  }
0x1cc: {  	v16 =	vadd.f32 v24, v16;
	v56 =	vmul.f32 v24, v24;
	v24 =	vadd.f32 v58, v38;
	v58 =	vld [tilespmem:s16+$0xC140];
	[tilespmem:s16+$0x100] =	vst v22  }
0x1cd: {  	v50 =	vmul.f32 v20, v20;
	v20 =	vadd.f32 v62, v59;
	[tilespmem:s16+$0x110] =	vst v34  }
0x1ce: {  	v14 =	vadd.f32 v26, v14;
	v59 =	vmul.f32 v26, v26;
	v26 =	vadd.f32 v51, v49;
	[tilespmem:s16+$0x120] =	vst v24  }
0x1cf: {  	v9 =	vmul.f32 v9, v9;
	v48 =	vmul.f32 v18, v18;
	v18 =	vadd.f32 v54, v52;
	[tilespmem:s16+$0x130] =	vst v20  }
0x1d0: {  	v60 =	vmul.f32 v28, v28;
	v16 =	vadd.f32 v28, v16;
	[tilespmem:s16+$0x150] =	vst v26;
	v28 =	vadd.f32 v57, v55  }
0x1d1: {  	[tilespmem:s16+$0x160] =	vst v18;
	v36 =	vadd.f32 v58, v46  }
0x1d2: {  	s1 =	sor.u32 s12, s1;
	v9 =	vadd.f32 v61, v9;
	v61 =	vmul.f32 v10, v10;
	v10 =	vadd.f32 v10, v14;
	[tilespmem:s16+$0x170] =	vst v28  }
0x1d3: {  	[tilespmem:s16+$0x140] =	vst v36;
	v38 =	vld [tilespmem:s1+$0x100]  }
0x1d4: {  	v10 =	vadd.f32 v17, v10;
	v62 =	vmul.f32 v13, v13;
	v13 =	vadd.f32 v13, v16;
	v40 =	vld [tilespmem:s1+$0xC100]  }
0x1d5: {  	v12 =	vmul.f32 v12, v12;
	v42 =	vld [tilespmem:s1+$0x110]  }
0x1d6: {  	v10 =	vadd.f32 v19, v10;
	v13 =	vadd.f32 v15, v13;
	v44 =	vld [tilespmem:s1+$0xC110]  }
0x1d7: {  	v12 =	vadd.f32 v45, v12;
	v9 =	vadd.f32 v48, v9;
	v46 =	vld [tilespmem:s1+$0x120]  }
0x1d8: {  	v10 =	vadd.f32 v23, v10;
	v13 =	vadd.f32 v21, v13;
	v48 =	vld [tilespmem:s1+$0xC120]  }
0x1d9: {  	v12 =	vadd.f32 v50, v12;
	v9 =	vadd.f32 v53, v9;
	v50 =	vld [tilespmem:s1+$0x130]  }
0x1da: {  	v10 =	vadd.f32 v30, v10;
	v13 =	vadd.f32 v27, v13;
	v52 =	vld [tilespmem:s1+$0xC130]  }
0x1db: {  	v12 =	vadd.f32 v56, v12;
	v9 =	vadd.f32 v59, v9;
	v54 =	vld [tilespmem:s1+$0x140]  }
0x1dc: {  	v10 =	vadd.f32 v29, v10;
	v56 =	vld [tilespmem:s1+$0x150];
	v13 =	vadd.f32 v32, v13  }
0x1dd: {  	v63 =	vmul.f32 v17, v17;
	v12 =	vadd.f32 v60, v12;
	v9 =	vadd.f32 v61, v9;
	v58 =	vld [tilespmem:s1+$0xC150]  }
0x1de: {  	v37 =	vmul.f32 v15, v15;
	v10 =	vadd.f32 v35, v10;
	v59 =	vld [tilespmem:s1+$0x160];
	v13 =	vadd.f32 v33, v13  }
0x1df: {  	v39 =	vmul.f32 v19, v19;
	v12 =	vadd.f32 v62, v12;
	v9 =	vadd.f32 v63, v9;
	v61 =	vld [tilespmem:s1+$0xC160]  }
0x1e0: {  	v41 =	vmul.f32 v21, v21;
	v62 =	vld [tilespmem:s1+$0x170];
	v17 =	vadd.f32 v40, v38;
	v13 =	vadd.f32 v25, v13  }
0x1e1: {  	v43 =	vmul.f32 v23, v23;
	v12 =	vadd.f32 v37, v12;
	v31 =	vld [tilespmem:s1+$0xC170];
	v16 =	vadd.f32 v44, v42  }
0x1e2: {  	v63 =	vmul.f32 v34, v34;
	v21 =	vadd.f32 v48, v46;
	[tilespmem:s1+$0x100] =	vst v17;
	v13 =	vadd.f32 v34, v13;
	v34 =	vld [tilespmem:s1+$0xC140]  }
0x1e3: {  	v55 =	vmul.f32 v35, v35;
	v9 =	vadd.f32 v39, v9;
	v35 =	vadd.f32 v52, v50;
	[tilespmem:s1+$0x110] =	vst v16  }
0x1e4: {  	v45 =	vmul.f32 v27, v27;
	v12 =	vadd.f32 v41, v12;
	v38 =	vadd.f32 v58, v56;
	[tilespmem:s1+$0x120] =	vst v21  }
0x1e5: {  	v47 =	vmul.f32 v30, v30;
	v9 =	vadd.f32 v43, v9;
	v14 =	vadd.f32 v61, v59;
	[tilespmem:s1+$0x130] =	vst v35  }
0x1e6: {  	v49 =	vmul.f32 v32, v32;
	v12 =	vadd.f32 v45, v12;
	v19 =	vadd.f32 v31, v62;
	[tilespmem:s1+$0x150] =	vst v38  }
0x1e7: {  	v51 =	vmul.f32 v29, v29;
	v9 =	vadd.f32 v47, v9;
	[tilespmem:s1+$0x160] =	vst v14;
	v41 =	vadd.f32 v34, v54  }
0x1e8: {  	s6 =	sor.u32 s12, s6;
	v53 =	vmul.f32 v33, v33;
	v10 =	vadd.f32 v22, v10;
	v12 =	vadd.f32 v49, v12;
	[tilespmem:s1+$0x170] =	vst v19  }
0x1e9: {  	v9 =	vadd.f32 v51, v9;
	v45 =	vld [tilespmem:s6+$0x100];
	[tilespmem:s1+$0x140] =	vst v41  }
0x1ea: {  	v57 =	vmul.f32 v25, v25;
	v10 =	vadd.f32 v24, v10;
	v12 =	vadd.f32 v53, v12;
	v47 =	vld [tilespmem:s6+$0xC100]  }
0x1eb: {  	v60 =	vmul.f32 v22, v22;
	v9 =	vadd.f32 v55, v9;
	v49 =	vld [tilespmem:s6+$0x110]  }
0x1ec: {  	v10 =	vadd.f32 v36, v10;
	v12 =	vadd.f32 v57, v12;
	v51 =	vld [tilespmem:s6+$0xC110]  }
0x1ed: {  	v37 =	vmul.f32 v24, v24;
	v9 =	vadd.f32 v60, v9;
	v13 =	vadd.f32 v20, v13;
	v53 =	vld [tilespmem:s6+$0x120]  }
0x1ee: {  	v39 =	vmul.f32 v20, v20;
	v10 =	vadd.f32 v18, v10;
	v12 =	vadd.f32 v63, v12;
	v54 =	vld [tilespmem:s6+$0xC120]  }
0x1ef: {  	v40 =	vmul.f32 v36, v36;
	v9 =	vadd.f32 v37, v9;
	v13 =	vadd.f32 v26, v13;
	v57 =	vld [tilespmem:s6+$0x130]  }
0x1f0: {  	v42 =	vmul.f32 v26, v26;
	v10 =	vadd.f32 v17, v10;
	v12 =	vadd.f32 v39, v12;
	v58 =	vld [tilespmem:s6+$0xC130]  }
0x1f1: {  	v43 =	vmul.f32 v18, v18;
	v9 =	vadd.f32 v40, v9;
	v13 =	vadd.f32 v28, v13;
	v60 =	vld [tilespmem:s6+$0x140]  }
0x1f2: {  	v44 =	vmul.f32 v28, v28;
	v10 =	vadd.f32 v21, v10;
	v12 =	vadd.f32 v42, v12;
	v62 =	vld [tilespmem:s6+$0xC140]  }
0x1f3: {  	v46 =	vmul.f32 v17, v17;
	v9 =	vadd.f32 v43, v9;
	v13 =	vadd.f32 v16, v13;
	v63 =	vld [tilespmem:s6+$0x150]  }
0x1f4: {  	v48 =	vmul.f32 v16, v16;
	v10 =	vadd.f32 v41, v10;
	v31 =	vld [tilespmem:s6+$0xC150];
	v12 =	vadd.f32 v44, v12  }
0x1f5: {  	v50 =	vmul.f32 v21, v21;
	v32 =	vld [tilespmem:s6+$0x160];
	v9 =	vadd.f32 v46, v9;
	v13 =	vadd.f32 v35, v13  }
0x1f6: {  	v33 =	vld [tilespmem:s6+$0xC160];
	v10 =	vadd.f32 v14, v10;
	v12 =	vadd.f32 v48, v12  }
0x1f7: {  	v9 =	vadd.f32 v50, v9;
	v13 =	vadd.f32 v38, v13  }
0x1f8: {  	v52 =	vmul.f32 v35, v35;
	v20 =	vadd.f32 v47, v45;
	v18 =	vadd.f32 v51, v49  }
0x1f9: {  	v56 =	vmul.f32 v38, v38;
	v36 =	vld [tilespmem:s6+$0xC170];
	v17 =	vadd.f32 v54, v53;
	v15 =	vadd.f32 v58, v57  }
0x1fa: {  	v55 =	vmul.f32 v41, v41;
	v35 =	vld [tilespmem:s6+$0x170];
	v21 =	vadd.f32 v62, v60;
	v12 =	vadd.f32 v52, v12  }
0x1fb: {  	v59 =	vmul.f32 v14, v14;
	v16 =	vadd.f32 v31, v63;
	v38 =	vadd.f32 v33, v32  }
0x1fc: {  	v61 =	vmul.f32 v19, v19;
	v9 =	vadd.f32 v55, v9;
	v12 =	vadd.f32 v56, v12  }
0x1fd: {  	v13 =	vadd.f32 v19, v13;
	v29 =	vmul.f32 v20, v20;
	v10 =	vadd.f32 v20, v10  }
0x1fe: {  	v30 =	vmul.f32 v18, v18;
	v9 =	vadd.f32 v59, v9;
	v12 =	vadd.f32 v61, v12  }
0x1ff: {  	v34 =	vmul.f32 v17, v17;
	v14 =	vadd.f32 v36, v35;
	v13 =	vadd.f32 v18, v13  }
0x200: {  	v27 =	vmul.f32 v15, v15;
	v9 =	vadd.f32 v29, v9;
	v12 =	vadd.f32 v30, v12  }
0x201: {  	v37 =	vmul.f32 v21, v21;
	[tilespmem:s6+$0x100] =	vst v20;
	v10 =	vadd.f32 v17, v10;
	v13 =	vadd.f32 v15, v13  }
0x202: {  	[tilespmem:s6+$0x110] =	vst v18;
	v39 =	vmul.f32 v16, v16;
	v9 =	vadd.f32 v34, v9;
	v12 =	vadd.f32 v27, v12  }
0x203: {  	[tilespmem:s6+$0x120] =	vst v17;
	v40 =	vmul.f32 v38, v38;
	v10 =	vadd.f32 v21, v10;
	v13 =	vadd.f32 v16, v13  }
0x204: {  	[tilespmem:s6+$0x130] =	vst v15;
	v41 =	vmul.f32 v14, v14;
	v9 =	vadd.f32 v37, v9;
	v12 =	vadd.f32 v39, v12  }
0x205: {  	[tilespmem:s6+$0x140] =	vst v21;
	v10 =	vadd.f32 v38, v10;
	v13 =	vadd.f32 v14, v13  }
0x206: {  	[tilespmem:s6+$0x150] =	vst v16;
	v9 =	vadd.f32 v40, v9;
	v12 =	vadd.f32 v41, v12  }
0x207: {  	[tilespmem:s6+$0x160] =	vst v38;
	v10 =	vadd.f32 v13, v10  }
0x208: {  	[tilespmem:s6+$0x170] =	vst v14;
	v9 =	vadd.f32 v12, v9  }
0x209: {  	[tilespmem:s24+$0x0] =	vst v10  }
0x20a: {  	[tilespmem:s24+$0x80] =	vst v9  }
0x20b: {  	v42 =	vld.idx.msk [tilespmem:v3+s24+$0x0], $0xffff  }
0x20c: {  	v43 =	vld.idx.msk [tilespmem:v3+s24+$0x80], $0xffff;
	_ =	sdelay $0x3  }
0x20d: {  	v10 =	vadd.f32 v42, v10  }
0x20e: {  	v9 =	vadd.f32 v43, v9  }
0x20f: {  	[tilespmem:s24+$0x0] =	vst v10  }
0x210: {  	[tilespmem:s24+$0x80] =	vst v9  }
0x211: {  	v44 =	vld.idx.msk [tilespmem:v4+s24+$0x0], $0xffff  }
0x212: {  	v45 =	vld.idx.msk [tilespmem:v4+s24+$0x80], $0xffff;
	_ =	sdelay $0x3  }
0x213: {  	v10 =	vadd.f32 v44, v10  }
0x214: {  	v9 =	vadd.f32 v45, v9  }
0x215: {  	[tilespmem:s24+$0x0] =	vst v10  }
0x216: {  	[tilespmem:s24+$0x80] =	vst v9  }
0x217: {  	v46 =	vld.idx.msk [tilespmem:v5+s24+$0x0], $0xffff  }
0x218: {  	v47 =	vld.idx.msk [tilespmem:v5+s24+$0x80], $0xffff;
	_ =	sdelay $0x3  }
0x219: {  	v10 =	vadd.f32 v46, v10  }
0x21a: {  	v9 =	vadd.f32 v47, v9  }
0x21b: {  	[tilespmem:s24+$0x0] =	vst v10  }
0x21c: {  	[tilespmem:s24+$0x80] =	vst v9  }
0x21d: {  	v48 =	vld.idx.msk [tilespmem:v6+s24+$0x0], $0xffff;
	_ =	sdelay $0x1  }
0x21e: {  	v49 =	vld.idx.msk [tilespmem:v6+s24+$0x80], $0xffff;
	_ =	sdelay $0x2  }
0x21f: {  	v10 =	vadd.f32 v48, v10;
	_ =	sdelay $0x1  }
0x220: {  	v50 =	vadd.f32 v49, v9;
	v9 =	vmul.f32 $1.302083370e-03, v10;
	_ =	sdelay $0x1  }
0x221: {  	v51 =	vmul.f32 $1.302083370e-03, v50;
	v52 =	vmul.f32 v9, v9;
	_ =	sdelay $0x1  }
0x222: {  	v10 =	vsub.f32 v51, v52;
	_ =	sdelay $0x1  }
0x223: {  	v10 =	vadd.f32 $9.999999710e-10, v10;
	_ =	sdelay $0x1  }
0x224: {  	v53 =	vshrl.u32 v10, $0x1;
	v10 =	vmul.f32 $5.000000000e-01, v10  }
0x225: {  	v12 =	vsub.s32 $0x5F3759DF, v53  }
0x226: {  	v54 =	vmul.f32 v12, v10;
	_ =	sdelay $0x1  }
0x227: {  	v13 =	vmul.f32 v12, v54;
	_ =	sdelay $0x1  }
0x228: {  	v13 =	vsub.f32 $1.500000000e+00, v13;
	_ =	sdelay $0x1  }
0x229: {  	v12 =	vmul.f32 v12, v13;
	_ =	sdelay $0x1  }
0x22a: {  	v13 =	vmul.f32 v12, v10;
	_ =	sdelay $0x1  }
0x22b: {  	v13 =	vmul.f32 v13, v12;
	_ =	sdelay $0x1  }
0x22c: {  	v13 =	vsub.f32 $1.500000000e+00, v13;
	_ =	sdelay $0x1  }
0x22d: {  	v12 =	vmul.f32 v13, v12;
	_ =	sdelay $0x1  }
0x22e: {  	v10 =	vmul.f32 v12, v10  }
0x22f: {  	v55 =	vld [tilespmem:s3+$0x100]  }
0x230: {  	v10 =	vmul.f32 v10, v12;
	_ =	sdelay $0x1  }
0x231: {  	v10 =	vsub.f32 $1.500000000e+00, v10  }
0x232: {  	v14 =	vld [tilespmem:$0x18100]  }
0x233: {  	v56 =	vsub.f32 v55, v9;
	v10 =	vmul.f32 v10, v12  }
0x234: {  	v57 =	vld [tilespmem:$0x18400]  }
0x235: {  	v12 =	vmul.f32 v10, v56;
	_ =	sdelay $0x1  }
0x236: {  	v12 =	vmul.f32 v12, v14  }
0x237: {  	v58 =	vld [tilespmem:s3+$0x110]  }
0x238: {  	v12 =	vadd.f32 v12, v57;
	_ =	sdelay $0x1  }
0x239: {  	[tilespmem:s3+$0x100] =	vst v12  }
0x23a: {  	v12 =	vld [tilespmem:$0x18110]  }
0x23b: {  	v59 =	vsub.f32 v58, v9  }
0x23c: {  	v60 =	vld [tilespmem:$0x18410]  }
0x23d: {  	v13 =	vmul.f32 v10, v59;
	_ =	sdelay $0x1  }
0x23e: {  	v12 =	vmul.f32 v13, v12  }
0x23f: {  	v61 =	vld [tilespmem:s3+$0x120]  }
0x240: {  	v12 =	vadd.f32 v12, v60;
	_ =	sdelay $0x1  }
0x241: {  	[tilespmem:s3+$0x110] =	vst v12  }
0x242: {  	v12 =	vld [tilespmem:$0x18120]  }
0x243: {  	v13 =	vsub.f32 v61, v9  }
0x244: {  	v62 =	vld [tilespmem:$0x18420]  }
0x245: {  	v13 =	vmul.f32 v10, v13;
	_ =	sdelay $0x1  }
0x246: {  	v12 =	vmul.f32 v13, v12  }
0x247: {  	v63 =	vld [tilespmem:s3+$0x130]  }
0x248: {  	v12 =	vadd.f32 v12, v62;
	_ =	sdelay $0x1  }
0x249: {  	[tilespmem:s3+$0x120] =	vst v12  }
0x24a: {  	v12 =	vld [tilespmem:$0x18130]  }
0x24b: {  	v13 =	vsub.f32 v63, v9  }
0x24c: {  	v16 =	vld [tilespmem:$0x18430]  }
0x24d: {  	v13 =	vmul.f32 v10, v13;
	_ =	sdelay $0x1  }
0x24e: {  	v12 =	vmul.f32 v13, v12  }
0x24f: {  	v17 =	vld [tilespmem:s3+$0x140]  }
0x250: {  	v12 =	vadd.f32 v12, v16;
	_ =	sdelay $0x1  }
0x251: {  	[tilespmem:s3+$0x130] =	vst v12  }
0x252: {  	v12 =	vld [tilespmem:$0x18140]  }
0x253: {  	v13 =	vsub.f32 v17, v9  }
0x254: {  	v18 =	vld [tilespmem:$0x18440]  }
0x255: {  	v13 =	vmul.f32 v10, v13;
	_ =	sdelay $0x1  }
0x256: {  	v12 =	vmul.f32 v13, v12  }
0x257: {  	v19 =	vld [tilespmem:s3+$0x150]  }
0x258: {  	v12 =	vadd.f32 v12, v18;
	_ =	sdelay $0x1  }
0x259: {  	[tilespmem:s3+$0x140] =	vst v12  }
0x25a: {  	v12 =	vld [tilespmem:$0x18150]  }
0x25b: {  	v13 =	vsub.f32 v19, v9  }
0x25c: {  	v20 =	vld [tilespmem:$0x18450]  }
0x25d: {  	v13 =	vmul.f32 v13, v10;
	_ =	sdelay $0x1  }
0x25e: {  	v12 =	vmul.f32 v13, v12  }
0x25f: {  	v21 =	vld [tilespmem:s3+$0x160]  }
0x260: {  	v12 =	vadd.f32 v12, v20;
	_ =	sdelay $0x1  }
0x261: {  	[tilespmem:s3+$0x150] =	vst v12  }
0x262: {  	v12 =	vld [tilespmem:$0x18160]  }
0x263: {  	v13 =	vsub.f32 v21, v9  }
0x264: {  	v22 =	vld [tilespmem:$0x18460]  }
0x265: {  	v13 =	vmul.f32 v13, v10;
	_ =	sdelay $0x1  }
0x266: {  	v12 =	vmul.f32 v13, v12  }
0x267: {  	v23 =	vld [tilespmem:s3+$0x170]  }
0x268: {  	v12 =	vadd.f32 v12, v22;
	_ =	sdelay $0x1  }
0x269: {  	[tilespmem:s3+$0x160] =	vst v12  }
0x26a: {  	v12 =	vld [tilespmem:$0x18170]  }
0x26b: {  	v13 =	vsub.f32 v23, v9  }
0x26c: {  	v24 =	vld [tilespmem:$0x18470]  }
0x26d: {  	v13 =	vmul.f32 v13, v10;
	_ =	sdelay $0x1  }
0x26e: {  	v12 =	vmul.f32 v13, v12  }
0x26f: {  	v25 =	vld [tilespmem:s3+$0x500]  }
0x270: {  	v12 =	vadd.f32 v12, v24;
	_ =	sdelay $0x1  }
0x271: {  	[tilespmem:s3+$0x170] =	vst v12  }
0x272: {  	v12 =	vld [tilespmem:$0x18180]  }
0x273: {  	v13 =	vsub.f32 v25, v9  }
0x274: {  	v26 =	vld [tilespmem:$0x18480]  }
0x275: {  	v13 =	vmul.f32 v13, v10;
	_ =	sdelay $0x1  }
0x276: {  	v12 =	vmul.f32 v13, v12  }
0x277: {  	v27 =	vld [tilespmem:s3+$0x510]  }
0x278: {  	v12 =	vadd.f32 v12, v26;
	_ =	sdelay $0x1  }
0x279: {  	[tilespmem:s3+$0x500] =	vst v12  }
0x27a: {  	v12 =	vld [tilespmem:$0x18190]  }
0x27b: {  	v13 =	vsub.f32 v27, v9  }
0x27c: {  	v28 =	vld [tilespmem:$0x18490]  }
0x27d: {  	v13 =	vmul.f32 v13, v10;
	_ =	sdelay $0x1  }
0x27e: {  	v12 =	vmul.f32 v13, v12  }
0x27f: {  	v29 =	vld [tilespmem:s3+$0x520]  }
0x280: {  	v12 =	vadd.f32 v12, v28;
	_ =	sdelay $0x1  }
0x281: {  	[tilespmem:s3+$0x510] =	vst v12  }
0x282: {  	v12 =	vld [tilespmem:$0x181A0]  }
0x283: {  	v13 =	vsub.f32 v29, v9  }
0x284: {  	v30 =	vld [tilespmem:$0x184A0]  }
0x285: {  	v13 =	vmul.f32 v13, v10;
	_ =	sdelay $0x1  }
0x286: {  	v12 =	vmul.f32 v13, v12  }
0x287: {  	v31 =	vld [tilespmem:s3+$0x530]  }
0x288: {  	v12 =	vadd.f32 v12, v30;
	_ =	sdelay $0x1  }
0x289: {  	[tilespmem:s3+$0x520] =	vst v12  }
0x28a: {  	v12 =	vld [tilespmem:$0x181B0]  }
0x28b: {  	v13 =	vsub.f32 v31, v9  }
0x28c: {  	v32 =	vld [tilespmem:$0x184B0]  }
0x28d: {  	v13 =	vmul.f32 v13, v10;
	_ =	sdelay $0x1  }
0x28e: {  	v12 =	vmul.f32 v13, v12  }
0x28f: {  	v33 =	vld [tilespmem:s3+$0x540]  }
0x290: {  	v12 =	vadd.f32 v12, v32;
	_ =	sdelay $0x1  }
0x291: {  	[tilespmem:s3+$0x530] =	vst v12  }
0x292: {  	v12 =	vld [tilespmem:$0x181C0]  }
0x293: {  	v13 =	vsub.f32 v33, v9  }
0x294: {  	v34 =	vld [tilespmem:$0x184C0]  }
0x295: {  	v13 =	vmul.f32 v13, v10;
	_ =	sdelay $0x1  }
0x296: {  	v35 =	vld [tilespmem:$0x181B0];
	v12 =	vmul.f32 v13, v12  }
0x297: {  	v11 =	vsub.f32 v11, v7;
	v36 =	vld [tilespmem:s3+$0x550]  }
0x298: {  	v37 =	vld [tilespmem:$0x184B0];
	v12 =	vadd.f32 v12, v34  }
0x299: {  	v11 =	vmul.f32 v11, v8  }
0x29a: {  	[tilespmem:s3+$0x540] =	vst v12  }
0x29b: {  	v11 =	vmul.f32 v11, v35;
	v12 =	vld [tilespmem:$0x181D0]  }
0x29c: {  	v38 =	vld [tilespmem:s31+$0x540];
	v13 =	vsub.f32 v36, v9  }
0x29d: {  	v11 =	vadd.f32 v11, v37;
	v39 =	vld [tilespmem:$0x184D0]  }
0x29e: {  	v13 =	vmul.f32 v13, v10  }
0x29f: {  	[tilespmem:s31+$0x530] =	vst v11  }
0x2a0: {  	v11 =	vld [tilespmem:$0x181C0];
	v12 =	vmul.f32 v13, v12  }
0x2a1: {  	v40 =	vsub.f32 v38, v7;
	v41 =	vld [tilespmem:s3+$0x560]  }
0x2a2: {  	v42 =	vld [tilespmem:$0x184C0];
	v12 =	vadd.f32 v12, v39  }
0x2a3: {  	v13 =	vmul.f32 v40, v8  }
0x2a4: {  	[tilespmem:s3+$0x550] =	vst v12  }
0x2a5: {  	v11 =	vmul.f32 v13, v11;
	v12 =	vld [tilespmem:$0x181E0]  }
0x2a6: {  	v43 =	vld [tilespmem:s31+$0x550];
	v14 =	vsub.f32 v41, v9  }
0x2a7: {  	v11 =	vadd.f32 v11, v42;
	v44 =	vld [tilespmem:$0x184E0]  }
0x2a8: {  	v14 =	vmul.f32 v14, v10  }
0x2a9: {  	[tilespmem:s31+$0x540] =	vst v11  }
0x2aa: {  	v11 =	vld [tilespmem:$0x181D0];
	v12 =	vmul.f32 v14, v12  }
0x2ab: {  	v45 =	vld [tilespmem:s3+$0x570];
	v13 =	vsub.f32 v43, v7  }
0x2ac: {  	v46 =	vld [tilespmem:$0x184D0];
	v12 =	vadd.f32 v12, v44  }
0x2ad: {  	v13 =	vmul.f32 v13, v8  }
0x2ae: {  	[tilespmem:s3+$0x560] =	vst v12  }
0x2af: {  	v11 =	vmul.f32 v13, v11;
	v12 =	vld [tilespmem:$0x181F0]  }
0x2b0: {  	v47 =	vld [tilespmem:s31+$0x560];
	v14 =	vsub.f32 v45, v9  }
0x2b1: {  	v11 =	vadd.f32 v11, v46;
	v48 =	vld [tilespmem:$0x184F0]  }
0x2b2: {  	v14 =	vmul.f32 v14, v10  }
0x2b3: {  	[tilespmem:s31+$0x550] =	vst v11  }
0x2b4: {  	v11 =	vld [tilespmem:$0x181E0];
	v12 =	vmul.f32 v14, v12  }
0x2b5: {  	v13 =	vsub.f32 v47, v7  }
0x2b6: {  	v49 =	vld [tilespmem:$0x184E0];
	v12 =	vadd.f32 v12, v48  }
0x2b7: {  	v13 =	vmul.f32 v13, v8  }
0x2b8: {  	[tilespmem:s3+$0x570] =	vst v12  }
0x2b9: {  	v11 =	vmul.f32 v13, v11;
	v12 =	vld [tilespmem:s11+$0x100]  }
0x2ba: {  	v50 =	vld [tilespmem:s31+$0x570]  }
0x2bb: {  	v11 =	vadd.f32 v11, v49;
	_ =	sdelay $0x1  }
0x2bc: {  	v51 =	vld [tilespmem:$0x18200];
	[tilespmem:s31+$0x560] =	vst v11  }
0x2bd: {  	v52 =	vld [tilespmem:$0x181F0];
	v12 =	vsub.f32 v12, v9  }
0x2be: {  	v13 =	vsub.f32 v50, v7;
	v53 =	vld [tilespmem:$0x18500]  }
0x2bf: {  	v54 =	vld [tilespmem:$0x184F0];
	v12 =	vmul.f32 v12, v10  }
0x2c0: {  	v13 =	vmul.f32 v13, v8  }
0x2c1: {  	v11 =	vmul.f32 v12, v51  }
0x2c2: {  	v56 =	vld [tilespmem:s11+$0x110];
	v55 =	vmul.f32 v13, v52  }
0x2c3: {  	v57 =	vld [tilespmem:s30+$0x100];
	v11 =	vadd.f32 v11, v53  }
0x2c4: {  	v12 =	vadd.f32 v55, v54  }
0x2c5: {  	[tilespmem:s11+$0x100] =	vst v11  }
0x2c6: {  	[tilespmem:s31+$0x570] =	vst v12;
	v11 =	vld [tilespmem:$0x18210]  }
0x2c7: {  	v13 =	vsub.f32 v56, v9;
	v12 =	vld [tilespmem:$0x18200]  }
0x2c8: {  	v14 =	vsub.f32 v57, v7;
	v58 =	vld [tilespmem:$0x18510]  }
0x2c9: {  	v13 =	vmul.f32 v13, v10;
	v59 =	vld [tilespmem:$0x18500]  }
0x2ca: {  	v14 =	vmul.f32 v14, v8  }
0x2cb: {  	v11 =	vmul.f32 v13, v11  }
0x2cc: {  	v60 =	vld [tilespmem:s11+$0x120];
	v12 =	vmul.f32 v14, v12  }
0x2cd: {  	v61 =	vld [tilespmem:s30+$0x110];
	v11 =	vadd.f32 v11, v58  }
0x2ce: {  	v12 =	vadd.f32 v12, v59  }
0x2cf: {  	[tilespmem:s11+$0x110] =	vst v11  }
0x2d0: {  	[tilespmem:s30+$0x100] =	vst v12;
	v11 =	vld [tilespmem:$0x18220]  }
0x2d1: {  	v13 =	vsub.f32 v60, v9;
	v12 =	vld [tilespmem:$0x18210]  }
0x2d2: {  	v14 =	vsub.f32 v61, v7;
	v62 =	vld [tilespmem:$0x18520]  }
0x2d3: {  	v13 =	vmul.f32 v13, v10;
	v63 =	vld [tilespmem:$0x18510]  }
0x2d4: {  	v14 =	vmul.f32 v14, v8  }
0x2d5: {  	v11 =	vmul.f32 v13, v11  }
0x2d6: {  	v19 =	vld [tilespmem:s11+$0x130];
	v12 =	vmul.f32 v14, v12  }
0x2d7: {  	v20 =	vld [tilespmem:s30+$0x120];
	v11 =	vadd.f32 v11, v62  }
0x2d8: {  	v12 =	vadd.f32 v12, v63  }
0x2d9: {  	[tilespmem:s11+$0x120] =	vst v11  }
0x2da: {  	[tilespmem:s30+$0x110] =	vst v12;
	v11 =	vld [tilespmem:$0x18230]  }
0x2db: {  	v13 =	vsub.f32 v19, v9;
	v12 =	vld [tilespmem:$0x18220]  }
0x2dc: {  	v14 =	vsub.f32 v20, v7;
	v21 =	vld [tilespmem:$0x18530]  }
0x2dd: {  	v13 =	vmul.f32 v13, v10;
	v22 =	vld [tilespmem:$0x18520]  }
0x2de: {  	v14 =	vmul.f32 v14, v8  }
0x2df: {  	v11 =	vmul.f32 v13, v11  }
0x2e0: {  	v23 =	vld [tilespmem:s11+$0x140];
	v12 =	vmul.f32 v14, v12  }
0x2e1: {  	v24 =	vld [tilespmem:s30+$0x130];
	v11 =	vadd.f32 v11, v21  }
0x2e2: {  	v12 =	vadd.f32 v12, v22  }
0x2e3: {  	[tilespmem:s11+$0x130] =	vst v11  }
0x2e4: {  	[tilespmem:s30+$0x120] =	vst v12;
	v11 =	vld [tilespmem:$0x18240]  }
0x2e5: {  	v13 =	vsub.f32 v23, v9;
	v12 =	vld [tilespmem:$0x18230]  }
0x2e6: {  	v14 =	vsub.f32 v24, v7;
	v25 =	vld [tilespmem:$0x18540]  }
0x2e7: {  	v13 =	vmul.f32 v13, v10;
	v26 =	vld [tilespmem:$0x18530]  }
0x2e8: {  	v14 =	vmul.f32 v14, v8  }
0x2e9: {  	v11 =	vmul.f32 v13, v11  }
0x2ea: {  	v27 =	vld [tilespmem:s11+$0x150];
	v12 =	vmul.f32 v14, v12  }
0x2eb: {  	v28 =	vld [tilespmem:s30+$0x140];
	v11 =	vadd.f32 v11, v25  }
0x2ec: {  	v12 =	vadd.f32 v12, v26  }
0x2ed: {  	[tilespmem:s11+$0x140] =	vst v11  }
0x2ee: {  	[tilespmem:s30+$0x130] =	vst v12;
	v11 =	vld [tilespmem:$0x18250]  }
0x2ef: {  	v13 =	vsub.f32 v27, v9;
	v12 =	vld [tilespmem:$0x18240]  }
0x2f0: {  	v14 =	vsub.f32 v28, v7;
	v29 =	vld [tilespmem:$0x18550]  }
0x2f1: {  	v13 =	vmul.f32 v13, v10;
	v30 =	vld [tilespmem:$0x18540]  }
0x2f2: {  	v14 =	vmul.f32 v14, v8  }
0x2f3: {  	v11 =	vmul.f32 v13, v11  }
0x2f4: {  	v31 =	vld [tilespmem:s11+$0x160];
	v12 =	vmul.f32 v14, v12  }
0x2f5: {  	v32 =	vld [tilespmem:s30+$0x150];
	v11 =	vadd.f32 v11, v29  }
0x2f6: {  	v12 =	vadd.f32 v12, v30  }
0x2f7: {  	[tilespmem:s11+$0x150] =	vst v11  }
0x2f8: {  	[tilespmem:s30+$0x140] =	vst v12;
	v11 =	vld [tilespmem:$0x18260]  }
0x2f9: {  	v13 =	vsub.f32 v31, v9;
	v12 =	vld [tilespmem:$0x18250]  }
0x2fa: {  	v14 =	vsub.f32 v32, v7;
	v33 =	vld [tilespmem:$0x18560]  }
0x2fb: {  	v13 =	vmul.f32 v13, v10;
	v34 =	vld [tilespmem:$0x18550]  }
0x2fc: {  	v14 =	vmul.f32 v14, v8  }
0x2fd: {  	v11 =	vmul.f32 v13, v11  }
0x2fe: {  	v35 =	vld [tilespmem:s11+$0x170];
	v12 =	vmul.f32 v14, v12  }
0x2ff: {  	v36 =	vld [tilespmem:s30+$0x160];
	v11 =	vadd.f32 v11, v33  }
0x300: {  	v12 =	vadd.f32 v12, v34  }
0x301: {  	[tilespmem:s11+$0x160] =	vst v11  }
0x302: {  	[tilespmem:s30+$0x150] =	vst v12;
	v11 =	vld [tilespmem:$0x18270]  }
0x303: {  	v13 =	vsub.f32 v35, v9;
	v12 =	vld [tilespmem:$0x18260]  }
0x304: {  	v14 =	vsub.f32 v36, v7;
	v37 =	vld [tilespmem:$0x18570]  }
0x305: {  	v13 =	vmul.f32 v13, v10;
	v38 =	vld [tilespmem:$0x18560]  }
0x306: {  	v14 =	vmul.f32 v14, v8  }
0x307: {  	v11 =	vmul.f32 v13, v11  }
0x308: {  	v12 =	vmul.f32 v14, v12  }
0x309: {  	v39 =	vld [tilespmem:s30+$0x170];
	v11 =	vadd.f32 v11, v37  }
0x30a: {  	v12 =	vadd.f32 v12, v38  }
0x30b: {  	[tilespmem:s11+$0x170] =	vst v11  }
0x30c: {  	[tilespmem:s30+$0x160] =	vst v12;
	v11 =	vld [tilespmem:s16+$0x100]  }
0x30d: {  	v12 =	vld [tilespmem:$0x18270]  }
0x30e: {  	v13 =	vsub.f32 v39, v7  }
0x30f: {  	v40 =	vld [tilespmem:$0x18570]  }
0x310: {  	v13 =	vmul.f32 v13, v8;
	v41 =	vld [tilespmem:$0x18280]  }
0x311: {  	v11 =	vsub.f32 v11, v9  }
0x312: {  	v42 =	vld [tilespmem:$0x18580];
	v12 =	vmul.f32 v13, v12  }
0x313: {  	v43 =	vld [tilespmem:s29+$0x100];
	v11 =	vmul.f32 v11, v10  }
0x314: {  	v12 =	vadd.f32 v12, v40  }
0x315: {  	v11 =	vmul.f32 v11, v41  }
0x316: {  	v44 =	vld [tilespmem:s16+$0x110];
	[tilespmem:s30+$0x170] =	vst v12  }
0x317: {  	v45 =	vld [tilespmem:$0x18280];
	v11 =	vadd.f32 v11, v42  }
0x318: {  	v46 =	vsub.f32 v43, v7  }
0x319: {  	v47 =	vld [tilespmem:$0x18580];
	[tilespmem:s16+$0x100] =	vst v11  }
0x31a: {  	v48 =	vmul.f32 v46, v8;
	v49 =	vld [tilespmem:$0x18290]  }
0x31b: {  	v12 =	vsub.f32 v44, v9  }
0x31c: {  	v11 =	vmul.f32 v48, v45;
	v50 =	vld [tilespmem:$0x18590]  }
0x31d: {  	v51 =	vld [tilespmem:s29+$0x110];
	v12 =	vmul.f32 v12, v10  }
0x31e: {  	v11 =	vadd.f32 v11, v47  }
0x31f: {  	v12 =	vmul.f32 v12, v49  }
0x320: {  	v52 =	vld [tilespmem:s16+$0x120];
	[tilespmem:s29+$0x100] =	vst v11  }
0x321: {  	v53 =	vld [tilespmem:$0x18290];
	v12 =	vadd.f32 v12, v50  }
0x322: {  	v54 =	vsub.f32 v51, v7  }
0x323: {  	v55 =	vld [tilespmem:$0x18590];
	[tilespmem:s16+$0x110] =	vst v12  }
0x324: {  	v56 =	vmul.f32 v54, v8;
	v57 =	vld [tilespmem:$0x182A0]  }
0x325: {  	v11 =	vsub.f32 v52, v9  }
0x326: {  	v12 =	vmul.f32 v56, v53;
	v58 =	vld [tilespmem:$0x185A0]  }
0x327: {  	v59 =	vld [tilespmem:s29+$0x120];
	v11 =	vmul.f32 v11, v10  }
0x328: {  	v12 =	vadd.f32 v12, v55  }
0x329: {  	v11 =	vmul.f32 v11, v57  }
0x32a: {  	v60 =	vld [tilespmem:s16+$0x130];
	[tilespmem:s29+$0x110] =	vst v12  }
0x32b: {  	v61 =	vld [tilespmem:$0x182A0];
	v11 =	vadd.f32 v11, v58  }
0x32c: {  	v62 =	vsub.f32 v59, v7  }
0x32d: {  	v63 =	vld [tilespmem:$0x185A0];
	[tilespmem:s16+$0x120] =	vst v11  }
0x32e: {  	v19 =	vmul.f32 v62, v8;
	v20 =	vld [tilespmem:$0x182B0]  }
0x32f: {  	v12 =	vsub.f32 v60, v9  }
0x330: {  	v11 =	vmul.f32 v19, v61;
	v21 =	vld [tilespmem:$0x185B0]  }
0x331: {  	v22 =	vld [tilespmem:s29+$0x130];
	v12 =	vmul.f32 v12, v10  }
0x332: {  	v11 =	vadd.f32 v11, v63  }
0x333: {  	v12 =	vmul.f32 v12, v20  }
0x334: {  	v23 =	vld [tilespmem:s16+$0x140];
	[tilespmem:s29+$0x120] =	vst v11  }
0x335: {  	v24 =	vld [tilespmem:$0x182B0];
	v12 =	vadd.f32 v12, v21  }
0x336: {  	v25 =	vsub.f32 v22, v7  }
0x337: {  	v26 =	vld [tilespmem:$0x185B0];
	[tilespmem:s16+$0x130] =	vst v12  }
0x338: {  	v27 =	vmul.f32 v25, v8;
	v28 =	vld [tilespmem:$0x182C0]  }
0x339: {  	v11 =	vsub.f32 v23, v9  }
0x33a: {  	v12 =	vmul.f32 v27, v24;
	v29 =	vld [tilespmem:$0x185C0]  }
0x33b: {  	v30 =	vld [tilespmem:s29+$0x140];
	v11 =	vmul.f32 v11, v10  }
0x33c: {  	v12 =	vadd.f32 v12, v26  }
0x33d: {  	v11 =	vmul.f32 v11, v28  }
0x33e: {  	v31 =	vld [tilespmem:s16+$0x150];
	[tilespmem:s29+$0x130] =	vst v12  }
0x33f: {  	v32 =	vld [tilespmem:$0x182C0];
	v11 =	vadd.f32 v11, v29  }
0x340: {  	v33 =	vsub.f32 v30, v7  }
0x341: {  	v34 =	vld [tilespmem:$0x185C0];
	[tilespmem:s16+$0x140] =	vst v11  }
0x342: {  	v35 =	vmul.f32 v33, v8;
	v36 =	vld [tilespmem:$0x182D0]  }
0x343: {  	v12 =	vsub.f32 v31, v9  }
0x344: {  	v11 =	vmul.f32 v35, v32;
	v37 =	vld [tilespmem:$0x185D0]  }
0x345: {  	v38 =	vld [tilespmem:s29+$0x150];
	v12 =	vmul.f32 v12, v10  }
0x346: {  	v11 =	vadd.f32 v11, v34  }
0x347: {  	v12 =	vmul.f32 v12, v36  }
0x348: {  	v39 =	vld [tilespmem:s16+$0x160];
	[tilespmem:s29+$0x140] =	vst v11  }
0x349: {  	v40 =	vld [tilespmem:$0x182D0];
	v12 =	vadd.f32 v12, v37  }
0x34a: {  	v41 =	vsub.f32 v38, v7  }
0x34b: {  	v42 =	vld [tilespmem:$0x185D0];
	[tilespmem:s16+$0x150] =	vst v12  }
0x34c: {  	v43 =	vmul.f32 v41, v8;
	v44 =	vld [tilespmem:$0x182E0]  }
0x34d: {  	v11 =	vsub.f32 v39, v9  }
0x34e: {  	v12 =	vmul.f32 v43, v40;
	v45 =	vld [tilespmem:$0x185E0]  }
0x34f: {  	v46 =	vld [tilespmem:s29+$0x160];
	v11 =	vmul.f32 v11, v10  }
0x350: {  	v12 =	vadd.f32 v12, v42  }
0x351: {  	v11 =	vmul.f32 v11, v44  }
0x352: {  	v47 =	vld [tilespmem:s16+$0x170];
	[tilespmem:s29+$0x150] =	vst v12  }
0x353: {  	v48 =	vld [tilespmem:$0x182E0];
	v11 =	vadd.f32 v11, v45  }
0x354: {  	v49 =	vsub.f32 v46, v7  }
0x355: {  	v50 =	vld [tilespmem:$0x185E0];
	[tilespmem:s16+$0x160] =	vst v11  }
0x356: {  	v51 =	vmul.f32 v49, v8;
	v52 =	vld [tilespmem:$0x182F0]  }
0x357: {  	v12 =	vsub.f32 v47, v9  }
0x358: {  	v11 =	vmul.f32 v51, v48;
	v53 =	vld [tilespmem:$0x185F0]  }
0x359: {  	v54 =	vld [tilespmem:s29+$0x170];
	v12 =	vmul.f32 v12, v10  }
0x35a: {  	v11 =	vadd.f32 v11, v50  }
0x35b: {  	v12 =	vmul.f32 v12, v52  }
0x35c: {  	[tilespmem:s29+$0x160] =	vst v11  }
0x35d: {  	v11 =	vld [tilespmem:$0x182F0];
	v12 =	vadd.f32 v12, v53  }
0x35e: {  	v55 =	vsub.f32 v54, v7  }
0x35f: {  	v56 =	vld [tilespmem:$0x185F0];
	[tilespmem:s16+$0x170] =	vst v12  }
0x360: {  	v57 =	vmul.f32 v55, v8;
	v58 =	vld [tilespmem:s1+$0x100];
	_ =	sdelay $0x1  }
0x361: {  	v11 =	vmul.f32 v57, v11  }
0x362: {  	v59 =	vld [tilespmem:s28+$0x100]  }
0x363: {  	v60 =	vld [tilespmem:$0x18300];
	v11 =	vadd.f32 v11, v56  }
0x364: {  	v13 =	vsub.f32 v58, v9  }
0x365: {  	v61 =	vld [tilespmem:$0x18600];
	[tilespmem:s29+$0x170] =	vst v11  }
0x366: {  	v62 =	vld [tilespmem:$0x18300];
	v13 =	vmul.f32 v13, v10  }
0x367: {  	v12 =	vsub.f32 v59, v7  }
0x368: {  	v63 =	vld [tilespmem:$0x18600];
	v13 =	vmul.f32 v13, v60  }
0x369: {  	v17 =	vld [tilespmem:s1+$0x110];
	v12 =	vmul.f32 v12, v8  }
0x36a: {  	v11 =	vadd.f32 v13, v61  }
0x36b: {  	v12 =	vmul.f32 v12, v62  }
0x36c: {  	v18 =	vld [tilespmem:s28+$0x110];
	[tilespmem:s1+$0x100] =	vst v11  }
0x36d: {  	v19 =	vadd.f32 v12, v63;
	v20 =	vld [tilespmem:$0x18310]  }
0x36e: {  	v14 =	vsub.f32 v17, v9  }
0x36f: {  	[tilespmem:s28+$0x100] =	vst v19;
	v21 =	vld [tilespmem:$0x18610]  }
0x370: {  	v14 =	vmul.f32 v14, v10;
	v22 =	vld [tilespmem:$0x18310]  }
0x371: {  	v13 =	vsub.f32 v18, v7  }
0x372: {  	v23 =	vld [tilespmem:$0x18610];
	v12 =	vmul.f32 v14, v20  }
0x373: {  	v24 =	vld [tilespmem:s1+$0x120];
	v13 =	vmul.f32 v13, v8  }
0x374: {  	v11 =	vadd.f32 v12, v21  }
0x375: {  	v25 =	vmul.f32 v13, v22  }
0x376: {  	v26 =	vld [tilespmem:s28+$0x120];
	[tilespmem:s1+$0x110] =	vst v11  }
0x377: {  	v27 =	vadd.f32 v25, v23;
	v28 =	vld [tilespmem:$0x18320]  }
0x378: {  	v14 =	vsub.f32 v24, v9  }
0x379: {  	[tilespmem:s28+$0x110] =	vst v27;
	v29 =	vld [tilespmem:$0x18620]  }
0x37a: {  	v14 =	vmul.f32 v14, v10;
	v30 =	vld [tilespmem:$0x18320]  }
0x37b: {  	v13 =	vsub.f32 v26, v7  }
0x37c: {  	v31 =	vld [tilespmem:$0x18620];
	v12 =	vmul.f32 v14, v28  }
0x37d: {  	v32 =	vld [tilespmem:s1+$0x130];
	v13 =	vmul.f32 v13, v8  }
0x37e: {  	v11 =	vadd.f32 v12, v29  }
0x37f: {  	v33 =	vmul.f32 v13, v30  }
0x380: {  	v34 =	vld [tilespmem:s28+$0x130];
	[tilespmem:s1+$0x120] =	vst v11  }
0x381: {  	v35 =	vadd.f32 v33, v31;
	v36 =	vld [tilespmem:$0x18330]  }
0x382: {  	v14 =	vsub.f32 v32, v9  }
0x383: {  	[tilespmem:s28+$0x120] =	vst v35;
	v37 =	vld [tilespmem:$0x18630]  }
0x384: {  	v14 =	vmul.f32 v14, v10;
	v38 =	vld [tilespmem:$0x18330]  }
0x385: {  	v13 =	vsub.f32 v34, v7  }
0x386: {  	v39 =	vld [tilespmem:$0x18630];
	v12 =	vmul.f32 v14, v36  }
0x387: {  	v40 =	vld [tilespmem:s1+$0x140];
	v13 =	vmul.f32 v13, v8  }
0x388: {  	v11 =	vadd.f32 v12, v37  }
0x389: {  	v41 =	vmul.f32 v13, v38  }
0x38a: {  	v42 =	vld [tilespmem:s28+$0x140];
	[tilespmem:s1+$0x130] =	vst v11  }
0x38b: {  	v43 =	vadd.f32 v41, v39;
	v44 =	vld [tilespmem:$0x18340]  }
0x38c: {  	v14 =	vsub.f32 v40, v9  }
0x38d: {  	[tilespmem:s28+$0x130] =	vst v43;
	v45 =	vld [tilespmem:$0x18640]  }
0x38e: {  	v14 =	vmul.f32 v14, v10;
	v46 =	vld [tilespmem:$0x18340]  }
0x38f: {  	v13 =	vsub.f32 v42, v7  }
0x390: {  	v47 =	vld [tilespmem:$0x18640];
	v12 =	vmul.f32 v14, v44  }
0x391: {  	v48 =	vld [tilespmem:s1+$0x150];
	v13 =	vmul.f32 v13, v8  }
0x392: {  	v11 =	vadd.f32 v12, v45  }
0x393: {  	v49 =	vmul.f32 v13, v46  }
0x394: {  	v50 =	vld [tilespmem:s28+$0x150];
	[tilespmem:s1+$0x140] =	vst v11  }
0x395: {  	v51 =	vadd.f32 v49, v47;
	v52 =	vld [tilespmem:$0x18350]  }
0x396: {  	v14 =	vsub.f32 v48, v9  }
0x397: {  	[tilespmem:s28+$0x140] =	vst v51;
	v53 =	vld [tilespmem:$0x18650]  }
0x398: {  	v14 =	vmul.f32 v14, v10;
	v54 =	vld [tilespmem:$0x18350]  }
0x399: {  	v13 =	vsub.f32 v50, v7  }
0x39a: {  	v55 =	vld [tilespmem:$0x18650];
	v12 =	vmul.f32 v14, v52  }
0x39b: {  	v56 =	vld [tilespmem:s1+$0x160];
	v13 =	vmul.f32 v13, v8  }
0x39c: {  	v11 =	vadd.f32 v12, v53  }
0x39d: {  	v57 =	vmul.f32 v13, v54  }
0x39e: {  	v58 =	vld [tilespmem:s28+$0x160];
	[tilespmem:s1+$0x150] =	vst v11  }
0x39f: {  	v59 =	vadd.f32 v57, v55;
	v60 =	vld [tilespmem:$0x18360]  }
0x3a0: {  	v14 =	vsub.f32 v56, v9  }
0x3a1: {  	[tilespmem:s28+$0x150] =	vst v59;
	v61 =	vld [tilespmem:$0x18660]  }
0x3a2: {  	v14 =	vmul.f32 v14, v10;
	v62 =	vld [tilespmem:$0x18360]  }
0x3a3: {  	v13 =	vsub.f32 v58, v7  }
0x3a4: {  	v63 =	vld [tilespmem:$0x18660];
	v12 =	vmul.f32 v14, v60  }
0x3a5: {  	v19 =	vld [tilespmem:s1+$0x170];
	v13 =	vmul.f32 v13, v8  }
0x3a6: {  	v11 =	vadd.f32 v12, v61  }
0x3a7: {  	v20 =	vmul.f32 v13, v62  }
0x3a8: {  	v21 =	vld [tilespmem:s28+$0x170];
	[tilespmem:s1+$0x160] =	vst v11  }
0x3a9: {  	v22 =	vadd.f32 v20, v63;
	v23 =	vld [tilespmem:$0x18370]  }
0x3aa: {  	v14 =	vsub.f32 v19, v9  }
0x3ab: {  	[tilespmem:s28+$0x160] =	vst v22;
	v24 =	vld [tilespmem:$0x18670]  }
0x3ac: {  	v14 =	vmul.f32 v14, v10;
	v25 =	vld [tilespmem:$0x18370]  }
0x3ad: {  	v13 =	vsub.f32 v21, v7  }
0x3ae: {  	v26 =	vld [tilespmem:$0x18670];
	v12 =	vmul.f32 v14, v23  }
0x3af: {  	v13 =	vmul.f32 v13, v8  }
0x3b0: {  	v11 =	vadd.f32 v12, v24  }
0x3b1: {  	v27 =	vmul.f32 v13, v25  }
0x3b2: {  	v28 =	vld [tilespmem:s26+$0x100];
	[tilespmem:s1+$0x170] =	vst v11  }
0x3b3: {  	v29 =	vadd.f32 v27, v26;
	v30 =	vld [tilespmem:s6+$0x100];
	_ =	sdelay $0x1  }
0x3b4: {  	[tilespmem:s28+$0x170] =	vst v29  }
0x3b5: {  	v11 =	vld [tilespmem:$0x18380]  }
0x3b6: {  	v13 =	vsub.f32 v28, v7;
	v31 =	vld [tilespmem:$0x18380]  }
0x3b7: {  	v32 =	vld [tilespmem:$0x18680];
	v12 =	vsub.f32 v30, v9  }
0x3b8: {  	v13 =	vmul.f32 v13, v8;
	v33 =	vld [tilespmem:$0x18680]  }
0x3b9: {  	v12 =	vmul.f32 v12, v10  }
0x3ba: {  	v11 =	vmul.f32 v13, v11  }
0x3bb: {  	v34 =	vld [tilespmem:s26+$0x110];
	v12 =	vmul.f32 v12, v31  }
0x3bc: {  	v35 =	vld [tilespmem:s6+$0x110];
	v11 =	vadd.f32 v11, v32  }
0x3bd: {  	v12 =	vadd.f32 v12, v33  }
0x3be: {  	[tilespmem:s26+$0x100] =	vst v11  }
0x3bf: {  	v11 =	vld [tilespmem:$0x18390];
	[tilespmem:s6+$0x100] =	vst v12  }
0x3c0: {  	v36 =	vsub.f32 v34, v7;
	v37 =	vld [tilespmem:$0x18390]  }
0x3c1: {  	v14 =	vsub.f32 v35, v9;
	v38 =	vld [tilespmem:$0x18690]  }
0x3c2: {  	v12 =	vmul.f32 v36, v8;
	v39 =	vld [tilespmem:$0x18690]  }
0x3c3: {  	v14 =	vmul.f32 v14, v10  }
0x3c4: {  	v11 =	vmul.f32 v12, v11  }
0x3c5: {  	v40 =	vld [tilespmem:s26+$0x120];
	v13 =	vmul.f32 v14, v37  }
0x3c6: {  	v41 =	vld [tilespmem:s6+$0x120];
	v11 =	vadd.f32 v11, v38  }
0x3c7: {  	v13 =	vadd.f32 v13, v39  }
0x3c8: {  	[tilespmem:s26+$0x110] =	vst v11  }
0x3c9: {  	v11 =	vld [tilespmem:$0x183A0];
	[tilespmem:s6+$0x110] =	vst v13  }
0x3ca: {  	v12 =	vsub.f32 v40, v7;
	v13 =	vld [tilespmem:$0x183A0]  }
0x3cb: {  	v14 =	vsub.f32 v41, v9;
	v42 =	vld [tilespmem:$0x186A0]  }
0x3cc: {  	v12 =	vmul.f32 v12, v8;
	v43 =	vld [tilespmem:$0x186A0]  }
0x3cd: {  	v14 =	vmul.f32 v14, v10  }
0x3ce: {  	v11 =	vmul.f32 v12, v11  }
0x3cf: {  	v44 =	vld [tilespmem:s26+$0x130];
	v13 =	vmul.f32 v14, v13  }
0x3d0: {  	v45 =	vld [tilespmem:s6+$0x130];
	v11 =	vadd.f32 v11, v42  }
0x3d1: {  	v13 =	vadd.f32 v13, v43  }
0x3d2: {  	[tilespmem:s26+$0x120] =	vst v11  }
0x3d3: {  	v11 =	vld [tilespmem:$0x183B0];
	[tilespmem:s6+$0x120] =	vst v13  }
0x3d4: {  	v12 =	vsub.f32 v44, v7;
	v13 =	vld [tilespmem:$0x183B0]  }
0x3d5: {  	v14 =	vsub.f32 v45, v9;
	v46 =	vld [tilespmem:$0x186B0]  }
0x3d6: {  	v12 =	vmul.f32 v12, v8;
	v47 =	vld [tilespmem:$0x186B0]  }
0x3d7: {  	v14 =	vmul.f32 v14, v10  }
0x3d8: {  	v11 =	vmul.f32 v12, v11  }
0x3d9: {  	v48 =	vld [tilespmem:s26+$0x140];
	v13 =	vmul.f32 v14, v13  }
0x3da: {  	v49 =	vld [tilespmem:s6+$0x140];
	v11 =	vadd.f32 v11, v46  }
0x3db: {  	v13 =	vadd.f32 v13, v47  }
0x3dc: {  	[tilespmem:s26+$0x130] =	vst v11  }
0x3dd: {  	v11 =	vld [tilespmem:$0x183C0];
	[tilespmem:s6+$0x130] =	vst v13  }
0x3de: {  	v12 =	vsub.f32 v48, v7;
	v13 =	vld [tilespmem:$0x183C0]  }
0x3df: {  	v14 =	vsub.f32 v49, v9;
	v50 =	vld [tilespmem:$0x186C0]  }
0x3e0: {  	v12 =	vmul.f32 v12, v8;
	v51 =	vld [tilespmem:$0x186C0]  }
0x3e1: {  	v14 =	vmul.f32 v14, v10  }
0x3e2: {  	v11 =	vmul.f32 v12, v11  }
0x3e3: {  	v52 =	vld [tilespmem:s26+$0x150];
	v13 =	vmul.f32 v14, v13  }
0x3e4: {  	v53 =	vld [tilespmem:s6+$0x150];
	v11 =	vadd.f32 v11, v50  }
0x3e5: {  	v13 =	vadd.f32 v13, v51  }
0x3e6: {  	[tilespmem:s26+$0x140] =	vst v11  }
0x3e7: {  	v11 =	vld [tilespmem:$0x183D0];
	[tilespmem:s6+$0x140] =	vst v13  }
0x3e8: {  	v12 =	vsub.f32 v52, v7;
	v13 =	vld [tilespmem:$0x183D0]  }
0x3e9: {  	v14 =	vsub.f32 v53, v9;
	v54 =	vld [tilespmem:$0x186D0]  }
0x3ea: {  	v12 =	vmul.f32 v12, v8;
	v55 =	vld [tilespmem:$0x186D0]  }
0x3eb: {  	v14 =	vmul.f32 v14, v10  }
0x3ec: {  	v11 =	vmul.f32 v12, v11  }
0x3ed: {  	v56 =	vld [tilespmem:s26+$0x160];
	v13 =	vmul.f32 v14, v13  }
0x3ee: {  	v57 =	vld [tilespmem:s6+$0x160];
	v11 =	vadd.f32 v11, v54  }
0x3ef: {  	v13 =	vadd.f32 v13, v55  }
0x3f0: {  	[tilespmem:s26+$0x150] =	vst v11  }
0x3f1: {  	v11 =	vld [tilespmem:$0x183E0];
	[tilespmem:s6+$0x150] =	vst v13  }
0x3f2: {  	v12 =	vsub.f32 v56, v7;
	v13 =	vld [tilespmem:$0x183E0]  }
0x3f3: {  	v14 =	vsub.f32 v57, v9;
	v58 =	vld [tilespmem:$0x186E0]  }
0x3f4: {  	v12 =	vmul.f32 v12, v8;
	v59 =	vld [tilespmem:$0x186E0]  }
0x3f5: {  	v14 =	vmul.f32 v14, v10  }
0x3f6: {  	v11 =	vmul.f32 v12, v11  }
0x3f7: {  	v61 =	vld [tilespmem:s26+$0x170];
	v60 =	vmul.f32 v14, v13  }
0x3f8: {  	v62 =	vld [tilespmem:s6+$0x170];
	v11 =	vadd.f32 v11, v58  }
0x3f9: {  	v12 =	vadd.f32 v60, v59  }
0x3fa: {  	[tilespmem:s26+$0x160] =	vst v11  }
0x3fb: {  	v11 =	vld [tilespmem:$0x183F0];
	[tilespmem:s6+$0x160] =	vst v12  }
0x3fc: {  	v7 =	vsub.f32 v61, v7;
	v12 =	vld [tilespmem:$0x183F0]  }
0x3fd: {  	v9 =	vsub.f32 v62, v9;
	v63 =	vld [tilespmem:$0x186F0]  }
0x3fe: {  	v7 =	vmul.f32 v7, v8;
	v8 =	vld [tilespmem:$0x186F0]  }
0x3ff: {  	v9 =	vmul.f32 v9, v10  }
0x400: {  	p0 =	slt.u32 s23, $0xE;
	v7 =	vmul.f32 v7, v11  }
.Ltmp1:
0x401: {  	v9 =	vmul.f32 v9, v12;
	(pc) =	sbr.rel @p0 .LBB2_5-.Ltmp1, $4  }
0x402: {  	v7 =	vadd.f32 v7, v63  }
0x403: {  	v8 =	vadd.f32 v9, v8  }
0x404: {  	[tilespmem:s26+$0x170] =	vst v7  }
0x405: {  	s25 =	sadd.s32 $0x100, s25;
	s24 =	sadd.s32 $0x200, s24;
	[tilespmem:s6+$0x170] =	vst v8  }
0x406: {  	s1 =	sshll.u32 s20, $0x4  }
0x407: {  	s1 =	sadd.s32 s8, s1  }
0x408: {  	s20 =	sadd.s32 $0x1, s20;
	s1 =	sshrl.u32 s1, $0x3  }
0x409: {  	p0 =	sne.s32 s20, $0x10;
	s1 =	smul.u32 $0x300, s1  }
.Ltmp2:
0x40a: {  	_ = 	snop;
	(pc) =	sbr.rel @p0 .LBB2_2-.Ltmp2, $4  }
0x40b: {  	s3 =	sadd.s32 $0x9, s21;
	s6 =	sadd.s32 $0x100, s22;
	s11 =	sadd.s32 s5, s1  }
0x40c: {  	[hbm4b:s11+s9] =	stream.linear.scatter [tilespmem:s6], [sflag:s3], $0x3000, $0x38;
	[tilespmem:$0x19700] =	vst v63  }
0x40d: {  	s31 =	sadd.s32 $0xC100, s22;
	s1 =	sadd.s32 s7, s1  }
0x40e: {  	[hbm4b:s1+s9] =	stream.linear.scatter [tilespmem:s31], [sflag:s3], $0x3000, $0x38;
	[tilespmem:$0x19700] =	vst v63  }
0x40f: {  	_ =	swait.ge [sflag:s4], $0x3000  }
0x410: {  	[sflag:s4] =	ssyncset.done $0x0  }
0x411: {  	[sflag:s4] =	ssyncadd.s32 $0xFFFFD000  }
0x412: {  	_ =	swait.ge [sflag:s4], $0x3000  }
0x413: {  	[sflag:s4] =	ssyncset.done $0x0  }
0x414: {  	[sflag:s4] =	ssyncadd.s32 $0xFFFFD000  }
0x415: {  	_ =	swait.ge [sflag:s18], $0x3000  }
0x416: {  	[sflag:s18] =	ssyncset.done $0x0  }
0x417: {  	[sflag:s18] =	ssyncadd.s32 $0xFFFFD000  }
0x418: {  	_ =	swait.ge [sflag:s18], $0x3000  }
0x419: {  	s19 =	sadd.s32 $0x1, s19;
	s1 =	rddreg [dreg:$0xb]  }
0x41a: {  	p0 =	sne.s32 s19, s1  }
.Ltmp3:
0x41b: {  	_ = 	snop;
	(pc) =	sbr.rel @p0 .LBB2_1-.Ltmp3, $3  }
0x41c: {  	_ =	sdelay $0x1  }
0x41d: {  	[sflag:s18] =	ssyncset.done $0x0  }
0x41e: {  	[sflag:s18] =	ssyncadd.s32 $0xFFFFD000  }
0x41f: {  	_ =	sfence.sel $0x180000  }
0x420: {  	[bflag:$0x0] =	sbarrier.arrive $0xFFFF  }
0x421: {  	_ =	strace $0x90000047  }
0x422: {  	s0 =	stileid.u32;
	[bflag:$0x2] =	sbarrier.arrive $0xFFFF  }
0x423: {  	p0 =	sne.s32 s0, $0x0;
	s0 =	rddreg [dreg:$0x7]  }
0x424: {  	s0 =	sadd.s32 @!p0 $0x100000, s0  }
0x425: {  	[sflag:s0] =	ssyncadd.tile.s32 @!p0 $0x1;
	_ =	shalt  }
.Lfunc_end2:
_tile_overlayer_lowered:
.L_overlay_start_2:
0x426: {  	(tag) =	ssettag $0x2  }
0x427: {  	s0 =	rddreg [dreg:$0x0];
	s2 =	stileid.u32  }
0x428: {  	s1 =	rddreg [dreg:$0x1];
	p0 =	sne.s32 s2, $0x0  }
0x429: {  	s3 =	rddreg [dreg:$0x2];
	[bflag:$0x3] =	sbarrier.arrive $0xFFFF;
	s2 =	simm.s32 @!p0 $0x1C0D  }
0x42a: {  	[timem:s3], [sflag:s2] =	dma.local @!p0 [hbm:s0], s1  }
0x42b: {  	s0 =	simm.s32 @!p0 $0xD  }
0x42c: {  	_ =	swait.ge @!p0 [sflag:s0], s1  }
0x42d: {  	s1 =	ssub.s32 @!p0 $0x0, s1;
	[sflag:s0] =	ssyncset.done @!p0 $0x0  }
0x42e: {  	[sflag:s0] =	ssyncadd.s32 @!p0 s1  }
0x42f: {  	[bflag:$0x3] =	sbarrier.arrive $0xFFFF  }
0x430: {  	_ =	shalt  }

</sc_bundles>
